<compile_context>
chip_gen: v7x
topology: tpu7x:2x2x1
jax: 0.10.2.dev20260603
libtpu: 0.0.44.dev20260713+nightly
codegen_flags: <defaults>
</compile_context>

<pallas_src>
import functools
import math

import jax
import jax.numpy as jnp
from jax import lax
from jax.experimental import pallas as pl
from jax.experimental.pallas import tpu as pltpu
from jax.experimental.pallas import tpu_sc as plsc

_R2 = 3200


def _pe_table2(L, D):
    D2 = 2 * D

    def body(o_ref):
        p = lax.broadcasted_iota(jnp.int32, (L, D2), 0).astype(jnp.float32)
        j = lax.broadcasted_iota(jnp.int32, (L, D2), 1)
        d = j % D
        half = (d // 2).astype(jnp.float32)
        ang = p * jnp.exp(half * (-2.0 * math.log(10000.0) / D))
        o_ref[...] = jnp.where(d % 2 == 0, jnp.sin(ang), jnp.cos(ang))

    return pl.pallas_call(
        body, out_shape=jax.ShapeDtypeStruct((L, D2), jnp.float32)
    )()


def _sc_gather2(idxE, idxO, tbl_lin):
    NW, n_ch, CH = idxE.shape
    V, D = tbl_lin.shape
    D2 = 2 * D
    NBUF = 5
    per_w = n_ch * CH
    info = plsc.get_sparse_core_info()
    NC = info.num_cores
    mesh = plsc.VectorSubcoreMesh(core_axis_name="c", subcore_axis_name="s")

    @functools.partial(
        pl.kernel,
        out_type=jax.ShapeDtypeStruct((NW * per_w, D2), jnp.float32),
        mesh=mesh,
        compiler_params=pltpu.CompilerParams(use_tc_tiling_on_sc=False),
        scratch_types=(
            [pltpu.VMEM((n_ch, CH), jnp.int32)] * 2
            + [pltpu.VMEM((CH, D), jnp.float32)] * (2 * NBUF)
            + [pltpu.SemaphoreType.DMA] * (2 * NBUF)
        ),
    )
    def k(idxE_hbm, idxO_hbm, tbl_hbm, out_hbm, idxE_v, idxO_v, *bufs_sems):
        ebufs = list(bufs_sems[0:NBUF])
        obufs = list(bufs_sems[NBUF:2 * NBUF])
        gs = list(bufs_sems[2 * NBUF:3 * NBUF])
        ss = list(bufs_sems[3 * NBUF:4 * NBUF])
        tbl = tbl_hbm
        wid = lax.axis_index("s") * NC + lax.axis_index("c")
        base = wid * per_w
        pltpu.sync_copy(idxE_hbm.at[wid], idxE_v)
        pltpu.sync_copy(idxO_hbm.at[wid], idxO_v)

        def fire_gather(t, b):
            pltpu.async_copy(tbl.at[idxE_v.at[t]], ebufs[b], gs[b])
            pltpu.async_copy(tbl.at[idxO_v.at[t]], obufs[b], gs[b])

        def wait_gather(b):
            pltpu.make_async_copy(tbl.at[idxE_v.at[0]], ebufs[b], gs[b]).wait()
            pltpu.make_async_copy(tbl.at[idxO_v.at[0]], obufs[b], gs[b]).wait()

        def fire_store(t, b):
            r0 = base + t * CH
            pltpu.async_copy(
                ebufs[b], out_hbm.at[pl.ds(r0, CH), pl.ds(0, D)], ss[b])
            pltpu.async_copy(
                obufs[b], out_hbm.at[pl.ds(r0, CH), pl.ds(D, D)], ss[b])

        def wait_store(b):
            pltpu.make_async_copy(
                ebufs[b], out_hbm.at[pl.ds(base, CH), pl.ds(0, D)], ss[b]).wait()
            pltpu.make_async_copy(
                obufs[b], out_hbm.at[pl.ds(base, CH), pl.ds(D, D)], ss[b]).wait()

        fire_gather(0, 0)
        fire_gather(1, 1)

        def outer(ti, _):
            for h in range(NBUF):
                t = ti * NBUF + h
                wait_gather(h)
                fire_store(t, h)
                b2 = (h + 2) % NBUF

                @pl.when(t + 2 >= NBUF)
                def _():
                    wait_store(b2)

                @pl.when(t + 2 < n_ch)
                def _():
                    fire_gather(t + 2, b2)
            return ()

        lax.fori_loop(0, n_ch // NBUF, outer, ())
        for u in range(NBUF - 2):
            wait_store((n_ch - (NBUF - 2) + u) % NBUF)

    return k(idxE, idxO, tbl_lin)


def _ln_tc2(rows2, pe2, g2, b2, M, B, L, blk_off, outbuf):
    N2, D2 = rows2.shape
    L2 = pe2.shape[0]
    D = D2 // 2
    R2 = _R2
    reps = R2 // L2
    BL = (2 * R2) // L

    def body(*refs):
        x_ref, pe_ref, g_ref, b_ref, m_ref = refs[-6:-1]
        o_ref = refs[-1]
        x = x_ref[...]
        e = (x.reshape(reps, L2, D2) + pe_ref[...][None]).reshape(R2, D2)
        M_ = m_ref[...]
        m = jnp.dot(e, M_, preferred_element_type=jnp.float32,
                    precision=lax.Precision.DEFAULT)
        c = e - m
        v = jnp.dot(c * c, M_, preferred_element_type=jnp.float32,
                    precision=lax.Precision.DEFAULT)
        o = c * lax.rsqrt(v + 1e-5) * g_ref[...] + b_ref[...]
        half = BL // 2
        o_ref[...] = jnp.concatenate(
            [o[:, :D].reshape(half, L, D), o[:, D:].reshape(half, L, D)],
            axis=0,
        )

    in_specs = [
        pl.BlockSpec((R2, D2), lambda i: (i, 0)),
        pl.BlockSpec((L2, D2), lambda i: (0, 0)),
        pl.BlockSpec((1, D2), lambda i: (0, 0)),
        pl.BlockSpec((1, D2), lambda i: (0, 0)),
        pl.BlockSpec((D2, D2), lambda i: (0, 0)),
    ]
    args = (rows2, pe2, g2, b2, M)
    aliases = {}
    if outbuf is not None:
        in_specs = [pl.BlockSpec(memory_space=pl.ANY)] + in_specs
        args = (outbuf,) + args
        aliases = {0: 0}
    return pl.pallas_call(
        body,
        grid=(N2 // R2,),
        in_specs=in_specs,
        out_specs=pl.BlockSpec((BL, L, D), lambda i: (blk_off + i, 0, 0)),
        out_shape=jax.ShapeDtypeStruct((B, L, D), jnp.float32),
        input_output_aliases=aliases,
    )(*args)


def kernel(input_dp, table, ln_gamma, ln_beta):
    B, L = input_dp.shape
    V, D = table.shape
    NW, CH = 32, 128
    K = 4
    flat = input_dp.reshape(-1).astype(jnp.int32)
    N2 = flat.shape[0] // 2
    NS = N2 // K
    n_ch = NS // (NW * CH)
    grp = flat.reshape(N2 // _R2, 2, _R2)
    idxE = grp[:, 0, :].reshape(K, NW, n_ch, CH)
    idxO = grp[:, 1, :].reshape(K, NW, n_ch, CH)
    pe2 = _pe_table2(L, D)
    D2 = 2 * D
    g2 = jnp.concatenate([ln_gamma, ln_gamma]).reshape(1, D2)
    b2 = jnp.concatenate([ln_beta, ln_beta]).reshape(1, D2)
    ii = jnp.arange(D2)[:, None]
    jj = jnp.arange(D2)[None, :]
    M = jnp.where((ii // D) == (jj // D), 1.0 / D, 0.0).astype(jnp.float32)
    rows = [_sc_gather2(idxE[k], idxO[k], table) for k in range(K)]
    blk_per_k = (2 * NS) // (L * ((2 * _R2) // L))
    out = None
    for k in range(K):
        out = _ln_tc2(rows[k], pe2, g2, b2, M, B, L, k * blk_per_k, out)
    return out

# --- scband reference (transcript-rebuilt; emitter-appended) ---
"""Pipeline reference for scband-embeddings-add-position-11209864642672 (READ-ONLY COPY).

The authoritative reference and input builder live on the scoring server;
editing this copy changes nothing except your own understanding.
"""

import jax, jax.numpy as jnp
import numpy as np
import math

VOCAB = 100000
EMB = 64
B = 4096
L = 200

def setup_inputs(seed: int = 0) -> dict:
    key = jax.random.key(seed)
    k1, k2 = jax.random.split(key, 2)
    input_dp = jax.random.randint(k1, (B, L), 0, VOCAB)
    table = jax.random.normal(k2, (VOCAB, EMB), dtype=jnp.float32)
    ln_gamma = jnp.ones((EMB,), dtype=jnp.float32)
    ln_beta = jnp.zeros((EMB,), dtype=jnp.float32)
    return {"input_dp": input_dp, "table": table, "ln_gamma": ln_gamma, "ln_beta": ln_beta}

def reference(input_dp, table, ln_gamma, ln_beta):
    b, seq_length = input_dp.shape
    # gather: word embeddings
    words_embeddings = jnp.take(table, input_dp, axis=0)  # [B, L, EMB]
    # sinusoidal positional encoding
    position_ids = jnp.arange(seq_length, dtype=jnp.float32)[None, :, None]  # [1, L, 1]
    div = jnp.exp(jnp.arange(0.0, EMB, 2.0) * -(math.log(10000.0) / EMB))  # [EMB/2]
    ang = position_ids * div  # [1, L, EMB/2]
    # interleave: pe[..., 0::2] = sin, pe[..., 1::2] = cos
    pe = jnp.stack([jnp.sin(ang), jnp.cos(ang)], axis=-1).reshape(1, seq_length, EMB)
    embeddings = words_embeddings + pe
    # LayerNorm over last dim (eps=1e-5, biased variance)
    mean = jnp.mean(embeddings, axis=-1, keepdims=True)
    var = jnp.var(embeddings, axis=-1, keepdims=True)
    normed = (embeddings - mean) / jnp.sqrt(var + 1e-5)
    out = normed * ln_gamma + ln_beta
    # dropout(0.1) is identity in eval mode
    return out

if __name__ == "__main__":
    import jax
    _d = setup_inputs()
    print(jax.jit(kernel)(*tuple(_d.values())))

</pallas_src>

<mosaic_0001>
#map = affine_map<(d0, d1) -> (0, 0, 0)>
#map1 = affine_map<(d0, d1) -> (0, 0)>
module attributes {stable_mosaic.version = 14 : i64} {
  func.func @k(%arg0: i32, %arg1: i32, %arg2: memref<32x25x128xi32, #tpu.memory_space<hbm>>, %arg3: memref<32x25x128xi32, #tpu.memory_space<hbm>>, %arg4: memref<100000x64xf32, #tpu.memory_space<hbm>>, %arg5: memref<102400x128xf32, #tpu.memory_space<hbm>>, %arg6: memref<25x128xi32, #tpu.memory_space<vmem>>, %arg7: memref<25x128xi32, #tpu.memory_space<vmem>>, %arg8: memref<128x64xf32, #tpu.memory_space<vmem>>, %arg9: memref<128x64xf32, #tpu.memory_space<vmem>>, %arg10: memref<128x64xf32, #tpu.memory_space<vmem>>, %arg11: memref<128x64xf32, #tpu.memory_space<vmem>>, %arg12: memref<128x64xf32, #tpu.memory_space<vmem>>, %arg13: memref<128x64xf32, #tpu.memory_space<vmem>>, %arg14: memref<128x64xf32, #tpu.memory_space<vmem>>, %arg15: memref<128x64xf32, #tpu.memory_space<vmem>>, %arg16: memref<128x64xf32, #tpu.memory_space<vmem>>, %arg17: memref<128x64xf32, #tpu.memory_space<vmem>>, %arg18: memref<!tpu.dma_semaphore, #tpu.memory_space<semaphore_mem>>, %arg19: memref<!tpu.dma_semaphore, #tpu.memory_space<semaphore_mem>>, %arg20: memref<!tpu.dma_semaphore, #tpu.memory_space<semaphore_mem>>, %arg21: memref<!tpu.dma_semaphore, #tpu.memory_space<semaphore_mem>>, %arg22: memref<!tpu.dma_semaphore, #tpu.memory_space<semaphore_mem>>, %arg23: memref<!tpu.dma_semaphore, #tpu.memory_space<semaphore_mem>>, %arg24: memref<!tpu.dma_semaphore, #tpu.memory_space<semaphore_mem>>, %arg25: memref<!tpu.dma_semaphore, #tpu.memory_space<semaphore_mem>>, %arg26: memref<!tpu.dma_semaphore, #tpu.memory_space<semaphore_mem>>, %arg27: memref<!tpu.dma_semaphore, #tpu.memory_space<semaphore_mem>>) attributes {dimension_semantics = [#tpu.dimension_semantics<core_parallel>, #tpu.dimension_semantics<subcore_parallel>], iteration_bounds = array<i64: 2, 16>, scalar_prefetch = 0 : i64, scratch_operands = 22 : i64, tpu.core_type = #tpu.core_type<sc_vector_subcore>, window_params = [{transform_indices = #map}, {transform_indices = #map}, {transform_indices = #map1}, {transform_indices = #map1}]} {
    %mul3A = arith.constant 2 : i32
    %mul3A_0 = arith.muli %arg1, %mul3A : i32
    %add3A = arith.addi %mul3A_0, %arg0 : i32
    %mul3A_1 = arith.constant 3200 : i32
    %mul3A_2 = arith.muli %add3A, %mul3A_1 : i32
    "tpu.region"() ({
      %run_scoped3A = tpu.sem_alloc : memref<!tpu.dma_semaphore, #tpu.memory_space<semaphore_mem>>
      %dma_start3A_57 = arith.constant 0 : i32
      %dma_start3A_58 = arith.constant 0 : i32
      %dma_start3A_59 = tpu.memref_slice %arg2[%add3A, %dma_start3A_57, %dma_start3A_58] : memref<32x25x128xi32, #tpu.memory_space<hbm>> -> memref<1x25x128xi32, #tpu.memory_space<hbm>>
      %dma_start3A_60 = tpu.memref_squeeze %dma_start3A_59 : memref<1x25x128xi32, #tpu.memory_space<hbm>> -> memref<25x128xi32, #tpu.memory_space<hbm>>
      %dma_start3A_61 = arith.constant 0 : i32
      %dma_start3A_62 = arith.constant 0 : i32
      %dma_start3A_63 = tpu.memref_slice %arg2[%add3A, %dma_start3A_61, %dma_start3A_62] : memref<32x25x128xi32, #tpu.memory_space<hbm>> -> memref<1x25x128xi32, #tpu.memory_space<hbm>>
      %dma_start3A_64 = tpu.memref_squeeze %dma_start3A_63 : memref<1x25x128xi32, #tpu.memory_space<hbm>> -> memref<25x128xi32, #tpu.memory_space<hbm>>
      tpu.enqueue_dma source(%dma_start3A_64 : memref<25x128xi32, #tpu.memory_space<hbm>>) target(%arg6 : memref<25x128xi32, #tpu.memory_space<vmem>>) target_semaphore(%run_scoped3A : memref<!tpu.dma_semaphore, #tpu.memory_space<semaphore_mem>>)
      %dma_wait3A_65 = arith.constant 0 : i32
      %dma_wait3A_66 = arith.constant 0 : i32
      %dma_wait3A_67 = tpu.memref_slice %arg2[%add3A, %dma_wait3A_65, %dma_wait3A_66] : memref<32x25x128xi32, #tpu.memory_space<hbm>> -> memref<1x25x128xi32, #tpu.memory_space<hbm>>
      %dma_wait3A_68 = tpu.memref_squeeze %dma_wait3A_67 : memref<1x25x128xi32, #tpu.memory_space<hbm>> -> memref<25x128xi32, #tpu.memory_space<hbm>>
      %dma_wait3A_69 = arith.constant 0 : i32
      %dma_wait3A_70 = arith.constant 0 : i32
      %dma_wait3A_71 = tpu.memref_slice %arg2[%add3A, %dma_wait3A_69, %dma_wait3A_70] : memref<32x25x128xi32, #tpu.memory_space<hbm>> -> memref<1x25x128xi32, #tpu.memory_space<hbm>>
      %dma_wait3A_72 = tpu.memref_squeeze %dma_wait3A_71 : memref<1x25x128xi32, #tpu.memory_space<hbm>> -> memref<25x128xi32, #tpu.memory_space<hbm>>
      tpu.wait_dma2 semaphore(%run_scoped3A : memref<!tpu.dma_semaphore, #tpu.memory_space<semaphore_mem>>) src(%dma_wait3A_72 : memref<25x128xi32, #tpu.memory_space<hbm>>) dst(%arg6 : memref<25x128xi32, #tpu.memory_space<vmem>>)
      tpu.yield
    }) : () -> ()
    "tpu.region"() ({
      %run_scoped3A = tpu.sem_alloc : memref<!tpu.dma_semaphore, #tpu.memory_space<semaphore_mem>>
      %dma_start3A_57 = arith.constant 0 : i32
      %dma_start3A_58 = arith.constant 0 : i32
      %dma_start3A_59 = tpu.memref_slice %arg3[%add3A, %dma_start3A_57, %dma_start3A_58] : memref<32x25x128xi32, #tpu.memory_space<hbm>> -> memref<1x25x128xi32, #tpu.memory_space<hbm>>
      %dma_start3A_60 = tpu.memref_squeeze %dma_start3A_59 : memref<1x25x128xi32, #tpu.memory_space<hbm>> -> memref<25x128xi32, #tpu.memory_space<hbm>>
      %dma_start3A_61 = arith.constant 0 : i32
      %dma_start3A_62 = arith.constant 0 : i32
      %dma_start3A_63 = tpu.memref_slice %arg3[%add3A, %dma_start3A_61, %dma_start3A_62] : memref<32x25x128xi32, #tpu.memory_space<hbm>> -> memref<1x25x128xi32, #tpu.memory_space<hbm>>
      %dma_start3A_64 = tpu.memref_squeeze %dma_start3A_63 : memref<1x25x128xi32, #tpu.memory_space<hbm>> -> memref<25x128xi32, #tpu.memory_space<hbm>>
      tpu.enqueue_dma source(%dma_start3A_64 : memref<25x128xi32, #tpu.memory_space<hbm>>) target(%arg7 : memref<25x128xi32, #tpu.memory_space<vmem>>) target_semaphore(%run_scoped3A : memref<!tpu.dma_semaphore, #tpu.memory_space<semaphore_mem>>)
      %dma_wait3A_65 = arith.constant 0 : i32
      %dma_wait3A_66 = arith.constant 0 : i32
      %dma_wait3A_67 = tpu.memref_slice %arg3[%add3A, %dma_wait3A_65, %dma_wait3A_66] : memref<32x25x128xi32, #tpu.memory_space<hbm>> -> memref<1x25x128xi32, #tpu.memory_space<hbm>>
      %dma_wait3A_68 = tpu.memref_squeeze %dma_wait3A_67 : memref<1x25x128xi32, #tpu.memory_space<hbm>> -> memref<25x128xi32, #tpu.memory_space<hbm>>
      %dma_wait3A_69 = arith.constant 0 : i32
      %dma_wait3A_70 = arith.constant 0 : i32
      %dma_wait3A_71 = tpu.memref_slice %arg3[%add3A, %dma_wait3A_69, %dma_wait3A_70] : memref<32x25x128xi32, #tpu.memory_space<hbm>> -> memref<1x25x128xi32, #tpu.memory_space<hbm>>
      %dma_wait3A_72 = tpu.memref_squeeze %dma_wait3A_71 : memref<1x25x128xi32, #tpu.memory_space<hbm>> -> memref<25x128xi32, #tpu.memory_space<hbm>>
      tpu.wait_dma2 semaphore(%run_scoped3A : memref<!tpu.dma_semaphore, #tpu.memory_space<semaphore_mem>>) src(%dma_wait3A_72 : memref<25x128xi32, #tpu.memory_space<hbm>>) dst(%arg7 : memref<25x128xi32, #tpu.memory_space<vmem>>)
      tpu.yield
    }) : () -> ()
    %dma_start3A = arith.constant 0 : i32
    %dma_start3A_3 = arith.constant 0 : i32
    %dma_start3A_4 = tpu.memref_slice %arg6[%dma_start3A, %dma_start3A_3] : memref<25x128xi32, #tpu.memory_space<vmem>> -> memref<1x128xi32, #tpu.memory_space<vmem>>
    %dma_start3A_5 = tpu.memref_squeeze %dma_start3A_4 : memref<1x128xi32, #tpu.memory_space<vmem>> -> memref<128xi32, #tpu.memory_space<vmem>>
    %dma_start3A_6 = arith.constant 0 : i32
    %dma_start3A_7 = arith.constant 0 : i32
    %dma_start3A_8 = tpu.memref_slice %arg4[%dma_start3A_6, %dma_start3A_7] : memref<100000x64xf32, #tpu.memory_space<hbm>> -> memref<100000x64xf32, #tpu.memory_space<hbm>>
    tpu.enqueue_indirect_dma source(%dma_start3A_8 : memref<100000x64xf32, #tpu.memory_space<hbm>>) target(%arg8 : memref<128x64xf32, #tpu.memory_space<vmem>>) offsets(%dma_start3A_5 : memref<128xi32, #tpu.memory_space<vmem>>) semaphore(%arg18 : memref<!tpu.dma_semaphore, #tpu.memory_space<semaphore_mem>>)
    %dma_start3A_9 = arith.constant 0 : i32
    %dma_start3A_10 = arith.constant 0 : i32
    %dma_start3A_11 = tpu.memref_slice %arg7[%dma_start3A_9, %dma_start3A_10] : memref<25x128xi32, #tpu.memory_space<vmem>> -> memref<1x128xi32, #tpu.memory_space<vmem>>
    %dma_start3A_12 = tpu.memref_squeeze %dma_start3A_11 : memref<1x128xi32, #tpu.memory_space<vmem>> -> memref<128xi32, #tpu.memory_space<vmem>>
    %dma_start3A_13 = arith.constant 0 : i32
    %dma_start3A_14 = arith.constant 0 : i32
    %dma_start3A_15 = tpu.memref_slice %arg4[%dma_start3A_13, %dma_start3A_14] : memref<100000x64xf32, #tpu.memory_space<hbm>> -> memref<100000x64xf32, #tpu.memory_space<hbm>>
    tpu.enqueue_indirect_dma source(%dma_start3A_15 : memref<100000x64xf32, #tpu.memory_space<hbm>>) target(%arg13 : memref<128x64xf32, #tpu.memory_space<vmem>>) offsets(%dma_start3A_12 : memref<128xi32, #tpu.memory_space<vmem>>) semaphore(%arg18 : memref<!tpu.dma_semaphore, #tpu.memory_space<semaphore_mem>>)
    %dma_start3A_16 = arith.constant 1 : i32
    %dma_start3A_17 = arith.constant 0 : i32
    %dma_start3A_18 = tpu.memref_slice %arg6[%dma_start3A_16, %dma_start3A_17] : memref<25x128xi32, #tpu.memory_space<vmem>> -> memref<1x128xi32, #tpu.memory_space<vmem>>
    %dma_start3A_19 = tpu.memref_squeeze %dma_start3A_18 : memref<1x128xi32, #tpu.memory_space<vmem>> -> memref<128xi32, #tpu.memory_space<vmem>>
    %dma_start3A_20 = arith.constant 0 : i32
    %dma_start3A_21 = arith.constant 0 : i32
    %dma_start3A_22 = tpu.memref_slice %arg4[%dma_start3A_20, %dma_start3A_21] : memref<100000x64xf32, #tpu.memory_space<hbm>> -> memref<100000x64xf32, #tpu.memory_space<hbm>>
    tpu.enqueue_indirect_dma source(%dma_start3A_22 : memref<100000x64xf32, #tpu.memory_space<hbm>>) target(%arg9 : memref<128x64xf32, #tpu.memory_space<vmem>>) offsets(%dma_start3A_19 : memref<128xi32, #tpu.memory_space<vmem>>) semaphore(%arg19 : memref<!tpu.dma_semaphore, #tpu.memory_space<semaphore_mem>>)
    %dma_start3A_23 = arith.constant 1 : i32
    %dma_start3A_24 = arith.constant 0 : i32
    %dma_start3A_25 = tpu.memref_slice %arg7[%dma_start3A_23, %dma_start3A_24] : memref<25x128xi32, #tpu.memory_space<vmem>> -> memref<1x128xi32, #tpu.memory_space<vmem>>
    %dma_start3A_26 = tpu.memref_squeeze %dma_start3A_25 : memref<1x128xi32, #tpu.memory_space<vmem>> -> memref<128xi32, #tpu.memory_space<vmem>>
    %dma_start3A_27 = arith.constant 0 : i32
    %dma_start3A_28 = arith.constant 0 : i32
    %dma_start3A_29 = tpu.memref_slice %arg4[%dma_start3A_27, %dma_start3A_28] : memref<100000x64xf32, #tpu.memory_space<hbm>> -> memref<100000x64xf32, #tpu.memory_space<hbm>>
    tpu.enqueue_indirect_dma source(%dma_start3A_29 : memref<100000x64xf32, #tpu.memory_space<hbm>>) target(%arg14 : memref<128x64xf32, #tpu.memory_space<vmem>>) offsets(%dma_start3A_26 : memref<128xi32, #tpu.memory_space<vmem>>) semaphore(%arg19 : memref<!tpu.dma_semaphore, #tpu.memory_space<semaphore_mem>>)
    %scan3A = arith.constant 0 : i32
    %scan3A_30 = arith.constant 5 : i32
    %scan3A_31 = arith.addi %scan3A, %scan3A_30 : i32
    %scan3A_32 = arith.constant 1 : i32
    scf.for %scan3A_57 = %scan3A to %scan3A_31 step %scan3A_32  : i32 {
      %mul3A_58 = arith.constant 5 : i32
      %mul3A_59 = arith.muli %scan3A_57, %mul3A_58 : i32
      %add3A_60 = arith.constant 0 : i32
      %add3A_61 = arith.addi %mul3A_59, %add3A_60 : i32
      %dma_wait3A_62 = arith.constant 0 : i32
      %dma_wait3A_63 = arith.constant 0 : i32
      %dma_wait3A_64 = tpu.memref_slice %arg6[%dma_wait3A_62, %dma_wait3A_63] : memref<25x128xi32, #tpu.memory_space<vmem>> -> memref<1x128xi32, #tpu.memory_space<vmem>>
      %dma_wait3A_65 = tpu.memref_squeeze %dma_wait3A_64 : memref<1x128xi32, #tpu.memory_space<vmem>> -> memref<128xi32, #tpu.memory_space<vmem>>
      %dma_wait3A_66 = arith.constant 0 : i32
      %dma_wait3A_67 = arith.constant 0 : i32
      %dma_wait3A_68 = tpu.memref_slice %arg4[%dma_wait3A_66, %dma_wait3A_67] : memref<100000x64xf32, #tpu.memory_space<hbm>> -> memref<100000x64xf32, #tpu.memory_space<hbm>>
      tpu.wait_indirect_dma semaphore(%arg18 : memref<!tpu.dma_semaphore, #tpu.memory_space<semaphore_mem>>) src(%dma_wait3A_68 : memref<100000x64xf32, #tpu.memory_space<hbm>>) dst(%arg8 : memref<128x64xf32, #tpu.memory_space<vmem>>)
      %dma_wait3A_69 = arith.constant 0 : i32
      %dma_wait3A_70 = arith.constant 0 : i32
      %dma_wait3A_71 = tpu.memref_slice %arg7[%dma_wait3A_69, %dma_wait3A_70] : memref<25x128xi32, #tpu.memory_space<vmem>> -> memref<1x128xi32, #tpu.memory_space<vmem>>
      %dma_wait3A_72 = tpu.memref_squeeze %dma_wait3A_71 : memref<1x128xi32, #tpu.memory_space<vmem>> -> memref<128xi32, #tpu.memory_space<vmem>>
      %dma_wait3A_73 = arith.constant 0 : i32
      %dma_wait3A_74 = arith.constant 0 : i32
      %dma_wait3A_75 = tpu.memref_slice %arg4[%dma_wait3A_73, %dma_wait3A_74] : memref<100000x64xf32, #tpu.memory_space<hbm>> -> memref<100000x64xf32, #tpu.memory_space<hbm>>
      tpu.wait_indirect_dma semaphore(%arg18 : memref<!tpu.dma_semaphore, #tpu.memory_space<semaphore_mem>>) src(%dma_wait3A_75 : memref<100000x64xf32, #tpu.memory_space<hbm>>) dst(%arg13 : memref<128x64xf32, #tpu.memory_space<vmem>>)
      %mul3A_76 = arith.constant 128 : i32
      %mul3A_77 = arith.muli %add3A_61, %mul3A_76 : i32
      %add3A_78 = arith.addi %mul3A_2, %mul3A_77 : i32
      %dma_start3A_79 = arith.constant 0 : i32
      %dma_start3A_80 = tpu.memref_slice %arg5[%add3A_78, %dma_start3A_79] : memref<102400x128xf32, #tpu.memory_space<hbm>> -> memref<128x64xf32, #tpu.memory_space<hbm>>
      %dma_start3A_81 = arith.constant 0 : i32
      %dma_start3A_82 = tpu.memref_slice %arg5[%add3A_78, %dma_start3A_81] : memref<102400x128xf32, #tpu.memory_space<hbm>> -> memref<128x64xf32, #tpu.memory_space<hbm>>
      tpu.enqueue_dma source(%arg8 : memref<128x64xf32, #tpu.memory_space<vmem>>) target(%dma_start3A_82 : memref<128x64xf32, #tpu.memory_space<hbm>>) target_semaphore(%arg23 : memref<!tpu.dma_semaphore, #tpu.memory_space<semaphore_mem>>)
      %dma_start3A_83 = arith.constant 64 : i32
      %dma_start3A_84 = tpu.memref_slice %arg5[%add3A_78, %dma_start3A_83] : memref<102400x128xf32, #tpu.memory_space<hbm>> -> memref<128x64xf32, #tpu.memory_space<hbm>>
      %dma_start3A_85 = arith.constant 64 : i32
      %dma_start3A_86 = tpu.memref_slice %arg5[%add3A_78, %dma_start3A_85] : memref<102400x128xf32, #tpu.memory_space<hbm>> -> memref<128x64xf32, #tpu.memory_space<hbm>>
      tpu.enqueue_dma source(%arg13 : memref<128x64xf32, #tpu.memory_space<vmem>>) target(%dma_start3A_86 : memref<128x64xf32, #tpu.memory_space<hbm>>) target_semaphore(%arg23 : memref<!tpu.dma_semaphore, #tpu.memory_space<semaphore_mem>>)
      %add3A_87 = arith.constant 2 : i32
      %add3A_88 = arith.addi %add3A_61, %add3A_87 : i32
      %ge3A = arith.constant 5 : i32
      %ge3A_89 = arith.cmpi sge, %add3A_88, %ge3A : i32
      %convert_element_type3A = arith.extui %ge3A_89 : i1 to i32
      %cond3A = arith.constant 0 : i32
      %cond3A_90 = arith.cmpi ne, %convert_element_type3A, %cond3A : i32
      scf.if %cond3A_90 {
        %dma_wait3A_269 = arith.constant 0 : i32
        %dma_wait3A_270 = tpu.memref_slice %arg5[%mul3A_2, %dma_wait3A_269] : memref<102400x128xf32, #tpu.memory_space<hbm>> -> memref<128x64xf32, #tpu.memory_space<hbm>>
        %dma_wait3A_271 = arith.constant 0 : i32
        %dma_wait3A_272 = tpu.memref_slice %arg5[%mul3A_2, %dma_wait3A_271] : memref<102400x128xf32, #tpu.memory_space<hbm>> -> memref<128x64xf32, #tpu.memory_space<hbm>>
        tpu.wait_dma2 semaphore(%arg25 : memref<!tpu.dma_semaphore, #tpu.memory_space<semaphore_mem>>) src(%arg10 : memref<128x64xf32, #tpu.memory_space<vmem>>) dst(%dma_wait3A_272 : memref<128x64xf32, #tpu.memory_space<hbm>>)
        %dma_wait3A_273 = arith.constant 64 : i32
        %dma_wait3A_274 = tpu.memref_slice %arg5[%mul3A_2, %dma_wait3A_273] : memref<102400x128xf32, #tpu.memory_space<hbm>> -> memref<128x64xf32, #tpu.memory_space<hbm>>
        %dma_wait3A_275 = arith.constant 64 : i32
        %dma_wait3A_276 = tpu.memref_slice %arg5[%mul3A_2, %dma_wait3A_275] : memref<102400x128xf32, #tpu.memory_space<hbm>> -> memref<128x64xf32, #tpu.memory_space<hbm>>
        tpu.wait_dma2 semaphore(%arg25 : memref<!tpu.dma_semaphore, #tpu.memory_space<semaphore_mem>>) src(%arg15 : memref<128x64xf32, #tpu.memory_space<vmem>>) dst(%dma_wait3A_276 : memref<128x64xf32, #tpu.memory_space<hbm>>)
      } else {
      }
      %add3A_91 = arith.constant 2 : i32
      %add3A_92 = arith.addi %add3A_61, %add3A_91 : i32
      %lt3A = arith.constant 25 : i32
      %lt3A_93 = arith.cmpi slt, %add3A_92, %lt3A : i32
      %convert_element_type3A_94 = arith.extui %lt3A_93 : i1 to i32
      %cond3A_95 = arith.constant 0 : i32
      %cond3A_96 = arith.cmpi ne, %convert_element_type3A_94, %cond3A_95 : i32
      scf.if %cond3A_96 {
        %add3A_269 = arith.constant 2 : i32
        %add3A_270 = arith.addi %add3A_61, %add3A_269 : i32
        %dma_start3A_271 = arith.constant 0 : i32
        %dma_start3A_272 = tpu.memref_slice %arg6[%add3A_270, %dma_start3A_271] : memref<25x128xi32, #tpu.memory_space<vmem>> -> memref<1x128xi32, #tpu.memory_space<vmem>>
        %dma_start3A_273 = tpu.memref_squeeze %dma_start3A_272 : memref<1x128xi32, #tpu.memory_space<vmem>> -> memref<128xi32, #tpu.memory_space<vmem>>
        %dma_start3A_274 = arith.constant 0 : i32
        %dma_start3A_275 = arith.constant 0 : i32
        %dma_start3A_276 = tpu.memref_slice %arg4[%dma_start3A_274, %dma_start3A_275] : memref<100000x64xf32, #tpu.memory_space<hbm>> -> memref<100000x64xf32, #tpu.memory_space<hbm>>
        tpu.enqueue_indirect_dma source(%dma_start3A_276 : memref<100000x64xf32, #tpu.memory_space<hbm>>) target(%arg10 : memref<128x64xf32, #tpu.memory_space<vmem>>) offsets(%dma_start3A_273 : memref<128xi32, #tpu.memory_space<vmem>>) semaphore(%arg20 : memref<!tpu.dma_semaphore, #tpu.memory_space<semaphore_mem>>)
        %dma_start3A_277 = arith.constant 0 : i32
        %dma_start3A_278 = tpu.memref_slice %arg7[%add3A_270, %dma_start3A_277] : memref<25x128xi32, #tpu.memory_space<vmem>> -> memref<1x128xi32, #tpu.memory_space<vmem>>
        %dma_start3A_279 = tpu.memref_squeeze %dma_start3A_278 : memref<1x128xi32, #tpu.memory_space<vmem>> -> memref<128xi32, #tpu.memory_space<vmem>>
        %dma_start3A_280 = arith.constant 0 : i32
        %dma_start3A_281 = arith.constant 0 : i32
        %dma_start3A_282 = tpu.memref_slice %arg4[%dma_start3A_280, %dma_start3A_281] : memref<100000x64xf32, #tpu.memory_space<hbm>> -> memref<100000x64xf32, #tpu.memory_space<hbm>>
        tpu.enqueue_indirect_dma source(%dma_start3A_282 : memref<100000x64xf32, #tpu.memory_space<hbm>>) target(%arg15 : memref<128x64xf32, #tpu.memory_space<vmem>>) offsets(%dma_start3A_279 : memref<128xi32, #tpu.memory_space<vmem>>) semaphore(%arg20 : memref<!tpu.dma_semaphore, #tpu.memory_space<semaphore_mem>>)
      } else {
      }
      %mul3A_97 = arith.constant 5 : i32
      %mul3A_98 = arith.muli %scan3A_57, %mul3A_97 : i32
      %add3A_99 = arith.constant 1 : i32
      %add3A_100 = arith.addi %mul3A_98, %add3A_99 : i32
      %dma_wait3A_101 = arith.constant 0 : i32
      %dma_wait3A_102 = arith.constant 0 : i32
      %dma_wait3A_103 = tpu.memref_slice %arg6[%dma_wait3A_101, %dma_wait3A_102] : memref<25x128xi32, #tpu.memory_space<vmem>> -> memref<1x128xi32, #tpu.memory_space<vmem>>
      %dma_wait3A_104 = tpu.memref_squeeze %dma_wait3A_103 : memref<1x128xi32, #tpu.memory_space<vmem>> -> memref<128xi32, #tpu.memory_space<vmem>>
      %dma_wait3A_105 = arith.constant 0 : i32
      %dma_wait3A_106 = arith.constant 0 : i32
      %dma_wait3A_107 = tpu.memref_slice %arg4[%dma_wait3A_105, %dma_wait3A_106] : memref<100000x64xf32, #tpu.memory_space<hbm>> -> memref<100000x64xf32, #tpu.memory_space<hbm>>
      tpu.wait_indirect_dma semaphore(%arg19 : memref<!tpu.dma_semaphore, #tpu.memory_space<semaphore_mem>>) src(%dma_wait3A_107 : memref<100000x64xf32, #tpu.memory_space<hbm>>) dst(%arg9 : memref<128x64xf32, #tpu.memory_space<vmem>>)
      %dma_wait3A_108 = arith.constant 0 : i32
      %dma_wait3A_109 = arith.constant 0 : i32
      %dma_wait3A_110 = tpu.memref_slice %arg7[%dma_wait3A_108, %dma_wait3A_109] : memref<25x128xi32, #tpu.memory_space<vmem>> -> memref<1x128xi32, #tpu.memory_space<vmem>>
      %dma_wait3A_111 = tpu.memref_squeeze %dma_wait3A_110 : memref<1x128xi32, #tpu.memory_space<vmem>> -> memref<128xi32, #tpu.memory_space<vmem>>
      %dma_wait3A_112 = arith.constant 0 : i32
      %dma_wait3A_113 = arith.constant 0 : i32
      %dma_wait3A_114 = tpu.memref_slice %arg4[%dma_wait3A_112, %dma_wait3A_113] : memref<100000x64xf32, #tpu.memory_space<hbm>> -> memref<100000x64xf32, #tpu.memory_space<hbm>>
      tpu.wait_indirect_dma semaphore(%arg19 : memref<!tpu.dma_semaphore, #tpu.memory_space<semaphore_mem>>) src(%dma_wait3A_114 : memref<100000x64xf32, #tpu.memory_space<hbm>>) dst(%arg14 : memref<128x64xf32, #tpu.memory_space<vmem>>)
      %mul3A_115 = arith.constant 128 : i32
      %mul3A_116 = arith.muli %add3A_100, %mul3A_115 : i32
      %add3A_117 = arith.addi %mul3A_2, %mul3A_116 : i32
      %dma_start3A_118 = arith.constant 0 : i32
      %dma_start3A_119 = tpu.memref_slice %arg5[%add3A_117, %dma_start3A_118] : memref<102400x128xf32, #tpu.memory_space<hbm>> -> memref<128x64xf32, #tpu.memory_space<hbm>>
      %dma_start3A_120 = arith.constant 0 : i32
      %dma_start3A_121 = tpu.memref_slice %arg5[%add3A_117, %dma_start3A_120] : memref<102400x128xf32, #tpu.memory_space<hbm>> -> memref<128x64xf32, #tpu.memory_space<hbm>>
      tpu.enqueue_dma source(%arg9 : memref<128x64xf32, #tpu.memory_space<vmem>>) target(%dma_start3A_121 : memref<128x64xf32, #tpu.memory_space<hbm>>) target_semaphore(%arg24 : memref<!tpu.dma_semaphore, #tpu.memory_space<semaphore_mem>>)
      %dma_start3A_122 = arith.constant 64 : i32
      %dma_start3A_123 = tpu.memref_slice %arg5[%add3A_117, %dma_start3A_122] : memref<102400x128xf32, #tpu.memory_space<hbm>> -> memref<128x64xf32, #tpu.memory_space<hbm>>
      %dma_start3A_124 = arith.constant 64 : i32
      %dma_start3A_125 = tpu.memref_slice %arg5[%add3A_117, %dma_start3A_124] : memref<102400x128xf32, #tpu.memory_space<hbm>> -> memref<128x64xf32, #tpu.memory_space<hbm>>
      tpu.enqueue_dma source(%arg14 : memref<128x64xf32, #tpu.memory_space<vmem>>) target(%dma_start3A_125 : memref<128x64xf32, #tpu.memory_space<hbm>>) target_semaphore(%arg24 : memref<!tpu.dma_semaphore, #tpu.memory_space<semaphore_mem>>)
      %add3A_126 = arith.constant 2 : i32
      %add3A_127 = arith.addi %add3A_100, %add3A_126 : i32
      %ge3A_128 = arith.constant 5 : i32
      %ge3A_129 = arith.cmpi sge, %add3A_127, %ge3A_128 : i32
      %convert_element_type3A_130 = arith.extui %ge3A_129 : i1 to i32
      %cond3A_131 = arith.constant 0 : i32
      %cond3A_132 = arith.cmpi ne, %convert_element_type3A_130, %cond3A_131 : i32
      scf.if %cond3A_132 {
        %dma_wait3A_269 = arith.constant 0 : i32
        %dma_wait3A_270 = tpu.memref_slice %arg5[%mul3A_2, %dma_wait3A_269] : memref<102400x128xf32, #tpu.memory_space<hbm>> -> memref<128x64xf32, #tpu.memory_space<hbm>>
        %dma_wait3A_271 = arith.constant 0 : i32
        %dma_wait3A_272 = tpu.memref_slice %arg5[%mul3A_2, %dma_wait3A_271] : memref<102400x128xf32, #tpu.memory_space<hbm>> -> memref<128x64xf32, #tpu.memory_space<hbm>>
        tpu.wait_dma2 semaphore(%arg26 : memref<!tpu.dma_semaphore, #tpu.memory_space<semaphore_mem>>) src(%arg11 : memref<128x64xf32, #tpu.memory_space<vmem>>) dst(%dma_wait3A_272 : memref<128x64xf32, #tpu.memory_space<hbm>>)
        %dma_wait3A_273 = arith.constant 64 : i32
        %dma_wait3A_274 = tpu.memref_slice %arg5[%mul3A_2, %dma_wait3A_273] : memref<102400x128xf32, #tpu.memory_space<hbm>> -> memref<128x64xf32, #tpu.memory_space<hbm>>
        %dma_wait3A_275 = arith.constant 64 : i32
        %dma_wait3A_276 = tpu.memref_slice %arg5[%mul3A_2, %dma_wait3A_275] : memref<102400x128xf32, #tpu.memory_space<hbm>> -> memref<128x64xf32, #tpu.memory_space<hbm>>
        tpu.wait_dma2 semaphore(%arg26 : memref<!tpu.dma_semaphore, #tpu.memory_space<semaphore_mem>>) src(%arg16 : memref<128x64xf32, #tpu.memory_space<vmem>>) dst(%dma_wait3A_276 : memref<128x64xf32, #tpu.memory_space<hbm>>)
      } else {
      }
      %add3A_133 = arith.constant 2 : i32
      %add3A_134 = arith.addi %add3A_100, %add3A_133 : i32
      %lt3A_135 = arith.constant 25 : i32
      %lt3A_136 = arith.cmpi slt, %add3A_134, %lt3A_135 : i32
      %convert_element_type3A_137 = arith.extui %lt3A_136 : i1 to i32
      %cond3A_138 = arith.constant 0 : i32
      %cond3A_139 = arith.cmpi ne, %convert_element_type3A_137, %cond3A_138 : i32
      scf.if %cond3A_139 {
        %add3A_269 = arith.constant 2 : i32
        %add3A_270 = arith.addi %add3A_100, %add3A_269 : i32
        %dma_start3A_271 = arith.constant 0 : i32
        %dma_start3A_272 = tpu.memref_slice %arg6[%add3A_270, %dma_start3A_271] : memref<25x128xi32, #tpu.memory_space<vmem>> -> memref<1x128xi32, #tpu.memory_space<vmem>>
        %dma_start3A_273 = tpu.memref_squeeze %dma_start3A_272 : memref<1x128xi32, #tpu.memory_space<vmem>> -> memref<128xi32, #tpu.memory_space<vmem>>
        %dma_start3A_274 = arith.constant 0 : i32
        %dma_start3A_275 = arith.constant 0 : i32
        %dma_start3A_276 = tpu.memref_slice %arg4[%dma_start3A_274, %dma_start3A_275] : memref<100000x64xf32, #tpu.memory_space<hbm>> -> memref<100000x64xf32, #tpu.memory_space<hbm>>
        tpu.enqueue_indirect_dma source(%dma_start3A_276 : memref<100000x64xf32, #tpu.memory_space<hbm>>) target(%arg11 : memref<128x64xf32, #tpu.memory_space<vmem>>) offsets(%dma_start3A_273 : memref<128xi32, #tpu.memory_space<vmem>>) semaphore(%arg21 : memref<!tpu.dma_semaphore, #tpu.memory_space<semaphore_mem>>)
        %dma_start3A_277 = arith.constant 0 : i32
        %dma_start3A_278 = tpu.memref_slice %arg7[%add3A_270, %dma_start3A_277] : memref<25x128xi32, #tpu.memory_space<vmem>> -> memref<1x128xi32, #tpu.memory_space<vmem>>
        %dma_start3A_279 = tpu.memref_squeeze %dma_start3A_278 : memref<1x128xi32, #tpu.memory_space<vmem>> -> memref<128xi32, #tpu.memory_space<vmem>>
        %dma_start3A_280 = arith.constant 0 : i32
        %dma_start3A_281 = arith.constant 0 : i32
        %dma_start3A_282 = tpu.memref_slice %arg4[%dma_start3A_280, %dma_start3A_281] : memref<100000x64xf32, #tpu.memory_space<hbm>> -> memref<100000x64xf32, #tpu.memory_space<hbm>>
        tpu.enqueue_indirect_dma source(%dma_start3A_282 : memref<100000x64xf32, #tpu.memory_space<hbm>>) target(%arg16 : memref<128x64xf32, #tpu.memory_space<vmem>>) offsets(%dma_start3A_279 : memref<128xi32, #tpu.memory_space<vmem>>) semaphore(%arg21 : memref<!tpu.dma_semaphore, #tpu.memory_space<semaphore_mem>>)
      } else {
      }
      %mul3A_140 = arith.constant 5 : i32
      %mul3A_141 = arith.muli %scan3A_57, %mul3A_140 : i32
      %add3A_142 = arith.constant 2 : i32
      %add3A_143 = arith.addi %mul3A_141, %add3A_142 : i32
      %dma_wait3A_144 = arith.constant 0 : i32
      %dma_wait3A_145 = arith.constant 0 : i32
      %dma_wait3A_146 = tpu.memref_slice %arg6[%dma_wait3A_144, %dma_wait3A_145] : memref<25x128xi32, #tpu.memory_space<vmem>> -> memref<1x128xi32, #tpu.memory_space<vmem>>
      %dma_wait3A_147 = tpu.memref_squeeze %dma_wait3A_146 : memref<1x128xi32, #tpu.memory_space<vmem>> -> memref<128xi32, #tpu.memory_space<vmem>>
      %dma_wait3A_148 = arith.constant 0 : i32
      %dma_wait3A_149 = arith.constant 0 : i32
      %dma_wait3A_150 = tpu.memref_slice %arg4[%dma_wait3A_148, %dma_wait3A_149] : memref<100000x64xf32, #tpu.memory_space<hbm>> -> memref<100000x64xf32, #tpu.memory_space<hbm>>
      tpu.wait_indirect_dma semaphore(%arg20 : memref<!tpu.dma_semaphore, #tpu.memory_space<semaphore_mem>>) src(%dma_wait3A_150 : memref<100000x64xf32, #tpu.memory_space<hbm>>) dst(%arg10 : memref<128x64xf32, #tpu.memory_space<vmem>>)
      %dma_wait3A_151 = arith.constant 0 : i32
      %dma_wait3A_152 = arith.constant 0 : i32
      %dma_wait3A_153 = tpu.memref_slice %arg7[%dma_wait3A_151, %dma_wait3A_152] : memref<25x128xi32, #tpu.memory_space<vmem>> -> memref<1x128xi32, #tpu.memory_space<vmem>>
      %dma_wait3A_154 = tpu.memref_squeeze %dma_wait3A_153 : memref<1x128xi32, #tpu.memory_space<vmem>> -> memref<128xi32, #tpu.memory_space<vmem>>
      %dma_wait3A_155 = arith.constant 0 : i32
      %dma_wait3A_156 = arith.constant 0 : i32
      %dma_wait3A_157 = tpu.memref_slice %arg4[%dma_wait3A_155, %dma_wait3A_156] : memref<100000x64xf32, #tpu.memory_space<hbm>> -> memref<100000x64xf32, #tpu.memory_space<hbm>>
      tpu.wait_indirect_dma semaphore(%arg20 : memref<!tpu.dma_semaphore, #tpu.memory_space<semaphore_mem>>) src(%dma_wait3A_157 : memref<100000x64xf32, #tpu.memory_space<hbm>>) dst(%arg15 : memref<128x64xf32, #tpu.memory_space<vmem>>)
      %mul3A_158 = arith.constant 128 : i32
      %mul3A_159 = arith.muli %add3A_143, %mul3A_158 : i32
      %add3A_160 = arith.addi %mul3A_2, %mul3A_159 : i32
      %dma_start3A_161 = arith.constant 0 : i32
      %dma_start3A_162 = tpu.memref_slice %arg5[%add3A_160, %dma_start3A_161] : memref<102400x128xf32, #tpu.memory_space<hbm>> -> memref<128x64xf32, #tpu.memory_space<hbm>>
      %dma_start3A_163 = arith.constant 0 : i32
      %dma_start3A_164 = tpu.memref_slice %arg5[%add3A_160, %dma_start3A_163] : memref<102400x128xf32, #tpu.memory_space<hbm>> -> memref<128x64xf32, #tpu.memory_space<hbm>>
      tpu.enqueue_dma source(%arg10 : memref<128x64xf32, #tpu.memory_space<vmem>>) target(%dma_start3A_164 : memref<128x64xf32, #tpu.memory_space<hbm>>) target_semaphore(%arg25 : memref<!tpu.dma_semaphore, #tpu.memory_space<semaphore_mem>>)
      %dma_start3A_165 = arith.constant 64 : i32
      %dma_start3A_166 = tpu.memref_slice %arg5[%add3A_160, %dma_start3A_165] : memref<102400x128xf32, #tpu.memory_space<hbm>> -> memref<128x64xf32, #tpu.memory_space<hbm>>
      %dma_start3A_167 = arith.constant 64 : i32
      %dma_start3A_168 = tpu.memref_slice %arg5[%add3A_160, %dma_start3A_167] : memref<102400x128xf32, #tpu.memory_space<hbm>> -> memref<128x64xf32, #tpu.memory_space<hbm>>
      tpu.enqueue_dma source(%arg15 : memref<128x64xf32, #tpu.memory_space<vmem>>) target(%dma_start3A_168 : memref<128x64xf32, #tpu.memory_space<hbm>>) target_semaphore(%arg25 : memref<!tpu.dma_semaphore, #tpu.memory_space<semaphore_mem>>)
      %add3A_169 = arith.constant 2 : i32
      %add3A_170 = arith.addi %add3A_143, %add3A_169 : i32
      %ge3A_171 = arith.constant 5 : i32
      %ge3A_172 = arith.cmpi sge, %add3A_170, %ge3A_171 : i32
      %convert_element_type3A_173 = arith.extui %ge3A_172 : i1 to i32
      %cond3A_174 = arith.constant 0 : i32
      %cond3A_175 = arith.cmpi ne, %convert_element_type3A_173, %cond3A_174 : i32
      scf.if %cond3A_175 {
        %dma_wait3A_269 = arith.constant 0 : i32
        %dma_wait3A_270 = tpu.memref_slice %arg5[%mul3A_2, %dma_wait3A_269] : memref<102400x128xf32, #tpu.memory_space<hbm>> -> memref<128x64xf32, #tpu.memory_space<hbm>>
        %dma_wait3A_271 = arith.constant 0 : i32
        %dma_wait3A_272 = tpu.memref_slice %arg5[%mul3A_2, %dma_wait3A_271] : memref<102400x128xf32, #tpu.memory_space<hbm>> -> memref<128x64xf32, #tpu.memory_space<hbm>>
        tpu.wait_dma2 semaphore(%arg27 : memref<!tpu.dma_semaphore, #tpu.memory_space<semaphore_mem>>) src(%arg12 : memref<128x64xf32, #tpu.memory_space<vmem>>) dst(%dma_wait3A_272 : memref<128x64xf32, #tpu.memory_space<hbm>>)
        %dma_wait3A_273 = arith.constant 64 : i32
        %dma_wait3A_274 = tpu.memref_slice %arg5[%mul3A_2, %dma_wait3A_273] : memref<102400x128xf32, #tpu.memory_space<hbm>> -> memref<128x64xf32, #tpu.memory_space<hbm>>
        %dma_wait3A_275 = arith.constant 64 : i32
        %dma_wait3A_276 = tpu.memref_slice %arg5[%mul3A_2, %dma_wait3A_275] : memref<102400x128xf32, #tpu.memory_space<hbm>> -> memref<128x64xf32, #tpu.memory_space<hbm>>
        tpu.wait_dma2 semaphore(%arg27 : memref<!tpu.dma_semaphore, #tpu.memory_space<semaphore_mem>>) src(%arg17 : memref<128x64xf32, #tpu.memory_space<vmem>>) dst(%dma_wait3A_276 : memref<128x64xf32, #tpu.memory_space<hbm>>)
      } else {
      }
      %add3A_176 = arith.constant 2 : i32
      %add3A_177 = arith.addi %add3A_143, %add3A_176 : i32
      %lt3A_178 = arith.constant 25 : i32
      %lt3A_179 = arith.cmpi slt, %add3A_177, %lt3A_178 : i32
      %convert_element_type3A_180 = arith.extui %lt3A_179 : i1 to i32
      %cond3A_181 = arith.constant 0 : i32
      %cond3A_182 = arith.cmpi ne, %convert_element_type3A_180, %cond3A_181 : i32
      scf.if %cond3A_182 {
        %add3A_269 = arith.constant 2 : i32
        %add3A_270 = arith.addi %add3A_143, %add3A_269 : i32
        %dma_start3A_271 = arith.constant 0 : i32
        %dma_start3A_272 = tpu.memref_slice %arg6[%add3A_270, %dma_start3A_271] : memref<25x128xi32, #tpu.memory_space<vmem>> -> memref<1x128xi32, #tpu.memory_space<vmem>>
        %dma_start3A_273 = tpu.memref_squeeze %dma_start3A_272 : memref<1x128xi32, #tpu.memory_space<vmem>> -> memref<128xi32, #tpu.memory_space<vmem>>
        %dma_start3A_274 = arith.constant 0 : i32
        %dma_start3A_275 = arith.constant 0 : i32
        %dma_start3A_276 = tpu.memref_slice %arg4[%dma_start3A_274, %dma_start3A_275] : memref<100000x64xf32, #tpu.memory_space<hbm>> -> memref<100000x64xf32, #tpu.memory_space<hbm>>
        tpu.enqueue_indirect_dma source(%dma_start3A_276 : memref<100000x64xf32, #tpu.memory_space<hbm>>) target(%arg12 : memref<128x64xf32, #tpu.memory_space<vmem>>) offsets(%dma_start3A_273 : memref<128xi32, #tpu.memory_space<vmem>>) semaphore(%arg22 : memref<!tpu.dma_semaphore, #tpu.memory_space<semaphore_mem>>)
        %dma_start3A_277 = arith.constant 0 : i32
        %dma_start3A_278 = tpu.memref_slice %arg7[%add3A_270, %dma_start3A_277] : memref<25x128xi32, #tpu.memory_space<vmem>> -> memref<1x128xi32, #tpu.memory_space<vmem>>
        %dma_start3A_279 = tpu.memref_squeeze %dma_start3A_278 : memref<1x128xi32, #tpu.memory_space<vmem>> -> memref<128xi32, #tpu.memory_space<vmem>>
        %dma_start3A_280 = arith.constant 0 : i32
        %dma_start3A_281 = arith.constant 0 : i32
        %dma_start3A_282 = tpu.memref_slice %arg4[%dma_start3A_280, %dma_start3A_281] : memref<100000x64xf32, #tpu.memory_space<hbm>> -> memref<100000x64xf32, #tpu.memory_space<hbm>>
        tpu.enqueue_indirect_dma source(%dma_start3A_282 : memref<100000x64xf32, #tpu.memory_space<hbm>>) target(%arg17 : memref<128x64xf32, #tpu.memory_space<vmem>>) offsets(%dma_start3A_279 : memref<128xi32, #tpu.memory_space<vmem>>) semaphore(%arg22 : memref<!tpu.dma_semaphore, #tpu.memory_space<semaphore_mem>>)
      } else {
      }
      %mul3A_183 = arith.constant 5 : i32
      %mul3A_184 = arith.muli %scan3A_57, %mul3A_183 : i32
      %add3A_185 = arith.constant 3 : i32
      %add3A_186 = arith.addi %mul3A_184, %add3A_185 : i32
      %dma_wait3A_187 = arith.constant 0 : i32
      %dma_wait3A_188 = arith.constant 0 : i32
      %dma_wait3A_189 = tpu.memref_slice %arg6[%dma_wait3A_187, %dma_wait3A_188] : memref<25x128xi32, #tpu.memory_space<vmem>> -> memref<1x128xi32, #tpu.memory_space<vmem>>
      %dma_wait3A_190 = tpu.memref_squeeze %dma_wait3A_189 : memref<1x128xi32, #tpu.memory_space<vmem>> -> memref<128xi32, #tpu.memory_space<vmem>>
      %dma_wait3A_191 = arith.constant 0 : i32
      %dma_wait3A_192 = arith.constant 0 : i32
      %dma_wait3A_193 = tpu.memref_slice %arg4[%dma_wait3A_191, %dma_wait3A_192] : memref<100000x64xf32, #tpu.memory_space<hbm>> -> memref<100000x64xf32, #tpu.memory_space<hbm>>
      tpu.wait_indirect_dma semaphore(%arg21 : memref<!tpu.dma_semaphore, #tpu.memory_space<semaphore_mem>>) src(%dma_wait3A_193 : memref<100000x64xf32, #tpu.memory_space<hbm>>) dst(%arg11 : memref<128x64xf32, #tpu.memory_space<vmem>>)
      %dma_wait3A_194 = arith.constant 0 : i32
      %dma_wait3A_195 = arith.constant 0 : i32
      %dma_wait3A_196 = tpu.memref_slice %arg7[%dma_wait3A_194, %dma_wait3A_195] : memref<25x128xi32, #tpu.memory_space<vmem>> -> memref<1x128xi32, #tpu.memory_space<vmem>>
      %dma_wait3A_197 = tpu.memref_squeeze %dma_wait3A_196 : memref<1x128xi32, #tpu.memory_space<vmem>> -> memref<128xi32, #tpu.memory_space<vmem>>
      %dma_wait3A_198 = arith.constant 0 : i32
      %dma_wait3A_199 = arith.constant 0 : i32
      %dma_wait3A_200 = tpu.memref_slice %arg4[%dma_wait3A_198, %dma_wait3A_199] : memref<100000x64xf32, #tpu.memory_space<hbm>> -> memref<100000x64xf32, #tpu.memory_space<hbm>>
      tpu.wait_indirect_dma semaphore(%arg21 : memref<!tpu.dma_semaphore, #tpu.memory_space<semaphore_mem>>) src(%dma_wait3A_200 : memref<100000x64xf32, #tpu.memory_space<hbm>>) dst(%arg16 : memref<128x64xf32, #tpu.memory_space<vmem>>)
      %mul3A_201 = arith.constant 128 : i32
      %mul3A_202 = arith.muli %add3A_186, %mul3A_201 : i32
      %add3A_203 = arith.addi %mul3A_2, %mul3A_202 : i32
      %dma_start3A_204 = arith.constant 0 : i32
      %dma_start3A_205 = tpu.memref_slice %arg5[%add3A_203, %dma_start3A_204] : memref<102400x128xf32, #tpu.memory_space<hbm>> -> memref<128x64xf32, #tpu.memory_space<hbm>>
      %dma_start3A_206 = arith.constant 0 : i32
      %dma_start3A_207 = tpu.memref_slice %arg5[%add3A_203, %dma_start3A_206] : memref<102400x128xf32, #tpu.memory_space<hbm>> -> memref<128x64xf32, #tpu.memory_space<hbm>>
      tpu.enqueue_dma source(%arg11 : memref<128x64xf32, #tpu.memory_space<vmem>>) target(%dma_start3A_207 : memref<128x64xf32, #tpu.memory_space<hbm>>) target_semaphore(%arg26 : memref<!tpu.dma_semaphore, #tpu.memory_space<semaphore_mem>>)
      %dma_start3A_208 = arith.constant 64 : i32
      %dma_start3A_209 = tpu.memref_slice %arg5[%add3A_203, %dma_start3A_208] : memref<102400x128xf32, #tpu.memory_space<hbm>> -> memref<128x64xf32, #tpu.memory_space<hbm>>
      %dma_start3A_210 = arith.constant 64 : i32
      %dma_start3A_211 = tpu.memref_slice %arg5[%add3A_203, %dma_start3A_210] : memref<102400x128xf32, #tpu.memory_space<hbm>> -> memref<128x64xf32, #tpu.memory_space<hbm>>
      tpu.enqueue_dma source(%arg16 : memref<128x64xf32, #tpu.memory_space<vmem>>) target(%dma_start3A_211 : memref<128x64xf32, #tpu.memory_space<hbm>>) target_semaphore(%arg26 : memref<!tpu.dma_semaphore, #tpu.memory_space<semaphore_mem>>)
      %add3A_212 = arith.constant 2 : i32
      %add3A_213 = arith.addi %add3A_186, %add3A_212 : i32
      %ge3A_214 = arith.constant 5 : i32
      %ge3A_215 = arith.cmpi sge, %add3A_213, %ge3A_214 : i32
      %convert_element_type3A_216 = arith.extui %ge3A_215 : i1 to i32
      %cond3A_217 = arith.constant 0 : i32
      %cond3A_218 = arith.cmpi ne, %convert_element_type3A_216, %cond3A_217 : i32
      scf.if %cond3A_218 {
        %dma_wait3A_269 = arith.constant 0 : i32
        %dma_wait3A_270 = tpu.memref_slice %arg5[%mul3A_2, %dma_wait3A_269] : memref<102400x128xf32, #tpu.memory_space<hbm>> -> memref<128x64xf32, #tpu.memory_space<hbm>>
        %dma_wait3A_271 = arith.constant 0 : i32
        %dma_wait3A_272 = tpu.memref_slice %arg5[%mul3A_2, %dma_wait3A_271] : memref<102400x128xf32, #tpu.memory_space<hbm>> -> memref<128x64xf32, #tpu.memory_space<hbm>>
        tpu.wait_dma2 semaphore(%arg23 : memref<!tpu.dma_semaphore, #tpu.memory_space<semaphore_mem>>) src(%arg8 : memref<128x64xf32, #tpu.memory_space<vmem>>) dst(%dma_wait3A_272 : memref<128x64xf32, #tpu.memory_space<hbm>>)
        %dma_wait3A_273 = arith.constant 64 : i32
        %dma_wait3A_274 = tpu.memref_slice %arg5[%mul3A_2, %dma_wait3A_273] : memref<102400x128xf32, #tpu.memory_space<hbm>> -> memref<128x64xf32, #tpu.memory_space<hbm>>
        %dma_wait3A_275 = arith.constant 64 : i32
        %dma_wait3A_276 = tpu.memref_slice %arg5[%mul3A_2, %dma_wait3A_275] : memref<102400x128xf32, #tpu.memory_space<hbm>> -> memref<128x64xf32, #tpu.memory_space<hbm>>
        tpu.wait_dma2 semaphore(%arg23 : memref<!tpu.dma_semaphore, #tpu.memory_space<semaphore_mem>>) src(%arg13 : memref<128x64xf32, #tpu.memory_space<vmem>>) dst(%dma_wait3A_276 : memref<128x64xf32, #tpu.memory_space<hbm>>)
      } else {
      }
      %add3A_219 = arith.constant 2 : i32
      %add3A_220 = arith.addi %add3A_186, %add3A_219 : i32
      %lt3A_221 = arith.constant 25 : i32
      %lt3A_222 = arith.cmpi slt, %add3A_220, %lt3A_221 : i32
      %convert_element_type3A_223 = arith.extui %lt3A_222 : i1 to i32
      %cond3A_224 = arith.constant 0 : i32
      %cond3A_225 = arith.cmpi ne, %convert_element_type3A_223, %cond3A_224 : i32
      scf.if %cond3A_225 {
        %add3A_269 = arith.constant 2 : i32
        %add3A_270 = arith.addi %add3A_186, %add3A_269 : i32
        %dma_start3A_271 = arith.constant 0 : i32
        %dma_start3A_272 = tpu.memref_slice %arg6[%add3A_270, %dma_start3A_271] : memref<25x128xi32, #tpu.memory_space<vmem>> -> memref<1x128xi32, #tpu.memory_space<vmem>>
        %dma_start3A_273 = tpu.memref_squeeze %dma_start3A_272 : memref<1x128xi32, #tpu.memory_space<vmem>> -> memref<128xi32, #tpu.memory_space<vmem>>
        %dma_start3A_274 = arith.constant 0 : i32
        %dma_start3A_275 = arith.constant 0 : i32
        %dma_start3A_276 = tpu.memref_slice %arg4[%dma_start3A_274, %dma_start3A_275] : memref<100000x64xf32, #tpu.memory_space<hbm>> -> memref<100000x64xf32, #tpu.memory_space<hbm>>
        tpu.enqueue_indirect_dma source(%dma_start3A_276 : memref<100000x64xf32, #tpu.memory_space<hbm>>) target(%arg8 : memref<128x64xf32, #tpu.memory_space<vmem>>) offsets(%dma_start3A_273 : memref<128xi32, #tpu.memory_space<vmem>>) semaphore(%arg18 : memref<!tpu.dma_semaphore, #tpu.memory_space<semaphore_mem>>)
        %dma_start3A_277 = arith.constant 0 : i32
        %dma_start3A_278 = tpu.memref_slice %arg7[%add3A_270, %dma_start3A_277] : memref<25x128xi32, #tpu.memory_space<vmem>> -> memref<1x128xi32, #tpu.memory_space<vmem>>
        %dma_start3A_279 = tpu.memref_squeeze %dma_start3A_278 : memref<1x128xi32, #tpu.memory_space<vmem>> -> memref<128xi32, #tpu.memory_space<vmem>>
        %dma_start3A_280 = arith.constant 0 : i32
        %dma_start3A_281 = arith.constant 0 : i32
        %dma_start3A_282 = tpu.memref_slice %arg4[%dma_start3A_280, %dma_start3A_281] : memref<100000x64xf32, #tpu.memory_space<hbm>> -> memref<100000x64xf32, #tpu.memory_space<hbm>>
        tpu.enqueue_indirect_dma source(%dma_start3A_282 : memref<100000x64xf32, #tpu.memory_space<hbm>>) target(%arg13 : memref<128x64xf32, #tpu.memory_space<vmem>>) offsets(%dma_start3A_279 : memref<128xi32, #tpu.memory_space<vmem>>) semaphore(%arg18 : memref<!tpu.dma_semaphore, #tpu.memory_space<semaphore_mem>>)
      } else {
      }
      %mul3A_226 = arith.constant 5 : i32
      %mul3A_227 = arith.muli %scan3A_57, %mul3A_226 : i32
      %add3A_228 = arith.constant 4 : i32
      %add3A_229 = arith.addi %mul3A_227, %add3A_228 : i32
      %dma_wait3A_230 = arith.constant 0 : i32
      %dma_wait3A_231 = arith.constant 0 : i32
      %dma_wait3A_232 = tpu.memref_slice %arg6[%dma_wait3A_230, %dma_wait3A_231] : memref<25x128xi32, #tpu.memory_space<vmem>> -> memref<1x128xi32, #tpu.memory_space<vmem>>
      %dma_wait3A_233 = tpu.memref_squeeze %dma_wait3A_232 : memref<1x128xi32, #tpu.memory_space<vmem>> -> memref<128xi32, #tpu.memory_space<vmem>>
      %dma_wait3A_234 = arith.constant 0 : i32
      %dma_wait3A_235 = arith.constant 0 : i32
      %dma_wait3A_236 = tpu.memref_slice %arg4[%dma_wait3A_234, %dma_wait3A_235] : memref<100000x64xf32, #tpu.memory_space<hbm>> -> memref<100000x64xf32, #tpu.memory_space<hbm>>
      tpu.wait_indirect_dma semaphore(%arg22 : memref<!tpu.dma_semaphore, #tpu.memory_space<semaphore_mem>>) src(%dma_wait3A_236 : memref<100000x64xf32, #tpu.memory_space<hbm>>) dst(%arg12 : memref<128x64xf32, #tpu.memory_space<vmem>>)
      %dma_wait3A_237 = arith.constant 0 : i32
      %dma_wait3A_238 = arith.constant 0 : i32
      %dma_wait3A_239 = tpu.memref_slice %arg7[%dma_wait3A_237, %dma_wait3A_238] : memref<25x128xi32, #tpu.memory_space<vmem>> -> memref<1x128xi32, #tpu.memory_space<vmem>>
      %dma_wait3A_240 = tpu.memref_squeeze %dma_wait3A_239 : memref<1x128xi32, #tpu.memory_space<vmem>> -> memref<128xi32, #tpu.memory_space<vmem>>
      %dma_wait3A_241 = arith.constant 0 : i32
      %dma_wait3A_242 = arith.constant 0 : i32
      %dma_wait3A_243 = tpu.memref_slice %arg4[%dma_wait3A_241, %dma_wait3A_242] : memref<100000x64xf32, #tpu.memory_space<hbm>> -> memref<100000x64xf32, #tpu.memory_space<hbm>>
      tpu.wait_indirect_dma semaphore(%arg22 : memref<!tpu.dma_semaphore, #tpu.memory_space<semaphore_mem>>) src(%dma_wait3A_243 : memref<100000x64xf32, #tpu.memory_space<hbm>>) dst(%arg17 : memref<128x64xf32, #tpu.memory_space<vmem>>)
      %mul3A_244 = arith.constant 128 : i32
      %mul3A_245 = arith.muli %add3A_229, %mul3A_244 : i32
      %add3A_246 = arith.addi %mul3A_2, %mul3A_245 : i32
      %dma_start3A_247 = arith.constant 0 : i32
      %dma_start3A_248 = tpu.memref_slice %arg5[%add3A_246, %dma_start3A_247] : memref<102400x128xf32, #tpu.memory_space<hbm>> -> memref<128x64xf32, #tpu.memory_space<hbm>>
      %dma_start3A_249 = arith.constant 0 : i32
      %dma_start3A_250 = tpu.memref_slice %arg5[%add3A_246, %dma_start3A_249] : memref<102400x128xf32, #tpu.memory_space<hbm>> -> memref<128x64xf32, #tpu.memory_space<hbm>>
      tpu.enqueue_dma source(%arg12 : memref<128x64xf32, #tpu.memory_space<vmem>>) target(%dma_start3A_250 : memref<128x64xf32, #tpu.memory_space<hbm>>) target_semaphore(%arg27 : memref<!tpu.dma_semaphore, #tpu.memory_space<semaphore_mem>>)
      %dma_start3A_251 = arith.constant 64 : i32
      %dma_start3A_252 = tpu.memref_slice %arg5[%add3A_246, %dma_start3A_251] : memref<102400x128xf32, #tpu.memory_space<hbm>> -> memref<128x64xf32, #tpu.memory_space<hbm>>
      %dma_start3A_253 = arith.constant 64 : i32
      %dma_start3A_254 = tpu.memref_slice %arg5[%add3A_246, %dma_start3A_253] : memref<102400x128xf32, #tpu.memory_space<hbm>> -> memref<128x64xf32, #tpu.memory_space<hbm>>
      tpu.enqueue_dma source(%arg17 : memref<128x64xf32, #tpu.memory_space<vmem>>) target(%dma_start3A_254 : memref<128x64xf32, #tpu.memory_space<hbm>>) target_semaphore(%arg27 : memref<!tpu.dma_semaphore, #tpu.memory_space<semaphore_mem>>)
      %add3A_255 = arith.constant 2 : i32
      %add3A_256 = arith.addi %add3A_229, %add3A_255 : i32
      %ge3A_257 = arith.constant 5 : i32
      %ge3A_258 = arith.cmpi sge, %add3A_256, %ge3A_257 : i32
      %convert_element_type3A_259 = arith.extui %ge3A_258 : i1 to i32
      %cond3A_260 = arith.constant 0 : i32
      %cond3A_261 = arith.cmpi ne, %convert_element_type3A_259, %cond3A_260 : i32
      scf.if %cond3A_261 {
        %dma_wait3A_269 = arith.constant 0 : i32
        %dma_wait3A_270 = tpu.memref_slice %arg5[%mul3A_2, %dma_wait3A_269] : memref<102400x128xf32, #tpu.memory_space<hbm>> -> memref<128x64xf32, #tpu.memory_space<hbm>>
        %dma_wait3A_271 = arith.constant 0 : i32
        %dma_wait3A_272 = tpu.memref_slice %arg5[%mul3A_2, %dma_wait3A_271] : memref<102400x128xf32, #tpu.memory_space<hbm>> -> memref<128x64xf32, #tpu.memory_space<hbm>>
        tpu.wait_dma2 semaphore(%arg24 : memref<!tpu.dma_semaphore, #tpu.memory_space<semaphore_mem>>) src(%arg9 : memref<128x64xf32, #tpu.memory_space<vmem>>) dst(%dma_wait3A_272 : memref<128x64xf32, #tpu.memory_space<hbm>>)
        %dma_wait3A_273 = arith.constant 64 : i32
        %dma_wait3A_274 = tpu.memref_slice %arg5[%mul3A_2, %dma_wait3A_273] : memref<102400x128xf32, #tpu.memory_space<hbm>> -> memref<128x64xf32, #tpu.memory_space<hbm>>
        %dma_wait3A_275 = arith.constant 64 : i32
        %dma_wait3A_276 = tpu.memref_slice %arg5[%mul3A_2, %dma_wait3A_275] : memref<102400x128xf32, #tpu.memory_space<hbm>> -> memref<128x64xf32, #tpu.memory_space<hbm>>
        tpu.wait_dma2 semaphore(%arg24 : memref<!tpu.dma_semaphore, #tpu.memory_space<semaphore_mem>>) src(%arg14 : memref<128x64xf32, #tpu.memory_space<vmem>>) dst(%dma_wait3A_276 : memref<128x64xf32, #tpu.memory_space<hbm>>)
      } else {
      }
      %add3A_262 = arith.constant 2 : i32
      %add3A_263 = arith.addi %add3A_229, %add3A_262 : i32
      %lt3A_264 = arith.constant 25 : i32
      %lt3A_265 = arith.cmpi slt, %add3A_263, %lt3A_264 : i32
      %convert_element_type3A_266 = arith.extui %lt3A_265 : i1 to i32
      %cond3A_267 = arith.constant 0 : i32
      %cond3A_268 = arith.cmpi ne, %convert_element_type3A_266, %cond3A_267 : i32
      scf.if %cond3A_268 {
        %add3A_269 = arith.constant 2 : i32
        %add3A_270 = arith.addi %add3A_229, %add3A_269 : i32
        %dma_start3A_271 = arith.constant 0 : i32
        %dma_start3A_272 = tpu.memref_slice %arg6[%add3A_270, %dma_start3A_271] : memref<25x128xi32, #tpu.memory_space<vmem>> -> memref<1x128xi32, #tpu.memory_space<vmem>>
        %dma_start3A_273 = tpu.memref_squeeze %dma_start3A_272 : memref<1x128xi32, #tpu.memory_space<vmem>> -> memref<128xi32, #tpu.memory_space<vmem>>
        %dma_start3A_274 = arith.constant 0 : i32
        %dma_start3A_275 = arith.constant 0 : i32
        %dma_start3A_276 = tpu.memref_slice %arg4[%dma_start3A_274, %dma_start3A_275] : memref<100000x64xf32, #tpu.memory_space<hbm>> -> memref<100000x64xf32, #tpu.memory_space<hbm>>
        tpu.enqueue_indirect_dma source(%dma_start3A_276 : memref<100000x64xf32, #tpu.memory_space<hbm>>) target(%arg9 : memref<128x64xf32, #tpu.memory_space<vmem>>) offsets(%dma_start3A_273 : memref<128xi32, #tpu.memory_space<vmem>>) semaphore(%arg19 : memref<!tpu.dma_semaphore, #tpu.memory_space<semaphore_mem>>)
        %dma_start3A_277 = arith.constant 0 : i32
        %dma_start3A_278 = tpu.memref_slice %arg7[%add3A_270, %dma_start3A_277] : memref<25x128xi32, #tpu.memory_space<vmem>> -> memref<1x128xi32, #tpu.memory_space<vmem>>
        %dma_start3A_279 = tpu.memref_squeeze %dma_start3A_278 : memref<1x128xi32, #tpu.memory_space<vmem>> -> memref<128xi32, #tpu.memory_space<vmem>>
        %dma_start3A_280 = arith.constant 0 : i32
        %dma_start3A_281 = arith.constant 0 : i32
        %dma_start3A_282 = tpu.memref_slice %arg4[%dma_start3A_280, %dma_start3A_281] : memref<100000x64xf32, #tpu.memory_space<hbm>> -> memref<100000x64xf32, #tpu.memory_space<hbm>>
        tpu.enqueue_indirect_dma source(%dma_start3A_282 : memref<100000x64xf32, #tpu.memory_space<hbm>>) target(%arg14 : memref<128x64xf32, #tpu.memory_space<vmem>>) offsets(%dma_start3A_279 : memref<128xi32, #tpu.memory_space<vmem>>) semaphore(%arg19 : memref<!tpu.dma_semaphore, #tpu.memory_space<semaphore_mem>>)
      } else {
      }
    }
    %scan3A_33 = arith.constant 5 : i32
    %dma_wait3A = arith.constant 0 : i32
    %dma_wait3A_34 = tpu.memref_slice %arg5[%mul3A_2, %dma_wait3A] : memref<102400x128xf32, #tpu.memory_space<hbm>> -> memref<128x64xf32, #tpu.memory_space<hbm>>
    %dma_wait3A_35 = arith.constant 0 : i32
    %dma_wait3A_36 = tpu.memref_slice %arg5[%mul3A_2, %dma_wait3A_35] : memref<102400x128xf32, #tpu.memory_space<hbm>> -> memref<128x64xf32, #tpu.memory_space<hbm>>
    tpu.wait_dma2 semaphore(%arg25 : memref<!tpu.dma_semaphore, #tpu.memory_space<semaphore_mem>>) src(%arg10 : memref<128x64xf32, #tpu.memory_space<vmem>>) dst(%dma_wait3A_36 : memref<128x64xf32, #tpu.memory_space<hbm>>)
    %dma_wait3A_37 = arith.constant 64 : i32
    %dma_wait3A_38 = tpu.memref_slice %arg5[%mul3A_2, %dma_wait3A_37] : memref<102400x128xf32, #tpu.memory_space<hbm>> -> memref<128x64xf32, #tpu.memory_space<hbm>>
    %dma_wait3A_39 = arith.constant 64 : i32
    %dma_wait3A_40 = tpu.memref_slice %arg5[%mul3A_2, %dma_wait3A_39] : memref<102400x128xf32, #tpu.memory_space<hbm>> -> memref<128x64xf32, #tpu.memory_space<hbm>>
    tpu.wait_dma2 semaphore(%arg25 : memref<!tpu.dma_semaphore, #tpu.memory_space<semaphore_mem>>) src(%arg15 : memref<128x64xf32, #tpu.memory_space<vmem>>) dst(%dma_wait3A_40 : memref<128x64xf32, #tpu.memory_space<hbm>>)
    %dma_wait3A_41 = arith.constant 0 : i32
    %dma_wait3A_42 = tpu.memref_slice %arg5[%mul3A_2, %dma_wait3A_41] : memref<102400x128xf32, #tpu.memory_space<hbm>> -> memref<128x64xf32, #tpu.memory_space<hbm>>
    %dma_wait3A_43 = arith.constant 0 : i32
    %dma_wait3A_44 = tpu.memref_slice %arg5[%mul3A_2, %dma_wait3A_43] : memref<102400x128xf32, #tpu.memory_space<hbm>> -> memref<128x64xf32, #tpu.memory_space<hbm>>
    tpu.wait_dma2 semaphore(%arg26 : memref<!tpu.dma_semaphore, #tpu.memory_space<semaphore_mem>>) src(%arg11 : memref<128x64xf32, #tpu.memory_space<vmem>>) dst(%dma_wait3A_44 : memref<128x64xf32, #tpu.memory_space<hbm>>)
    %dma_wait3A_45 = arith.constant 64 : i32
    %dma_wait3A_46 = tpu.memref_slice %arg5[%mul3A_2, %dma_wait3A_45] : memref<102400x128xf32, #tpu.memory_space<hbm>> -> memref<128x64xf32, #tpu.memory_space<hbm>>
    %dma_wait3A_47 = arith.constant 64 : i32
    %dma_wait3A_48 = tpu.memref_slice %arg5[%mul3A_2, %dma_wait3A_47] : memref<102400x128xf32, #tpu.memory_space<hbm>> -> memref<128x64xf32, #tpu.memory_space<hbm>>
    tpu.wait_dma2 semaphore(%arg26 : memref<!tpu.dma_semaphore, #tpu.memory_space<semaphore_mem>>) src(%arg16 : memref<128x64xf32, #tpu.memory_space<vmem>>) dst(%dma_wait3A_48 : memref<128x64xf32, #tpu.memory_space<hbm>>)
    %dma_wait3A_49 = arith.constant 0 : i32
    %dma_wait3A_50 = tpu.memref_slice %arg5[%mul3A_2, %dma_wait3A_49] : memref<102400x128xf32, #tpu.memory_space<hbm>> -> memref<128x64xf32, #tpu.memory_space<hbm>>
    %dma_wait3A_51 = arith.constant 0 : i32
    %dma_wait3A_52 = tpu.memref_slice %arg5[%mul3A_2, %dma_wait3A_51] : memref<102400x128xf32, #tpu.memory_space<hbm>> -> memref<128x64xf32, #tpu.memory_space<hbm>>
    tpu.wait_dma2 semaphore(%arg27 : memref<!tpu.dma_semaphore, #tpu.memory_space<semaphore_mem>>) src(%arg12 : memref<128x64xf32, #tpu.memory_space<vmem>>) dst(%dma_wait3A_52 : memref<128x64xf32, #tpu.memory_space<hbm>>)
    %dma_wait3A_53 = arith.constant 64 : i32
    %dma_wait3A_54 = tpu.memref_slice %arg5[%mul3A_2, %dma_wait3A_53] : memref<102400x128xf32, #tpu.memory_space<hbm>> -> memref<128x64xf32, #tpu.memory_space<hbm>>
    %dma_wait3A_55 = arith.constant 64 : i32
    %dma_wait3A_56 = tpu.memref_slice %arg5[%mul3A_2, %dma_wait3A_55] : memref<102400x128xf32, #tpu.memory_space<hbm>> -> memref<128x64xf32, #tpu.memory_space<hbm>>
    tpu.wait_dma2 semaphore(%arg27 : memref<!tpu.dma_semaphore, #tpu.memory_space<semaphore_mem>>) src(%arg17 : memref<128x64xf32, #tpu.memory_space<vmem>>) dst(%dma_wait3A_56 : memref<128x64xf32, #tpu.memory_space<hbm>>)
    return
  }
}

#map = affine_map<(d0, d1) -> (0, 0, 0)>
#map1 = affine_map<(d0, d1) -> (0, 0)>
module attributes {stable_mosaic.version = 14 : i64} {
  func.func @k(%arg0: i32, %arg1: i32, %arg2: memref<32x25x128xi32, #tpu.memory_space<hbm>>, %arg3: memref<32x25x128xi32, #tpu.memory_space<hbm>>, %arg4: memref<100000x64xf32, #tpu.memory_space<hbm>>, %arg5: memref<102400x128xf32, #tpu.memory_space<hbm>>, %arg6: memref<25x128xi32, #tpu.memory_space<vmem>>, %arg7: memref<25x128xi32, #tpu.memory_space<vmem>>, %arg8: memref<128x64xf32, #tpu.memory_space<vmem>>, %arg9: memref<128x64xf32, #tpu.memory_space<vmem>>, %arg10: memref<128x64xf32, #tpu.memory_space<vmem>>, %arg11: memref<128x64xf32, #tpu.memory_space<vmem>>, %arg12: memref<128x64xf32, #tpu.memory_space<vmem>>, %arg13: memref<128x64xf32, #tpu.memory_space<vmem>>, %arg14: memref<128x64xf32, #tpu.memory_space<vmem>>, %arg15: memref<128x64xf32, #tpu.memory_space<vmem>>, %arg16: memref<128x64xf32, #tpu.memory_space<vmem>>, %arg17: memref<128x64xf32, #tpu.memory_space<vmem>>, %arg18: memref<!tpu.dma_semaphore, #tpu.memory_space<semaphore_mem>>, %arg19: memref<!tpu.dma_semaphore, #tpu.memory_space<semaphore_mem>>, %arg20: memref<!tpu.dma_semaphore, #tpu.memory_space<semaphore_mem>>, %arg21: memref<!tpu.dma_semaphore, #tpu.memory_space<semaphore_mem>>, %arg22: memref<!tpu.dma_semaphore, #tpu.memory_space<semaphore_mem>>, %arg23: memref<!tpu.dma_semaphore, #tpu.memory_space<semaphore_mem>>, %arg24: memref<!tpu.dma_semaphore, #tpu.memory_space<semaphore_mem>>, %arg25: memref<!tpu.dma_semaphore, #tpu.memory_space<semaphore_mem>>, %arg26: memref<!tpu.dma_semaphore, #tpu.memory_space<semaphore_mem>>, %arg27: memref<!tpu.dma_semaphore, #tpu.memory_space<semaphore_mem>>) attributes {dimension_semantics = [#tpu.dimension_semantics<core_parallel>, #tpu.dimension_semantics<subcore_parallel>], iteration_bounds = array<i64: 2, 16>, scalar_prefetch = 0 : i64, scratch_operands = 22 : i64, tpu.core_type = #tpu.core_type<sc_vector_subcore>, window_params = [{transform_indices = #map}, {transform_indices = #map}, {transform_indices = #map1}, {transform_indices = #map1}]} {
    %mul3A = arith.constant 2 : i32
    %mul3A_0 = arith.muli %arg1, %mul3A : i32
    %add3A = arith.addi %mul3A_0, %arg0 : i32
    %mul3A_1 = arith.constant 3200 : i32
    %mul3A_2 = arith.muli %add3A, %mul3A_1 : i32
    "tpu.region"() ({
      %run_scoped3A = tpu.sem_alloc : memref<!tpu.dma_semaphore, #tpu.memory_space<semaphore_mem>>
      %dma_start3A_57 = arith.constant 0 : i32
      %dma_start3A_58 = arith.constant 0 : i32
      %dma_start3A_59 = tpu.memref_slice %arg2[%add3A, %dma_start3A_57, %dma_start3A_58] : memref<32x25x128xi32, #tpu.memory_space<hbm>> -> memref<1x25x128xi32, #tpu.memory_space<hbm>>
      %dma_start3A_60 = tpu.memref_squeeze %dma_start3A_59 : memref<1x25x128xi32, #tpu.memory_space<hbm>> -> memref<25x128xi32, #tpu.memory_space<hbm>>
      %dma_start3A_61 = arith.constant 0 : i32
      %dma_start3A_62 = arith.constant 0 : i32
      %dma_start3A_63 = tpu.memref_slice %arg2[%add3A, %dma_start3A_61, %dma_start3A_62] : memref<32x25x128xi32, #tpu.memory_space<hbm>> -> memref<1x25x128xi32, #tpu.memory_space<hbm>>
      %dma_start3A_64 = tpu.memref_squeeze %dma_start3A_63 : memref<1x25x128xi32, #tpu.memory_space<hbm>> -> memref<25x128xi32, #tpu.memory_space<hbm>>
      tpu.enqueue_dma source(%dma_start3A_64 : memref<25x128xi32, #tpu.memory_space<hbm>>) target(%arg6 : memref<25x128xi32, #tpu.memory_space<vmem>>) target_semaphore(%run_scoped3A : memref<!tpu.dma_semaphore, #tpu.memory_space<semaphore_mem>>)
      %dma_wait3A_65 = arith.constant 0 : i32
      %dma_wait3A_66 = arith.constant 0 : i32
      %dma_wait3A_67 = tpu.memref_slice %arg2[%add3A, %dma_wait3A_65, %dma_wait3A_66] : memref<32x25x128xi32, #tpu.memory_space<hbm>> -> memref<1x25x128xi32, #tpu.memory_space<hbm>>
      %dma_wait3A_68 = tpu.memref_squeeze %dma_wait3A_67 : memref<1x25x128xi32, #tpu.memory_space<hbm>> -> memref<25x128xi32, #tpu.memory_space<hbm>>
      %dma_wait3A_69 = arith.constant 0 : i32
      %dma_wait3A_70 = arith.constant 0 : i32
      %dma_wait3A_71 = tpu.memref_slice %arg2[%add3A, %dma_wait3A_69, %dma_wait3A_70] : memref<32x25x128xi32, #tpu.memory_space<hbm>> -> memref<1x25x128xi32, #tpu.memory_space<hbm>>
      %dma_wait3A_72 = tpu.memref_squeeze %dma_wait3A_71 : memref<1x25x128xi32, #tpu.memory_space<hbm>> -> memref<25x128xi32, #tpu.memory_space<hbm>>
      tpu.wait_dma2 semaphore(%run_scoped3A : memref<!tpu.dma_semaphore, #tpu.memory_space<semaphore_mem>>) src(%dma_wait3A_72 : memref<25x128xi32, #tpu.memory_space<hbm>>) dst(%arg6 : memref<25x128xi32, #tpu.memory_space<vmem>>)
      tpu.yield
    }) : () -> ()
    "tpu.region"() ({
      %run_scoped3A = tpu.sem_alloc : memref<!tpu.dma_semaphore, #tpu.memory_space<semaphore_mem>>
      %dma_start3A_57 = arith.constant 0 : i32
      %dma_start3A_58 = arith.constant 0 : i32
      %dma_start3A_59 = tpu.memref_slice %arg3[%add3A, %dma_start3A_57, %dma_start3A_58] : memref<32x25x128xi32, #tpu.memory_space<hbm>> -> memref<1x25x128xi32, #tpu.memory_space<hbm>>
      %dma_start3A_60 = tpu.memref_squeeze %dma_start3A_59 : memref<1x25x128xi32, #tpu.memory_space<hbm>> -> memref<25x128xi32, #tpu.memory_space<hbm>>
      %dma_start3A_61 = arith.constant 0 : i32
      %dma_start3A_62 = arith.constant 0 : i32
      %dma_start3A_63 = tpu.memref_slice %arg3[%add3A, %dma_start3A_61, %dma_start3A_62] : memref<32x25x128xi32, #tpu.memory_space<hbm>> -> memref<1x25x128xi32, #tpu.memory_space<hbm>>
      %dma_start3A_64 = tpu.memref_squeeze %dma_start3A_63 : memref<1x25x128xi32, #tpu.memory_space<hbm>> -> memref<25x128xi32, #tpu.memory_space<hbm>>
      tpu.enqueue_dma source(%dma_start3A_64 : memref<25x128xi32, #tpu.memory_space<hbm>>) target(%arg7 : memref<25x128xi32, #tpu.memory_space<vmem>>) target_semaphore(%run_scoped3A : memref<!tpu.dma_semaphore, #tpu.memory_space<semaphore_mem>>)
      %dma_wait3A_65 = arith.constant 0 : i32
      %dma_wait3A_66 = arith.constant 0 : i32
      %dma_wait3A_67 = tpu.memref_slice %arg3[%add3A, %dma_wait3A_65, %dma_wait3A_66] : memref<32x25x128xi32, #tpu.memory_space<hbm>> -> memref<1x25x128xi32, #tpu.memory_space<hbm>>
      %dma_wait3A_68 = tpu.memref_squeeze %dma_wait3A_67 : memref<1x25x128xi32, #tpu.memory_space<hbm>> -> memref<25x128xi32, #tpu.memory_space<hbm>>
      %dma_wait3A_69 = arith.constant 0 : i32
      %dma_wait3A_70 = arith.constant 0 : i32
      %dma_wait3A_71 = tpu.memref_slice %arg3[%add3A, %dma_wait3A_69, %dma_wait3A_70] : memref<32x25x128xi32, #tpu.memory_space<hbm>> -> memref<1x25x128xi32, #tpu.memory_space<hbm>>
      %dma_wait3A_72 = tpu.memref_squeeze %dma_wait3A_71 : memref<1x25x128xi32, #tpu.memory_space<hbm>> -> memref<25x128xi32, #tpu.memory_space<hbm>>
      tpu.wait_dma2 semaphore(%run_scoped3A : memref<!tpu.dma_semaphore, #tpu.memory_space<semaphore_mem>>) src(%dma_wait3A_72 : memref<25x128xi32, #tpu.memory_space<hbm>>) dst(%arg7 : memref<25x128xi32, #tpu.memory_space<vmem>>)
      tpu.yield
    }) : () -> ()
    %dma_start3A = arith.constant 0 : i32
    %dma_start3A_3 = arith.constant 0 : i32
    %dma_start3A_4 = tpu.memref_slice %arg6[%dma_start3A, %dma_start3A_3] : memref<25x128xi32, #tpu.memory_space<vmem>> -> memref<1x128xi32, #tpu.memory_space<vmem>>
    %dma_start3A_5 = tpu.memref_squeeze %dma_start3A_4 : memref<1x128xi32, #tpu.memory_space<vmem>> -> memref<128xi32, #tpu.memory_space<vmem>>
    %dma_start3A_6 = arith.constant 0 : i32
    %dma_start3A_7 = arith.constant 0 : i32
    %dma_start3A_8 = tpu.memref_slice %arg4[%dma_start3A_6, %dma_start3A_7] : memref<100000x64xf32, #tpu.memory_space<hbm>> -> memref<100000x64xf32, #tpu.memory_space<hbm>>
    tpu.enqueue_indirect_dma source(%dma_start3A_8 : memref<100000x64xf32, #tpu.memory_space<hbm>>) target(%arg8 : memref<128x64xf32, #tpu.memory_space<vmem>>) offsets(%dma_start3A_5 : memref<128xi32, #tpu.memory_space<vmem>>) semaphore(%arg18 : memref<!tpu.dma_semaphore, #tpu.memory_space<semaphore_mem>>)
    %dma_start3A_9 = arith.constant 0 : i32
    %dma_start3A_10 = arith.constant 0 : i32
    %dma_start3A_11 = tpu.memref_slice %arg7[%dma_start3A_9, %dma_start3A_10] : memref<25x128xi32, #tpu.memory_space<vmem>> -> memref<1x128xi32, #tpu.memory_space<vmem>>
    %dma_start3A_12 = tpu.memref_squeeze %dma_start3A_11 : memref<1x128xi32, #tpu.memory_space<vmem>> -> memref<128xi32, #tpu.memory_space<vmem>>
    %dma_start3A_13 = arith.constant 0 : i32
    %dma_start3A_14 = arith.constant 0 : i32
    %dma_start3A_15 = tpu.memref_slice %arg4[%dma_start3A_13, %dma_start3A_14] : memref<100000x64xf32, #tpu.memory_space<hbm>> -> memref<100000x64xf32, #tpu.memory_space<hbm>>
    tpu.enqueue_indirect_dma source(%dma_start3A_15 : memref<100000x64xf32, #tpu.memory_space<hbm>>) target(%arg13 : memref<128x64xf32, #tpu.memory_space<vmem>>) offsets(%dma_start3A_12 : memref<128xi32, #tpu.memory_space<vmem>>) semaphore(%arg18 : memref<!tpu.dma_semaphore, #tpu.memory_space<semaphore_mem>>)
    %dma_start3A_16 = arith.constant 1 : i32
    %dma_start3A_17 = arith.constant 0 : i32
    %dma_start3A_18 = tpu.memref_slice %arg6[%dma_start3A_16, %dma_start3A_17] : memref<25x128xi32, #tpu.memory_space<vmem>> -> memref<1x128xi32, #tpu.memory_space<vmem>>
    %dma_start3A_19 = tpu.memref_squeeze %dma_start3A_18 : memref<1x128xi32, #tpu.memory_space<vmem>> -> memref<128xi32, #tpu.memory_space<vmem>>
    %dma_start3A_20 = arith.constant 0 : i32
    %dma_start3A_21 = arith.constant 0 : i32
    %dma_start3A_22 = tpu.memref_slice %arg4[%dma_start3A_20, %dma_start3A_21] : memref<100000x64xf32, #tpu.memory_space<hbm>> -> memref<100000x64xf32, #tpu.memory_space<hbm>>
    tpu.enqueue_indirect_dma source(%dma_start3A_22 : memref<100000x64xf32, #tpu.memory_space<hbm>>) target(%arg9 : memref<128x64xf32, #tpu.memory_space<vmem>>) offsets(%dma_start3A_19 : memref<128xi32, #tpu.memory_space<vmem>>) semaphore(%arg19 : memref<!tpu.dma_semaphore, #tpu.memory_space<semaphore_mem>>)
    %dma_start3A_23 = arith.constant 1 : i32
    %dma_start3A_24 = arith.constant 0 : i32
    %dma_start3A_25 = tpu.memref_slice %arg7[%dma_start3A_23, %dma_start3A_24] : memref<25x128xi32, #tpu.memory_space<vmem>> -> memref<1x128xi32, #tpu.memory_space<vmem>>
    %dma_start3A_26 = tpu.memref_squeeze %dma_start3A_25 : memref<1x128xi32, #tpu.memory_space<vmem>> -> memref<128xi32, #tpu.memory_space<vmem>>
    %dma_start3A_27 = arith.constant 0 : i32
    %dma_start3A_28 = arith.constant 0 : i32
    %dma_start3A_29 = tpu.memref_slice %arg4[%dma_start3A_27, %dma_start3A_28] : memref<100000x64xf32, #tpu.memory_space<hbm>> -> memref<100000x64xf32, #tpu.memory_space<hbm>>
    tpu.enqueue_indirect_dma source(%dma_start3A_29 : memref<100000x64xf32, #tpu.memory_space<hbm>>) target(%arg14 : memref<128x64xf32, #tpu.memory_space<vmem>>) offsets(%dma_start3A_26 : memref<128xi32, #tpu.memory_space<vmem>>) semaphore(%arg19 : memref<!tpu.dma_semaphore, #tpu.memory_space<semaphore_mem>>)
    %scan3A = arith.constant 0 : i32
    %scan3A_30 = arith.constant 5 : i32
    %scan3A_31 = arith.addi %scan3A, %scan3A_30 : i32
    %scan3A_32 = arith.constant 1 : i32
    scf.for %scan3A_57 = %scan3A to %scan3A_31 step %scan3A_32  : i32 {
      %mul3A_58 = arith.constant 5 : i32
      %mul3A_59 = arith.muli %scan3A_57, %mul3A_58 : i32
      %add3A_60 = arith.constant 0 : i32
      %add3A_61 = arith.addi %mul3A_59, %add3A_60 : i32
      %dma_wait3A_62 = arith.constant 0 : i32
      %dma_wait3A_63 = arith.constant 0 : i32
      %dma_wait3A_64 = tpu.memref_slice %arg6[%dma_wait3A_62, %dma_wait3A_63] : memref<25x128xi32, #tpu.memory_space<vmem>> -> memref<1x128xi32, #tpu.memory_space<vmem>>
      %dma_wait3A_65 = tpu.memref_squeeze %dma_wait3A_64 : memref<1x128xi32, #tpu.memory_space<vmem>> -> memref<128xi32, #tpu.memory_space<vmem>>
      %dma_wait3A_66 = arith.constant 0 : i32
      %dma_wait3A_67 = arith.constant 0 : i32
      %dma_wait3A_68 = tpu.memref_slice %arg4[%dma_wait3A_66, %dma_wait3A_67] : memref<100000x64xf32, #tpu.memory_space<hbm>> -> memref<100000x64xf32, #tpu.memory_space<hbm>>
      tpu.wait_indirect_dma semaphore(%arg18 : memref<!tpu.dma_semaphore, #tpu.memory_space<semaphore_mem>>) src(%dma_wait3A_68 : memref<100000x64xf32, #tpu.memory_space<hbm>>) dst(%arg8 : memref<128x64xf32, #tpu.memory_space<vmem>>)
      %dma_wait3A_69 = arith.constant 0 : i32
      %dma_wait3A_70 = arith.constant 0 : i32
      %dma_wait3A_71 = tpu.memref_slice %arg7[%dma_wait3A_69, %dma_wait3A_70] : memref<25x128xi32, #tpu.memory_space<vmem>> -> memref<1x128xi32, #tpu.memory_space<vmem>>
      %dma_wait3A_72 = tpu.memref_squeeze %dma_wait3A_71 : memref<1x128xi32, #tpu.memory_space<vmem>> -> memref<128xi32, #tpu.memory_space<vmem>>
      %dma_wait3A_73 = arith.constant 0 : i32
      %dma_wait3A_74 = arith.constant 0 : i32
      %dma_wait3A_75 = tpu.memref_slice %arg4[%dma_wait3A_73, %dma_wait3A_74] : memref<100000x64xf32, #tpu.memory_space<hbm>> -> memref<100000x64xf32, #tpu.memory_space<hbm>>
      tpu.wait_indirect_dma semaphore(%arg18 : memref<!tpu.dma_semaphore, #tpu.memory_space<semaphore_mem>>) src(%dma_wait3A_75 : memref<100000x64xf32, #tpu.memory_space<hbm>>) dst(%arg13 : memref<128x64xf32, #tpu.memory_space<vmem>>)
      %mul3A_76 = arith.constant 128 : i32
      %mul3A_77 = arith.muli %add3A_61, %mul3A_76 : i32
      %add3A_78 = arith.addi %mul3A_2, %mul3A_77 : i32
      %dma_start3A_79 = arith.constant 0 : i32
      %dma_start3A_80 = tpu.memref_slice %arg5[%add3A_78, %dma_start3A_79] : memref<102400x128xf32, #tpu.memory_space<hbm>> -> memref<128x64xf32, #tpu.memory_space<hbm>>
      %dma_start3A_81 = arith.constant 0 : i32
      %dma_start3A_82 = tpu.memref_slice %arg5[%add3A_78, %dma_start3A_81] : memref<102400x128xf32, #tpu.memory_space<hbm>> -> memref<128x64xf32, #tpu.memory_space<hbm>>
      tpu.enqueue_dma source(%arg8 : memref<128x64xf32, #tpu.memory_space<vmem>>) target(%dma_start3A_82 : memref<128x64xf32, #tpu.memory_space<hbm>>) target_semaphore(%arg23 : memref<!tpu.dma_semaphore, #tpu.memory_space<semaphore_mem>>)
      %dma_start3A_83 = arith.constant 64 : i32
      %dma_start3A_84 = tpu.memref_slice %arg5[%add3A_78, %dma_start3A_83] : memref<102400x128xf32, #tpu.memory_space<hbm>> -> memref<128x64xf32, #tpu.memory_space<hbm>>
      %dma_start3A_85 = arith.constant 64 : i32
      %dma_start3A_86 = tpu.memref_slice %arg5[%add3A_78, %dma_start3A_85] : memref<102400x128xf32, #tpu.memory_space<hbm>> -> memref<128x64xf32, #tpu.memory_space<hbm>>
      tpu.enqueue_dma source(%arg13 : memref<128x64xf32, #tpu.memory_space<vmem>>) target(%dma_start3A_86 : memref<128x64xf32, #tpu.memory_space<hbm>>) target_semaphore(%arg23 : memref<!tpu.dma_semaphore, #tpu.memory_space<semaphore_mem>>)
      %add3A_87 = arith.constant 2 : i32
      %add3A_88 = arith.addi %add3A_61, %add3A_87 : i32
      %ge3A = arith.constant 5 : i32
      %ge3A_89 = arith.cmpi sge, %add3A_88, %ge3A : i32
      %convert_element_type3A = arith.extui %ge3A_89 : i1 to i32
      %cond3A = arith.constant 0 : i32
      %cond3A_90 = arith.cmpi ne, %convert_element_type3A, %cond3A : i32
      scf.if %cond3A_90 {
        %dma_wait3A_269 = arith.constant 0 : i32
        %dma_wait3A_270 = tpu.memref_slice %arg5[%mul3A_2, %dma_wait3A_269] : memref<102400x128xf32, #tpu.memory_space<hbm>> -> memref<128x64xf32, #tpu.memory_space<hbm>>
        %dma_wait3A_271 = arith.constant 0 : i32
        %dma_wait3A_272 = tpu.memref_slice %arg5[%mul3A_2, %dma_wait3A_271] : memref<102400x128xf32, #tpu.memory_space<hbm>> -> memref<128x64xf32, #tpu.memory_space<hbm>>
        tpu.wait_dma2 semaphore(%arg25 : memref<!tpu.dma_semaphore, #tpu.memory_space<semaphore_mem>>) src(%arg10 : memref<128x64xf32, #tpu.memory_space<vmem>>) dst(%dma_wait3A_272 : memref<128x64xf32, #tpu.memory_space<hbm>>)
        %dma_wait3A_273 = arith.constant 64 : i32
        %dma_wait3A_274 = tpu.memref_slice %arg5[%mul3A_2, %dma_wait3A_273] : memref<102400x128xf32, #tpu.memory_space<hbm>> -> memref<128x64xf32, #tpu.memory_space<hbm>>
        %dma_wait3A_275 = arith.constant 64 : i32
        %dma_wait3A_276 = tpu.memref_slice %arg5[%mul3A_2, %dma_wait3A_275] : memref<102400x128xf32, #tpu.memory_space<hbm>> -> memref<128x64xf32, #tpu.memory_space<hbm>>
        tpu.wait_dma2 semaphore(%arg25 : memref<!tpu.dma_semaphore, #tpu.memory_space<semaphore_mem>>) src(%arg15 : memref<128x64xf32, #tpu.memory_space<vmem>>) dst(%dma_wait3A_276 : memref<128x64xf32, #tpu.memory_space<hbm>>)
      } else {
      }
      %add3A_91 = arith.constant 2 : i32
      %add3A_92 = arith.addi %add3A_61, %add3A_91 : i32
      %lt3A = arith.constant 25 : i32
      %lt3A_93 = arith.cmpi slt, %add3A_92, %lt3A : i32
      %convert_element_type3A_94 = arith.extui %lt3A_93 : i1 to i32
      %cond3A_95 = arith.constant 0 : i32
      %cond3A_96 = arith.cmpi ne, %convert_element_type3A_94, %cond3A_95 : i32
      scf.if %cond3A_96 {
        %add3A_269 = arith.constant 2 : i32
        %add3A_270 = arith.addi %add3A_61, %add3A_269 : i32
        %dma_start3A_271 = arith.constant 0 : i32
        %dma_start3A_272 = tpu.memref_slice %arg6[%add3A_270, %dma_start3A_271] : memref<25x128xi32, #tpu.memory_space<vmem>> -> memref<1x128xi32, #tpu.memory_space<vmem>>
        %dma_start3A_273 = tpu.memref_squeeze %dma_start3A_272 : memref<1x128xi32, #tpu.memory_space<vmem>> -> memref<128xi32, #tpu.memory_space<vmem>>
        %dma_start3A_274 = arith.constant 0 : i32
        %dma_start3A_275 = arith.constant 0 : i32
        %dma_start3A_276 = tpu.memref_slice %arg4[%dma_start3A_274, %dma_start3A_275] : memref<100000x64xf32, #tpu.memory_space<hbm>> -> memref<100000x64xf32, #tpu.memory_space<hbm>>
        tpu.enqueue_indirect_dma source(%dma_start3A_276 : memref<100000x64xf32, #tpu.memory_space<hbm>>) target(%arg10 : memref<128x64xf32, #tpu.memory_space<vmem>>) offsets(%dma_start3A_273 : memref<128xi32, #tpu.memory_space<vmem>>) semaphore(%arg20 : memref<!tpu.dma_semaphore, #tpu.memory_space<semaphore_mem>>)
        %dma_start3A_277 = arith.constant 0 : i32
        %dma_start3A_278 = tpu.memref_slice %arg7[%add3A_270, %dma_start3A_277] : memref<25x128xi32, #tpu.memory_space<vmem>> -> memref<1x128xi32, #tpu.memory_space<vmem>>
        %dma_start3A_279 = tpu.memref_squeeze %dma_start3A_278 : memref<1x128xi32, #tpu.memory_space<vmem>> -> memref<128xi32, #tpu.memory_space<vmem>>
        %dma_start3A_280 = arith.constant 0 : i32
        %dma_start3A_281 = arith.constant 0 : i32
        %dma_start3A_282 = tpu.memref_slice %arg4[%dma_start3A_280, %dma_start3A_281] : memref<100000x64xf32, #tpu.memory_space<hbm>> -> memref<100000x64xf32, #tpu.memory_space<hbm>>
        tpu.enqueue_indirect_dma source(%dma_start3A_282 : memref<100000x64xf32, #tpu.memory_space<hbm>>) target(%arg15 : memref<128x64xf32, #tpu.memory_space<vmem>>) offsets(%dma_start3A_279 : memref<128xi32, #tpu.memory_space<vmem>>) semaphore(%arg20 : memref<!tpu.dma_semaphore, #tpu.memory_space<semaphore_mem>>)
      } else {
      }
      %mul3A_97 = arith.constant 5 : i32
      %mul3A_98 = arith.muli %scan3A_57, %mul3A_97 : i32
      %add3A_99 = arith.constant 1 : i32
      %add3A_100 = arith.addi %mul3A_98, %add3A_99 : i32
      %dma_wait3A_101 = arith.constant 0 : i32
      %dma_wait3A_102 = arith.constant 0 : i32
      %dma_wait3A_103 = tpu.memref_slice %arg6[%dma_wait3A_101, %dma_wait3A_102] : memref<25x128xi32, #tpu.memory_space<vmem>> -> memref<1x128xi32, #tpu.memory_space<vmem>>
      %dma_wait3A_104 = tpu.memref_squeeze %dma_wait3A_103 : memref<1x128xi32, #tpu.memory_space<vmem>> -> memref<128xi32, #tpu.memory_space<vmem>>
      %dma_wait3A_105 = arith.constant 0 : i32
      %dma_wait3A_106 = arith.constant 0 : i32
      %dma_wait3A_107 = tpu.memref_slice %arg4[%dma_wait3A_105, %dma_wait3A_106] : memref<100000x64xf32, #tpu.memory_space<hbm>> -> memref<100000x64xf32, #tpu.memory_space<hbm>>
      tpu.wait_indirect_dma semaphore(%arg19 : memref<!tpu.dma_semaphore, #tpu.memory_space<semaphore_mem>>) src(%dma_wait3A_107 : memref<100000x64xf32, #tpu.memory_space<hbm>>) dst(%arg9 : memref<128x64xf32, #tpu.memory_space<vmem>>)
      %dma_wait3A_108 = arith.constant 0 : i32
      %dma_wait3A_109 = arith.constant 0 : i32
      %dma_wait3A_110 = tpu.memref_slice %arg7[%dma_wait3A_108, %dma_wait3A_109] : memref<25x128xi32, #tpu.memory_space<vmem>> -> memref<1x128xi32, #tpu.memory_space<vmem>>
      %dma_wait3A_111 = tpu.memref_squeeze %dma_wait3A_110 : memref<1x128xi32, #tpu.memory_space<vmem>> -> memref<128xi32, #tpu.memory_space<vmem>>
      %dma_wait3A_112 = arith.constant 0 : i32
      %dma_wait3A_113 = arith.constant 0 : i32
      %dma_wait3A_114 = tpu.memref_slice %arg4[%dma_wait3A_112, %dma_wait3A_113] : memref<100000x64xf32, #tpu.memory_space<hbm>> -> memref<100000x64xf32, #tpu.memory_space<hbm>>
      tpu.wait_indirect_dma semaphore(%arg19 : memref<!tpu.dma_semaphore, #tpu.memory_space<semaphore_mem>>) src(%dma_wait3A_114 : memref<100000x64xf32, #tpu.memory_space<hbm>>) dst(%arg14 : memref<128x64xf32, #tpu.memory_space<vmem>>)
      %mul3A_115 = arith.constant 128 : i32
      %mul3A_116 = arith.muli %add3A_100, %mul3A_115 : i32
      %add3A_117 = arith.addi %mul3A_2, %mul3A_116 : i32
      %dma_start3A_118 = arith.constant 0 : i32
      %dma_start3A_119 = tpu.memref_slice %arg5[%add3A_117, %dma_start3A_118] : memref<102400x128xf32, #tpu.memory_space<hbm>> -> memref<128x64xf32, #tpu.memory_space<hbm>>
      %dma_start3A_120 = arith.constant 0 : i32
      %dma_start3A_121 = tpu.memref_slice %arg5[%add3A_117, %dma_start3A_120] : memref<102400x128xf32, #tpu.memory_space<hbm>> -> memref<128x64xf32, #tpu.memory_space<hbm>>
      tpu.enqueue_dma source(%arg9 : memref<128x64xf32, #tpu.memory_space<vmem>>) target(%dma_start3A_121 : memref<128x64xf32, #tpu.memory_space<hbm>>) target_semaphore(%arg24 : memref<!tpu.dma_semaphore, #tpu.memory_space<semaphore_mem>>)
      %dma_start3A_122 = arith.constant 64 : i32
      %dma_start3A_123 = tpu.memref_slice %arg5[%add3A_117, %dma_start3A_122] : memref<102400x128xf32, #tpu.memory_space<hbm>> -> memref<128x64xf32, #tpu.memory_space<hbm>>
      %dma_start3A_124 = arith.constant 64 : i32
      %dma_start3A_125 = tpu.memref_slice %arg5[%add3A_117, %dma_start3A_124] : memref<102400x128xf32, #tpu.memory_space<hbm>> -> memref<128x64xf32, #tpu.memory_space<hbm>>
      tpu.enqueue_dma source(%arg14 : memref<128x64xf32, #tpu.memory_space<vmem>>) target(%dma_start3A_125 : memref<128x64xf32, #tpu.memory_space<hbm>>) target_semaphore(%arg24 : memref<!tpu.dma_semaphore, #tpu.memory_space<semaphore_mem>>)
      %add3A_126 = arith.constant 2 : i32
      %add3A_127 = arith.addi %add3A_100, %add3A_126 : i32
      %ge3A_128 = arith.constant 5 : i32
      %ge3A_129 = arith.cmpi sge, %add3A_127, %ge3A_128 : i32
      %convert_element_type3A_130 = arith.extui %ge3A_129 : i1 to i32
      %cond3A_131 = arith.constant 0 : i32
      %cond3A_132 = arith.cmpi ne, %convert_element_type3A_130, %cond3A_131 : i32
      scf.if %cond3A_132 {
        %dma_wait3A_269 = arith.constant 0 : i32
        %dma_wait3A_270 = tpu.memref_slice %arg5[%mul3A_2, %dma_wait3A_269] : memref<102400x128xf32, #tpu.memory_space<hbm>> -> memref<128x64xf32, #tpu.memory_space<hbm>>
        %dma_wait3A_271 = arith.constant 0 : i32
        %dma_wait3A_272 = tpu.memref_slice %arg5[%mul3A_2, %dma_wait3A_271] : memref<102400x128xf32, #tpu.memory_space<hbm>> -> memref<128x64xf32, #tpu.memory_space<hbm>>
        tpu.wait_dma2 semaphore(%arg26 : memref<!tpu.dma_semaphore, #tpu.memory_space<semaphore_mem>>) src(%arg11 : memref<128x64xf32, #tpu.memory_space<vmem>>) dst(%dma_wait3A_272 : memref<128x64xf32, #tpu.memory_space<hbm>>)
        %dma_wait3A_273 = arith.constant 64 : i32
        %dma_wait3A_274 = tpu.memref_slice %arg5[%mul3A_2, %dma_wait3A_273] : memref<102400x128xf32, #tpu.memory_space<hbm>> -> memref<128x64xf32, #tpu.memory_space<hbm>>
        %dma_wait3A_275 = arith.constant 64 : i32
        %dma_wait3A_276 = tpu.memref_slice %arg5[%mul3A_2, %dma_wait3A_275] : memref<102400x128xf32, #tpu.memory_space<hbm>> -> memref<128x64xf32, #tpu.memory_space<hbm>>
        tpu.wait_dma2 semaphore(%arg26 : memref<!tpu.dma_semaphore, #tpu.memory_space<semaphore_mem>>) src(%arg16 : memref<128x64xf32, #tpu.memory_space<vmem>>) dst(%dma_wait3A_276 : memref<128x64xf32, #tpu.memory_space<hbm>>)
      } else {
      }
      %add3A_133 = arith.constant 2 : i32
      %add3A_134 = arith.addi %add3A_100, %add3A_133 : i32
      %lt3A_135 = arith.constant 25 : i32
      %lt3A_136 = arith.cmpi slt, %add3A_134, %lt3A_135 : i32
      %convert_element_type3A_137 = arith.extui %lt3A_136 : i1 to i32
      %cond3A_138 = arith.constant 0 : i32
      %cond3A_139 = arith.cmpi ne, %convert_element_type3A_137, %cond3A_138 : i32
      scf.if %cond3A_139 {
        %add3A_269 = arith.constant 2 : i32
        %add3A_270 = arith.addi %add3A_100, %add3A_269 : i32
        %dma_start3A_271 = arith.constant 0 : i32
        %dma_start3A_272 = tpu.memref_slice %arg6[%add3A_270, %dma_start3A_271] : memref<25x128xi32, #tpu.memory_space<vmem>> -> memref<1x128xi32, #tpu.memory_space<vmem>>
        %dma_start3A_273 = tpu.memref_squeeze %dma_start3A_272 : memref<1x128xi32, #tpu.memory_space<vmem>> -> memref<128xi32, #tpu.memory_space<vmem>>
        %dma_start3A_274 = arith.constant 0 : i32
        %dma_start3A_275 = arith.constant 0 : i32
        %dma_start3A_276 = tpu.memref_slice %arg4[%dma_start3A_274, %dma_start3A_275] : memref<100000x64xf32, #tpu.memory_space<hbm>> -> memref<100000x64xf32, #tpu.memory_space<hbm>>
        tpu.enqueue_indirect_dma source(%dma_start3A_276 : memref<100000x64xf32, #tpu.memory_space<hbm>>) target(%arg11 : memref<128x64xf32, #tpu.memory_space<vmem>>) offsets(%dma_start3A_273 : memref<128xi32, #tpu.memory_space<vmem>>) semaphore(%arg21 : memref<!tpu.dma_semaphore, #tpu.memory_space<semaphore_mem>>)
        %dma_start3A_277 = arith.constant 0 : i32
        %dma_start3A_278 = tpu.memref_slice %arg7[%add3A_270, %dma_start3A_277] : memref<25x128xi32, #tpu.memory_space<vmem>> -> memref<1x128xi32, #tpu.memory_space<vmem>>
        %dma_start3A_279 = tpu.memref_squeeze %dma_start3A_278 : memref<1x128xi32, #tpu.memory_space<vmem>> -> memref<128xi32, #tpu.memory_space<vmem>>
        %dma_start3A_280 = arith.constant 0 : i32
        %dma_start3A_281 = arith.constant 0 : i32
        %dma_start3A_282 = tpu.memref_slice %arg4[%dma_start3A_280, %dma_start3A_281] : memref<100000x64xf32, #tpu.memory_space<hbm>> -> memref<100000x64xf32, #tpu.memory_space<hbm>>
        tpu.enqueue_indirect_dma source(%dma_start3A_282 : memref<100000x64xf32, #tpu.memory_space<hbm>>) target(%arg16 : memref<128x64xf32, #tpu.memory_space<vmem>>) offsets(%dma_start3A_279 : memref<128xi32, #tpu.memory_space<vmem>>) semaphore(%arg21 : memref<!tpu.dma_semaphore, #tpu.memory_space<semaphore_mem>>)
      } else {
      }
      %mul3A_140 = arith.constant 5 : i32
      %mul3A_141 = arith.muli %scan3A_57, %mul3A_140 : i32
      %add3A_142 = arith.constant 2 : i32
      %add3A_143 = arith.addi %mul3A_141, %add3A_142 : i32
      %dma_wait3A_144 = arith.constant 0 : i32
      %dma_wait3A_145 = arith.constant 0 : i32
      %dma_wait3A_146 = tpu.memref_slice %arg6[%dma_wait3A_144, %dma_wait3A_145] : memref<25x128xi32, #tpu.memory_space<vmem>> -> memref<1x128xi32, #tpu.memory_space<vmem>>
      %dma_wait3A_147 = tpu.memref_squeeze %dma_wait3A_146 : memref<1x128xi32, #tpu.memory_space<vmem>> -> memref<128xi32, #tpu.memory_space<vmem>>
      %dma_wait3A_148 = arith.constant 0 : i32
      %dma_wait3A_149 = arith.constant 0 : i32
      %dma_wait3A_150 = tpu.memref_slice %arg4[%dma_wait3A_148, %dma_wait3A_149] : memref<100000x64xf32, #tpu.memory_space<hbm>> -> memref<100000x64xf32, #tpu.memory_space<hbm>>
      tpu.wait_indirect_dma semaphore(%arg20 : memref<!tpu.dma_semaphore, #tpu.memory_space<semaphore_mem>>) src(%dma_wait3A_150 : memref<100000x64xf32, #tpu.memory_space<hbm>>) dst(%arg10 : memref<128x64xf32, #tpu.memory_space<vmem>>)
      %dma_wait3A_151 = arith.constant 0 : i32
      %dma_wait3A_152 = arith.constant 0 : i32
      %dma_wait3A_153 = tpu.memref_slice %arg7[%dma_wait3A_151, %dma_wait3A_152] : memref<25x128xi32, #tpu.memory_space<vmem>> -> memref<1x128xi32, #tpu.memory_space<vmem>>
      %dma_wait3A_154 = tpu.memref_squeeze %dma_wait3A_153 : memref<1x128xi32, #tpu.memory_space<vmem>> -> memref<128xi32, #tpu.memory_space<vmem>>
      %dma_wait3A_155 = arith.constant 0 : i32
      %dma_wait3A_156 = arith.constant 0 : i32
      %dma_wait3A_157 = tpu.memref_slice %arg4[%dma_wait3A_155, %dma_wait3A_156] : memref<100000x64xf32, #tpu.memory_space<hbm>> -> memref<100000x64xf32, #tpu.memory_space<hbm>>
      tpu.wait_indirect_dma semaphore(%arg20 : memref<!tpu.dma_semaphore, #tpu.memory_space<semaphore_mem>>) src(%dma_wait3A_157 : memref<100000x64xf32, #tpu.memory_space<hbm>>) dst(%arg15 : memref<128x64xf32, #tpu.memory_space<vmem>>)
      %mul3A_158 = arith.constant 128 : i32
      %mul3A_159 = arith.muli %add3A_143, %mul3A_158 : i32
      %add3A_160 = arith.addi %mul3A_2, %mul3A_159 : i32
      %dma_start3A_161 = arith.constant 0 : i32
      %dma_start3A_162 = tpu.memref_slice %arg5[%add3A_160, %dma_start3A_161] : memref<102400x128xf32, #tpu.memory_space<hbm>> -> memref<128x64xf32, #tpu.memory_space<hbm>>
      %dma_start3A_163 = arith.constant 0 : i32
      %dma_start3A_164 = tpu.memref_slice %arg5[%add3A_160, %dma_start3A_163] : memref<102400x128xf32, #tpu.memory_space<hbm>> -> memref<128x64xf32, #tpu.memory_space<hbm>>
      tpu.enqueue_dma source(%arg10 : memref<128x64xf32, #tpu.memory_space<vmem>>) target(%dma_start3A_164 : memref<128x64xf32, #tpu.memory_space<hbm>>) target_semaphore(%arg25 : memref<!tpu.dma_semaphore, #tpu.memory_space<semaphore_mem>>)
      %dma_start3A_165 = arith.constant 64 : i32
      %dma_start3A_166 = tpu.memref_slice %arg5[%add3A_160, %dma_start3A_165] : memref<102400x128xf32, #tpu.memory_space<hbm>> -> memref<128x64xf32, #tpu.memory_space<hbm>>
      %dma_start3A_167 = arith.constant 64 : i32
      %dma_start3A_168 = tpu.memref_slice %arg5[%add3A_160, %dma_start3A_167] : memref<102400x128xf32, #tpu.memory_space<hbm>> -> memref<128x64xf32, #tpu.memory_space<hbm>>
      tpu.enqueue_dma source(%arg15 : memref<128x64xf32, #tpu.memory_space<vmem>>) target(%dma_start3A_168 : memref<128x64xf32, #tpu.memory_space<hbm>>) target_semaphore(%arg25 : memref<!tpu.dma_semaphore, #tpu.memory_space<semaphore_mem>>)
      %add3A_169 = arith.constant 2 : i32
      %add3A_170 = arith.addi %add3A_143, %add3A_169 : i32
      %ge3A_171 = arith.constant 5 : i32
      %ge3A_172 = arith.cmpi sge, %add3A_170, %ge3A_171 : i32
      %convert_element_type3A_173 = arith.extui %ge3A_172 : i1 to i32
      %cond3A_174 = arith.constant 0 : i32
      %cond3A_175 = arith.cmpi ne, %convert_element_type3A_173, %cond3A_174 : i32
      scf.if %cond3A_175 {
        %dma_wait3A_269 = arith.constant 0 : i32
        %dma_wait3A_270 = tpu.memref_slice %arg5[%mul3A_2, %dma_wait3A_269] : memref<102400x128xf32, #tpu.memory_space<hbm>> -> memref<128x64xf32, #tpu.memory_space<hbm>>
        %dma_wait3A_271 = arith.constant 0 : i32
        %dma_wait3A_272 = tpu.memref_slice %arg5[%mul3A_2, %dma_wait3A_271] : memref<102400x128xf32, #tpu.memory_space<hbm>> -> memref<128x64xf32, #tpu.memory_space<hbm>>
        tpu.wait_dma2 semaphore(%arg27 : memref<!tpu.dma_semaphore, #tpu.memory_space<semaphore_mem>>) src(%arg12 : memref<128x64xf32, #tpu.memory_space<vmem>>) dst(%dma_wait3A_272 : memref<128x64xf32, #tpu.memory_space<hbm>>)
        %dma_wait3A_273 = arith.constant 64 : i32
        %dma_wait3A_274 = tpu.memref_slice %arg5[%mul3A_2, %dma_wait3A_273] : memref<102400x128xf32, #tpu.memory_space<hbm>> -> memref<128x64xf32, #tpu.memory_space<hbm>>
        %dma_wait3A_275 = arith.constant 64 : i32
        %dma_wait3A_276 = tpu.memref_slice %arg5[%mul3A_2, %dma_wait3A_275] : memref<102400x128xf32, #tpu.memory_space<hbm>> -> memref<128x64xf32, #tpu.memory_space<hbm>>
        tpu.wait_dma2 semaphore(%arg27 : memref<!tpu.dma_semaphore, #tpu.memory_space<semaphore_mem>>) src(%arg17 : memref<128x64xf32, #tpu.memory_space<vmem>>) dst(%dma_wait3A_276 : memref<128x64xf32, #tpu.memory_space<hbm>>)
      } else {
      }
      %add3A_176 = arith.constant 2 : i32
      %add3A_177 = arith.addi %add3A_143, %add3A_176 : i32
      %lt3A_178 = arith.constant 25 : i32
      %lt3A_179 = arith.cmpi slt, %add3A_177, %lt3A_178 : i32
      %convert_element_type3A_180 = arith.extui %lt3A_179 : i1 to i32
      %cond3A_181 = arith.constant 0 : i32
      %cond3A_182 = arith.cmpi ne, %convert_element_type3A_180, %cond3A_181 : i32
      scf.if %cond3A_182 {
        %add3A_269 = arith.constant 2 : i32
        %add3A_270 = arith.addi %add3A_143, %add3A_269 : i32
        %dma_start3A_271 = arith.constant 0 : i32
        %dma_start3A_272 = tpu.memref_slice %arg6[%add3A_270, %dma_start3A_271] : memref<25x128xi32, #tpu.memory_space<vmem>> -> memref<1x128xi32, #tpu.memory_space<vmem>>
        %dma_start3A_273 = tpu.memref_squeeze %dma_start3A_272 : memref<1x128xi32, #tpu.memory_space<vmem>> -> memref<128xi32, #tpu.memory_space<vmem>>
        %dma_start3A_274 = arith.constant 0 : i32
        %dma_start3A_275 = arith.constant 0 : i32
        %dma_start3A_276 = tpu.memref_slice %arg4[%dma_start3A_274, %dma_start3A_275] : memref<100000x64xf32, #tpu.memory_space<hbm>> -> memref<100000x64xf32, #tpu.memory_space<hbm>>
        tpu.enqueue_indirect_dma source(%dma_start3A_276 : memref<100000x64xf32, #tpu.memory_space<hbm>>) target(%arg12 : memref<128x64xf32, #tpu.memory_space<vmem>>) offsets(%dma_start3A_273 : memref<128xi32, #tpu.memory_space<vmem>>) semaphore(%arg22 : memref<!tpu.dma_semaphore, #tpu.memory_space<semaphore_mem>>)
        %dma_start3A_277 = arith.constant 0 : i32
        %dma_start3A_278 = tpu.memref_slice %arg7[%add3A_270, %dma_start3A_277] : memref<25x128xi32, #tpu.memory_space<vmem>> -> memref<1x128xi32, #tpu.memory_space<vmem>>
        %dma_start3A_279 = tpu.memref_squeeze %dma_start3A_278 : memref<1x128xi32, #tpu.memory_space<vmem>> -> memref<128xi32, #tpu.memory_space<vmem>>
        %dma_start3A_280 = arith.constant 0 : i32
        %dma_start3A_281 = arith.constant 0 : i32
        %dma_start3A_282 = tpu.memref_slice %arg4[%dma_start3A_280, %dma_start3A_281] : memref<100000x64xf32, #tpu.memory_space<hbm>> -> memref<100000x64xf32, #tpu.memory_space<hbm>>
        tpu.enqueue_indirect_dma source(%dma_start3A_282 : memref<100000x64xf32, #tpu.memory_space<hbm>>) target(%arg17 : memref<128x64xf32, #tpu.memory_space<vmem>>) offsets(%dma_start3A_279 : memref<128xi32, #tpu.memory_space<vmem>>) semaphore(%arg22 : memref<!tpu.dma_semaphore, #tpu.memory_space<semaphore_mem>>)
      } else {
      }
      %mul3A_183 = arith.constant 5 : i32
      %mul3A_184 = arith.muli %scan3A_57, %mul3A_183 : i32
      %add3A_185 = arith.constant 3 : i32
      %add3A_186 = arith.addi %mul3A_184, %add3A_185 : i32
      %dma_wait3A_187 = arith.constant 0 : i32
      %dma_wait3A_188 = arith.constant 0 : i32
      %dma_wait3A_189 = tpu.memref_slice %arg6[%dma_wait3A_187, %dma_wait3A_188] : memref<25x128xi32, #tpu.memory_space<vmem>> -> memref<1x128xi32, #tpu.memory_space<vmem>>
      %dma_wait3A_190 = tpu.memref_squeeze %dma_wait3A_189 : memref<1x128xi32, #tpu.memory_space<vmem>> -> memref<128xi32, #tpu.memory_space<vmem>>
      %dma_wait3A_191 = arith.constant 0 : i32
      %dma_wait3A_192 = arith.constant 0 : i32
      %dma_wait3A_193 = tpu.memref_slice %arg4[%dma_wait3A_191, %dma_wait3A_192] : memref<100000x64xf32, #tpu.memory_space<hbm>> -> memref<100000x64xf32, #tpu.memory_space<hbm>>
      tpu.wait_indirect_dma semaphore(%arg21 : memref<!tpu.dma_semaphore, #tpu.memory_space<semaphore_mem>>) src(%dma_wait3A_193 : memref<100000x64xf32, #tpu.memory_space<hbm>>) dst(%arg11 : memref<128x64xf32, #tpu.memory_space<vmem>>)
      %dma_wait3A_194 = arith.constant 0 : i32
      %dma_wait3A_195 = arith.constant 0 : i32
      %dma_wait3A_196 = tpu.memref_slice %arg7[%dma_wait3A_194, %dma_wait3A_195] : memref<25x128xi32, #tpu.memory_space<vmem>> -> memref<1x128xi32, #tpu.memory_space<vmem>>
      %dma_wait3A_197 = tpu.memref_squeeze %dma_wait3A_196 : memref<1x128xi32, #tpu.memory_space<vmem>> -> memref<128xi32, #tpu.memory_space<vmem>>
      %dma_wait3A_198 = arith.constant 0 : i32
      %dma_wait3A_199 = arith.constant 0 : i32
      %dma_wait3A_200 = tpu.memref_slice %arg4[%dma_wait3A_198, %dma_wait3A_199] : memref<100000x64xf32, #tpu.memory_space<hbm>> -> memref<100000x64xf32, #tpu.memory_space<hbm>>
      tpu.wait_indirect_dma semaphore(%arg21 : memref<!tpu.dma_semaphore, #tpu.memory_space<semaphore_mem>>) src(%dma_wait3A_200 : memref<100000x64xf32, #tpu.memory_space<hbm>>) dst(%arg16 : memref<128x64xf32, #tpu.memory_space<vmem>>)
      %mul3A_201 = arith.constant 128 : i32
      %mul3A_202 = arith.muli %add3A_186, %mul3A_201 : i32
      %add3A_203 = arith.addi %mul3A_2, %mul3A_202 : i32
      %dma_start3A_204 = arith.constant 0 : i32
      %dma_start3A_205 = tpu.memref_slice %arg5[%add3A_203, %dma_start3A_204] : memref<102400x128xf32, #tpu.memory_space<hbm>> -> memref<128x64xf32, #tpu.memory_space<hbm>>
      %dma_start3A_206 = arith.constant 0 : i32
      %dma_start3A_207 = tpu.memref_slice %arg5[%add3A_203, %dma_start3A_206] : memref<102400x128xf32, #tpu.memory_space<hbm>> -> memref<128x64xf32, #tpu.memory_space<hbm>>
      tpu.enqueue_dma source(%arg11 : memref<128x64xf32, #tpu.memory_space<vmem>>) target(%dma_start3A_207 : memref<128x64xf32, #tpu.memory_space<hbm>>) target_semaphore(%arg26 : memref<!tpu.dma_semaphore, #tpu.memory_space<semaphore_mem>>)
      %dma_start3A_208 = arith.constant 64 : i32
      %dma_start3A_209 = tpu.memref_slice %arg5[%add3A_203, %dma_start3A_208] : memref<102400x128xf32, #tpu.memory_space<hbm>> -> memref<128x64xf32, #tpu.memory_space<hbm>>
      %dma_start3A_210 = arith.constant 64 : i32
      %dma_start3A_211 = tpu.memref_slice %arg5[%add3A_203, %dma_start3A_210] : memref<102400x128xf32, #tpu.memory_space<hbm>> -> memref<128x64xf32, #tpu.memory_space<hbm>>
      tpu.enqueue_dma source(%arg16 : memref<128x64xf32, #tpu.memory_space<vmem>>) target(%dma_start3A_211 : memref<128x64xf32, #tpu.memory_space<hbm>>) target_semaphore(%arg26 : memref<!tpu.dma_semaphore, #tpu.memory_space<semaphore_mem>>)
      %add3A_212 = arith.constant 2 : i32
      %add3A_213 = arith.addi %add3A_186, %add3A_212 : i32
      %ge3A_214 = arith.constant 5 : i32
      %ge3A_215 = arith.cmpi sge, %add3A_213, %ge3A_214 : i32
      %convert_element_type3A_216 = arith.extui %ge3A_215 : i1 to i32
      %cond3A_217 = arith.constant 0 : i32
      %cond3A_218 = arith.cmpi ne, %convert_element_type3A_216, %cond3A_217 : i32
      scf.if %cond3A_218 {
        %dma_wait3A_269 = arith.constant 0 : i32
        %dma_wait3A_270 = tpu.memref_slice %arg5[%mul3A_2, %dma_wait3A_269] : memref<102400x128xf32, #tpu.memory_space<hbm>> -> memref<128x64xf32, #tpu.memory_space<hbm>>
        %dma_wait3A_271 = arith.constant 0 : i32
        %dma_wait3A_272 = tpu.memref_slice %arg5[%mul3A_2, %dma_wait3A_271] : memref<102400x128xf32, #tpu.memory_space<hbm>> -> memref<128x64xf32, #tpu.memory_space<hbm>>
        tpu.wait_dma2 semaphore(%arg23 : memref<!tpu.dma_semaphore, #tpu.memory_space<semaphore_mem>>) src(%arg8 : memref<128x64xf32, #tpu.memory_space<vmem>>) dst(%dma_wait3A_272 : memref<128x64xf32, #tpu.memory_space<hbm>>)
        %dma_wait3A_273 = arith.constant 64 : i32
        %dma_wait3A_274 = tpu.memref_slice %arg5[%mul3A_2, %dma_wait3A_273] : memref<102400x128xf32, #tpu.memory_space<hbm>> -> memref<128x64xf32, #tpu.memory_space<hbm>>
        %dma_wait3A_275 = arith.constant 64 : i32
        %dma_wait3A_276 = tpu.memref_slice %arg5[%mul3A_2, %dma_wait3A_275] : memref<102400x128xf32, #tpu.memory_space<hbm>> -> memref<128x64xf32, #tpu.memory_space<hbm>>
        tpu.wait_dma2 semaphore(%arg23 : memref<!tpu.dma_semaphore, #tpu.memory_space<semaphore_mem>>) src(%arg13 : memref<128x64xf32, #tpu.memory_space<vmem>>) dst(%dma_wait3A_276 : memref<128x64xf32, #tpu.memory_space<hbm>>)
      } else {
      }
      %add3A_219 = arith.constant 2 : i32
      %add3A_220 = arith.addi %add3A_186, %add3A_219 : i32
      %lt3A_221 = arith.constant 25 : i32
      %lt3A_222 = arith.cmpi slt, %add3A_220, %lt3A_221 : i32
      %convert_element_type3A_223 = arith.extui %lt3A_222 : i1 to i32
      %cond3A_224 = arith.constant 0 : i32
      %cond3A_225 = arith.cmpi ne, %convert_element_type3A_223, %cond3A_224 : i32
      scf.if %cond3A_225 {
        %add3A_269 = arith.constant 2 : i32
        %add3A_270 = arith.addi %add3A_186, %add3A_269 : i32
        %dma_start3A_271 = arith.constant 0 : i32
        %dma_start3A_272 = tpu.memref_slice %arg6[%add3A_270, %dma_start3A_271] : memref<25x128xi32, #tpu.memory_space<vmem>> -> memref<1x128xi32, #tpu.memory_space<vmem>>
        %dma_start3A_273 = tpu.memref_squeeze %dma_start3A_272 : memref<1x128xi32, #tpu.memory_space<vmem>> -> memref<128xi32, #tpu.memory_space<vmem>>
        %dma_start3A_274 = arith.constant 0 : i32
        %dma_start3A_275 = arith.constant 0 : i32
        %dma_start3A_276 = tpu.memref_slice %arg4[%dma_start3A_274, %dma_start3A_275] : memref<100000x64xf32, #tpu.memory_space<hbm>> -> memref<100000x64xf32, #tpu.memory_space<hbm>>
        tpu.enqueue_indirect_dma source(%dma_start3A_276 : memref<100000x64xf32, #tpu.memory_space<hbm>>) target(%arg8 : memref<128x64xf32, #tpu.memory_space<vmem>>) offsets(%dma_start3A_273 : memref<128xi32, #tpu.memory_space<vmem>>) semaphore(%arg18 : memref<!tpu.dma_semaphore, #tpu.memory_space<semaphore_mem>>)
        %dma_start3A_277 = arith.constant 0 : i32
        %dma_start3A_278 = tpu.memref_slice %arg7[%add3A_270, %dma_start3A_277] : memref<25x128xi32, #tpu.memory_space<vmem>> -> memref<1x128xi32, #tpu.memory_space<vmem>>
        %dma_start3A_279 = tpu.memref_squeeze %dma_start3A_278 : memref<1x128xi32, #tpu.memory_space<vmem>> -> memref<128xi32, #tpu.memory_space<vmem>>
        %dma_start3A_280 = arith.constant 0 : i32
        %dma_start3A_281 = arith.constant 0 : i32
        %dma_start3A_282 = tpu.memref_slice %arg4[%dma_start3A_280, %dma_start3A_281] : memref<100000x64xf32, #tpu.memory_space<hbm>> -> memref<100000x64xf32, #tpu.memory_space<hbm>>
        tpu.enqueue_indirect_dma source(%dma_start3A_282 : memref<100000x64xf32, #tpu.memory_space<hbm>>) target(%arg13 : memref<128x64xf32, #tpu.memory_space<vmem>>) offsets(%dma_start3A_279 : memref<128xi32, #tpu.memory_space<vmem>>) semaphore(%arg18 : memref<!tpu.dma_semaphore, #tpu.memory_space<semaphore_mem>>)
      } else {
      }
      %mul3A_226 = arith.constant 5 : i32
      %mul3A_227 = arith.muli %scan3A_57, %mul3A_226 : i32
      %add3A_228 = arith.constant 4 : i32
      %add3A_229 = arith.addi %mul3A_227, %add3A_228 : i32
      %dma_wait3A_230 = arith.constant 0 : i32
      %dma_wait3A_231 = arith.constant 0 : i32
      %dma_wait3A_232 = tpu.memref_slice %arg6[%dma_wait3A_230, %dma_wait3A_231] : memref<25x128xi32, #tpu.memory_space<vmem>> -> memref<1x128xi32, #tpu.memory_space<vmem>>
      %dma_wait3A_233 = tpu.memref_squeeze %dma_wait3A_232 : memref<1x128xi32, #tpu.memory_space<vmem>> -> memref<128xi32, #tpu.memory_space<vmem>>
      %dma_wait3A_234 = arith.constant 0 : i32
      %dma_wait3A_235 = arith.constant 0 : i32
      %dma_wait3A_236 = tpu.memref_slice %arg4[%dma_wait3A_234, %dma_wait3A_235] : memref<100000x64xf32, #tpu.memory_space<hbm>> -> memref<100000x64xf32, #tpu.memory_space<hbm>>
      tpu.wait_indirect_dma semaphore(%arg22 : memref<!tpu.dma_semaphore, #tpu.memory_space<semaphore_mem>>) src(%dma_wait3A_236 : memref<100000x64xf32, #tpu.memory_space<hbm>>) dst(%arg12 : memref<128x64xf32, #tpu.memory_space<vmem>>)
      %dma_wait3A_237 = arith.constant 0 : i32
      %dma_wait3A_238 = arith.constant 0 : i32
      %dma_wait3A_239 = tpu.memref_slice %arg7[%dma_wait3A_237, %dma_wait3A_238] : memref<25x128xi32, #tpu.memory_space<vmem>> -> memref<1x128xi32, #tpu.memory_space<vmem>>
      %dma_wait3A_240 = tpu.memref_squeeze %dma_wait3A_239 : memref<1x128xi32, #tpu.memory_space<vmem>> -> memref<128xi32, #tpu.memory_space<vmem>>
      %dma_wait3A_241 = arith.constant 0 : i32
      %dma_wait3A_242 = arith.constant 0 : i32
      %dma_wait3A_243 = tpu.memref_slice %arg4[%dma_wait3A_241, %dma_wait3A_242] : memref<100000x64xf32, #tpu.memory_space<hbm>> -> memref<100000x64xf32, #tpu.memory_space<hbm>>
      tpu.wait_indirect_dma semaphore(%arg22 : memref<!tpu.dma_semaphore, #tpu.memory_space<semaphore_mem>>) src(%dma_wait3A_243 : memref<100000x64xf32, #tpu.memory_space<hbm>>) dst(%arg17 : memref<128x64xf32, #tpu.memory_space<vmem>>)
      %mul3A_244 = arith.constant 128 : i32
      %mul3A_245 = arith.muli %add3A_229, %mul3A_244 : i32
      %add3A_246 = arith.addi %mul3A_2, %mul3A_245 : i32
      %dma_start3A_247 = arith.constant 0 : i32
      %dma_start3A_248 = tpu.memref_slice %arg5[%add3A_246, %dma_start3A_247] : memref<102400x128xf32, #tpu.memory_space<hbm>> -> memref<128x64xf32, #tpu.memory_space<hbm>>
      %dma_start3A_249 = arith.constant 0 : i32
      %dma_start3A_250 = tpu.memref_slice %arg5[%add3A_246, %dma_start3A_249] : memref<102400x128xf32, #tpu.memory_space<hbm>> -> memref<128x64xf32, #tpu.memory_space<hbm>>
      tpu.enqueue_dma source(%arg12 : memref<128x64xf32, #tpu.memory_space<vmem>>) target(%dma_start3A_250 : memref<128x64xf32, #tpu.memory_space<hbm>>) target_semaphore(%arg27 : memref<!tpu.dma_semaphore, #tpu.memory_space<semaphore_mem>>)
      %dma_start3A_251 = arith.constant 64 : i32
      %dma_start3A_252 = tpu.memref_slice %arg5[%add3A_246, %dma_start3A_251] : memref<102400x128xf32, #tpu.memory_space<hbm>> -> memref<128x64xf32, #tpu.memory_space<hbm>>
      %dma_start3A_253 = arith.constant 64 : i32
      %dma_start3A_254 = tpu.memref_slice %arg5[%add3A_246, %dma_start3A_253] : memref<102400x128xf32, #tpu.memory_space<hbm>> -> memref<128x64xf32, #tpu.memory_space<hbm>>
      tpu.enqueue_dma source(%arg17 : memref<128x64xf32, #tpu.memory_space<vmem>>) target(%dma_start3A_254 : memref<128x64xf32, #tpu.memory_space<hbm>>) target_semaphore(%arg27 : memref<!tpu.dma_semaphore, #tpu.memory_space<semaphore_mem>>)
      %add3A_255 = arith.constant 2 : i32
      %add3A_256 = arith.addi %add3A_229, %add3A_255 : i32
      %ge3A_257 = arith.constant 5 : i32
      %ge3A_258 = arith.cmpi sge, %add3A_256, %ge3A_257 : i32
      %convert_element_type3A_259 = arith.extui %ge3A_258 : i1 to i32
      %cond3A_260 = arith.constant 0 : i32
      %cond3A_261 = arith.cmpi ne, %convert_element_type3A_259, %cond3A_260 : i32
      scf.if %cond3A_261 {
        %dma_wait3A_269 = arith.constant 0 : i32
        %dma_wait3A_270 = tpu.memref_slice %arg5[%mul3A_2, %dma_wait3A_269] : memref<102400x128xf32, #tpu.memory_space<hbm>> -> memref<128x64xf32, #tpu.memory_space<hbm>>
        %dma_wait3A_271 = arith.constant 0 : i32
        %dma_wait3A_272 = tpu.memref_slice %arg5[%mul3A_2, %dma_wait3A_271] : memref<102400x128xf32, #tpu.memory_space<hbm>> -> memref<128x64xf32, #tpu.memory_space<hbm>>
        tpu.wait_dma2 semaphore(%arg24 : memref<!tpu.dma_semaphore, #tpu.memory_space<semaphore_mem>>) src(%arg9 : memref<128x64xf32, #tpu.memory_space<vmem>>) dst(%dma_wait3A_272 : memref<128x64xf32, #tpu.memory_space<hbm>>)
        %dma_wait3A_273 = arith.constant 64 : i32
        %dma_wait3A_274 = tpu.memref_slice %arg5[%mul3A_2, %dma_wait3A_273] : memref<102400x128xf32, #tpu.memory_space<hbm>> -> memref<128x64xf32, #tpu.memory_space<hbm>>
        %dma_wait3A_275 = arith.constant 64 : i32
        %dma_wait3A_276 = tpu.memref_slice %arg5[%mul3A_2, %dma_wait3A_275] : memref<102400x128xf32, #tpu.memory_space<hbm>> -> memref<128x64xf32, #tpu.memory_space<hbm>>
        tpu.wait_dma2 semaphore(%arg24 : memref<!tpu.dma_semaphore, #tpu.memory_space<semaphore_mem>>) src(%arg14 : memref<128x64xf32, #tpu.memory_space<vmem>>) dst(%dma_wait3A_276 : memref<128x64xf32, #tpu.memory_space<hbm>>)
      } else {
      }
      %add3A_262 = arith.constant 2 : i32
      %add3A_263 = arith.addi %add3A_229, %add3A_262 : i32
      %lt3A_264 = arith.constant 25 : i32
      %lt3A_265 = arith.cmpi slt, %add3A_263, %lt3A_264 : i32
      %convert_element_type3A_266 = arith.extui %lt3A_265 : i1 to i32
      %cond3A_267 = arith.constant 0 : i32
      %cond3A_268 = arith.cmpi ne, %convert_element_type3A_266, %cond3A_267 : i32
      scf.if %cond3A_268 {
        %add3A_269 = arith.constant 2 : i32
        %add3A_270 = arith.addi %add3A_229, %add3A_269 : i32
        %dma_start3A_271 = arith.constant 0 : i32
        %dma_start3A_272 = tpu.memref_slice %arg6[%add3A_270, %dma_start3A_271] : memref<25x128xi32, #tpu.memory_space<vmem>> -> memref<1x128xi32, #tpu.memory_space<vmem>>
        %dma_start3A_273 = tpu.memref_squeeze %dma_start3A_272 : memref<1x128xi32, #tpu.memory_space<vmem>> -> memref<128xi32, #tpu.memory_space<vmem>>
        %dma_start3A_274 = arith.constant 0 : i32
        %dma_start3A_275 = arith.constant 0 : i32
        %dma_start3A_276 = tpu.memref_slice %arg4[%dma_start3A_274, %dma_start3A_275] : memref<100000x64xf32, #tpu.memory_space<hbm>> -> memref<100000x64xf32, #tpu.memory_space<hbm>>
        tpu.enqueue_indirect_dma source(%dma_start3A_276 : memref<100000x64xf32, #tpu.memory_space<hbm>>) target(%arg9 : memref<128x64xf32, #tpu.memory_space<vmem>>) offsets(%dma_start3A_273 : memref<128xi32, #tpu.memory_space<vmem>>) semaphore(%arg19 : memref<!tpu.dma_semaphore, #tpu.memory_space<semaphore_mem>>)
        %dma_start3A_277 = arith.constant 0 : i32
        %dma_start3A_278 = tpu.memref_slice %arg7[%add3A_270, %dma_start3A_277] : memref<25x128xi32, #tpu.memory_space<vmem>> -> memref<1x128xi32, #tpu.memory_space<vmem>>
        %dma_start3A_279 = tpu.memref_squeeze %dma_start3A_278 : memref<1x128xi32, #tpu.memory_space<vmem>> -> memref<128xi32, #tpu.memory_space<vmem>>
        %dma_start3A_280 = arith.constant 0 : i32
        %dma_start3A_281 = arith.constant 0 : i32
        %dma_start3A_282 = tpu.memref_slice %arg4[%dma_start3A_280, %dma_start3A_281] : memref<100000x64xf32, #tpu.memory_space<hbm>> -> memref<100000x64xf32, #tpu.memory_space<hbm>>
        tpu.enqueue_indirect_dma source(%dma_start3A_282 : memref<100000x64xf32, #tpu.memory_space<hbm>>) target(%arg14 : memref<128x64xf32, #tpu.memory_space<vmem>>) offsets(%dma_start3A_279 : memref<128xi32, #tpu.memory_space<vmem>>) semaphore(%arg19 : memref<!tpu.dma_semaphore, #tpu.memory_space<semaphore_mem>>)
      } else {
      }
    }
    %scan3A_33 = arith.constant 5 : i32
    %dma_wait3A = arith.constant 0 : i32
    %dma_wait3A_34 = tpu.memref_slice %arg5[%mul3A_2, %dma_wait3A] : memref<102400x128xf32, #tpu.memory_space<hbm>> -> memref<128x64xf32, #tpu.memory_space<hbm>>
    %dma_wait3A_35 = arith.constant 0 : i32
    %dma_wait3A_36 = tpu.memref_slice %arg5[%mul3A_2, %dma_wait3A_35] : memref<102400x128xf32, #tpu.memory_space<hbm>> -> memref<128x64xf32, #tpu.memory_space<hbm>>
    tpu.wait_dma2 semaphore(%arg25 : memref<!tpu.dma_semaphore, #tpu.memory_space<semaphore_mem>>) src(%arg10 : memref<128x64xf32, #tpu.memory_space<vmem>>) dst(%dma_wait3A_36 : memref<128x64xf32, #tpu.memory_space<hbm>>)
    %dma_wait3A_37 = arith.constant 64 : i32
    %dma_wait3A_38 = tpu.memref_slice %arg5[%mul3A_2, %dma_wait3A_37] : memref<102400x128xf32, #tpu.memory_space<hbm>> -> memref<128x64xf32, #tpu.memory_space<hbm>>
    %dma_wait3A_39 = arith.constant 64 : i32
    %dma_wait3A_40 = tpu.memref_slice %arg5[%mul3A_2, %dma_wait3A_39] : memref<102400x128xf32, #tpu.memory_space<hbm>> -> memref<128x64xf32, #tpu.memory_space<hbm>>
    tpu.wait_dma2 semaphore(%arg25 : memref<!tpu.dma_semaphore, #tpu.memory_space<semaphore_mem>>) src(%arg15 : memref<128x64xf32, #tpu.memory_space<vmem>>) dst(%dma_wait3A_40 : memref<128x64xf32, #tpu.memory_space<hbm>>)
    %dma_wait3A_41 = arith.constant 0 : i32
    %dma_wait3A_42 = tpu.memref_slice %arg5[%mul3A_2, %dma_wait3A_41] : memref<102400x128xf32, #tpu.memory_space<hbm>> -> memref<128x64xf32, #tpu.memory_space<hbm>>
    %dma_wait3A_43 = arith.constant 0 : i32
    %dma_wait3A_44 = tpu.memref_slice %arg5[%mul3A_2, %dma_wait3A_43] : memref<102400x128xf32, #tpu.memory_space<hbm>> -> memref<128x64xf32, #tpu.memory_space<hbm>>
    tpu.wait_dma2 semaphore(%arg26 : memref<!tpu.dma_semaphore, #tpu.memory_space<semaphore_mem>>) src(%arg11 : memref<128x64xf32, #tpu.memory_space<vmem>>) dst(%dma_wait3A_44 : memref<128x64xf32, #tpu.memory_space<hbm>>)
    %dma_wait3A_45 = arith.constant 64 : i32
    %dma_wait3A_46 = tpu.memref_slice %arg5[%mul3A_2, %dma_wait3A_45] : memref<102400x128xf32, #tpu.memory_space<hbm>> -> memref<128x64xf32, #tpu.memory_space<hbm>>
    %dma_wait3A_47 = arith.constant 64 : i32
    %dma_wait3A_48 = tpu.memref_slice %arg5[%mul3A_2, %dma_wait3A_47] : memref<102400x128xf32, #tpu.memory_space<hbm>> -> memref<128x64xf32, #tpu.memory_space<hbm>>
    tpu.wait_dma2 semaphore(%arg26 : memref<!tpu.dma_semaphore, #tpu.memory_space<semaphore_mem>>) src(%arg16 : memref<128x64xf32, #tpu.memory_space<vmem>>) dst(%dma_wait3A_48 : memref<128x64xf32, #tpu.memory_space<hbm>>)
    %dma_wait3A_49 = arith.constant 0 : i32
    %dma_wait3A_50 = tpu.memref_slice %arg5[%mul3A_2, %dma_wait3A_49] : memref<102400x128xf32, #tpu.memory_space<hbm>> -> memref<128x64xf32, #tpu.memory_space<hbm>>
    %dma_wait3A_51 = arith.constant 0 : i32
    %dma_wait3A_52 = tpu.memref_slice %arg5[%mul3A_2, %dma_wait3A_51] : memref<102400x128xf32, #tpu.memory_space<hbm>> -> memref<128x64xf32, #tpu.memory_space<hbm>>
    tpu.wait_dma2 semaphore(%arg27 : memref<!tpu.dma_semaphore, #tpu.memory_space<semaphore_mem>>) src(%arg12 : memref<128x64xf32, #tpu.memory_space<vmem>>) dst(%dma_wait3A_52 : memref<128x64xf32, #tpu.memory_space<hbm>>)
    %dma_wait3A_53 = arith.constant 64 : i32
    %dma_wait3A_54 = tpu.memref_slice %arg5[%mul3A_2, %dma_wait3A_53] : memref<102400x128xf32, #tpu.memory_space<hbm>> -> memref<128x64xf32, #tpu.memory_space<hbm>>
    %dma_wait3A_55 = arith.constant 64 : i32
    %dma_wait3A_56 = tpu.memref_slice %arg5[%mul3A_2, %dma_wait3A_55] : memref<102400x128xf32, #tpu.memory_space<hbm>> -> memref<128x64xf32, #tpu.memory_space<hbm>>
    tpu.wait_dma2 semaphore(%arg27 : memref<!tpu.dma_semaphore, #tpu.memory_space<semaphore_mem>>) src(%arg17 : memref<128x64xf32, #tpu.memory_space<vmem>>) dst(%dma_wait3A_56 : memref<128x64xf32, #tpu.memory_space<hbm>>)
    return
  }
}

#map = affine_map<(d0, d1) -> (0, 0, 0)>
#map1 = affine_map<(d0, d1) -> (0, 0)>
module attributes {stable_mosaic.version = 14 : i64} {
  func.func @k(%arg0: i32, %arg1: i32, %arg2: memref<32x25x128xi32, #tpu.memory_space<hbm>>, %arg3: memref<32x25x128xi32, #tpu.memory_space<hbm>>, %arg4: memref<100000x64xf32, #tpu.memory_space<hbm>>, %arg5: memref<102400x128xf32, #tpu.memory_space<hbm>>, %arg6: memref<25x128xi32, #tpu.memory_space<vmem>>, %arg7: memref<25x128xi32, #tpu.memory_space<vmem>>, %arg8: memref<128x64xf32, #tpu.memory_space<vmem>>, %arg9: memref<128x64xf32, #tpu.memory_space<vmem>>, %arg10: memref<128x64xf32, #tpu.memory_space<vmem>>, %arg11: memref<128x64xf32, #tpu.memory_space<vmem>>, %arg12: memref<128x64xf32, #tpu.memory_space<vmem>>, %arg13: memref<128x64xf32, #tpu.memory_space<vmem>>, %arg14: memref<128x64xf32, #tpu.memory_space<vmem>>, %arg15: memref<128x64xf32, #tpu.memory_space<vmem>>, %arg16: memref<128x64xf32, #tpu.memory_space<vmem>>, %arg17: memref<128x64xf32, #tpu.memory_space<vmem>>, %arg18: memref<!tpu.dma_semaphore, #tpu.memory_space<semaphore_mem>>, %arg19: memref<!tpu.dma_semaphore, #tpu.memory_space<semaphore_mem>>, %arg20: memref<!tpu.dma_semaphore, #tpu.memory_space<semaphore_mem>>, %arg21: memref<!tpu.dma_semaphore, #tpu.memory_space<semaphore_mem>>, %arg22: memref<!tpu.dma_semaphore, #tpu.memory_space<semaphore_mem>>, %arg23: memref<!tpu.dma_semaphore, #tpu.memory_space<semaphore_mem>>, %arg24: memref<!tpu.dma_semaphore, #tpu.memory_space<semaphore_mem>>, %arg25: memref<!tpu.dma_semaphore, #tpu.memory_space<semaphore_mem>>, %arg26: memref<!tpu.dma_semaphore, #tpu.memory_space<semaphore_mem>>, %arg27: memref<!tpu.dma_semaphore, #tpu.memory_space<semaphore_mem>>) attributes {dimension_semantics = [#tpu.dimension_semantics<core_parallel>, #tpu.dimension_semantics<subcore_parallel>], iteration_bounds = array<i64: 2, 16>, scalar_prefetch = 0 : i64, scratch_operands = 22 : i64, tpu.core_type = #tpu.core_type<sc_vector_subcore>, window_params = [{transform_indices = #map}, {transform_indices = #map}, {transform_indices = #map1}, {transform_indices = #map1}]} {
    %mul3A = arith.constant 2 : i32
    %mul3A_0 = arith.muli %arg1, %mul3A : i32
    %add3A = arith.addi %mul3A_0, %arg0 : i32
    %mul3A_1 = arith.constant 3200 : i32
    %mul3A_2 = arith.muli %add3A, %mul3A_1 : i32
    "tpu.region"() ({
      %run_scoped3A = tpu.sem_alloc : memref<!tpu.dma_semaphore, #tpu.memory_space<semaphore_mem>>
      %dma_start3A_57 = arith.constant 0 : i32
      %dma_start3A_58 = arith.constant 0 : i32
      %dma_start3A_59 = tpu.memref_slice %arg2[%add3A, %dma_start3A_57, %dma_start3A_58] : memref<32x25x128xi32, #tpu.memory_space<hbm>> -> memref<1x25x128xi32, #tpu.memory_space<hbm>>
      %dma_start3A_60 = tpu.memref_squeeze %dma_start3A_59 : memref<1x25x128xi32, #tpu.memory_space<hbm>> -> memref<25x128xi32, #tpu.memory_space<hbm>>
      %dma_start3A_61 = arith.constant 0 : i32
      %dma_start3A_62 = arith.constant 0 : i32
      %dma_start3A_63 = tpu.memref_slice %arg2[%add3A, %dma_start3A_61, %dma_start3A_62] : memref<32x25x128xi32, #tpu.memory_space<hbm>> -> memref<1x25x128xi32, #tpu.memory_space<hbm>>
      %dma_start3A_64 = tpu.memref_squeeze %dma_start3A_63 : memref<1x25x128xi32, #tpu.memory_space<hbm>> -> memref<25x128xi32, #tpu.memory_space<hbm>>
      tpu.enqueue_dma source(%dma_start3A_64 : memref<25x128xi32, #tpu.memory_space<hbm>>) target(%arg6 : memref<25x128xi32, #tpu.memory_space<vmem>>) target_semaphore(%run_scoped3A : memref<!tpu.dma_semaphore, #tpu.memory_space<semaphore_mem>>)
      %dma_wait3A_65 = arith.constant 0 : i32
      %dma_wait3A_66 = arith.constant 0 : i32
      %dma_wait3A_67 = tpu.memref_slice %arg2[%add3A, %dma_wait3A_65, %dma_wait3A_66] : memref<32x25x128xi32, #tpu.memory_space<hbm>> -> memref<1x25x128xi32, #tpu.memory_space<hbm>>
      %dma_wait3A_68 = tpu.memref_squeeze %dma_wait3A_67 : memref<1x25x128xi32, #tpu.memory_space<hbm>> -> memref<25x128xi32, #tpu.memory_space<hbm>>
      %dma_wait3A_69 = arith.constant 0 : i32
      %dma_wait3A_70 = arith.constant 0 : i32
      %dma_wait3A_71 = tpu.memref_slice %arg2[%add3A, %dma_wait3A_69, %dma_wait3A_70] : memref<32x25x128xi32, #tpu.memory_space<hbm>> -> memref<1x25x128xi32, #tpu.memory_space<hbm>>
      %dma_wait3A_72 = tpu.memref_squeeze %dma_wait3A_71 : memref<1x25x128xi32, #tpu.memory_space<hbm>> -> memref<25x128xi32, #tpu.memory_space<hbm>>
      tpu.wait_dma2 semaphore(%run_scoped3A : memref<!tpu.dma_semaphore, #tpu.memory_space<semaphore_mem>>) src(%dma_wait3A_72 : memref<25x128xi32, #tpu.memory_space<hbm>>) dst(%arg6 : memref<25x128xi32, #tpu.memory_space<vmem>>)
      tpu.yield
    }) : () -> ()
    "tpu.region"() ({
      %run_scoped3A = tpu.sem_alloc : memref<!tpu.dma_semaphore, #tpu.memory_space<semaphore_mem>>
      %dma_start3A_57 = arith.constant 0 : i32
      %dma_start3A_58 = arith.constant 0 : i32
      %dma_start3A_59 = tpu.memref_slice %arg3[%add3A, %dma_start3A_57, %dma_start3A_58] : memref<32x25x128xi32, #tpu.memory_space<hbm>> -> memref<1x25x128xi32, #tpu.memory_space<hbm>>
      %dma_start3A_60 = tpu.memref_squeeze %dma_start3A_59 : memref<1x25x128xi32, #tpu.memory_space<hbm>> -> memref<25x128xi32, #tpu.memory_space<hbm>>
      %dma_start3A_61 = arith.constant 0 : i32
      %dma_start3A_62 = arith.constant 0 : i32
      %dma_start3A_63 = tpu.memref_slice %arg3[%add3A, %dma_start3A_61, %dma_start3A_62] : memref<32x25x128xi32, #tpu.memory_space<hbm>> -> memref<1x25x128xi32, #tpu.memory_space<hbm>>
      %dma_start3A_64 = tpu.memref_squeeze %dma_start3A_63 : memref<1x25x128xi32, #tpu.memory_space<hbm>> -> memref<25x128xi32, #tpu.memory_space<hbm>>
      tpu.enqueue_dma source(%dma_start3A_64 : memref<25x128xi32, #tpu.memory_space<hbm>>) target(%arg7 : memref<25x128xi32, #tpu.memory_space<vmem>>) target_semaphore(%run_scoped3A : memref<!tpu.dma_semaphore, #tpu.memory_space<semaphore_mem>>)
      %dma_wait3A_65 = arith.constant 0 : i32
      %dma_wait3A_66 = arith.constant 0 : i32
      %dma_wait3A_67 = tpu.memref_slice %arg3[%add3A, %dma_wait3A_65, %dma_wait3A_66] : memref<32x25x128xi32, #tpu.memory_space<hbm>> -> memref<1x25x128xi32, #tpu.memory_space<hbm>>
      %dma_wait3A_68 = tpu.memref_squeeze %dma_wait3A_67 : memref<1x25x128xi32, #tpu.memory_space<hbm>> -> memref<25x128xi32, #tpu.memory_space<hbm>>
      %dma_wait3A_69 = arith.constant 0 : i32
      %dma_wait3A_70 = arith.constant 0 : i32
      %dma_wait3A_71 = tpu.memref_slice %arg3[%add3A, %dma_wait3A_69, %dma_wait3A_70] : memref<32x25x128xi32, #tpu.memory_space<hbm>> -> memref<1x25x128xi32, #tpu.memory_space<hbm>>
      %dma_wait3A_72 = tpu.memref_squeeze %dma_wait3A_71 : memref<1x25x128xi32, #tpu.memory_space<hbm>> -> memref<25x128xi32, #tpu.memory_space<hbm>>
      tpu.wait_dma2 semaphore(%run_scoped3A : memref<!tpu.dma_semaphore, #tpu.memory_space<semaphore_mem>>) src(%dma_wait3A_72 : memref<25x128xi32, #tpu.memory_space<hbm>>) dst(%arg7 : memref<25x128xi32, #tpu.memory_space<vmem>>)
      tpu.yield
    }) : () -> ()
    %dma_start3A = arith.constant 0 : i32
    %dma_start3A_3 = arith.constant 0 : i32
    %dma_start3A_4 = tpu.memref_slice %arg6[%dma_start3A, %dma_start3A_3] : memref<25x128xi32, #tpu.memory_space<vmem>> -> memref<1x128xi32, #tpu.memory_space<vmem>>
    %dma_start3A_5 = tpu.memref_squeeze %dma_start3A_4 : memref<1x128xi32, #tpu.memory_space<vmem>> -> memref<128xi32, #tpu.memory_space<vmem>>
    %dma_start3A_6 = arith.constant 0 : i32
    %dma_start3A_7 = arith.constant 0 : i32
    %dma_start3A_8 = tpu.memref_slice %arg4[%dma_start3A_6, %dma_start3A_7] : memref<100000x64xf32, #tpu.memory_space<hbm>> -> memref<100000x64xf32, #tpu.memory_space<hbm>>
    tpu.enqueue_indirect_dma source(%dma_start3A_8 : memref<100000x64xf32, #tpu.memory_space<hbm>>) target(%arg8 : memref<128x64xf32, #tpu.memory_space<vmem>>) offsets(%dma_start3A_5 : memref<128xi32, #tpu.memory_space<vmem>>) semaphore(%arg18 : memref<!tpu.dma_semaphore, #tpu.memory_space<semaphore_mem>>)
    %dma_start3A_9 = arith.constant 0 : i32
    %dma_start3A_10 = arith.constant 0 : i32
    %dma_start3A_11 = tpu.memref_slice %arg7[%dma_start3A_9, %dma_start3A_10] : memref<25x128xi32, #tpu.memory_space<vmem>> -> memref<1x128xi32, #tpu.memory_space<vmem>>
    %dma_start3A_12 = tpu.memref_squeeze %dma_start3A_11 : memref<1x128xi32, #tpu.memory_space<vmem>> -> memref<128xi32, #tpu.memory_space<vmem>>
    %dma_start3A_13 = arith.constant 0 : i32
    %dma_start3A_14 = arith.constant 0 : i32
    %dma_start3A_15 = tpu.memref_slice %arg4[%dma_start3A_13, %dma_start3A_14] : memref<100000x64xf32, #tpu.memory_space<hbm>> -> memref<100000x64xf32, #tpu.memory_space<hbm>>
    tpu.enqueue_indirect_dma source(%dma_start3A_15 : memref<100000x64xf32, #tpu.memory_space<hbm>>) target(%arg13 : memref<128x64xf32, #tpu.memory_space<vmem>>) offsets(%dma_start3A_12 : memref<128xi32, #tpu.memory_space<vmem>>) semaphore(%arg18 : memref<!tpu.dma_semaphore, #tpu.memory_space<semaphore_mem>>)
    %dma_start3A_16 = arith.constant 1 : i32
    %dma_start3A_17 = arith.constant 0 : i32
    %dma_start3A_18 = tpu.memref_slice %arg6[%dma_start3A_16, %dma_start3A_17] : memref<25x128xi32, #tpu.memory_space<vmem>> -> memref<1x128xi32, #tpu.memory_space<vmem>>
    %dma_start3A_19 = tpu.memref_squeeze %dma_start3A_18 : memref<1x128xi32, #tpu.memory_space<vmem>> -> memref<128xi32, #tpu.memory_space<vmem>>
    %dma_start3A_20 = arith.constant 0 : i32
    %dma_start3A_21 = arith.constant 0 : i32
    %dma_start3A_22 = tpu.memref_slice %arg4[%dma_start3A_20, %dma_start3A_21] : memref<100000x64xf32, #tpu.memory_space<hbm>> -> memref<100000x64xf32, #tpu.memory_space<hbm>>
    tpu.enqueue_indirect_dma source(%dma_start3A_22 : memref<100000x64xf32, #tpu.memory_space<hbm>>) target(%arg9 : memref<128x64xf32, #tpu.memory_space<vmem>>) offsets(%dma_start3A_19 : memref<128xi32, #tpu.memory_space<vmem>>) semaphore(%arg19 : memref<!tpu.dma_semaphore, #tpu.memory_space<semaphore_mem>>)
    %dma_start3A_23 = arith.constant 1 : i32
    %dma_start3A_24 = arith.constant 0 : i32
    %dma_start3A_25 = tpu.memref_slice %arg7[%dma_start3A_23, %dma_start3A_24] : memref<25x128xi32, #tpu.memory_space<vmem>> -> memref<1x128xi32, #tpu.memory_space<vmem>>
    %dma_start3A_26 = tpu.memref_squeeze %dma_start3A_25 : memref<1x128xi32, #tpu.memory_space<vmem>> -> memref<128xi32, #tpu.memory_space<vmem>>
    %dma_start3A_27 = arith.constant 0 : i32
    %dma_start3A_28 = arith.constant 0 : i32
    %dma_start3A_29 = tpu.memref_slice %arg4[%dma_start3A_27, %dma_start3A_28] : memref<100000x64xf32, #tpu.memory_space<hbm>> -> memref<100000x64xf32, #tpu.memory_space<hbm>>
    tpu.enqueue_indirect_dma source(%dma_start3A_29 : memref<100000x64xf32, #tpu.memory_space<hbm>>) target(%arg14 : memref<128x64xf32, #tpu.memory_space<vmem>>) offsets(%dma_start3A_26 : memref<128xi32, #tpu.memory_space<vmem>>) semaphore(%arg19 : memref<!tpu.dma_semaphore, #tpu.memory_space<semaphore_mem>>)
    %scan3A = arith.constant 0 : i32
    %scan3A_30 = arith.constant 5 : i32
    %scan3A_31 = arith.addi %scan3A, %scan3A_30 : i32
    %scan3A_32 = arith.constant 1 : i32
    scf.for %scan3A_57 = %scan3A to %scan3A_31 step %scan3A_32  : i32 {
      %mul3A_58 = arith.constant 5 : i32
      %mul3A_59 = arith.muli %scan3A_57, %mul3A_58 : i32
      %add3A_60 = arith.constant 0 : i32
      %add3A_61 = arith.addi %mul3A_59, %add3A_60 : i32
      %dma_wait3A_62 = arith.constant 0 : i32
      %dma_wait3A_63 = arith.constant 0 : i32
      %dma_wait3A_64 = tpu.memref_slice %arg6[%dma_wait3A_62, %dma_wait3A_63] : memref<25x128xi32, #tpu.memory_space<vmem>> -> memref<1x128xi32, #tpu.memory_space<vmem>>
      %dma_wait3A_65 = tpu.memref_squeeze %dma_wait3A_64 : memref<1x128xi32, #tpu.memory_space<vmem>> -> memref<128xi32, #tpu.memory_space<vmem>>
      %dma_wait3A_66 = arith.constant 0 : i32
      %dma_wait3A_67 = arith.constant 0 : i32
      %dma_wait3A_68 = tpu.memref_slice %arg4[%dma_wait3A_66, %dma_wait3A_67] : memref<100000x64xf32, #tpu.memory_space<hbm>> -> memref<100000x64xf32, #tpu.memory_space<hbm>>
      tpu.wait_indirect_dma semaphore(%arg18 : memref<!tpu.dma_semaphore, #tpu.memory_space<semaphore_mem>>) src(%dma_wait3A_68 : memref<100000x64xf32, #tpu.memory_space<hbm>>) dst(%arg8 : memref<128x64xf32, #tpu.memory_space<vmem>>)
      %dma_wait3A_69 = arith.constant 0 : i32
      %dma_wait3A_70 = arith.constant 0 : i32
      %dma_wait3A_71 = tpu.memref_slice %arg7[%dma_wait3A_69, %dma_wait3A_70] : memref<25x128xi32, #tpu.memory_space<vmem>> -> memref<1x128xi32, #tpu.memory_space<vmem>>
      %dma_wait3A_72 = tpu.memref_squeeze %dma_wait3A_71 : memref<1x128xi32, #tpu.memory_space<vmem>> -> memref<128xi32, #tpu.memory_space<vmem>>
      %dma_wait3A_73 = arith.constant 0 : i32
      %dma_wait3A_74 = arith.constant 0 : i32
      %dma_wait3A_75 = tpu.memref_slice %arg4[%dma_wait3A_73, %dma_wait3A_74] : memref<100000x64xf32, #tpu.memory_space<hbm>> -> memref<100000x64xf32, #tpu.memory_space<hbm>>
      tpu.wait_indirect_dma semaphore(%arg18 : memref<!tpu.dma_semaphore, #tpu.memory_space<semaphore_mem>>) src(%dma_wait3A_75 : memref<100000x64xf32, #tpu.memory_space<hbm>>) dst(%arg13 : memref<128x64xf32, #tpu.memory_space<vmem>>)
      %mul3A_76 = arith.constant 128 : i32
      %mul3A_77 = arith.muli %add3A_61, %mul3A_76 : i32
      %add3A_78 = arith.addi %mul3A_2, %mul3A_77 : i32
      %dma_start3A_79 = arith.constant 0 : i32
      %dma_start3A_80 = tpu.memref_slice %arg5[%add3A_78, %dma_start3A_79] : memref<102400x128xf32, #tpu.memory_space<hbm>> -> memref<128x64xf32, #tpu.memory_space<hbm>>
      %dma_start3A_81 = arith.constant 0 : i32
      %dma_start3A_82 = tpu.memref_slice %arg5[%add3A_78, %dma_start3A_81] : memref<102400x128xf32, #tpu.memory_space<hbm>> -> memref<128x64xf32, #tpu.memory_space<hbm>>
      tpu.enqueue_dma source(%arg8 : memref<128x64xf32, #tpu.memory_space<vmem>>) target(%dma_start3A_82 : memref<128x64xf32, #tpu.memory_space<hbm>>) target_semaphore(%arg23 : memref<!tpu.dma_semaphore, #tpu.memory_space<semaphore_mem>>)
      %dma_start3A_83 = arith.constant 64 : i32
      %dma_start3A_84 = tpu.memref_slice %arg5[%add3A_78, %dma_start3A_83] : memref<102400x128xf32, #tpu.memory_space<hbm>> -> memref<128x64xf32, #tpu.memory_space<hbm>>
      %dma_start3A_85 = arith.constant 64 : i32
      %dma_start3A_86 = tpu.memref_slice %arg5[%add3A_78, %dma_start3A_85] : memref<102400x128xf32, #tpu.memory_space<hbm>> -> memref<128x64xf32, #tpu.memory_space<hbm>>
      tpu.enqueue_dma source(%arg13 : memref<128x64xf32, #tpu.memory_space<vmem>>) target(%dma_start3A_86 : memref<128x64xf32, #tpu.memory_space<hbm>>) target_semaphore(%arg23 : memref<!tpu.dma_semaphore, #tpu.memory_space<semaphore_mem>>)
      %add3A_87 = arith.constant 2 : i32
      %add3A_88 = arith.addi %add3A_61, %add3A_87 : i32
      %ge3A = arith.constant 5 : i32
      %ge3A_89 = arith.cmpi sge, %add3A_88, %ge3A : i32
      %convert_element_type3A = arith.extui %ge3A_89 : i1 to i32
      %cond3A = arith.constant 0 : i32
      %cond3A_90 = arith.cmpi ne, %convert_element_type3A, %cond3A : i32
      scf.if %cond3A_90 {
        %dma_wait3A_269 = arith.constant 0 : i32
        %dma_wait3A_270 = tpu.memref_slice %arg5[%mul3A_2, %dma_wait3A_269] : memref<102400x128xf32, #tpu.memory_space<hbm>> -> memref<128x64xf32, #tpu.memory_space<hbm>>
        %dma_wait3A_271 = arith.constant 0 : i32
        %dma_wait3A_272 = tpu.memref_slice %arg5[%mul3A_2, %dma_wait3A_271] : memref<102400x128xf32, #tpu.memory_space<hbm>> -> memref<128x64xf32, #tpu.memory_space<hbm>>
        tpu.wait_dma2 semaphore(%arg25 : memref<!tpu.dma_semaphore, #tpu.memory_space<semaphore_mem>>) src(%arg10 : memref<128x64xf32, #tpu.memory_space<vmem>>) dst(%dma_wait3A_272 : memref<128x64xf32, #tpu.memory_space<hbm>>)
        %dma_wait3A_273 = arith.constant 64 : i32
        %dma_wait3A_274 = tpu.memref_slice %arg5[%mul3A_2, %dma_wait3A_273] : memref<102400x128xf32, #tpu.memory_space<hbm>> -> memref<128x64xf32, #tpu.memory_space<hbm>>
        %dma_wait3A_275 = arith.constant 64 : i32
        %dma_wait3A_276 = tpu.memref_slice %arg5[%mul3A_2, %dma_wait3A_275] : memref<102400x128xf32, #tpu.memory_space<hbm>> -> memref<128x64xf32, #tpu.memory_space<hbm>>
        tpu.wait_dma2 semaphore(%arg25 : memref<!tpu.dma_semaphore, #tpu.memory_space<semaphore_mem>>) src(%arg15 : memref<128x64xf32, #tpu.memory_space<vmem>>) dst(%dma_wait3A_276 : memref<128x64xf32, #tpu.memory_space<hbm>>)
      } else {
      }
      %add3A_91 = arith.constant 2 : i32
      %add3A_92 = arith.addi %add3A_61, %add3A_91 : i32
      %lt3A = arith.constant 25 : i32
      %lt3A_93 = arith.cmpi slt, %add3A_92, %lt3A : i32
      %convert_element_type3A_94 = arith.extui %lt3A_93 : i1 to i32
      %cond3A_95 = arith.constant 0 : i32
      %cond3A_96 = arith.cmpi ne, %convert_element_type3A_94, %cond3A_95 : i32
      scf.if %cond3A_96 {
        %add3A_269 = arith.constant 2 : i32
        %add3A_270 = arith.addi %add3A_61, %add3A_269 : i32
        %dma_start3A_271 = arith.constant 0 : i32
        %dma_start3A_272 = tpu.memref_slice %arg6[%add3A_270, %dma_start3A_271] : memref<25x128xi32, #tpu.memory_space<vmem>> -> memref<1x128xi32, #tpu.memory_space<vmem>>
        %dma_start3A_273 = tpu.memref_squeeze %dma_start3A_272 : memref<1x128xi32, #tpu.memory_space<vmem>> -> memref<128xi32, #tpu.memory_space<vmem>>
        %dma_start3A_274 = arith.constant 0 : i32
        %dma_start3A_275 = arith.constant 0 : i32
        %dma_start3A_276 = tpu.memref_slice %arg4[%dma_start3A_274, %dma_start3A_275] : memref<100000x64xf32, #tpu.memory_space<hbm>> -> memref<100000x64xf32, #tpu.memory_space<hbm>>
        tpu.enqueue_indirect_dma source(%dma_start3A_276 : memref<100000x64xf32, #tpu.memory_space<hbm>>) target(%arg10 : memref<128x64xf32, #tpu.memory_space<vmem>>) offsets(%dma_start3A_273 : memref<128xi32, #tpu.memory_space<vmem>>) semaphore(%arg20 : memref<!tpu.dma_semaphore, #tpu.memory_space<semaphore_mem>>)
        %dma_start3A_277 = arith.constant 0 : i32
        %dma_start3A_278 = tpu.memref_slice %arg7[%add3A_270, %dma_start3A_277] : memref<25x128xi32, #tpu.memory_space<vmem>> -> memref<1x128xi32, #tpu.memory_space<vmem>>
        %dma_start3A_279 = tpu.memref_squeeze %dma_start3A_278 : memref<1x128xi32, #tpu.memory_space<vmem>> -> memref<128xi32, #tpu.memory_space<vmem>>
        %dma_start3A_280 = arith.constant 0 : i32
        %dma_start3A_281 = arith.constant 0 : i32
        %dma_start3A_282 = tpu.memref_slice %arg4[%dma_start3A_280, %dma_start3A_281] : memref<100000x64xf32, #tpu.memory_space<hbm>> -> memref<100000x64xf32, #tpu.memory_space<hbm>>
        tpu.enqueue_indirect_dma source(%dma_start3A_282 : memref<100000x64xf32, #tpu.memory_space<hbm>>) target(%arg15 : memref<128x64xf32, #tpu.memory_space<vmem>>) offsets(%dma_start3A_279 : memref<128xi32, #tpu.memory_space<vmem>>) semaphore(%arg20 : memref<!tpu.dma_semaphore, #tpu.memory_space<semaphore_mem>>)
      } else {
      }
      %mul3A_97 = arith.constant 5 : i32
      %mul3A_98 = arith.muli %scan3A_57, %mul3A_97 : i32
      %add3A_99 = arith.constant 1 : i32
      %add3A_100 = arith.addi %mul3A_98, %add3A_99 : i32
      %dma_wait3A_101 = arith.constant 0 : i32
      %dma_wait3A_102 = arith.constant 0 : i32
      %dma_wait3A_103 = tpu.memref_slice %arg6[%dma_wait3A_101, %dma_wait3A_102] : memref<25x128xi32, #tpu.memory_space<vmem>> -> memref<1x128xi32, #tpu.memory_space<vmem>>
      %dma_wait3A_104 = tpu.memref_squeeze %dma_wait3A_103 : memref<1x128xi32, #tpu.memory_space<vmem>> -> memref<128xi32, #tpu.memory_space<vmem>>
      %dma_wait3A_105 = arith.constant 0 : i32
      %dma_wait3A_106 = arith.constant 0 : i32
      %dma_wait3A_107 = tpu.memref_slice %arg4[%dma_wait3A_105, %dma_wait3A_106] : memref<100000x64xf32, #tpu.memory_space<hbm>> -> memref<100000x64xf32, #tpu.memory_space<hbm>>
      tpu.wait_indirect_dma semaphore(%arg19 : memref<!tpu.dma_semaphore, #tpu.memory_space<semaphore_mem>>) src(%dma_wait3A_107 : memref<100000x64xf32, #tpu.memory_space<hbm>>) dst(%arg9 : memref<128x64xf32, #tpu.memory_space<vmem>>)
      %dma_wait3A_108 = arith.constant 0 : i32
      %dma_wait3A_109 = arith.constant 0 : i32
      %dma_wait3A_110 = tpu.memref_slice %arg7[%dma_wait3A_108, %dma_wait3A_109] : memref<25x128xi32, #tpu.memory_space<vmem>> -> memref<1x128xi32, #tpu.memory_space<vmem>>
      %dma_wait3A_111 = tpu.memref_squeeze %dma_wait3A_110 : memref<1x128xi32, #tpu.memory_space<vmem>> -> memref<128xi32, #tpu.memory_space<vmem>>
      %dma_wait3A_112 = arith.constant 0 : i32
      %dma_wait3A_113 = arith.constant 0 : i32
      %dma_wait3A_114 = tpu.memref_slice %arg4[%dma_wait3A_112, %dma_wait3A_113] : memref<100000x64xf32, #tpu.memory_space<hbm>> -> memref<100000x64xf32, #tpu.memory_space<hbm>>
      tpu.wait_indirect_dma semaphore(%arg19 : memref<!tpu.dma_semaphore, #tpu.memory_space<semaphore_mem>>) src(%dma_wait3A_114 : memref<100000x64xf32, #tpu.memory_space<hbm>>) dst(%arg14 : memref<128x64xf32, #tpu.memory_space<vmem>>)
      %mul3A_115 = arith.constant 128 : i32
      %mul3A_116 = arith.muli %add3A_100, %mul3A_115 : i32
      %add3A_117 = arith.addi %mul3A_2, %mul3A_116 : i32
      %dma_start3A_118 = arith.constant 0 : i32
      %dma_start3A_119 = tpu.memref_slice %arg5[%add3A_117, %dma_start3A_118] : memref<102400x128xf32, #tpu.memory_space<hbm>> -> memref<128x64xf32, #tpu.memory_space<hbm>>
      %dma_start3A_120 = arith.constant 0 : i32
      %dma_start3A_121 = tpu.memref_slice %arg5[%add3A_117, %dma_start3A_120] : memref<102400x128xf32, #tpu.memory_space<hbm>> -> memref<128x64xf32, #tpu.memory_space<hbm>>
      tpu.enqueue_dma source(%arg9 : memref<128x64xf32, #tpu.memory_space<vmem>>) target(%dma_start3A_121 : memref<128x64xf32, #tpu.memory_space<hbm>>) target_semaphore(%arg24 : memref<!tpu.dma_semaphore, #tpu.memory_space<semaphore_mem>>)
      %dma_start3A_122 = arith.constant 64 : i32
      %dma_start3A_123 = tpu.memref_slice %arg5[%add3A_117, %dma_start3A_122] : memref<102400x128xf32, #tpu.memory_space<hbm>> -> memref<128x64xf32, #tpu.memory_space<hbm>>
      %dma_start3A_124 = arith.constant 64 : i32
      %dma_start3A_125 = tpu.memref_slice %arg5[%add3A_117, %dma_start3A_124] : memref<102400x128xf32, #tpu.memory_space<hbm>> -> memref<128x64xf32, #tpu.memory_space<hbm>>
      tpu.enqueue_dma source(%arg14 : memref<128x64xf32, #tpu.memory_space<vmem>>) target(%dma_start3A_125 : memref<128x64xf32, #tpu.memory_space<hbm>>) target_semaphore(%arg24 : memref<!tpu.dma_semaphore, #tpu.memory_space<semaphore_mem>>)
      %add3A_126 = arith.constant 2 : i32
      %add3A_127 = arith.addi %add3A_100, %add3A_126 : i32
      %ge3A_128 = arith.constant 5 : i32
      %ge3A_129 = arith.cmpi sge, %add3A_127, %ge3A_128 : i32
      %convert_element_type3A_130 = arith.extui %ge3A_129 : i1 to i32
      %cond3A_131 = arith.constant 0 : i32
      %cond3A_132 = arith.cmpi ne, %convert_element_type3A_130, %cond3A_131 : i32
      scf.if %cond3A_132 {
        %dma_wait3A_269 = arith.constant 0 : i32
        %dma_wait3A_270 = tpu.memref_slice %arg5[%mul3A_2, %dma_wait3A_269] : memref<102400x128xf32, #tpu.memory_space<hbm>> -> memref<128x64xf32, #tpu.memory_space<hbm>>
        %dma_wait3A_271 = arith.constant 0 : i32
        %dma_wait3A_272 = tpu.memref_slice %arg5[%mul3A_2, %dma_wait3A_271] : memref<102400x128xf32, #tpu.memory_space<hbm>> -> memref<128x64xf32, #tpu.memory_space<hbm>>
        tpu.wait_dma2 semaphore(%arg26 : memref<!tpu.dma_semaphore, #tpu.memory_space<semaphore_mem>>) src(%arg11 : memref<128x64xf32, #tpu.memory_space<vmem>>) dst(%dma_wait3A_272 : memref<128x64xf32, #tpu.memory_space<hbm>>)
        %dma_wait3A_273 = arith.constant 64 : i32
        %dma_wait3A_274 = tpu.memref_slice %arg5[%mul3A_2, %dma_wait3A_273] : memref<102400x128xf32, #tpu.memory_space<hbm>> -> memref<128x64xf32, #tpu.memory_space<hbm>>
        %dma_wait3A_275 = arith.constant 64 : i32
        %dma_wait3A_276 = tpu.memref_slice %arg5[%mul3A_2, %dma_wait3A_275] : memref<102400x128xf32, #tpu.memory_space<hbm>> -> memref<128x64xf32, #tpu.memory_space<hbm>>
        tpu.wait_dma2 semaphore(%arg26 : memref<!tpu.dma_semaphore, #tpu.memory_space<semaphore_mem>>) src(%arg16 : memref<128x64xf32, #tpu.memory_space<vmem>>) dst(%dma_wait3A_276 : memref<128x64xf32, #tpu.memory_space<hbm>>)
      } else {
      }
      %add3A_133 = arith.constant 2 : i32
      %add3A_134 = arith.addi %add3A_100, %add3A_133 : i32
      %lt3A_135 = arith.constant 25 : i32
      %lt3A_136 = arith.cmpi slt, %add3A_134, %lt3A_135 : i32
      %convert_element_type3A_137 = arith.extui %lt3A_136 : i1 to i32
      %cond3A_138 = arith.constant 0 : i32
      %cond3A_139 = arith.cmpi ne, %convert_element_type3A_137, %cond3A_138 : i32
      scf.if %cond3A_139 {
        %add3A_269 = arith.constant 2 : i32
        %add3A_270 = arith.addi %add3A_100, %add3A_269 : i32
        %dma_start3A_271 = arith.constant 0 : i32
        %dma_start3A_272 = tpu.memref_slice %arg6[%add3A_270, %dma_start3A_271] : memref<25x128xi32, #tpu.memory_space<vmem>> -> memref<1x128xi32, #tpu.memory_space<vmem>>
        %dma_start3A_273 = tpu.memref_squeeze %dma_start3A_272 : memref<1x128xi32, #tpu.memory_space<vmem>> -> memref<128xi32, #tpu.memory_space<vmem>>
        %dma_start3A_274 = arith.constant 0 : i32
        %dma_start3A_275 = arith.constant 0 : i32
        %dma_start3A_276 = tpu.memref_slice %arg4[%dma_start3A_274, %dma_start3A_275] : memref<100000x64xf32, #tpu.memory_space<hbm>> -> memref<100000x64xf32, #tpu.memory_space<hbm>>
        tpu.enqueue_indirect_dma source(%dma_start3A_276 : memref<100000x64xf32, #tpu.memory_space<hbm>>) target(%arg11 : memref<128x64xf32, #tpu.memory_space<vmem>>) offsets(%dma_start3A_273 : memref<128xi32, #tpu.memory_space<vmem>>) semaphore(%arg21 : memref<!tpu.dma_semaphore, #tpu.memory_space<semaphore_mem>>)
        %dma_start3A_277 = arith.constant 0 : i32
        %dma_start3A_278 = tpu.memref_slice %arg7[%add3A_270, %dma_start3A_277] : memref<25x128xi32, #tpu.memory_space<vmem>> -> memref<1x128xi32, #tpu.memory_space<vmem>>
        %dma_start3A_279 = tpu.memref_squeeze %dma_start3A_278 : memref<1x128xi32, #tpu.memory_space<vmem>> -> memref<128xi32, #tpu.memory_space<vmem>>
        %dma_start3A_280 = arith.constant 0 : i32
        %dma_start3A_281 = arith.constant 0 : i32
        %dma_start3A_282 = tpu.memref_slice %arg4[%dma_start3A_280, %dma_start3A_281] : memref<100000x64xf32, #tpu.memory_space<hbm>> -> memref<100000x64xf32, #tpu.memory_space<hbm>>
        tpu.enqueue_indirect_dma source(%dma_start3A_282 : memref<100000x64xf32, #tpu.memory_space<hbm>>) target(%arg16 : memref<128x64xf32, #tpu.memory_space<vmem>>) offsets(%dma_start3A_279 : memref<128xi32, #tpu.memory_space<vmem>>) semaphore(%arg21 : memref<!tpu.dma_semaphore, #tpu.memory_space<semaphore_mem>>)
      } else {
      }
      %mul3A_140 = arith.constant 5 : i32
      %mul3A_141 = arith.muli %scan3A_57, %mul3A_140 : i32
      %add3A_142 = arith.constant 2 : i32
      %add3A_143 = arith.addi %mul3A_141, %add3A_142 : i32
      %dma_wait3A_144 = arith.constant 0 : i32
      %dma_wait3A_145 = arith.constant 0 : i32
      %dma_wait3A_146 = tpu.memref_slice %arg6[%dma_wait3A_144, %dma_wait3A_145] : memref<25x128xi32, #tpu.memory_space<vmem>> -> memref<1x128xi32, #tpu.memory_space<vmem>>
      %dma_wait3A_147 = tpu.memref_squeeze %dma_wait3A_146 : memref<1x128xi32, #tpu.memory_space<vmem>> -> memref<128xi32, #tpu.memory_space<vmem>>
      %dma_wait3A_148 = arith.constant 0 : i32
      %dma_wait3A_149 = arith.constant 0 : i32
      %dma_wait3A_150 = tpu.memref_slice %arg4[%dma_wait3A_148, %dma_wait3A_149] : memref<100000x64xf32, #tpu.memory_space<hbm>> -> memref<100000x64xf32, #tpu.memory_space<hbm>>
      tpu.wait_indirect_dma semaphore(%arg20 : memref<!tpu.dma_semaphore, #tpu.memory_space<semaphore_mem>>) src(%dma_wait3A_150 : memref<100000x64xf32, #tpu.memory_space<hbm>>) dst(%arg10 : memref<128x64xf32, #tpu.memory_space<vmem>>)
      %dma_wait3A_151 = arith.constant 0 : i32
      %dma_wait3A_152 = arith.constant 0 : i32
      %dma_wait3A_153 = tpu.memref_slice %arg7[%dma_wait3A_151, %dma_wait3A_152] : memref<25x128xi32, #tpu.memory_space<vmem>> -> memref<1x128xi32, #tpu.memory_space<vmem>>
      %dma_wait3A_154 = tpu.memref_squeeze %dma_wait3A_153 : memref<1x128xi32, #tpu.memory_space<vmem>> -> memref<128xi32, #tpu.memory_space<vmem>>
      %dma_wait3A_155 = arith.constant 0 : i32
      %dma_wait3A_156 = arith.constant 0 : i32
      %dma_wait3A_157 = tpu.memref_slice %arg4[%dma_wait3A_155, %dma_wait3A_156] : memref<100000x64xf32, #tpu.memory_space<hbm>> -> memref<100000x64xf32, #tpu.memory_space<hbm>>
      tpu.wait_indirect_dma semaphore(%arg20 : memref<!tpu.dma_semaphore, #tpu.memory_space<semaphore_mem>>) src(%dma_wait3A_157 : memref<100000x64xf32, #tpu.memory_space<hbm>>) dst(%arg15 : memref<128x64xf32, #tpu.memory_space<vmem>>)
      %mul3A_158 = arith.constant 128 : i32
      %mul3A_159 = arith.muli %add3A_143, %mul3A_158 : i32
      %add3A_160 = arith.addi %mul3A_2, %mul3A_159 : i32
      %dma_start3A_161 = arith.constant 0 : i32
      %dma_start3A_162 = tpu.memref_slice %arg5[%add3A_160, %dma_start3A_161] : memref<102400x128xf32, #tpu.memory_space<hbm>> -> memref<128x64xf32, #tpu.memory_space<hbm>>
      %dma_start3A_163 = arith.constant 0 : i32
      %dma_start3A_164 = tpu.memref_slice %arg5[%add3A_160, %dma_start3A_163] : memref<102400x128xf32, #tpu.memory_space<hbm>> -> memref<128x64xf32, #tpu.memory_space<hbm>>
      tpu.enqueue_dma source(%arg10 : memref<128x64xf32, #tpu.memory_space<vmem>>) target(%dma_start3A_164 : memref<128x64xf32, #tpu.memory_space<hbm>>) target_semaphore(%arg25 : memref<!tpu.dma_semaphore, #tpu.memory_space<semaphore_mem>>)
      %dma_start3A_165 = arith.constant 64 : i32
      %dma_start3A_166 = tpu.memref_slice %arg5[%add3A_160, %dma_start3A_165] : memref<102400x128xf32, #tpu.memory_space<hbm>> -> memref<128x64xf32, #tpu.memory_space<hbm>>
      %dma_start3A_167 = arith.constant 64 : i32
      %dma_start3A_168 = tpu.memref_slice %arg5[%add3A_160, %dma_start3A_167] : memref<102400x128xf32, #tpu.memory_space<hbm>> -> memref<128x64xf32, #tpu.memory_space<hbm>>
      tpu.enqueue_dma source(%arg15 : memref<128x64xf32, #tpu.memory_space<vmem>>) target(%dma_start3A_168 : memref<128x64xf32, #tpu.memory_space<hbm>>) target_semaphore(%arg25 : memref<!tpu.dma_semaphore, #tpu.memory_space<semaphore_mem>>)
      %add3A_169 = arith.constant 2 : i32
      %add3A_170 = arith.addi %add3A_143, %add3A_169 : i32
      %ge3A_171 = arith.constant 5 : i32
      %ge3A_172 = arith.cmpi sge, %add3A_170, %ge3A_171 : i32
      %convert_element_type3A_173 = arith.extui %ge3A_172 : i1 to i32
      %cond3A_174 = arith.constant 0 : i32
      %cond3A_175 = arith.cmpi ne, %convert_element_type3A_173, %cond3A_174 : i32
      scf.if %cond3A_175 {
        %dma_wait3A_269 = arith.constant 0 : i32
        %dma_wait3A_270 = tpu.memref_slice %arg5[%mul3A_2, %dma_wait3A_269] : memref<102400x128xf32, #tpu.memory_space<hbm>> -> memref<128x64xf32, #tpu.memory_space<hbm>>
        %dma_wait3A_271 = arith.constant 0 : i32
        %dma_wait3A_272 = tpu.memref_slice %arg5[%mul3A_2, %dma_wait3A_271] : memref<102400x128xf32, #tpu.memory_space<hbm>> -> memref<128x64xf32, #tpu.memory_space<hbm>>
        tpu.wait_dma2 semaphore(%arg27 : memref<!tpu.dma_semaphore, #tpu.memory_space<semaphore_mem>>) src(%arg12 : memref<128x64xf32, #tpu.memory_space<vmem>>) dst(%dma_wait3A_272 : memref<128x64xf32, #tpu.memory_space<hbm>>)
        %dma_wait3A_273 = arith.constant 64 : i32
        %dma_wait3A_274 = tpu.memref_slice %arg5[%mul3A_2, %dma_wait3A_273] : memref<102400x128xf32, #tpu.memory_space<hbm>> -> memref<128x64xf32, #tpu.memory_space<hbm>>
        %dma_wait3A_275 = arith.constant 64 : i32
        %dma_wait3A_276 = tpu.memref_slice %arg5[%mul3A_2, %dma_wait3A_275] : memref<102400x128xf32, #tpu.memory_space<hbm>> -> memref<128x64xf32, #tpu.memory_space<hbm>>
        tpu.wait_dma2 semaphore(%arg27 : memref<!tpu.dma_semaphore, #tpu.memory_space<semaphore_mem>>) src(%arg17 : memref<128x64xf32, #tpu.memory_space<vmem>>) dst(%dma_wait3A_276 : memref<128x64xf32, #tpu.memory_space<hbm>>)
      } else {
      }
      %add3A_176 = arith.constant 2 : i32
      %add3A_177 = arith.addi %add3A_143, %add3A_176 : i32
      %lt3A_178 = arith.constant 25 : i32
      %lt3A_179 = arith.cmpi slt, %add3A_177, %lt3A_178 : i32
      %convert_element_type3A_180 = arith.extui %lt3A_179 : i1 to i32
      %cond3A_181 = arith.constant 0 : i32
      %cond3A_182 = arith.cmpi ne, %convert_element_type3A_180, %cond3A_181 : i32
      scf.if %cond3A_182 {
        %add3A_269 = arith.constant 2 : i32
        %add3A_270 = arith.addi %add3A_143, %add3A_269 : i32
        %dma_start3A_271 = arith.constant 0 : i32
        %dma_start3A_272 = tpu.memref_slice %arg6[%add3A_270, %dma_start3A_271] : memref<25x128xi32, #tpu.memory_space<vmem>> -> memref<1x128xi32, #tpu.memory_space<vmem>>
        %dma_start3A_273 = tpu.memref_squeeze %dma_start3A_272 : memref<1x128xi32, #tpu.memory_space<vmem>> -> memref<128xi32, #tpu.memory_space<vmem>>
        %dma_start3A_274 = arith.constant 0 : i32
        %dma_start3A_275 = arith.constant 0 : i32
        %dma_start3A_276 = tpu.memref_slice %arg4[%dma_start3A_274, %dma_start3A_275] : memref<100000x64xf32, #tpu.memory_space<hbm>> -> memref<100000x64xf32, #tpu.memory_space<hbm>>
        tpu.enqueue_indirect_dma source(%dma_start3A_276 : memref<100000x64xf32, #tpu.memory_space<hbm>>) target(%arg12 : memref<128x64xf32, #tpu.memory_space<vmem>>) offsets(%dma_start3A_273 : memref<128xi32, #tpu.memory_space<vmem>>) semaphore(%arg22 : memref<!tpu.dma_semaphore, #tpu.memory_space<semaphore_mem>>)
        %dma_start3A_277 = arith.constant 0 : i32
        %dma_start3A_278 = tpu.memref_slice %arg7[%add3A_270, %dma_start3A_277] : memref<25x128xi32, #tpu.memory_space<vmem>> -> memref<1x128xi32, #tpu.memory_space<vmem>>
        %dma_start3A_279 = tpu.memref_squeeze %dma_start3A_278 : memref<1x128xi32, #tpu.memory_space<vmem>> -> memref<128xi32, #tpu.memory_space<vmem>>
        %dma_start3A_280 = arith.constant 0 : i32
        %dma_start3A_281 = arith.constant 0 : i32
        %dma_start3A_282 = tpu.memref_slice %arg4[%dma_start3A_280, %dma_start3A_281] : memref<100000x64xf32, #tpu.memory_space<hbm>> -> memref<100000x64xf32, #tpu.memory_space<hbm>>
        tpu.enqueue_indirect_dma source(%dma_start3A_282 : memref<100000x64xf32, #tpu.memory_space<hbm>>) target(%arg17 : memref<128x64xf32, #tpu.memory_space<vmem>>) offsets(%dma_start3A_279 : memref<128xi32, #tpu.memory_space<vmem>>) semaphore(%arg22 : memref<!tpu.dma_semaphore, #tpu.memory_space<semaphore_mem>>)
      } else {
      }
      %mul3A_183 = arith.constant 5 : i32
      %mul3A_184 = arith.muli %scan3A_57, %mul3A_183 : i32
      %add3A_185 = arith.constant 3 : i32
      %add3A_186 = arith.addi %mul3A_184, %add3A_185 : i32
      %dma_wait3A_187 = arith.constant 0 : i32
      %dma_wait3A_188 = arith.constant 0 : i32
      %dma_wait3A_189 = tpu.memref_slice %arg6[%dma_wait3A_187, %dma_wait3A_188] : memref<25x128xi32, #tpu.memory_space<vmem>> -> memref<1x128xi32, #tpu.memory_space<vmem>>
      %dma_wait3A_190 = tpu.memref_squeeze %dma_wait3A_189 : memref<1x128xi32, #tpu.memory_space<vmem>> -> memref<128xi32, #tpu.memory_space<vmem>>
      %dma_wait3A_191 = arith.constant 0 : i32
      %dma_wait3A_192 = arith.constant 0 : i32
      %dma_wait3A_193 = tpu.memref_slice %arg4[%dma_wait3A_191, %dma_wait3A_192] : memref<100000x64xf32, #tpu.memory_space<hbm>> -> memref<100000x64xf32, #tpu.memory_space<hbm>>
      tpu.wait_indirect_dma semaphore(%arg21 : memref<!tpu.dma_semaphore, #tpu.memory_space<semaphore_mem>>) src(%dma_wait3A_193 : memref<100000x64xf32, #tpu.memory_space<hbm>>) dst(%arg11 : memref<128x64xf32, #tpu.memory_space<vmem>>)
      %dma_wait3A_194 = arith.constant 0 : i32
      %dma_wait3A_195 = arith.constant 0 : i32
      %dma_wait3A_196 = tpu.memref_slice %arg7[%dma_wait3A_194, %dma_wait3A_195] : memref<25x128xi32, #tpu.memory_space<vmem>> -> memref<1x128xi32, #tpu.memory_space<vmem>>
      %dma_wait3A_197 = tpu.memref_squeeze %dma_wait3A_196 : memref<1x128xi32, #tpu.memory_space<vmem>> -> memref<128xi32, #tpu.memory_space<vmem>>
      %dma_wait3A_198 = arith.constant 0 : i32
      %dma_wait3A_199 = arith.constant 0 : i32
      %dma_wait3A_200 = tpu.memref_slice %arg4[%dma_wait3A_198, %dma_wait3A_199] : memref<100000x64xf32, #tpu.memory_space<hbm>> -> memref<100000x64xf32, #tpu.memory_space<hbm>>
      tpu.wait_indirect_dma semaphore(%arg21 : memref<!tpu.dma_semaphore, #tpu.memory_space<semaphore_mem>>) src(%dma_wait3A_200 : memref<100000x64xf32, #tpu.memory_space<hbm>>) dst(%arg16 : memref<128x64xf32, #tpu.memory_space<vmem>>)
      %mul3A_201 = arith.constant 128 : i32
      %mul3A_202 = arith.muli %add3A_186, %mul3A_201 : i32
      %add3A_203 = arith.addi %mul3A_2, %mul3A_202 : i32
      %dma_start3A_204 = arith.constant 0 : i32
      %dma_start3A_205 = tpu.memref_slice %arg5[%add3A_203, %dma_start3A_204] : memref<102400x128xf32, #tpu.memory_space<hbm>> -> memref<128x64xf32, #tpu.memory_space<hbm>>
      %dma_start3A_206 = arith.constant 0 : i32
      %dma_start3A_207 = tpu.memref_slice %arg5[%add3A_203, %dma_start3A_206] : memref<102400x128xf32, #tpu.memory_space<hbm>> -> memref<128x64xf32, #tpu.memory_space<hbm>>
      tpu.enqueue_dma source(%arg11 : memref<128x64xf32, #tpu.memory_space<vmem>>) target(%dma_start3A_207 : memref<128x64xf32, #tpu.memory_space<hbm>>) target_semaphore(%arg26 : memref<!tpu.dma_semaphore, #tpu.memory_space<semaphore_mem>>)
      %dma_start3A_208 = arith.constant 64 : i32
      %dma_start3A_209 = tpu.memref_slice %arg5[%add3A_203, %dma_start3A_208] : memref<102400x128xf32, #tpu.memory_space<hbm>> -> memref<128x64xf32, #tpu.memory_space<hbm>>
      %dma_start3A_210 = arith.constant 64 : i32
      %dma_start3A_211 = tpu.memref_slice %arg5[%add3A_203, %dma_start3A_210] : memref<102400x128xf32, #tpu.memory_space<hbm>> -> memref<128x64xf32, #tpu.memory_space<hbm>>
      tpu.enqueue_dma source(%arg16 : memref<128x64xf32, #tpu.memory_space<vmem>>) target(%dma_start3A_211 : memref<128x64xf32, #tpu.memory_space<hbm>>) target_semaphore(%arg26 : memref<!tpu.dma_semaphore, #tpu.memory_space<semaphore_mem>>)
      %add3A_212 = arith.constant 2 : i32
      %add3A_213 = arith.addi %add3A_186, %add3A_212 : i32
      %ge3A_214 = arith.constant 5 : i32
      %ge3A_215 = arith.cmpi sge, %add3A_213, %ge3A_214 : i32
      %convert_element_type3A_216 = arith.extui %ge3A_215 : i1 to i32
      %cond3A_217 = arith.constant 0 : i32
      %cond3A_218 = arith.cmpi ne, %convert_element_type3A_216, %cond3A_217 : i32
      scf.if %cond3A_218 {
        %dma_wait3A_269 = arith.constant 0 : i32
        %dma_wait3A_270 = tpu.memref_slice %arg5[%mul3A_2, %dma_wait3A_269] : memref<102400x128xf32, #tpu.memory_space<hbm>> -> memref<128x64xf32, #tpu.memory_space<hbm>>
        %dma_wait3A_271 = arith.constant 0 : i32
        %dma_wait3A_272 = tpu.memref_slice %arg5[%mul3A_2, %dma_wait3A_271] : memref<102400x128xf32, #tpu.memory_space<hbm>> -> memref<128x64xf32, #tpu.memory_space<hbm>>
        tpu.wait_dma2 semaphore(%arg23 : memref<!tpu.dma_semaphore, #tpu.memory_space<semaphore_mem>>) src(%arg8 : memref<128x64xf32, #tpu.memory_space<vmem>>) dst(%dma_wait3A_272 : memref<128x64xf32, #tpu.memory_space<hbm>>)
        %dma_wait3A_273 = arith.constant 64 : i32
        %dma_wait3A_274 = tpu.memref_slice %arg5[%mul3A_2, %dma_wait3A_273] : memref<102400x128xf32, #tpu.memory_space<hbm>> -> memref<128x64xf32, #tpu.memory_space<hbm>>
        %dma_wait3A_275 = arith.constant 64 : i32
        %dma_wait3A_276 = tpu.memref_slice %arg5[%mul3A_2, %dma_wait3A_275] : memref<102400x128xf32, #tpu.memory_space<hbm>> -> memref<128x64xf32, #tpu.memory_space<hbm>>
        tpu.wait_dma2 semaphore(%arg23 : memref<!tpu.dma_semaphore, #tpu.memory_space<semaphore_mem>>) src(%arg13 : memref<128x64xf32, #tpu.memory_space<vmem>>) dst(%dma_wait3A_276 : memref<128x64xf32, #tpu.memory_space<hbm>>)
      } else {
      }
      %add3A_219 = arith.constant 2 : i32
      %add3A_220 = arith.addi %add3A_186, %add3A_219 : i32
      %lt3A_221 = arith.constant 25 : i32
      %lt3A_222 = arith.cmpi slt, %add3A_220, %lt3A_221 : i32
      %convert_element_type3A_223 = arith.extui %lt3A_222 : i1 to i32
      %cond3A_224 = arith.constant 0 : i32
      %cond3A_225 = arith.cmpi ne, %convert_element_type3A_223, %cond3A_224 : i32
      scf.if %cond3A_225 {
        %add3A_269 = arith.constant 2 : i32
        %add3A_270 = arith.addi %add3A_186, %add3A_269 : i32
        %dma_start3A_271 = arith.constant 0 : i32
        %dma_start3A_272 = tpu.memref_slice %arg6[%add3A_270, %dma_start3A_271] : memref<25x128xi32, #tpu.memory_space<vmem>> -> memref<1x128xi32, #tpu.memory_space<vmem>>
        %dma_start3A_273 = tpu.memref_squeeze %dma_start3A_272 : memref<1x128xi32, #tpu.memory_space<vmem>> -> memref<128xi32, #tpu.memory_space<vmem>>
        %dma_start3A_274 = arith.constant 0 : i32
        %dma_start3A_275 = arith.constant 0 : i32
        %dma_start3A_276 = tpu.memref_slice %arg4[%dma_start3A_274, %dma_start3A_275] : memref<100000x64xf32, #tpu.memory_space<hbm>> -> memref<100000x64xf32, #tpu.memory_space<hbm>>
        tpu.enqueue_indirect_dma source(%dma_start3A_276 : memref<100000x64xf32, #tpu.memory_space<hbm>>) target(%arg8 : memref<128x64xf32, #tpu.memory_space<vmem>>) offsets(%dma_start3A_273 : memref<128xi32, #tpu.memory_space<vmem>>) semaphore(%arg18 : memref<!tpu.dma_semaphore, #tpu.memory_space<semaphore_mem>>)
        %dma_start3A_277 = arith.constant 0 : i32
        %dma_start3A_278 = tpu.memref_slice %arg7[%add3A_270, %dma_start3A_277] : memref<25x128xi32, #tpu.memory_space<vmem>> -> memref<1x128xi32, #tpu.memory_space<vmem>>
        %dma_start3A_279 = tpu.memref_squeeze %dma_start3A_278 : memref<1x128xi32, #tpu.memory_space<vmem>> -> memref<128xi32, #tpu.memory_space<vmem>>
        %dma_start3A_280 = arith.constant 0 : i32
        %dma_start3A_281 = arith.constant 0 : i32
        %dma_start3A_282 = tpu.memref_slice %arg4[%dma_start3A_280, %dma_start3A_281] : memref<100000x64xf32, #tpu.memory_space<hbm>> -> memref<100000x64xf32, #tpu.memory_space<hbm>>
        tpu.enqueue_indirect_dma source(%dma_start3A_282 : memref<100000x64xf32, #tpu.memory_space<hbm>>) target(%arg13 : memref<128x64xf32, #tpu.memory_space<vmem>>) offsets(%dma_start3A_279 : memref<128xi32, #tpu.memory_space<vmem>>) semaphore(%arg18 : memref<!tpu.dma_semaphore, #tpu.memory_space<semaphore_mem>>)
      } else {
      }
      %mul3A_226 = arith.constant 5 : i32
      %mul3A_227 = arith.muli %scan3A_57, %mul3A_226 : i32
      %add3A_228 = arith.constant 4 : i32
      %add3A_229 = arith.addi %mul3A_227, %add3A_228 : i32
      %dma_wait3A_230 = arith.constant 0 : i32
      %dma_wait3A_231 = arith.constant 0 : i32
      %dma_wait3A_232 = tpu.memref_slice %arg6[%dma_wait3A_230, %dma_wait3A_231] : memref<25x128xi32, #tpu.memory_space<vmem>> -> memref<1x128xi32, #tpu.memory_space<vmem>>
      %dma_wait3A_233 = tpu.memref_squeeze %dma_wait3A_232 : memref<1x128xi32, #tpu.memory_space<vmem>> -> memref<128xi32, #tpu.memory_space<vmem>>
      %dma_wait3A_234 = arith.constant 0 : i32
      %dma_wait3A_235 = arith.constant 0 : i32
      %dma_wait3A_236 = tpu.memref_slice %arg4[%dma_wait3A_234, %dma_wait3A_235] : memref<100000x64xf32, #tpu.memory_space<hbm>> -> memref<100000x64xf32, #tpu.memory_space<hbm>>
      tpu.wait_indirect_dma semaphore(%arg22 : memref<!tpu.dma_semaphore, #tpu.memory_space<semaphore_mem>>) src(%dma_wait3A_236 : memref<100000x64xf32, #tpu.memory_space<hbm>>) dst(%arg12 : memref<128x64xf32, #tpu.memory_space<vmem>>)
      %dma_wait3A_237 = arith.constant 0 : i32
      %dma_wait3A_238 = arith.constant 0 : i32
      %dma_wait3A_239 = tpu.memref_slice %arg7[%dma_wait3A_237, %dma_wait3A_238] : memref<25x128xi32, #tpu.memory_space<vmem>> -> memref<1x128xi32, #tpu.memory_space<vmem>>
      %dma_wait3A_240 = tpu.memref_squeeze %dma_wait3A_239 : memref<1x128xi32, #tpu.memory_space<vmem>> -> memref<128xi32, #tpu.memory_space<vmem>>
      %dma_wait3A_241 = arith.constant 0 : i32
      %dma_wait3A_242 = arith.constant 0 : i32
      %dma_wait3A_243 = tpu.memref_slice %arg4[%dma_wait3A_241, %dma_wait3A_242] : memref<100000x64xf32, #tpu.memory_space<hbm>> -> memref<100000x64xf32, #tpu.memory_space<hbm>>
      tpu.wait_indirect_dma semaphore(%arg22 : memref<!tpu.dma_semaphore, #tpu.memory_space<semaphore_mem>>) src(%dma_wait3A_243 : memref<100000x64xf32, #tpu.memory_space<hbm>>) dst(%arg17 : memref<128x64xf32, #tpu.memory_space<vmem>>)
      %mul3A_244 = arith.constant 128 : i32
      %mul3A_245 = arith.muli %add3A_229, %mul3A_244 : i32
      %add3A_246 = arith.addi %mul3A_2, %mul3A_245 : i32
      %dma_start3A_247 = arith.constant 0 : i32
      %dma_start3A_248 = tpu.memref_slice %arg5[%add3A_246, %dma_start3A_247] : memref<102400x128xf32, #tpu.memory_space<hbm>> -> memref<128x64xf32, #tpu.memory_space<hbm>>
      %dma_start3A_249 = arith.constant 0 : i32
      %dma_start3A_250 = tpu.memref_slice %arg5[%add3A_246, %dma_start3A_249] : memref<102400x128xf32, #tpu.memory_space<hbm>> -> memref<128x64xf32, #tpu.memory_space<hbm>>
      tpu.enqueue_dma source(%arg12 : memref<128x64xf32, #tpu.memory_space<vmem>>) target(%dma_start3A_250 : memref<128x64xf32, #tpu.memory_space<hbm>>) target_semaphore(%arg27 : memref<!tpu.dma_semaphore, #tpu.memory_space<semaphore_mem>>)
      %dma_start3A_251 = arith.constant 64 : i32
      %dma_start3A_252 = tpu.memref_slice %arg5[%add3A_246, %dma_start3A_251] : memref<102400x128xf32, #tpu.memory_space<hbm>> -> memref<128x64xf32, #tpu.memory_space<hbm>>
      %dma_start3A_253 = arith.constant 64 : i32
      %dma_start3A_254 = tpu.memref_slice %arg5[%add3A_246, %dma_start3A_253] : memref<102400x128xf32, #tpu.memory_space<hbm>> -> memref<128x64xf32, #tpu.memory_space<hbm>>
      tpu.enqueue_dma source(%arg17 : memref<128x64xf32, #tpu.memory_space<vmem>>) target(%dma_start3A_254 : memref<128x64xf32, #tpu.memory_space<hbm>>) target_semaphore(%arg27 : memref<!tpu.dma_semaphore, #tpu.memory_space<semaphore_mem>>)
      %add3A_255 = arith.constant 2 : i32
      %add3A_256 = arith.addi %add3A_229, %add3A_255 : i32
      %ge3A_257 = arith.constant 5 : i32
      %ge3A_258 = arith.cmpi sge, %add3A_256, %ge3A_257 : i32
      %convert_element_type3A_259 = arith.extui %ge3A_258 : i1 to i32
      %cond3A_260 = arith.constant 0 : i32
      %cond3A_261 = arith.cmpi ne, %convert_element_type3A_259, %cond3A_260 : i32
      scf.if %cond3A_261 {
        %dma_wait3A_269 = arith.constant 0 : i32
        %dma_wait3A_270 = tpu.memref_slice %arg5[%mul3A_2, %dma_wait3A_269] : memref<102400x128xf32, #tpu.memory_space<hbm>> -> memref<128x64xf32, #tpu.memory_space<hbm>>
        %dma_wait3A_271 = arith.constant 0 : i32
        %dma_wait3A_272 = tpu.memref_slice %arg5[%mul3A_2, %dma_wait3A_271] : memref<102400x128xf32, #tpu.memory_space<hbm>> -> memref<128x64xf32, #tpu.memory_space<hbm>>
        tpu.wait_dma2 semaphore(%arg24 : memref<!tpu.dma_semaphore, #tpu.memory_space<semaphore_mem>>) src(%arg9 : memref<128x64xf32, #tpu.memory_space<vmem>>) dst(%dma_wait3A_272 : memref<128x64xf32, #tpu.memory_space<hbm>>)
        %dma_wait3A_273 = arith.constant 64 : i32
        %dma_wait3A_274 = tpu.memref_slice %arg5[%mul3A_2, %dma_wait3A_273] : memref<102400x128xf32, #tpu.memory_space<hbm>> -> memref<128x64xf32, #tpu.memory_space<hbm>>
        %dma_wait3A_275 = arith.constant 64 : i32
        %dma_wait3A_276 = tpu.memref_slice %arg5[%mul3A_2, %dma_wait3A_275] : memref<102400x128xf32, #tpu.memory_space<hbm>> -> memref<128x64xf32, #tpu.memory_space<hbm>>
        tpu.wait_dma2 semaphore(%arg24 : memref<!tpu.dma_semaphore, #tpu.memory_space<semaphore_mem>>) src(%arg14 : memref<128x64xf32, #tpu.memory_space<vmem>>) dst(%dma_wait3A_276 : memref<128x64xf32, #tpu.memory_space<hbm>>)
      } else {
      }
      %add3A_262 = arith.constant 2 : i32
      %add3A_263 = arith.addi %add3A_229, %add3A_262 : i32
      %lt3A_264 = arith.constant 25 : i32
      %lt3A_265 = arith.cmpi slt, %add3A_263, %lt3A_264 : i32
      %convert_element_type3A_266 = arith.extui %lt3A_265 : i1 to i32
      %cond3A_267 = arith.constant 0 : i32
      %cond3A_268 = arith.cmpi ne, %convert_element_type3A_266, %cond3A_267 : i32
      scf.if %cond3A_268 {
        %add3A_269 = arith.constant 2 : i32
        %add3A_270 = arith.addi %add3A_229, %add3A_269 : i32
        %dma_start3A_271 = arith.constant 0 : i32
        %dma_start3A_272 = tpu.memref_slice %arg6[%add3A_270, %dma_start3A_271] : memref<25x128xi32, #tpu.memory_space<vmem>> -> memref<1x128xi32, #tpu.memory_space<vmem>>
        %dma_start3A_273 = tpu.memref_squeeze %dma_start3A_272 : memref<1x128xi32, #tpu.memory_space<vmem>> -> memref<128xi32, #tpu.memory_space<vmem>>
        %dma_start3A_274 = arith.constant 0 : i32
        %dma_start3A_275 = arith.constant 0 : i32
        %dma_start3A_276 = tpu.memref_slice %arg4[%dma_start3A_274, %dma_start3A_275] : memref<100000x64xf32, #tpu.memory_space<hbm>> -> memref<100000x64xf32, #tpu.memory_space<hbm>>
        tpu.enqueue_indirect_dma source(%dma_start3A_276 : memref<100000x64xf32, #tpu.memory_space<hbm>>) target(%arg9 : memref<128x64xf32, #tpu.memory_space<vmem>>) offsets(%dma_start3A_273 : memref<128xi32, #tpu.memory_space<vmem>>) semaphore(%arg19 : memref<!tpu.dma_semaphore, #tpu.memory_space<semaphore_mem>>)
        %dma_start3A_277 = arith.constant 0 : i32
        %dma_start3A_278 = tpu.memref_slice %arg7[%add3A_270, %dma_start3A_277] : memref<25x128xi32, #tpu.memory_space<vmem>> -> memref<1x128xi32, #tpu.memory_space<vmem>>
        %dma_start3A_279 = tpu.memref_squeeze %dma_start3A_278 : memref<1x128xi32, #tpu.memory_space<vmem>> -> memref<128xi32, #tpu.memory_space<vmem>>
        %dma_start3A_280 = arith.constant 0 : i32
        %dma_start3A_281 = arith.constant 0 : i32
        %dma_start3A_282 = tpu.memref_slice %arg4[%dma_start3A_280, %dma_start3A_281] : memref<100000x64xf32, #tpu.memory_space<hbm>> -> memref<100000x64xf32, #tpu.memory_space<hbm>>
        tpu.enqueue_indirect_dma source(%dma_start3A_282 : memref<100000x64xf32, #tpu.memory_space<hbm>>) target(%arg14 : memref<128x64xf32, #tpu.memory_space<vmem>>) offsets(%dma_start3A_279 : memref<128xi32, #tpu.memory_space<vmem>>) semaphore(%arg19 : memref<!tpu.dma_semaphore, #tpu.memory_space<semaphore_mem>>)
      } else {
      }
    }
    %scan3A_33 = arith.constant 5 : i32
    %dma_wait3A = arith.constant 0 : i32
    %dma_wait3A_34 = tpu.memref_slice %arg5[%mul3A_2, %dma_wait3A] : memref<102400x128xf32, #tpu.memory_space<hbm>> -> memref<128x64xf32, #tpu.memory_space<hbm>>
    %dma_wait3A_35 = arith.constant 0 : i32
    %dma_wait3A_36 = tpu.memref_slice %arg5[%mul3A_2, %dma_wait3A_35] : memref<102400x128xf32, #tpu.memory_space<hbm>> -> memref<128x64xf32, #tpu.memory_space<hbm>>
    tpu.wait_dma2 semaphore(%arg25 : memref<!tpu.dma_semaphore, #tpu.memory_space<semaphore_mem>>) src(%arg10 : memref<128x64xf32, #tpu.memory_space<vmem>>) dst(%dma_wait3A_36 : memref<128x64xf32, #tpu.memory_space<hbm>>)
    %dma_wait3A_37 = arith.constant 64 : i32
    %dma_wait3A_38 = tpu.memref_slice %arg5[%mul3A_2, %dma_wait3A_37] : memref<102400x128xf32, #tpu.memory_space<hbm>> -> memref<128x64xf32, #tpu.memory_space<hbm>>
    %dma_wait3A_39 = arith.constant 64 : i32
    %dma_wait3A_40 = tpu.memref_slice %arg5[%mul3A_2, %dma_wait3A_39] : memref<102400x128xf32, #tpu.memory_space<hbm>> -> memref<128x64xf32, #tpu.memory_space<hbm>>
    tpu.wait_dma2 semaphore(%arg25 : memref<!tpu.dma_semaphore, #tpu.memory_space<semaphore_mem>>) src(%arg15 : memref<128x64xf32, #tpu.memory_space<vmem>>) dst(%dma_wait3A_40 : memref<128x64xf32, #tpu.memory_space<hbm>>)
    %dma_wait3A_41 = arith.constant 0 : i32
    %dma_wait3A_42 = tpu.memref_slice %arg5[%mul3A_2, %dma_wait3A_41] : memref<102400x128xf32, #tpu.memory_space<hbm>> -> memref<128x64xf32, #tpu.memory_space<hbm>>
    %dma_wait3A_43 = arith.constant 0 : i32
    %dma_wait3A_44 = tpu.memref_slice %arg5[%mul3A_2, %dma_wait3A_43] : memref<102400x128xf32, #tpu.memory_space<hbm>> -> memref<128x64xf32, #tpu.memory_space<hbm>>
    tpu.wait_dma2 semaphore(%arg26 : memref<!tpu.dma_semaphore, #tpu.memory_space<semaphore_mem>>) src(%arg11 : memref<128x64xf32, #tpu.memory_space<vmem>>) dst(%dma_wait3A_44 : memref<128x64xf32, #tpu.memory_space<hbm>>)
    %dma_wait3A_45 = arith.constant 64 : i32
    %dma_wait3A_46 = tpu.memref_slice %arg5[%mul3A_2, %dma_wait3A_45] : memref<102400x128xf32, #tpu.memory_space<hbm>> -> memref<128x64xf32, #tpu.memory_space<hbm>>
    %dma_wait3A_47 = arith.constant 64 : i32
    %dma_wait3A_48 = tpu.memref_slice %arg5[%mul3A_2, %dma_wait3A_47] : memref<102400x128xf32, #tpu.memory_space<hbm>> -> memref<128x64xf32, #tpu.memory_space<hbm>>
    tpu.wait_dma2 semaphore(%arg26 : memref<!tpu.dma_semaphore, #tpu.memory_space<semaphore_mem>>) src(%arg16 : memref<128x64xf32, #tpu.memory_space<vmem>>) dst(%dma_wait3A_48 : memref<128x64xf32, #tpu.memory_space<hbm>>)
    %dma_wait3A_49 = arith.constant 0 : i32
    %dma_wait3A_50 = tpu.memref_slice %arg5[%mul3A_2, %dma_wait3A_49] : memref<102400x128xf32, #tpu.memory_space<hbm>> -> memref<128x64xf32, #tpu.memory_space<hbm>>
    %dma_wait3A_51 = arith.constant 0 : i32
    %dma_wait3A_52 = tpu.memref_slice %arg5[%mul3A_2, %dma_wait3A_51] : memref<102400x128xf32, #tpu.memory_space<hbm>> -> memref<128x64xf32, #tpu.memory_space<hbm>>
    tpu.wait_dma2 semaphore(%arg27 : memref<!tpu.dma_semaphore, #tpu.memory_space<semaphore_mem>>) src(%arg12 : memref<128x64xf32, #tpu.memory_space<vmem>>) dst(%dma_wait3A_52 : memref<128x64xf32, #tpu.memory_space<hbm>>)
    %dma_wait3A_53 = arith.constant 64 : i32
    %dma_wait3A_54 = tpu.memref_slice %arg5[%mul3A_2, %dma_wait3A_53] : memref<102400x128xf32, #tpu.memory_space<hbm>> -> memref<128x64xf32, #tpu.memory_space<hbm>>
    %dma_wait3A_55 = arith.constant 64 : i32
    %dma_wait3A_56 = tpu.memref_slice %arg5[%mul3A_2, %dma_wait3A_55] : memref<102400x128xf32, #tpu.memory_space<hbm>> -> memref<128x64xf32, #tpu.memory_space<hbm>>
    tpu.wait_dma2 semaphore(%arg27 : memref<!tpu.dma_semaphore, #tpu.memory_space<semaphore_mem>>) src(%arg17 : memref<128x64xf32, #tpu.memory_space<vmem>>) dst(%dma_wait3A_56 : memref<128x64xf32, #tpu.memory_space<hbm>>)
    return
  }
}

#map = affine_map<(d0, d1) -> (0, 0, 0)>
#map1 = affine_map<(d0, d1) -> (0, 0)>
module attributes {stable_mosaic.version = 14 : i64} {
  func.func @k(%arg0: i32, %arg1: i32, %arg2: memref<32x25x128xi32, #tpu.memory_space<hbm>>, %arg3: memref<32x25x128xi32, #tpu.memory_space<hbm>>, %arg4: memref<100000x64xf32, #tpu.memory_space<hbm>>, %arg5: memref<102400x128xf32, #tpu.memory_space<hbm>>, %arg6: memref<25x128xi32, #tpu.memory_space<vmem>>, %arg7: memref<25x128xi32, #tpu.memory_space<vmem>>, %arg8: memref<128x64xf32, #tpu.memory_space<vmem>>, %arg9: memref<128x64xf32, #tpu.memory_space<vmem>>, %arg10: memref<128x64xf32, #tpu.memory_space<vmem>>, %arg11: memref<128x64xf32, #tpu.memory_space<vmem>>, %arg12: memref<128x64xf32, #tpu.memory_space<vmem>>, %arg13: memref<128x64xf32, #tpu.memory_space<vmem>>, %arg14: memref<128x64xf32, #tpu.memory_space<vmem>>, %arg15: memref<128x64xf32, #tpu.memory_space<vmem>>, %arg16: memref<128x64xf32, #tpu.memory_space<vmem>>, %arg17: memref<128x64xf32, #tpu.memory_space<vmem>>, %arg18: memref<!tpu.dma_semaphore, #tpu.memory_space<semaphore_mem>>, %arg19: memref<!tpu.dma_semaphore, #tpu.memory_space<semaphore_mem>>, %arg20: memref<!tpu.dma_semaphore, #tpu.memory_space<semaphore_mem>>, %arg21: memref<!tpu.dma_semaphore, #tpu.memory_space<semaphore_mem>>, %arg22: memref<!tpu.dma_semaphore, #tpu.memory_space<semaphore_mem>>, %arg23: memref<!tpu.dma_semaphore, #tpu.memory_space<semaphore_mem>>, %arg24: memref<!tpu.dma_semaphore, #tpu.memory_space<semaphore_mem>>, %arg25: memref<!tpu.dma_semaphore, #tpu.memory_space<semaphore_mem>>, %arg26: memref<!tpu.dma_semaphore, #tpu.memory_space<semaphore_mem>>, %arg27: memref<!tpu.dma_semaphore, #tpu.memory_space<semaphore_mem>>) attributes {dimension_semantics = [#tpu.dimension_semantics<core_parallel>, #tpu.dimension_semantics<subcore_parallel>], iteration_bounds = array<i64: 2, 16>, scalar_prefetch = 0 : i64, scratch_operands = 22 : i64, tpu.core_type = #tpu.core_type<sc_vector_subcore>, window_params = [{transform_indices = #map}, {transform_indices = #map}, {transform_indices = #map1}, {transform_indices = #map1}]} {
    %mul3A = arith.constant 2 : i32
    %mul3A_0 = arith.muli %arg1, %mul3A : i32
    %add3A = arith.addi %mul3A_0, %arg0 : i32
    %mul3A_1 = arith.constant 3200 : i32
    %mul3A_2 = arith.muli %add3A, %mul3A_1 : i32
    "tpu.region"() ({
      %run_scoped3A = tpu.sem_alloc : memref<!tpu.dma_semaphore, #tpu.memory_space<semaphore_mem>>
      %dma_start3A_57 = arith.constant 0 : i32
      %dma_start3A_58 = arith.constant 0 : i32
      %dma_start3A_59 = tpu.memref_slice %arg2[%add3A, %dma_start3A_57, %dma_start3A_58] : memref<32x25x128xi32, #tpu.memory_space<hbm>> -> memref<1x25x128xi32, #tpu.memory_space<hbm>>
      %dma_start3A_60 = tpu.memref_squeeze %dma_start3A_59 : memref<1x25x128xi32, #tpu.memory_space<hbm>> -> memref<25x128xi32, #tpu.memory_space<hbm>>
      %dma_start3A_61 = arith.constant 0 : i32
      %dma_start3A_62 = arith.constant 0 : i32
      %dma_start3A_63 = tpu.memref_slice %arg2[%add3A, %dma_start3A_61, %dma_start3A_62] : memref<32x25x128xi32, #tpu.memory_space<hbm>> -> memref<1x25x128xi32, #tpu.memory_space<hbm>>
      %dma_start3A_64 = tpu.memref_squeeze %dma_start3A_63 : memref<1x25x128xi32, #tpu.memory_space<hbm>> -> memref<25x128xi32, #tpu.memory_space<hbm>>
      tpu.enqueue_dma source(%dma_start3A_64 : memref<25x128xi32, #tpu.memory_space<hbm>>) target(%arg6 : memref<25x128xi32, #tpu.memory_space<vmem>>) target_semaphore(%run_scoped3A : memref<!tpu.dma_semaphore, #tpu.memory_space<semaphore_mem>>)
      %dma_wait3A_65 = arith.constant 0 : i32
      %dma_wait3A_66 = arith.constant 0 : i32
      %dma_wait3A_67 = tpu.memref_slice %arg2[%add3A, %dma_wait3A_65, %dma_wait3A_66] : memref<32x25x128xi32, #tpu.memory_space<hbm>> -> memref<1x25x128xi32, #tpu.memory_space<hbm>>
      %dma_wait3A_68 = tpu.memref_squeeze %dma_wait3A_67 : memref<1x25x128xi32, #tpu.memory_space<hbm>> -> memref<25x128xi32, #tpu.memory_space<hbm>>
      %dma_wait3A_69 = arith.constant 0 : i32
      %dma_wait3A_70 = arith.constant 0 : i32
      %dma_wait3A_71 = tpu.memref_slice %arg2[%add3A, %dma_wait3A_69, %dma_wait3A_70] : memref<32x25x128xi32, #tpu.memory_space<hbm>> -> memref<1x25x128xi32, #tpu.memory_space<hbm>>
      %dma_wait3A_72 = tpu.memref_squeeze %dma_wait3A_71 : memref<1x25x128xi32, #tpu.memory_space<hbm>> -> memref<25x128xi32, #tpu.memory_space<hbm>>
      tpu.wait_dma2 semaphore(%run_scoped3A : memref<!tpu.dma_semaphore, #tpu.memory_space<semaphore_mem>>) src(%dma_wait3A_72 : memref<25x128xi32, #tpu.memory_space<hbm>>) dst(%arg6 : memref<25x128xi32, #tpu.memory_space<vmem>>)
      tpu.yield
    }) : () -> ()
    "tpu.region"() ({
      %run_scoped3A = tpu.sem_alloc : memref<!tpu.dma_semaphore, #tpu.memory_space<semaphore_mem>>
      %dma_start3A_57 = arith.constant 0 : i32
      %dma_start3A_58 = arith.constant 0 : i32
      %dma_start3A_59 = tpu.memref_slice %arg3[%add3A, %dma_start3A_57, %dma_start3A_58] : memref<32x25x128xi32, #tpu.memory_space<hbm>> -> memref<1x25x128xi32, #tpu.memory_space<hbm>>
      %dma_start3A_60 = tpu.memref_squeeze %dma_start3A_59 : memref<1x25x128xi32, #tpu.memory_space<hbm>> -> memref<25x128xi32, #tpu.memory_space<hbm>>
      %dma_start3A_61 = arith.constant 0 : i32
      %dma_start3A_62 = arith.constant 0 : i32
      %dma_start3A_63 = tpu.memref_slice %arg3[%add3A, %dma_start3A_61, %dma_start3A_62] : memref<32x25x128xi32, #tpu.memory_space<hbm>> -> memref<1x25x128xi32, #tpu.memory_space<hbm>>
      %dma_start3A_64 = tpu.memref_squeeze %dma_start3A_63 : memref<1x25x128xi32, #tpu.memory_space<hbm>> -> memref<25x128xi32, #tpu.memory_space<hbm>>
      tpu.enqueue_dma source(%dma_start3A_64 : memref<25x128xi32, #tpu.memory_space<hbm>>) target(%arg7 : memref<25x128xi32, #tpu.memory_space<vmem>>) target_semaphore(%run_scoped3A : memref<!tpu.dma_semaphore, #tpu.memory_space<semaphore_mem>>)
      %dma_wait3A_65 = arith.constant 0 : i32
      %dma_wait3A_66 = arith.constant 0 : i32
      %dma_wait3A_67 = tpu.memref_slice %arg3[%add3A, %dma_wait3A_65, %dma_wait3A_66] : memref<32x25x128xi32, #tpu.memory_space<hbm>> -> memref<1x25x128xi32, #tpu.memory_space<hbm>>
      %dma_wait3A_68 = tpu.memref_squeeze %dma_wait3A_67 : memref<1x25x128xi32, #tpu.memory_space<hbm>> -> memref<25x128xi32, #tpu.memory_space<hbm>>
      %dma_wait3A_69 = arith.constant 0 : i32
      %dma_wait3A_70 = arith.constant 0 : i32
      %dma_wait3A_71 = tpu.memref_slice %arg3[%add3A, %dma_wait3A_69, %dma_wait3A_70] : memref<32x25x128xi32, #tpu.memory_space<hbm>> -> memref<1x25x128xi32, #tpu.memory_space<hbm>>
      %dma_wait3A_72 = tpu.memref_squeeze %dma_wait3A_71 : memref<1x25x128xi32, #tpu.memory_space<hbm>> -> memref<25x128xi32, #tpu.memory_space<hbm>>
      tpu.wait_dma2 semaphore(%run_scoped3A : memref<!tpu.dma_semaphore, #tpu.memory_space<semaphore_mem>>) src(%dma_wait3A_72 : memref<25x128xi32, #tpu.memory_space<hbm>>) dst(%arg7 : memref<25x128xi32, #tpu.memory_space<vmem>>)
      tpu.yield
    }) : () -> ()
    %dma_start3A = arith.constant 0 : i32
    %dma_start3A_3 = arith.constant 0 : i32
    %dma_start3A_4 = tpu.memref_slice %arg6[%dma_start3A, %dma_start3A_3] : memref<25x128xi32, #tpu.memory_space<vmem>> -> memref<1x128xi32, #tpu.memory_space<vmem>>
    %dma_start3A_5 = tpu.memref_squeeze %dma_start3A_4 : memref<1x128xi32, #tpu.memory_space<vmem>> -> memref<128xi32, #tpu.memory_space<vmem>>
    %dma_start3A_6 = arith.constant 0 : i32
    %dma_start3A_7 = arith.constant 0 : i32
    %dma_start3A_8 = tpu.memref_slice %arg4[%dma_start3A_6, %dma_start3A_7] : memref<100000x64xf32, #tpu.memory_space<hbm>> -> memref<100000x64xf32, #tpu.memory_space<hbm>>
    tpu.enqueue_indirect_dma source(%dma_start3A_8 : memref<100000x64xf32, #tpu.memory_space<hbm>>) target(%arg8 : memref<128x64xf32, #tpu.memory_space<vmem>>) offsets(%dma_start3A_5 : memref<128xi32, #tpu.memory_space<vmem>>) semaphore(%arg18 : memref<!tpu.dma_semaphore, #tpu.memory_space<semaphore_mem>>)
    %dma_start3A_9 = arith.constant 0 : i32
    %dma_start3A_10 = arith.constant 0 : i32
    %dma_start3A_11 = tpu.memref_slice %arg7[%dma_start3A_9, %dma_start3A_10] : memref<25x128xi32, #tpu.memory_space<vmem>> -> memref<1x128xi32, #tpu.memory_space<vmem>>
    %dma_start3A_12 = tpu.memref_squeeze %dma_start3A_11 : memref<1x128xi32, #tpu.memory_space<vmem>> -> memref<128xi32, #tpu.memory_space<vmem>>
    %dma_start3A_13 = arith.constant 0 : i32
    %dma_start3A_14 = arith.constant 0 : i32
    %dma_start3A_15 = tpu.memref_slice %arg4[%dma_start3A_13, %dma_start3A_14] : memref<100000x64xf32, #tpu.memory_space<hbm>> -> memref<100000x64xf32, #tpu.memory_space<hbm>>
    tpu.enqueue_indirect_dma source(%dma_start3A_15 : memref<100000x64xf32, #tpu.memory_space<hbm>>) target(%arg13 : memref<128x64xf32, #tpu.memory_space<vmem>>) offsets(%dma_start3A_12 : memref<128xi32, #tpu.memory_space<vmem>>) semaphore(%arg18 : memref<!tpu.dma_semaphore, #tpu.memory_space<semaphore_mem>>)
    %dma_start3A_16 = arith.constant 1 : i32
    %dma_start3A_17 = arith.constant 0 : i32
    %dma_start3A_18 = tpu.memref_slice %arg6[%dma_start3A_16, %dma_start3A_17] : memref<25x128xi32, #tpu.memory_space<vmem>> -> memref<1x128xi32, #tpu.memory_space<vmem>>
    %dma_start3A_19 = tpu.memref_squeeze %dma_start3A_18 : memref<1x128xi32, #tpu.memory_space<vmem>> -> memref<128xi32, #tpu.memory_space<vmem>>
    %dma_start3A_20 = arith.constant 0 : i32
    %dma_start3A_21 = arith.constant 0 : i32
    %dma_start3A_22 = tpu.memref_slice %arg4[%dma_start3A_20, %dma_start3A_21] : memref<100000x64xf32, #tpu.memory_space<hbm>> -> memref<100000x64xf32, #tpu.memory_space<hbm>>
    tpu.enqueue_indirect_dma source(%dma_start3A_22 : memref<100000x64xf32, #tpu.memory_space<hbm>>) target(%arg9 : memref<128x64xf32, #tpu.memory_space<vmem>>) offsets(%dma_start3A_19 : memref<128xi32, #tpu.memory_space<vmem>>) semaphore(%arg19 : memref<!tpu.dma_semaphore, #tpu.memory_space<semaphore_mem>>)
    %dma_start3A_23 = arith.constant 1 : i32
    %dma_start3A_24 = arith.constant 0 : i32
    %dma_start3A_25 = tpu.memref_slice %arg7[%dma_start3A_23, %dma_start3A_24] : memref<25x128xi32, #tpu.memory_space<vmem>> -> memref<1x128xi32, #tpu.memory_space<vmem>>
    %dma_start3A_26 = tpu.memref_squeeze %dma_start3A_25 : memref<1x128xi32, #tpu.memory_space<vmem>> -> memref<128xi32, #tpu.memory_space<vmem>>
    %dma_start3A_27 = arith.constant 0 : i32
    %dma_start3A_28 = arith.constant 0 : i32
    %dma_start3A_29 = tpu.memref_slice %arg4[%dma_start3A_27, %dma_start3A_28] : memref<100000x64xf32, #tpu.memory_space<hbm>> -> memref<100000x64xf32, #tpu.memory_space<hbm>>
    tpu.enqueue_indirect_dma source(%dma_start3A_29 : memref<100000x64xf32, #tpu.memory_space<hbm>>) target(%arg14 : memref<128x64xf32, #tpu.memory_space<vmem>>) offsets(%dma_start3A_26 : memref<128xi32, #tpu.memory_space<vmem>>) semaphore(%arg19 : memref<!tpu.dma_semaphore, #tpu.memory_space<semaphore_mem>>)
    %scan3A = arith.constant 0 : i32
    %scan3A_30 = arith.constant 5 : i32
    %scan3A_31 = arith.addi %scan3A, %scan3A_30 : i32
    %scan3A_32 = arith.constant 1 : i32
    scf.for %scan3A_57 = %scan3A to %scan3A_31 step %scan3A_32  : i32 {
      %mul3A_58 = arith.constant 5 : i32
      %mul3A_59 = arith.muli %scan3A_57, %mul3A_58 : i32
      %add3A_60 = arith.constant 0 : i32
      %add3A_61 = arith.addi %mul3A_59, %add3A_60 : i32
      %dma_wait3A_62 = arith.constant 0 : i32
      %dma_wait3A_63 = arith.constant 0 : i32
      %dma_wait3A_64 = tpu.memref_slice %arg6[%dma_wait3A_62, %dma_wait3A_63] : memref<25x128xi32, #tpu.memory_space<vmem>> -> memref<1x128xi32, #tpu.memory_space<vmem>>
      %dma_wait3A_65 = tpu.memref_squeeze %dma_wait3A_64 : memref<1x128xi32, #tpu.memory_space<vmem>> -> memref<128xi32, #tpu.memory_space<vmem>>
      %dma_wait3A_66 = arith.constant 0 : i32
      %dma_wait3A_67 = arith.constant 0 : i32
      %dma_wait3A_68 = tpu.memref_slice %arg4[%dma_wait3A_66, %dma_wait3A_67] : memref<100000x64xf32, #tpu.memory_space<hbm>> -> memref<100000x64xf32, #tpu.memory_space<hbm>>
      tpu.wait_indirect_dma semaphore(%arg18 : memref<!tpu.dma_semaphore, #tpu.memory_space<semaphore_mem>>) src(%dma_wait3A_68 : memref<100000x64xf32, #tpu.memory_space<hbm>>) dst(%arg8 : memref<128x64xf32, #tpu.memory_space<vmem>>)
      %dma_wait3A_69 = arith.constant 0 : i32
      %dma_wait3A_70 = arith.constant 0 : i32
      %dma_wait3A_71 = tpu.memref_slice %arg7[%dma_wait3A_69, %dma_wait3A_70] : memref<25x128xi32, #tpu.memory_space<vmem>> -> memref<1x128xi32, #tpu.memory_space<vmem>>
      %dma_wait3A_72 = tpu.memref_squeeze %dma_wait3A_71 : memref<1x128xi32, #tpu.memory_space<vmem>> -> memref<128xi32, #tpu.memory_space<vmem>>
      %dma_wait3A_73 = arith.constant 0 : i32
      %dma_wait3A_74 = arith.constant 0 : i32
      %dma_wait3A_75 = tpu.memref_slice %arg4[%dma_wait3A_73, %dma_wait3A_74] : memref<100000x64xf32, #tpu.memory_space<hbm>> -> memref<100000x64xf32, #tpu.memory_space<hbm>>
      tpu.wait_indirect_dma semaphore(%arg18 : memref<!tpu.dma_semaphore, #tpu.memory_space<semaphore_mem>>) src(%dma_wait3A_75 : memref<100000x64xf32, #tpu.memory_space<hbm>>) dst(%arg13 : memref<128x64xf32, #tpu.memory_space<vmem>>)
      %mul3A_76 = arith.constant 128 : i32
      %mul3A_77 = arith.muli %add3A_61, %mul3A_76 : i32
      %add3A_78 = arith.addi %mul3A_2, %mul3A_77 : i32
      %dma_start3A_79 = arith.constant 0 : i32
      %dma_start3A_80 = tpu.memref_slice %arg5[%add3A_78, %dma_start3A_79] : memref<102400x128xf32, #tpu.memory_space<hbm>> -> memref<128x64xf32, #tpu.memory_space<hbm>>
      %dma_start3A_81 = arith.constant 0 : i32
      %dma_start3A_82 = tpu.memref_slice %arg5[%add3A_78, %dma_start3A_81] : memref<102400x128xf32, #tpu.memory_space<hbm>> -> memref<128x64xf32, #tpu.memory_space<hbm>>
      tpu.enqueue_dma source(%arg8 : memref<128x64xf32, #tpu.memory_space<vmem>>) target(%dma_start3A_82 : memref<128x64xf32, #tpu.memory_space<hbm>>) target_semaphore(%arg23 : memref<!tpu.dma_semaphore, #tpu.memory_space<semaphore_mem>>)
      %dma_start3A_83 = arith.constant 64 : i32
      %dma_start3A_84 = tpu.memref_slice %arg5[%add3A_78, %dma_start3A_83] : memref<102400x128xf32, #tpu.memory_space<hbm>> -> memref<128x64xf32, #tpu.memory_space<hbm>>
      %dma_start3A_85 = arith.constant 64 : i32
      %dma_start3A_86 = tpu.memref_slice %arg5[%add3A_78, %dma_start3A_85] : memref<102400x128xf32, #tpu.memory_space<hbm>> -> memref<128x64xf32, #tpu.memory_space<hbm>>
      tpu.enqueue_dma source(%arg13 : memref<128x64xf32, #tpu.memory_space<vmem>>) target(%dma_start3A_86 : memref<128x64xf32, #tpu.memory_space<hbm>>) target_semaphore(%arg23 : memref<!tpu.dma_semaphore, #tpu.memory_space<semaphore_mem>>)
      %add3A_87 = arith.constant 2 : i32
      %add3A_88 = arith.addi %add3A_61, %add3A_87 : i32
      %ge3A = arith.constant 5 : i32
      %ge3A_89 = arith.cmpi sge, %add3A_88, %ge3A : i32
      %convert_element_type3A = arith.extui %ge3A_89 : i1 to i32
      %cond3A = arith.constant 0 : i32
      %cond3A_90 = arith.cmpi ne, %convert_element_type3A, %cond3A : i32
      scf.if %cond3A_90 {
        %dma_wait3A_269 = arith.constant 0 : i32
        %dma_wait3A_270 = tpu.memref_slice %arg5[%mul3A_2, %dma_wait3A_269] : memref<102400x128xf32, #tpu.memory_space<hbm>> -> memref<128x64xf32, #tpu.memory_space<hbm>>
        %dma_wait3A_271 = arith.constant 0 : i32
        %dma_wait3A_272 = tpu.memref_slice %arg5[%mul3A_2, %dma_wait3A_271] : memref<102400x128xf32, #tpu.memory_space<hbm>> -> memref<128x64xf32, #tpu.memory_space<hbm>>
        tpu.wait_dma2 semaphore(%arg25 : memref<!tpu.dma_semaphore, #tpu.memory_space<semaphore_mem>>) src(%arg10 : memref<128x64xf32, #tpu.memory_space<vmem>>) dst(%dma_wait3A_272 : memref<128x64xf32, #tpu.memory_space<hbm>>)
        %dma_wait3A_273 = arith.constant 64 : i32
        %dma_wait3A_274 = tpu.memref_slice %arg5[%mul3A_2, %dma_wait3A_273] : memref<102400x128xf32, #tpu.memory_space<hbm>> -> memref<128x64xf32, #tpu.memory_space<hbm>>
        %dma_wait3A_275 = arith.constant 64 : i32
        %dma_wait3A_276 = tpu.memref_slice %arg5[%mul3A_2, %dma_wait3A_275] : memref<102400x128xf32, #tpu.memory_space<hbm>> -> memref<128x64xf32, #tpu.memory_space<hbm>>
        tpu.wait_dma2 semaphore(%arg25 : memref<!tpu.dma_semaphore, #tpu.memory_space<semaphore_mem>>) src(%arg15 : memref<128x64xf32, #tpu.memory_space<vmem>>) dst(%dma_wait3A_276 : memref<128x64xf32, #tpu.memory_space<hbm>>)
      } else {
      }
      %add3A_91 = arith.constant 2 : i32
      %add3A_92 = arith.addi %add3A_61, %add3A_91 : i32
      %lt3A = arith.constant 25 : i32
      %lt3A_93 = arith.cmpi slt, %add3A_92, %lt3A : i32
      %convert_element_type3A_94 = arith.extui %lt3A_93 : i1 to i32
      %cond3A_95 = arith.constant 0 : i32
      %cond3A_96 = arith.cmpi ne, %convert_element_type3A_94, %cond3A_95 : i32
      scf.if %cond3A_96 {
        %add3A_269 = arith.constant 2 : i32
        %add3A_270 = arith.addi %add3A_61, %add3A_269 : i32
        %dma_start3A_271 = arith.constant 0 : i32
        %dma_start3A_272 = tpu.memref_slice %arg6[%add3A_270, %dma_start3A_271] : memref<25x128xi32, #tpu.memory_space<vmem>> -> memref<1x128xi32, #tpu.memory_space<vmem>>
        %dma_start3A_273 = tpu.memref_squeeze %dma_start3A_272 : memref<1x128xi32, #tpu.memory_space<vmem>> -> memref<128xi32, #tpu.memory_space<vmem>>
        %dma_start3A_274 = arith.constant 0 : i32
        %dma_start3A_275 = arith.constant 0 : i32
        %dma_start3A_276 = tpu.memref_slice %arg4[%dma_start3A_274, %dma_start3A_275] : memref<100000x64xf32, #tpu.memory_space<hbm>> -> memref<100000x64xf32, #tpu.memory_space<hbm>>
        tpu.enqueue_indirect_dma source(%dma_start3A_276 : memref<100000x64xf32, #tpu.memory_space<hbm>>) target(%arg10 : memref<128x64xf32, #tpu.memory_space<vmem>>) offsets(%dma_start3A_273 : memref<128xi32, #tpu.memory_space<vmem>>) semaphore(%arg20 : memref<!tpu.dma_semaphore, #tpu.memory_space<semaphore_mem>>)
        %dma_start3A_277 = arith.constant 0 : i32
        %dma_start3A_278 = tpu.memref_slice %arg7[%add3A_270, %dma_start3A_277] : memref<25x128xi32, #tpu.memory_space<vmem>> -> memref<1x128xi32, #tpu.memory_space<vmem>>
        %dma_start3A_279 = tpu.memref_squeeze %dma_start3A_278 : memref<1x128xi32, #tpu.memory_space<vmem>> -> memref<128xi32, #tpu.memory_space<vmem>>
        %dma_start3A_280 = arith.constant 0 : i32
        %dma_start3A_281 = arith.constant 0 : i32
        %dma_start3A_282 = tpu.memref_slice %arg4[%dma_start3A_280, %dma_start3A_281] : memref<100000x64xf32, #tpu.memory_space<hbm>> -> memref<100000x64xf32, #tpu.memory_space<hbm>>
        tpu.enqueue_indirect_dma source(%dma_start3A_282 : memref<100000x64xf32, #tpu.memory_space<hbm>>) target(%arg15 : memref<128x64xf32, #tpu.memory_space<vmem>>) offsets(%dma_start3A_279 : memref<128xi32, #tpu.memory_space<vmem>>) semaphore(%arg20 : memref<!tpu.dma_semaphore, #tpu.memory_space<semaphore_mem>>)
      } else {
      }
      %mul3A_97 = arith.constant 5 : i32
      %mul3A_98 = arith.muli %scan3A_57, %mul3A_97 : i32
      %add3A_99 = arith.constant 1 : i32
      %add3A_100 = arith.addi %mul3A_98, %add3A_99 : i32
      %dma_wait3A_101 = arith.constant 0 : i32
      %dma_wait3A_102 = arith.constant 0 : i32
      %dma_wait3A_103 = tpu.memref_slice %arg6[%dma_wait3A_101, %dma_wait3A_102] : memref<25x128xi32, #tpu.memory_space<vmem>> -> memref<1x128xi32, #tpu.memory_space<vmem>>
      %dma_wait3A_104 = tpu.memref_squeeze %dma_wait3A_103 : memref<1x128xi32, #tpu.memory_space<vmem>> -> memref<128xi32, #tpu.memory_space<vmem>>
      %dma_wait3A_105 = arith.constant 0 : i32
      %dma_wait3A_106 = arith.constant 0 : i32
      %dma_wait3A_107 = tpu.memref_slice %arg4[%dma_wait3A_105, %dma_wait3A_106] : memref<100000x64xf32, #tpu.memory_space<hbm>> -> memref<100000x64xf32, #tpu.memory_space<hbm>>
      tpu.wait_indirect_dma semaphore(%arg19 : memref<!tpu.dma_semaphore, #tpu.memory_space<semaphore_mem>>) src(%dma_wait3A_107 : memref<100000x64xf32, #tpu.memory_space<hbm>>) dst(%arg9 : memref<128x64xf32, #tpu.memory_space<vmem>>)
      %dma_wait3A_108 = arith.constant 0 : i32
      %dma_wait3A_109 = arith.constant 0 : i32
      %dma_wait3A_110 = tpu.memref_slice %arg7[%dma_wait3A_108, %dma_wait3A_109] : memref<25x128xi32, #tpu.memory_space<vmem>> -> memref<1x128xi32, #tpu.memory_space<vmem>>
      %dma_wait3A_111 = tpu.memref_squeeze %dma_wait3A_110 : memref<1x128xi32, #tpu.memory_space<vmem>> -> memref<128xi32, #tpu.memory_space<vmem>>
      %dma_wait3A_112 = arith.constant 0 : i32
      %dma_wait3A_113 = arith.constant 0 : i32
      %dma_wait3A_114 = tpu.memref_slice %arg4[%dma_wait3A_112, %dma_wait3A_113] : memref<100000x64xf32, #tpu.memory_space<hbm>> -> memref<100000x64xf32, #tpu.memory_space<hbm>>
      tpu.wait_indirect_dma semaphore(%arg19 : memref<!tpu.dma_semaphore, #tpu.memory_space<semaphore_mem>>) src(%dma_wait3A_114 : memref<100000x64xf32, #tpu.memory_space<hbm>>) dst(%arg14 : memref<128x64xf32, #tpu.memory_space<vmem>>)
      %mul3A_115 = arith.constant 128 : i32
      %mul3A_116 = arith.muli %add3A_100, %mul3A_115 : i32
      %add3A_117 = arith.addi %mul3A_2, %mul3A_116 : i32
      %dma_start3A_118 = arith.constant 0 : i32
      %dma_start3A_119 = tpu.memref_slice %arg5[%add3A_117, %dma_start3A_118] : memref<102400x128xf32, #tpu.memory_space<hbm>> -> memref<128x64xf32, #tpu.memory_space<hbm>>
      %dma_start3A_120 = arith.constant 0 : i32
      %dma_start3A_121 = tpu.memref_slice %arg5[%add3A_117, %dma_start3A_120] : memref<102400x128xf32, #tpu.memory_space<hbm>> -> memref<128x64xf32, #tpu.memory_space<hbm>>
      tpu.enqueue_dma source(%arg9 : memref<128x64xf32, #tpu.memory_space<vmem>>) target(%dma_start3A_121 : memref<128x64xf32, #tpu.memory_space<hbm>>) target_semaphore(%arg24 : memref<!tpu.dma_semaphore, #tpu.memory_space<semaphore_mem>>)
      %dma_start3A_122 = arith.constant 64 : i32
      %dma_start3A_123 = tpu.memref_slice %arg5[%add3A_117, %dma_start3A_122] : memref<102400x128xf32, #tpu.memory_space<hbm>> -> memref<128x64xf32, #tpu.memory_space<hbm>>
      %dma_start3A_124 = arith.constant 64 : i32
      %dma_start3A_125 = tpu.memref_slice %arg5[%add3A_117, %dma_start3A_124] : memref<102400x128xf32, #tpu.memory_space<hbm>> -> memref<128x64xf32, #tpu.memory_space<hbm>>
      tpu.enqueue_dma source(%arg14 : memref<128x64xf32, #tpu.memory_space<vmem>>) target(%dma_start3A_125 : memref<128x64xf32, #tpu.memory_space<hbm>>) target_semaphore(%arg24 : memref<!tpu.dma_semaphore, #tpu.memory_space<semaphore_mem>>)
      %add3A_126 = arith.constant 2 : i32
      %add3A_127 = arith.addi %add3A_100, %add3A_126 : i32
      %ge3A_128 = arith.constant 5 : i32
      %ge3A_129 = arith.cmpi sge, %add3A_127, %ge3A_128 : i32
      %convert_element_type3A_130 = arith.extui %ge3A_129 : i1 to i32
      %cond3A_131 = arith.constant 0 : i32
      %cond3A_132 = arith.cmpi ne, %convert_element_type3A_130, %cond3A_131 : i32
      scf.if %cond3A_132 {
        %dma_wait3A_269 = arith.constant 0 : i32
        %dma_wait3A_270 = tpu.memref_slice %arg5[%mul3A_2, %dma_wait3A_269] : memref<102400x128xf32, #tpu.memory_space<hbm>> -> memref<128x64xf32, #tpu.memory_space<hbm>>
        %dma_wait3A_271 = arith.constant 0 : i32
        %dma_wait3A_272 = tpu.memref_slice %arg5[%mul3A_2, %dma_wait3A_271] : memref<102400x128xf32, #tpu.memory_space<hbm>> -> memref<128x64xf32, #tpu.memory_space<hbm>>
        tpu.wait_dma2 semaphore(%arg26 : memref<!tpu.dma_semaphore, #tpu.memory_space<semaphore_mem>>) src(%arg11 : memref<128x64xf32, #tpu.memory_space<vmem>>) dst(%dma_wait3A_272 : memref<128x64xf32, #tpu.memory_space<hbm>>)
        %dma_wait3A_273 = arith.constant 64 : i32
        %dma_wait3A_274 = tpu.memref_slice %arg5[%mul3A_2, %dma_wait3A_273] : memref<102400x128xf32, #tpu.memory_space<hbm>> -> memref<128x64xf32, #tpu.memory_space<hbm>>
        %dma_wait3A_275 = arith.constant 64 : i32
        %dma_wait3A_276 = tpu.memref_slice %arg5[%mul3A_2, %dma_wait3A_275] : memref<102400x128xf32, #tpu.memory_space<hbm>> -> memref<128x64xf32, #tpu.memory_space<hbm>>
        tpu.wait_dma2 semaphore(%arg26 : memref<!tpu.dma_semaphore, #tpu.memory_space<semaphore_mem>>) src(%arg16 : memref<128x64xf32, #tpu.memory_space<vmem>>) dst(%dma_wait3A_276 : memref<128x64xf32, #tpu.memory_space<hbm>>)
      } else {
      }
      %add3A_133 = arith.constant 2 : i32
      %add3A_134 = arith.addi %add3A_100, %add3A_133 : i32
      %lt3A_135 = arith.constant 25 : i32
      %lt3A_136 = arith.cmpi slt, %add3A_134, %lt3A_135 : i32
      %convert_element_type3A_137 = arith.extui %lt3A_136 : i1 to i32
      %cond3A_138 = arith.constant 0 : i32
      %cond3A_139 = arith.cmpi ne, %convert_element_type3A_137, %cond3A_138 : i32
      scf.if %cond3A_139 {
        %add3A_269 = arith.constant 2 : i32
        %add3A_270 = arith.addi %add3A_100, %add3A_269 : i32
        %dma_start3A_271 = arith.constant 0 : i32
        %dma_start3A_272 = tpu.memref_slice %arg6[%add3A_270, %dma_start3A_271] : memref<25x128xi32, #tpu.memory_space<vmem>> -> memref<1x128xi32, #tpu.memory_space<vmem>>
        %dma_start3A_273 = tpu.memref_squeeze %dma_start3A_272 : memref<1x128xi32, #tpu.memory_space<vmem>> -> memref<128xi32, #tpu.memory_space<vmem>>
        %dma_start3A_274 = arith.constant 0 : i32
        %dma_start3A_275 = arith.constant 0 : i32
        %dma_start3A_276 = tpu.memref_slice %arg4[%dma_start3A_274, %dma_start3A_275] : memref<100000x64xf32, #tpu.memory_space<hbm>> -> memref<100000x64xf32, #tpu.memory_space<hbm>>
        tpu.enqueue_indirect_dma source(%dma_start3A_276 : memref<100000x64xf32, #tpu.memory_space<hbm>>) target(%arg11 : memref<128x64xf32, #tpu.memory_space<vmem>>) offsets(%dma_start3A_273 : memref<128xi32, #tpu.memory_space<vmem>>) semaphore(%arg21 : memref<!tpu.dma_semaphore, #tpu.memory_space<semaphore_mem>>)
        %dma_start3A_277 = arith.constant 0 : i32
        %dma_start3A_278 = tpu.memref_slice %arg7[%add3A_270, %dma_start3A_277] : memref<25x128xi32, #tpu.memory_space<vmem>> -> memref<1x128xi32, #tpu.memory_space<vmem>>
        %dma_start3A_279 = tpu.memref_squeeze %dma_start3A_278 : memref<1x128xi32, #tpu.memory_space<vmem>> -> memref<128xi32, #tpu.memory_space<vmem>>
        %dma_start3A_280 = arith.constant 0 : i32
        %dma_start3A_281 = arith.constant 0 : i32
        %dma_start3A_282 = tpu.memref_slice %arg4[%dma_start3A_280, %dma_start3A_281] : memref<100000x64xf32, #tpu.memory_space<hbm>> -> memref<100000x64xf32, #tpu.memory_space<hbm>>
        tpu.enqueue_indirect_dma source(%dma_start3A_282 : memref<100000x64xf32, #tpu.memory_space<hbm>>) target(%arg16 : memref<128x64xf32, #tpu.memory_space<vmem>>) offsets(%dma_start3A_279 : memref<128xi32, #tpu.memory_space<vmem>>) semaphore(%arg21 : memref<!tpu.dma_semaphore, #tpu.memory_space<semaphore_mem>>)
      } else {
      }
      %mul3A_140 = arith.constant 5 : i32
      %mul3A_141 = arith.muli %scan3A_57, %mul3A_140 : i32
      %add3A_142 = arith.constant 2 : i32
      %add3A_143 = arith.addi %mul3A_141, %add3A_142 : i32
      %dma_wait3A_144 = arith.constant 0 : i32
      %dma_wait3A_145 = arith.constant 0 : i32
      %dma_wait3A_146 = tpu.memref_slice %arg6[%dma_wait3A_144, %dma_wait3A_145] : memref<25x128xi32, #tpu.memory_space<vmem>> -> memref<1x128xi32, #tpu.memory_space<vmem>>
      %dma_wait3A_147 = tpu.memref_squeeze %dma_wait3A_146 : memref<1x128xi32, #tpu.memory_space<vmem>> -> memref<128xi32, #tpu.memory_space<vmem>>
      %dma_wait3A_148 = arith.constant 0 : i32
      %dma_wait3A_149 = arith.constant 0 : i32
      %dma_wait3A_150 = tpu.memref_slice %arg4[%dma_wait3A_148, %dma_wait3A_149] : memref<100000x64xf32, #tpu.memory_space<hbm>> -> memref<100000x64xf32, #tpu.memory_space<hbm>>
      tpu.wait_indirect_dma semaphore(%arg20 : memref<!tpu.dma_semaphore, #tpu.memory_space<semaphore_mem>>) src(%dma_wait3A_150 : memref<100000x64xf32, #tpu.memory_space<hbm>>) dst(%arg10 : memref<128x64xf32, #tpu.memory_space<vmem>>)
      %dma_wait3A_151 = arith.constant 0 : i32
      %dma_wait3A_152 = arith.constant 0 : i32
      %dma_wait3A_153 = tpu.memref_slice %arg7[%dma_wait3A_151, %dma_wait3A_152] : memref<25x128xi32, #tpu.memory_space<vmem>> -> memref<1x128xi32, #tpu.memory_space<vmem>>
      %dma_wait3A_154 = tpu.memref_squeeze %dma_wait3A_153 : memref<1x128xi32, #tpu.memory_space<vmem>> -> memref<128xi32, #tpu.memory_space<vmem>>
      %dma_wait3A_155 = arith.constant 0 : i32
      %dma_wait3A_156 = arith.constant 0 : i32
      %dma_wait3A_157 = tpu.memref_slice %arg4[%dma_wait3A_155, %dma_wait3A_156] : memref<100000x64xf32, #tpu.memory_space<hbm>> -> memref<100000x64xf32, #tpu.memory_space<hbm>>
      tpu.wait_indirect_dma semaphore(%arg20 : memref<!tpu.dma_semaphore, #tpu.memory_space<semaphore_mem>>) src(%dma_wait3A_157 : memref<100000x64xf32, #tpu.memory_space<hbm>>) dst(%arg15 : memref<128x64xf32, #tpu.memory_space<vmem>>)
      %mul3A_158 = arith.constant 128 : i32
      %mul3A_159 = arith.muli %add3A_143, %mul3A_158 : i32
      %add3A_160 = arith.addi %mul3A_2, %mul3A_159 : i32
      %dma_start3A_161 = arith.constant 0 : i32
      %dma_start3A_162 = tpu.memref_slice %arg5[%add3A_160, %dma_start3A_161] : memref<102400x128xf32, #tpu.memory_space<hbm>> -> memref<128x64xf32, #tpu.memory_space<hbm>>
      %dma_start3A_163 = arith.constant 0 : i32
      %dma_start3A_164 = tpu.memref_slice %arg5[%add3A_160, %dma_start3A_163] : memref<102400x128xf32, #tpu.memory_space<hbm>> -> memref<128x64xf32, #tpu.memory_space<hbm>>
      tpu.enqueue_dma source(%arg10 : memref<128x64xf32, #tpu.memory_space<vmem>>) target(%dma_start3A_164 : memref<128x64xf32, #tpu.memory_space<hbm>>) target_semaphore(%arg25 : memref<!tpu.dma_semaphore, #tpu.memory_space<semaphore_mem>>)
      %dma_start3A_165 = arith.constant 64 : i32
      %dma_start3A_166 = tpu.memref_slice %arg5[%add3A_160, %dma_start3A_165] : memref<102400x128xf32, #tpu.memory_space<hbm>> -> memref<128x64xf32, #tpu.memory_space<hbm>>
      %dma_start3A_167 = arith.constant 64 : i32
      %dma_start3A_168 = tpu.memref_slice %arg5[%add3A_160, %dma_start3A_167] : memref<102400x128xf32, #tpu.memory_space<hbm>> -> memref<128x64xf32, #tpu.memory_space<hbm>>
      tpu.enqueue_dma source(%arg15 : memref<128x64xf32, #tpu.memory_space<vmem>>) target(%dma_start3A_168 : memref<128x64xf32, #tpu.memory_space<hbm>>) target_semaphore(%arg25 : memref<!tpu.dma_semaphore, #tpu.memory_space<semaphore_mem>>)
      %add3A_169 = arith.constant 2 : i32
      %add3A_170 = arith.addi %add3A_143, %add3A_169 : i32
      %ge3A_171 = arith.constant 5 : i32
      %ge3A_172 = arith.cmpi sge, %add3A_170, %ge3A_171 : i32
      %convert_element_type3A_173 = arith.extui %ge3A_172 : i1 to i32
      %cond3A_174 = arith.constant 0 : i32
      %cond3A_175 = arith.cmpi ne, %convert_element_type3A_173, %cond3A_174 : i32
      scf.if %cond3A_175 {
        %dma_wait3A_269 = arith.constant 0 : i32
        %dma_wait3A_270 = tpu.memref_slice %arg5[%mul3A_2, %dma_wait3A_269] : memref<102400x128xf32, #tpu.memory_space<hbm>> -> memref<128x64xf32, #tpu.memory_space<hbm>>
        %dma_wait3A_271 = arith.constant 0 : i32
        %dma_wait3A_272 = tpu.memref_slice %arg5[%mul3A_2, %dma_wait3A_271] : memref<102400x128xf32, #tpu.memory_space<hbm>> -> memref<128x64xf32, #tpu.memory_space<hbm>>
        tpu.wait_dma2 semaphore(%arg27 : memref<!tpu.dma_semaphore, #tpu.memory_space<semaphore_mem>>) src(%arg12 : memref<128x64xf32, #tpu.memory_space<vmem>>) dst(%dma_wait3A_272 : memref<128x64xf32, #tpu.memory_space<hbm>>)
        %dma_wait3A_273 = arith.constant 64 : i32
        %dma_wait3A_274 = tpu.memref_slice %arg5[%mul3A_2, %dma_wait3A_273] : memref<102400x128xf32, #tpu.memory_space<hbm>> -> memref<128x64xf32, #tpu.memory_space<hbm>>
        %dma_wait3A_275 = arith.constant 64 : i32
        %dma_wait3A_276 = tpu.memref_slice %arg5[%mul3A_2, %dma_wait3A_275] : memref<102400x128xf32, #tpu.memory_space<hbm>> -> memref<128x64xf32, #tpu.memory_space<hbm>>
        tpu.wait_dma2 semaphore(%arg27 : memref<!tpu.dma_semaphore, #tpu.memory_space<semaphore_mem>>) src(%arg17 : memref<128x64xf32, #tpu.memory_space<vmem>>) dst(%dma_wait3A_276 : memref<128x64xf32, #tpu.memory_space<hbm>>)
      } else {
      }
      %add3A_176 = arith.constant 2 : i32
      %add3A_177 = arith.addi %add3A_143, %add3A_176 : i32
      %lt3A_178 = arith.constant 25 : i32
      %lt3A_179 = arith.cmpi slt, %add3A_177, %lt3A_178 : i32
      %convert_element_type3A_180 = arith.extui %lt3A_179 : i1 to i32
      %cond3A_181 = arith.constant 0 : i32
      %cond3A_182 = arith.cmpi ne, %convert_element_type3A_180, %cond3A_181 : i32
      scf.if %cond3A_182 {
        %add3A_269 = arith.constant 2 : i32
        %add3A_270 = arith.addi %add3A_143, %add3A_269 : i32
        %dma_start3A_271 = arith.constant 0 : i32
        %dma_start3A_272 = tpu.memref_slice %arg6[%add3A_270, %dma_start3A_271] : memref<25x128xi32, #tpu.memory_space<vmem>> -> memref<1x128xi32, #tpu.memory_space<vmem>>
        %dma_start3A_273 = tpu.memref_squeeze %dma_start3A_272 : memref<1x128xi32, #tpu.memory_space<vmem>> -> memref<128xi32, #tpu.memory_space<vmem>>
        %dma_start3A_274 = arith.constant 0 : i32
        %dma_start3A_275 = arith.constant 0 : i32
        %dma_start3A_276 = tpu.memref_slice %arg4[%dma_start3A_274, %dma_start3A_275] : memref<100000x64xf32, #tpu.memory_space<hbm>> -> memref<100000x64xf32, #tpu.memory_space<hbm>>
        tpu.enqueue_indirect_dma source(%dma_start3A_276 : memref<100000x64xf32, #tpu.memory_space<hbm>>) target(%arg12 : memref<128x64xf32, #tpu.memory_space<vmem>>) offsets(%dma_start3A_273 : memref<128xi32, #tpu.memory_space<vmem>>) semaphore(%arg22 : memref<!tpu.dma_semaphore, #tpu.memory_space<semaphore_mem>>)
        %dma_start3A_277 = arith.constant 0 : i32
        %dma_start3A_278 = tpu.memref_slice %arg7[%add3A_270, %dma_start3A_277] : memref<25x128xi32, #tpu.memory_space<vmem>> -> memref<1x128xi32, #tpu.memory_space<vmem>>
        %dma_start3A_279 = tpu.memref_squeeze %dma_start3A_278 : memref<1x128xi32, #tpu.memory_space<vmem>> -> memref<128xi32, #tpu.memory_space<vmem>>
        %dma_start3A_280 = arith.constant 0 : i32
        %dma_start3A_281 = arith.constant 0 : i32
        %dma_start3A_282 = tpu.memref_slice %arg4[%dma_start3A_280, %dma_start3A_281] : memref<100000x64xf32, #tpu.memory_space<hbm>> -> memref<100000x64xf32, #tpu.memory_space<hbm>>
        tpu.enqueue_indirect_dma source(%dma_start3A_282 : memref<100000x64xf32, #tpu.memory_space<hbm>>) target(%arg17 : memref<128x64xf32, #tpu.memory_space<vmem>>) offsets(%dma_start3A_279 : memref<128xi32, #tpu.memory_space<vmem>>) semaphore(%arg22 : memref<!tpu.dma_semaphore, #tpu.memory_space<semaphore_mem>>)
      } else {
      }
      %mul3A_183 = arith.constant 5 : i32
      %mul3A_184 = arith.muli %scan3A_57, %mul3A_183 : i32
      %add3A_185 = arith.constant 3 : i32
      %add3A_186 = arith.addi %mul3A_184, %add3A_185 : i32
      %dma_wait3A_187 = arith.constant 0 : i32
      %dma_wait3A_188 = arith.constant 0 : i32
      %dma_wait3A_189 = tpu.memref_slice %arg6[%dma_wait3A_187, %dma_wait3A_188] : memref<25x128xi32, #tpu.memory_space<vmem>> -> memref<1x128xi32, #tpu.memory_space<vmem>>
      %dma_wait3A_190 = tpu.memref_squeeze %dma_wait3A_189 : memref<1x128xi32, #tpu.memory_space<vmem>> -> memref<128xi32, #tpu.memory_space<vmem>>
      %dma_wait3A_191 = arith.constant 0 : i32
      %dma_wait3A_192 = arith.constant 0 : i32
      %dma_wait3A_193 = tpu.memref_slice %arg4[%dma_wait3A_191, %dma_wait3A_192] : memref<100000x64xf32, #tpu.memory_space<hbm>> -> memref<100000x64xf32, #tpu.memory_space<hbm>>
      tpu.wait_indirect_dma semaphore(%arg21 : memref<!tpu.dma_semaphore, #tpu.memory_space<semaphore_mem>>) src(%dma_wait3A_193 : memref<100000x64xf32, #tpu.memory_space<hbm>>) dst(%arg11 : memref<128x64xf32, #tpu.memory_space<vmem>>)
      %dma_wait3A_194 = arith.constant 0 : i32
      %dma_wait3A_195 = arith.constant 0 : i32
      %dma_wait3A_196 = tpu.memref_slice %arg7[%dma_wait3A_194, %dma_wait3A_195] : memref<25x128xi32, #tpu.memory_space<vmem>> -> memref<1x128xi32, #tpu.memory_space<vmem>>
      %dma_wait3A_197 = tpu.memref_squeeze %dma_wait3A_196 : memref<1x128xi32, #tpu.memory_space<vmem>> -> memref<128xi32, #tpu.memory_space<vmem>>
      %dma_wait3A_198 = arith.constant 0 : i32
      %dma_wait3A_199 = arith.constant 0 : i32
      %dma_wait3A_200 = tpu.memref_slice %arg4[%dma_wait3A_198, %dma_wait3A_199] : memref<100000x64xf32, #tpu.memory_space<hbm>> -> memref<100000x64xf32, #tpu.memory_space<hbm>>
      tpu.wait_indirect_dma semaphore(%arg21 : memref<!tpu.dma_semaphore, #tpu.memory_space<semaphore_mem>>) src(%dma_wait3A_200 : memref<100000x64xf32, #tpu.memory_space<hbm>>) dst(%arg16 : memref<128x64xf32, #tpu.memory_space<vmem>>)
      %mul3A_201 = arith.constant 128 : i32
      %mul3A_202 = arith.muli %add3A_186, %mul3A_201 : i32
      %add3A_203 = arith.addi %mul3A_2, %mul3A_202 : i32
      %dma_start3A_204 = arith.constant 0 : i32
      %dma_start3A_205 = tpu.memref_slice %arg5[%add3A_203, %dma_start3A_204] : memref<102400x128xf32, #tpu.memory_space<hbm>> -> memref<128x64xf32, #tpu.memory_space<hbm>>
      %dma_start3A_206 = arith.constant 0 : i32
      %dma_start3A_207 = tpu.memref_slice %arg5[%add3A_203, %dma_start3A_206] : memref<102400x128xf32, #tpu.memory_space<hbm>> -> memref<128x64xf32, #tpu.memory_space<hbm>>
      tpu.enqueue_dma source(%arg11 : memref<128x64xf32, #tpu.memory_space<vmem>>) target(%dma_start3A_207 : memref<128x64xf32, #tpu.memory_space<hbm>>) target_semaphore(%arg26 : memref<!tpu.dma_semaphore, #tpu.memory_space<semaphore_mem>>)
      %dma_start3A_208 = arith.constant 64 : i32
      %dma_start3A_209 = tpu.memref_slice %arg5[%add3A_203, %dma_start3A_208] : memref<102400x128xf32, #tpu.memory_space<hbm>> -> memref<128x64xf32, #tpu.memory_space<hbm>>
      %dma_start3A_210 = arith.constant 64 : i32
      %dma_start3A_211 = tpu.memref_slice %arg5[%add3A_203, %dma_start3A_210] : memref<102400x128xf32, #tpu.memory_space<hbm>> -> memref<128x64xf32, #tpu.memory_space<hbm>>
      tpu.enqueue_dma source(%arg16 : memref<128x64xf32, #tpu.memory_space<vmem>>) target(%dma_start3A_211 : memref<128x64xf32, #tpu.memory_space<hbm>>) target_semaphore(%arg26 : memref<!tpu.dma_semaphore, #tpu.memory_space<semaphore_mem>>)
      %add3A_212 = arith.constant 2 : i32
      %add3A_213 = arith.addi %add3A_186, %add3A_212 : i32
      %ge3A_214 = arith.constant 5 : i32
      %ge3A_215 = arith.cmpi sge, %add3A_213, %ge3A_214 : i32
      %convert_element_type3A_216 = arith.extui %ge3A_215 : i1 to i32
      %cond3A_217 = arith.constant 0 : i32
      %cond3A_218 = arith.cmpi ne, %convert_element_type3A_216, %cond3A_217 : i32
      scf.if %cond3A_218 {
        %dma_wait3A_269 = arith.constant 0 : i32
        %dma_wait3A_270 = tpu.memref_slice %arg5[%mul3A_2, %dma_wait3A_269] : memref<102400x128xf32, #tpu.memory_space<hbm>> -> memref<128x64xf32, #tpu.memory_space<hbm>>
        %dma_wait3A_271 = arith.constant 0 : i32
        %dma_wait3A_272 = tpu.memref_slice %arg5[%mul3A_2, %dma_wait3A_271] : memref<102400x128xf32, #tpu.memory_space<hbm>> -> memref<128x64xf32, #tpu.memory_space<hbm>>
        tpu.wait_dma2 semaphore(%arg23 : memref<!tpu.dma_semaphore, #tpu.memory_space<semaphore_mem>>) src(%arg8 : memref<128x64xf32, #tpu.memory_space<vmem>>) dst(%dma_wait3A_272 : memref<128x64xf32, #tpu.memory_space<hbm>>)
        %dma_wait3A_273 = arith.constant 64 : i32
        %dma_wait3A_274 = tpu.memref_slice %arg5[%mul3A_2, %dma_wait3A_273] : memref<102400x128xf32, #tpu.memory_space<hbm>> -> memref<128x64xf32, #tpu.memory_space<hbm>>
        %dma_wait3A_275 = arith.constant 64 : i32
        %dma_wait3A_276 = tpu.memref_slice %arg5[%mul3A_2, %dma_wait3A_275] : memref<102400x128xf32, #tpu.memory_space<hbm>> -> memref<128x64xf32, #tpu.memory_space<hbm>>
        tpu.wait_dma2 semaphore(%arg23 : memref<!tpu.dma_semaphore, #tpu.memory_space<semaphore_mem>>) src(%arg13 : memref<128x64xf32, #tpu.memory_space<vmem>>) dst(%dma_wait3A_276 : memref<128x64xf32, #tpu.memory_space<hbm>>)
      } else {
      }
      %add3A_219 = arith.constant 2 : i32
      %add3A_220 = arith.addi %add3A_186, %add3A_219 : i32
      %lt3A_221 = arith.constant 25 : i32
      %lt3A_222 = arith.cmpi slt, %add3A_220, %lt3A_221 : i32
      %convert_element_type3A_223 = arith.extui %lt3A_222 : i1 to i32
      %cond3A_224 = arith.constant 0 : i32
      %cond3A_225 = arith.cmpi ne, %convert_element_type3A_223, %cond3A_224 : i32
      scf.if %cond3A_225 {
        %add3A_269 = arith.constant 2 : i32
        %add3A_270 = arith.addi %add3A_186, %add3A_269 : i32
        %dma_start3A_271 = arith.constant 0 : i32
        %dma_start3A_272 = tpu.memref_slice %arg6[%add3A_270, %dma_start3A_271] : memref<25x128xi32, #tpu.memory_space<vmem>> -> memref<1x128xi32, #tpu.memory_space<vmem>>
        %dma_start3A_273 = tpu.memref_squeeze %dma_start3A_272 : memref<1x128xi32, #tpu.memory_space<vmem>> -> memref<128xi32, #tpu.memory_space<vmem>>
        %dma_start3A_274 = arith.constant 0 : i32
        %dma_start3A_275 = arith.constant 0 : i32
        %dma_start3A_276 = tpu.memref_slice %arg4[%dma_start3A_274, %dma_start3A_275] : memref<100000x64xf32, #tpu.memory_space<hbm>> -> memref<100000x64xf32, #tpu.memory_space<hbm>>
        tpu.enqueue_indirect_dma source(%dma_start3A_276 : memref<100000x64xf32, #tpu.memory_space<hbm>>) target(%arg8 : memref<128x64xf32, #tpu.memory_space<vmem>>) offsets(%dma_start3A_273 : memref<128xi32, #tpu.memory_space<vmem>>) semaphore(%arg18 : memref<!tpu.dma_semaphore, #tpu.memory_space<semaphore_mem>>)
        %dma_start3A_277 = arith.constant 0 : i32
        %dma_start3A_278 = tpu.memref_slice %arg7[%add3A_270, %dma_start3A_277] : memref<25x128xi32, #tpu.memory_space<vmem>> -> memref<1x128xi32, #tpu.memory_space<vmem>>
        %dma_start3A_279 = tpu.memref_squeeze %dma_start3A_278 : memref<1x128xi32, #tpu.memory_space<vmem>> -> memref<128xi32, #tpu.memory_space<vmem>>
        %dma_start3A_280 = arith.constant 0 : i32
        %dma_start3A_281 = arith.constant 0 : i32
        %dma_start3A_282 = tpu.memref_slice %arg4[%dma_start3A_280, %dma_start3A_281] : memref<100000x64xf32, #tpu.memory_space<hbm>> -> memref<100000x64xf32, #tpu.memory_space<hbm>>
        tpu.enqueue_indirect_dma source(%dma_start3A_282 : memref<100000x64xf32, #tpu.memory_space<hbm>>) target(%arg13 : memref<128x64xf32, #tpu.memory_space<vmem>>) offsets(%dma_start3A_279 : memref<128xi32, #tpu.memory_space<vmem>>) semaphore(%arg18 : memref<!tpu.dma_semaphore, #tpu.memory_space<semaphore_mem>>)
      } else {
      }
      %mul3A_226 = arith.constant 5 : i32
      %mul3A_227 = arith.muli %scan3A_57, %mul3A_226 : i32
      %add3A_228 = arith.constant 4 : i32
      %add3A_229 = arith.addi %mul3A_227, %add3A_228 : i32
      %dma_wait3A_230 = arith.constant 0 : i32
      %dma_wait3A_231 = arith.constant 0 : i32
      %dma_wait3A_232 = tpu.memref_slice %arg6[%dma_wait3A_230, %dma_wait3A_231] : memref<25x128xi32, #tpu.memory_space<vmem>> -> memref<1x128xi32, #tpu.memory_space<vmem>>
      %dma_wait3A_233 = tpu.memref_squeeze %dma_wait3A_232 : memref<1x128xi32, #tpu.memory_space<vmem>> -> memref<128xi32, #tpu.memory_space<vmem>>
      %dma_wait3A_234 = arith.constant 0 : i32
      %dma_wait3A_235 = arith.constant 0 : i32
      %dma_wait3A_236 = tpu.memref_slice %arg4[%dma_wait3A_234, %dma_wait3A_235] : memref<100000x64xf32, #tpu.memory_space<hbm>> -> memref<100000x64xf32, #tpu.memory_space<hbm>>
      tpu.wait_indirect_dma semaphore(%arg22 : memref<!tpu.dma_semaphore, #tpu.memory_space<semaphore_mem>>) src(%dma_wait3A_236 : memref<100000x64xf32, #tpu.memory_space<hbm>>) dst(%arg12 : memref<128x64xf32, #tpu.memory_space<vmem>>)
      %dma_wait3A_237 = arith.constant 0 : i32
      %dma_wait3A_238 = arith.constant 0 : i32
      %dma_wait3A_239 = tpu.memref_slice %arg7[%dma_wait3A_237, %dma_wait3A_238] : memref<25x128xi32, #tpu.memory_space<vmem>> -> memref<1x128xi32, #tpu.memory_space<vmem>>
      %dma_wait3A_240 = tpu.memref_squeeze %dma_wait3A_239 : memref<1x128xi32, #tpu.memory_space<vmem>> -> memref<128xi32, #tpu.memory_space<vmem>>
      %dma_wait3A_241 = arith.constant 0 : i32
      %dma_wait3A_242 = arith.constant 0 : i32
      %dma_wait3A_243 = tpu.memref_slice %arg4[%dma_wait3A_241, %dma_wait3A_242] : memref<100000x64xf32, #tpu.memory_space<hbm>> -> memref<100000x64xf32, #tpu.memory_space<hbm>>
      tpu.wait_indirect_dma semaphore(%arg22 : memref<!tpu.dma_semaphore, #tpu.memory_space<semaphore_mem>>) src(%dma_wait3A_243 : memref<100000x64xf32, #tpu.memory_space<hbm>>) dst(%arg17 : memref<128x64xf32, #tpu.memory_space<vmem>>)
      %mul3A_244 = arith.constant 128 : i32
      %mul3A_245 = arith.muli %add3A_229, %mul3A_244 : i32
      %add3A_246 = arith.addi %mul3A_2, %mul3A_245 : i32
      %dma_start3A_247 = arith.constant 0 : i32
      %dma_start3A_248 = tpu.memref_slice %arg5[%add3A_246, %dma_start3A_247] : memref<102400x128xf32, #tpu.memory_space<hbm>> -> memref<128x64xf32, #tpu.memory_space<hbm>>
      %dma_start3A_249 = arith.constant 0 : i32
      %dma_start3A_250 = tpu.memref_slice %arg5[%add3A_246, %dma_start3A_249] : memref<102400x128xf32, #tpu.memory_space<hbm>> -> memref<128x64xf32, #tpu.memory_space<hbm>>
      tpu.enqueue_dma source(%arg12 : memref<128x64xf32, #tpu.memory_space<vmem>>) target(%dma_start3A_250 : memref<128x64xf32, #tpu.memory_space<hbm>>) target_semaphore(%arg27 : memref<!tpu.dma_semaphore, #tpu.memory_space<semaphore_mem>>)
      %dma_start3A_251 = arith.constant 64 : i32
      %dma_start3A_252 = tpu.memref_slice %arg5[%add3A_246, %dma_start3A_251] : memref<102400x128xf32, #tpu.memory_space<hbm>> -> memref<128x64xf32, #tpu.memory_space<hbm>>
      %dma_start3A_253 = arith.constant 64 : i32
      %dma_start3A_254 = tpu.memref_slice %arg5[%add3A_246, %dma_start3A_253] : memref<102400x128xf32, #tpu.memory_space<hbm>> -> memref<128x64xf32, #tpu.memory_space<hbm>>
      tpu.enqueue_dma source(%arg17 : memref<128x64xf32, #tpu.memory_space<vmem>>) target(%dma_start3A_254 : memref<128x64xf32, #tpu.memory_space<hbm>>) target_semaphore(%arg27 : memref<!tpu.dma_semaphore, #tpu.memory_space<semaphore_mem>>)
      %add3A_255 = arith.constant 2 : i32
      %add3A_256 = arith.addi %add3A_229, %add3A_255 : i32
      %ge3A_257 = arith.constant 5 : i32
      %ge3A_258 = arith.cmpi sge, %add3A_256, %ge3A_257 : i32
      %convert_element_type3A_259 = arith.extui %ge3A_258 : i1 to i32
      %cond3A_260 = arith.constant 0 : i32
      %cond3A_261 = arith.cmpi ne, %convert_element_type3A_259, %cond3A_260 : i32
      scf.if %cond3A_261 {
        %dma_wait3A_269 = arith.constant 0 : i32
        %dma_wait3A_270 = tpu.memref_slice %arg5[%mul3A_2, %dma_wait3A_269] : memref<102400x128xf32, #tpu.memory_space<hbm>> -> memref<128x64xf32, #tpu.memory_space<hbm>>
        %dma_wait3A_271 = arith.constant 0 : i32
        %dma_wait3A_272 = tpu.memref_slice %arg5[%mul3A_2, %dma_wait3A_271] : memref<102400x128xf32, #tpu.memory_space<hbm>> -> memref<128x64xf32, #tpu.memory_space<hbm>>
        tpu.wait_dma2 semaphore(%arg24 : memref<!tpu.dma_semaphore, #tpu.memory_space<semaphore_mem>>) src(%arg9 : memref<128x64xf32, #tpu.memory_space<vmem>>) dst(%dma_wait3A_272 : memref<128x64xf32, #tpu.memory_space<hbm>>)
        %dma_wait3A_273 = arith.constant 64 : i32
        %dma_wait3A_274 = tpu.memref_slice %arg5[%mul3A_2, %dma_wait3A_273] : memref<102400x128xf32, #tpu.memory_space<hbm>> -> memref<128x64xf32, #tpu.memory_space<hbm>>
        %dma_wait3A_275 = arith.constant 64 : i32
        %dma_wait3A_276 = tpu.memref_slice %arg5[%mul3A_2, %dma_wait3A_275] : memref<102400x128xf32, #tpu.memory_space<hbm>> -> memref<128x64xf32, #tpu.memory_space<hbm>>
        tpu.wait_dma2 semaphore(%arg24 : memref<!tpu.dma_semaphore, #tpu.memory_space<semaphore_mem>>) src(%arg14 : memref<128x64xf32, #tpu.memory_space<vmem>>) dst(%dma_wait3A_276 : memref<128x64xf32, #tpu.memory_space<hbm>>)
      } else {
      }
      %add3A_262 = arith.constant 2 : i32
      %add3A_263 = arith.addi %add3A_229, %add3A_262 : i32
      %lt3A_264 = arith.constant 25 : i32
      %lt3A_265 = arith.cmpi slt, %add3A_263, %lt3A_264 : i32
      %convert_element_type3A_266 = arith.extui %lt3A_265 : i1 to i32
      %cond3A_267 = arith.constant 0 : i32
      %cond3A_268 = arith.cmpi ne, %convert_element_type3A_266, %cond3A_267 : i32
      scf.if %cond3A_268 {
        %add3A_269 = arith.constant 2 : i32
        %add3A_270 = arith.addi %add3A_229, %add3A_269 : i32
        %dma_start3A_271 = arith.constant 0 : i32
        %dma_start3A_272 = tpu.memref_slice %arg6[%add3A_270, %dma_start3A_271] : memref<25x128xi32, #tpu.memory_space<vmem>> -> memref<1x128xi32, #tpu.memory_space<vmem>>
        %dma_start3A_273 = tpu.memref_squeeze %dma_start3A_272 : memref<1x128xi32, #tpu.memory_space<vmem>> -> memref<128xi32, #tpu.memory_space<vmem>>
        %dma_start3A_274 = arith.constant 0 : i32
        %dma_start3A_275 = arith.constant 0 : i32
        %dma_start3A_276 = tpu.memref_slice %arg4[%dma_start3A_274, %dma_start3A_275] : memref<100000x64xf32, #tpu.memory_space<hbm>> -> memref<100000x64xf32, #tpu.memory_space<hbm>>
        tpu.enqueue_indirect_dma source(%dma_start3A_276 : memref<100000x64xf32, #tpu.memory_space<hbm>>) target(%arg9 : memref<128x64xf32, #tpu.memory_space<vmem>>) offsets(%dma_start3A_273 : memref<128xi32, #tpu.memory_space<vmem>>) semaphore(%arg19 : memref<!tpu.dma_semaphore, #tpu.memory_space<semaphore_mem>>)
        %dma_start3A_277 = arith.constant 0 : i32
        %dma_start3A_278 = tpu.memref_slice %arg7[%add3A_270, %dma_start3A_277] : memref<25x128xi32, #tpu.memory_space<vmem>> -> memref<1x128xi32, #tpu.memory_space<vmem>>
        %dma_start3A_279 = tpu.memref_squeeze %dma_start3A_278 : memref<1x128xi32, #tpu.memory_space<vmem>> -> memref<128xi32, #tpu.memory_space<vmem>>
        %dma_start3A_280 = arith.constant 0 : i32
        %dma_start3A_281 = arith.constant 0 : i32
        %dma_start3A_282 = tpu.memref_slice %arg4[%dma_start3A_280, %dma_start3A_281] : memref<100000x64xf32, #tpu.memory_space<hbm>> -> memref<100000x64xf32, #tpu.memory_space<hbm>>
        tpu.enqueue_indirect_dma source(%dma_start3A_282 : memref<100000x64xf32, #tpu.memory_space<hbm>>) target(%arg14 : memref<128x64xf32, #tpu.memory_space<vmem>>) offsets(%dma_start3A_279 : memref<128xi32, #tpu.memory_space<vmem>>) semaphore(%arg19 : memref<!tpu.dma_semaphore, #tpu.memory_space<semaphore_mem>>)
      } else {
      }
    }
    %scan3A_33 = arith.constant 5 : i32
    %dma_wait3A = arith.constant 0 : i32
    %dma_wait3A_34 = tpu.memref_slice %arg5[%mul3A_2, %dma_wait3A] : memref<102400x128xf32, #tpu.memory_space<hbm>> -> memref<128x64xf32, #tpu.memory_space<hbm>>
    %dma_wait3A_35 = arith.constant 0 : i32
    %dma_wait3A_36 = tpu.memref_slice %arg5[%mul3A_2, %dma_wait3A_35] : memref<102400x128xf32, #tpu.memory_space<hbm>> -> memref<128x64xf32, #tpu.memory_space<hbm>>
    tpu.wait_dma2 semaphore(%arg25 : memref<!tpu.dma_semaphore, #tpu.memory_space<semaphore_mem>>) src(%arg10 : memref<128x64xf32, #tpu.memory_space<vmem>>) dst(%dma_wait3A_36 : memref<128x64xf32, #tpu.memory_space<hbm>>)
    %dma_wait3A_37 = arith.constant 64 : i32
    %dma_wait3A_38 = tpu.memref_slice %arg5[%mul3A_2, %dma_wait3A_37] : memref<102400x128xf32, #tpu.memory_space<hbm>> -> memref<128x64xf32, #tpu.memory_space<hbm>>
    %dma_wait3A_39 = arith.constant 64 : i32
    %dma_wait3A_40 = tpu.memref_slice %arg5[%mul3A_2, %dma_wait3A_39] : memref<102400x128xf32, #tpu.memory_space<hbm>> -> memref<128x64xf32, #tpu.memory_space<hbm>>
    tpu.wait_dma2 semaphore(%arg25 : memref<!tpu.dma_semaphore, #tpu.memory_space<semaphore_mem>>) src(%arg15 : memref<128x64xf32, #tpu.memory_space<vmem>>) dst(%dma_wait3A_40 : memref<128x64xf32, #tpu.memory_space<hbm>>)
    %dma_wait3A_41 = arith.constant 0 : i32
    %dma_wait3A_42 = tpu.memref_slice %arg5[%mul3A_2, %dma_wait3A_41] : memref<102400x128xf32, #tpu.memory_space<hbm>> -> memref<128x64xf32, #tpu.memory_space<hbm>>
    %dma_wait3A_43 = arith.constant 0 : i32
    %dma_wait3A_44 = tpu.memref_slice %arg5[%mul3A_2, %dma_wait3A_43] : memref<102400x128xf32, #tpu.memory_space<hbm>> -> memref<128x64xf32, #tpu.memory_space<hbm>>
    tpu.wait_dma2 semaphore(%arg26 : memref<!tpu.dma_semaphore, #tpu.memory_space<semaphore_mem>>) src(%arg11 : memref<128x64xf32, #tpu.memory_space<vmem>>) dst(%dma_wait3A_44 : memref<128x64xf32, #tpu.memory_space<hbm>>)
    %dma_wait3A_45 = arith.constant 64 : i32
    %dma_wait3A_46 = tpu.memref_slice %arg5[%mul3A_2, %dma_wait3A_45] : memref<102400x128xf32, #tpu.memory_space<hbm>> -> memref<128x64xf32, #tpu.memory_space<hbm>>
    %dma_wait3A_47 = arith.constant 64 : i32
    %dma_wait3A_48 = tpu.memref_slice %arg5[%mul3A_2, %dma_wait3A_47] : memref<102400x128xf32, #tpu.memory_space<hbm>> -> memref<128x64xf32, #tpu.memory_space<hbm>>
    tpu.wait_dma2 semaphore(%arg26 : memref<!tpu.dma_semaphore, #tpu.memory_space<semaphore_mem>>) src(%arg16 : memref<128x64xf32, #tpu.memory_space<vmem>>) dst(%dma_wait3A_48 : memref<128x64xf32, #tpu.memory_space<hbm>>)
    %dma_wait3A_49 = arith.constant 0 : i32
    %dma_wait3A_50 = tpu.memref_slice %arg5[%mul3A_2, %dma_wait3A_49] : memref<102400x128xf32, #tpu.memory_space<hbm>> -> memref<128x64xf32, #tpu.memory_space<hbm>>
    %dma_wait3A_51 = arith.constant 0 : i32
    %dma_wait3A_52 = tpu.memref_slice %arg5[%mul3A_2, %dma_wait3A_51] : memref<102400x128xf32, #tpu.memory_space<hbm>> -> memref<128x64xf32, #tpu.memory_space<hbm>>
    tpu.wait_dma2 semaphore(%arg27 : memref<!tpu.dma_semaphore, #tpu.memory_space<semaphore_mem>>) src(%arg12 : memref<128x64xf32, #tpu.memory_space<vmem>>) dst(%dma_wait3A_52 : memref<128x64xf32, #tpu.memory_space<hbm>>)
    %dma_wait3A_53 = arith.constant 64 : i32
    %dma_wait3A_54 = tpu.memref_slice %arg5[%mul3A_2, %dma_wait3A_53] : memref<102400x128xf32, #tpu.memory_space<hbm>> -> memref<128x64xf32, #tpu.memory_space<hbm>>
    %dma_wait3A_55 = arith.constant 64 : i32
    %dma_wait3A_56 = tpu.memref_slice %arg5[%mul3A_2, %dma_wait3A_55] : memref<102400x128xf32, #tpu.memory_space<hbm>> -> memref<128x64xf32, #tpu.memory_space<hbm>>
    tpu.wait_dma2 semaphore(%arg27 : memref<!tpu.dma_semaphore, #tpu.memory_space<semaphore_mem>>) src(%arg17 : memref<128x64xf32, #tpu.memory_space<vmem>>) dst(%dma_wait3A_56 : memref<128x64xf32, #tpu.memory_space<hbm>>)
    return
  }
}

module attributes {stable_mosaic.version = 14 : i64} {
  func.func @body(%arg0: memref<200x128xf32, #tpu.memory_space<vmem>>) attributes {dimension_semantics = [], scalar_prefetch = 0 : i64, scratch_operands = 0 : i64, tpu.core_type = #tpu.core_type<tc>} {
    %iota3A = tpu.iota {dimensions = array<i32: 0>} : vector<200x128xi32>
    %convert_element_type3A = arith.sitofp %iota3A : vector<200x128xi32> to vector<200x128xf32>
    %iota3A_0 = tpu.iota {dimensions = array<i32: 1>} : vector<200x128xi32>
    %jit3A = arith.constant 64 : i32
    %eq3A = arith.constant 0 : i32
    %eq3A_1 = arith.cmpi eq, %jit3A, %eq3A : i32
    %jit3A_2 = arith.constant 1 : i32
    %select_n3A = arith.select %eq3A_1, %jit3A_2, %jit3A : i32
    %rem3A = vector.broadcast %select_n3A : i32 to vector<200x128xi32>
    %rem3A_3 = arith.remsi %iota3A_0, %rem3A : vector<200x128xi32>
    %ne3A = arith.constant 0 : i32
    %ne3A_4 = vector.broadcast %ne3A : i32 to vector<200x128xi32>
    %ne3A_5 = arith.cmpi ne, %rem3A_3, %ne3A_4 : vector<200x128xi32>
    %lt3A = arith.constant 0 : i32
    %lt3A_6 = vector.broadcast %lt3A : i32 to vector<200x128xi32>
    %lt3A_7 = arith.cmpi slt, %rem3A_3, %lt3A_6 : vector<200x128xi32>
    %lt3A_8 = arith.constant 0 : i32
    %lt3A_9 = arith.cmpi slt, %select_n3A, %lt3A_8 : i32
    %ne3A_10 = vector.broadcast %lt3A_9 : i1 to vector<200x128xi1>
    %ne3A_11 = vector.broadcast %ne3A_10 : vector<200x128xi1> to vector<200x128xi1>
    %ne3A_12 = arith.xori %lt3A_7, %ne3A_11 : vector<200x128xi1>
    %and3A = arith.andi %ne3A_12, %ne3A_5 : vector<200x128xi1>
    %add3A = vector.broadcast %select_n3A : i32 to vector<200x128xi32>
    %add3A_13 = arith.addi %rem3A_3, %add3A : vector<200x128xi32>
    %select_n3A_14 = arith.select %and3A, %add3A_13, %rem3A_3 : vector<200x128xi1>, vector<200x128xi32>
    %jit3A_15 = arith.constant 2 : i32
    %div3A = vector.broadcast %jit3A_15 : i32 to vector<200x128xi32>
    %div3A_16 = arith.divsi %select_n3A_14, %div3A : vector<200x128xi32>
    %sign3A = arith.constant 0 : i32
    %sign3A_17 = vector.broadcast %sign3A : i32 to vector<200x128xi32>
    %sign3A_18 = arith.cmpi sgt, %select_n3A_14, %sign3A_17 : vector<200x128xi32>
    %sign3A_19 = arith.extui %sign3A_18 : vector<200x128xi1> to vector<200x128xi32>
    %sign3A_20 = arith.constant 0 : i32
    %sign3A_21 = vector.broadcast %sign3A_20 : i32 to vector<200x128xi32>
    %sign3A_22 = arith.cmpi slt, %select_n3A_14, %sign3A_21 : vector<200x128xi32>
    %sign3A_23 = arith.extui %sign3A_22 : vector<200x128xi1> to vector<200x128xi32>
    %sign3A_24 = arith.subi %sign3A_19, %sign3A_23 : vector<200x128xi32>
    %sign3A_25 = arith.constant 0 : i32
    %sign3A_26 = arith.cmpi sgt, %jit3A_15, %sign3A_25 : i32
    %sign3A_27 = arith.extui %sign3A_26 : i1 to i32
    %sign3A_28 = arith.constant 0 : i32
    %sign3A_29 = arith.cmpi slt, %jit3A_15, %sign3A_28 : i32
    %sign3A_30 = arith.extui %sign3A_29 : i1 to i32
    %sign3A_31 = arith.subi %sign3A_27, %sign3A_30 : i32
    %ne3A_32 = vector.broadcast %sign3A_31 : i32 to vector<200x128xi32>
    %ne3A_33 = arith.cmpi ne, %sign3A_24, %ne3A_32 : vector<200x128xi32>
    %rem3A_34 = vector.broadcast %jit3A_15 : i32 to vector<200x128xi32>
    %rem3A_35 = arith.remsi %select_n3A_14, %rem3A_34 : vector<200x128xi32>
    %ne3A_36 = arith.constant 0 : i32
    %ne3A_37 = vector.broadcast %ne3A_36 : i32 to vector<200x128xi32>
    %ne3A_38 = arith.cmpi ne, %rem3A_35, %ne3A_37 : vector<200x128xi32>
    %and3A_39 = arith.andi %ne3A_33, %ne3A_38 : vector<200x128xi1>
    %sub3A = arith.constant 1 : i32
    %sub3A_40 = vector.broadcast %sub3A : i32 to vector<200x128xi32>
    %sub3A_41 = arith.subi %div3A_16, %sub3A_40 : vector<200x128xi32>
    %select_n3A_42 = arith.select %and3A_39, %sub3A_41, %div3A_16 : vector<200x128xi1>, vector<200x128xi32>
    %convert_element_type3A_43 = arith.sitofp %select_n3A_42 : vector<200x128xi32> to vector<200x128xf32>
    %mul3A = arith.constant -0.287823141 : f32
    %mul3A_44 = vector.broadcast %mul3A : f32 to vector<200x128xf32>
    %mul3A_45 = arith.mulf %convert_element_type3A_43, %mul3A_44 : vector<200x128xf32>
    %exp3A = math.exp %mul3A_45 : vector<200x128xf32>
    %mul3A_46 = arith.mulf %convert_element_type3A, %exp3A : vector<200x128xf32>
    %jit3A_47 = arith.constant 2 : i32
    %eq3A_48 = arith.constant 0 : i32
    %eq3A_49 = arith.cmpi eq, %jit3A_47, %eq3A_48 : i32
    %jit3A_50 = arith.constant 1 : i32
    %select_n3A_51 = arith.select %eq3A_49, %jit3A_50, %jit3A_47 : i32
    %rem3A_52 = vector.broadcast %select_n3A_51 : i32 to vector<200x128xi32>
    %rem3A_53 = arith.remsi %select_n3A_14, %rem3A_52 : vector<200x128xi32>
    %ne3A_54 = arith.constant 0 : i32
    %ne3A_55 = vector.broadcast %ne3A_54 : i32 to vector<200x128xi32>
    %ne3A_56 = arith.cmpi ne, %rem3A_53, %ne3A_55 : vector<200x128xi32>
    %lt3A_57 = arith.constant 0 : i32
    %lt3A_58 = vector.broadcast %lt3A_57 : i32 to vector<200x128xi32>
    %lt3A_59 = arith.cmpi slt, %rem3A_53, %lt3A_58 : vector<200x128xi32>
    %lt3A_60 = arith.constant 0 : i32
    %lt3A_61 = arith.cmpi slt, %select_n3A_51, %lt3A_60 : i32
    %ne3A_62 = vector.broadcast %lt3A_61 : i1 to vector<200x128xi1>
    %ne3A_63 = vector.broadcast %ne3A_62 : vector<200x128xi1> to vector<200x128xi1>
    %ne3A_64 = arith.xori %lt3A_59, %ne3A_63 : vector<200x128xi1>
    %and3A_65 = arith.andi %ne3A_64, %ne3A_56 : vector<200x128xi1>
    %add3A_66 = vector.broadcast %select_n3A_51 : i32 to vector<200x128xi32>
    %add3A_67 = arith.addi %rem3A_53, %add3A_66 : vector<200x128xi32>
    %select_n3A_68 = arith.select %and3A_65, %add3A_67, %rem3A_53 : vector<200x128xi1>, vector<200x128xi32>
    %eq3A_69 = arith.constant 0 : i32
    %eq3A_70 = vector.broadcast %eq3A_69 : i32 to vector<200x128xi32>
    %eq3A_71 = arith.cmpi eq, %select_n3A_68, %eq3A_70 : vector<200x128xi32>
    %sin3A = math.sin %mul3A_46 : vector<200x128xf32>
    %cos3A = math.cos %mul3A_46 : vector<200x128xf32>
    %select_n3A_72 = arith.select %eq3A_71, %sin3A, %cos3A : vector<200x128xi1>, vector<200x128xf32>
    %swap3A = arith.constant 0 : index
    %swap3A_73 = arith.constant 0 : index
    %swap3A_74 = vector.load %arg0[%swap3A, %swap3A_73] : memref<200x128xf32, #tpu.memory_space<vmem>>, vector<200x128xf32>
    tpu.vector_store %arg0[%swap3A, %swap3A_73], %select_n3A_72 {strides = array<i32>} : memref<200x128xf32, #tpu.memory_space<vmem>>, vector<200x128xf32>,
    return
  }
}

module attributes {stable_mosaic.version = 14 : i64} {
  func.func @body(%arg0: i32, %arg1: memref<3200x128xf32, #tpu.memory_space<vmem>>, %arg2: memref<200x128xf32, #tpu.memory_space<vmem>>, %arg3: memref<1x128xf32, #tpu.memory_space<vmem>>, %arg4: memref<1x128xf32, #tpu.memory_space<vmem>>, %arg5: memref<128x128xf32, #tpu.memory_space<vmem>>, %arg6: memref<32x200x64xf32, #tpu.memory_space<vmem>>) attributes {dimension_semantics = [#tpu.dimension_semantics<arbitrary>], iteration_bounds = array<i64: 32>, scalar_prefetch = 0 : i64, scratch_operands = 0 : i64, tpu.core_type = #tpu.core_type<tc>, window_params = [{transform_indices = @transform_0, window_bounds = array<i64: 3200, 128>}, {pipeline_mode = #tpu.pipeline_mode<synchronous>, transform_indices = @transform_1, window_bounds = array<i64: 200, 128>}, {pipeline_mode = #tpu.pipeline_mode<synchronous>, transform_indices = @transform_2, window_bounds = array<i64: 1, 128>}, {pipeline_mode = #tpu.pipeline_mode<synchronous>, transform_indices = @transform_3, window_bounds = array<i64: 1, 128>}, {pipeline_mode = #tpu.pipeline_mode<synchronous>, transform_indices = @transform_4, window_bounds = array<i64: 128, 128>}, {transform_indices = @transform_5, window_bounds = array<i64: 32, 200, 64>}]} {
    %get3A = arith.constant 0 : index
    %get3A_0 = arith.constant 0 : index
    %get3A_1 = vector.load %arg1[%get3A, %get3A_0] : memref<3200x128xf32, #tpu.memory_space<vmem>>, vector<3200x128xf32>
    %reshape3A = vector.shape_cast %get3A_1 : vector<3200x128xf32> to vector<16x200x128xf32>
    %get3A_2 = arith.constant 0 : index
    %get3A_3 = arith.constant 0 : index
    %get3A_4 = vector.load %arg2[%get3A_2, %get3A_3] : memref<200x128xf32, #tpu.memory_space<vmem>>, vector<200x128xf32>
    %broadcast_in_dim3A = vector.shape_cast %get3A_4 : vector<200x128xf32> to vector<1x200x128xf32>
    %add3A = vector.broadcast %broadcast_in_dim3A : vector<1x200x128xf32> to vector<16x200x128xf32>
    %add3A_5 = arith.addf %reshape3A, %add3A : vector<16x200x128xf32>
    %reshape3A_6 = vector.shape_cast %add3A_5 : vector<16x200x128xf32> to vector<3200x128xf32>
    %get3A_7 = arith.constant 0 : index
    %get3A_8 = arith.constant 0 : index
    %get3A_9 = vector.load %arg5[%get3A_7, %get3A_8] : memref<128x128xf32, #tpu.memory_space<vmem>>, vector<128x128xf32>
    %dot_general3A = arith.constant dense<0.000000e+00> : vector<3200x128xf32>
    %dot_general3A_10 = tpu.matmul %reshape3A_6, %get3A_9, %dot_general3A {dimension_numbers = #tpu.dot_dimension_numbers<[1], [0], [0], [1], [0, 0, 1, 1], [], []>, transpose_lhs_hint = false} : vector<3200x128xf32>, vector<128x128xf32>, vector<3200x128xf32> -> vector<3200x128xf32>
    %sub3A = arith.subf %reshape3A_6, %dot_general3A_10 : vector<3200x128xf32>
    %mul3A = arith.mulf %sub3A, %sub3A : vector<3200x128xf32>
    %dot_general3A_11 = arith.constant dense<0.000000e+00> : vector<3200x128xf32>
    %dot_general3A_12 = tpu.matmul %mul3A, %get3A_9, %dot_general3A_11 {dimension_numbers = #tpu.dot_dimension_numbers<[1], [0], [0], [1], [0, 0, 1, 1], [], []>, transpose_lhs_hint = false} : vector<3200x128xf32>, vector<128x128xf32>, vector<3200x128xf32> -> vector<3200x128xf32>
    %add3A_13 = arith.constant 9.99999974E-6 : f32
    %add3A_14 = vector.broadcast %add3A_13 : f32 to vector<3200x128xf32>
    %add3A_15 = arith.addf %dot_general3A_12, %add3A_14 : vector<3200x128xf32>
    %rsqrt3A = math.rsqrt %add3A_15 : vector<3200x128xf32>
    %mul3A_16 = arith.mulf %sub3A, %rsqrt3A : vector<3200x128xf32>
    %get3A_17 = arith.constant 0 : index
    %get3A_18 = arith.constant 0 : index
    %get3A_19 = vector.load %arg3[%get3A_17, %get3A_18] : memref<1x128xf32, #tpu.memory_space<vmem>>, vector<1x128xf32>
    %mul3A_20 = vector.broadcast %get3A_19 : vector<1x128xf32> to vector<3200x128xf32>
    %mul3A_21 = arith.mulf %mul3A_16, %mul3A_20 : vector<3200x128xf32>
    %get3A_22 = arith.constant 0 : index
    %get3A_23 = arith.constant 0 : index
    %get3A_24 = vector.load %arg4[%get3A_22, %get3A_23] : memref<1x128xf32, #tpu.memory_space<vmem>>, vector<1x128xf32>
    %add3A_25 = vector.broadcast %get3A_24 : vector<1x128xf32> to vector<3200x128xf32>
    %add3A_26 = arith.addf %mul3A_21, %add3A_25 : vector<3200x128xf32>
    %slice3A = vector.extract_strided_slice %add3A_26 {offsets = [0, 0], sizes = [3200, 64], strides = [1, 1]} : vector<3200x128xf32> to vector<3200x64xf32>
    %reshape3A_27 = vector.shape_cast %slice3A : vector<3200x64xf32> to vector<16x200x64xf32>
    %slice3A_28 = vector.extract_strided_slice %add3A_26 {offsets = [0, 64], sizes = [3200, 64], strides = [1, 1]} : vector<3200x128xf32> to vector<3200x64xf32>
    %reshape3A_29 = vector.shape_cast %slice3A_28 : vector<3200x64xf32> to vector<16x200x64xf32>
    %concatenate3A = tpu.concatenate %reshape3A_27, %reshape3A_29 in 0 : vector<16x200x64xf32>, vector<16x200x64xf32> -> vector<32x200x64xf32>
    %swap3A = arith.constant 0 : index
    %swap3A_30 = arith.constant 0 : index
    %swap3A_31 = arith.constant 0 : index
    %swap3A_32 = vector.load %arg6[%swap3A, %swap3A_30, %swap3A_31] : memref<32x200x64xf32, #tpu.memory_space<vmem>>, vector<32x200x64xf32>
    tpu.vector_store %arg6[%swap3A, %swap3A_30, %swap3A_31], %concatenate3A {strides = array<i32>} : memref<32x200x64xf32, #tpu.memory_space<vmem>>, vector<32x200x64xf32>,
    return
  }
  func.func @transform_0(%arg0: i32) -> (i32, i32) {
    %c0_i32 = arith.constant 0 : i32
    %c0_i32_0 = arith.constant 0 : i32
    return %arg0, %c0_i32 : i32, i32
  }
  func.func @transform_1(%arg0: i32) -> (i32, i32) {
    %c0_i32 = arith.constant 0 : i32
    %c0_i32_0 = arith.constant 0 : i32
    %c0_i32_1 = arith.constant 0 : i32
    return %c0_i32, %c0_i32_0 : i32, i32
  }
  func.func @transform_2(%arg0: i32) -> (i32, i32) {
    %c0_i32 = arith.constant 0 : i32
    %c0_i32_0 = arith.constant 0 : i32
    %c0_i32_1 = arith.constant 0 : i32
    return %c0_i32, %c0_i32_0 : i32, i32
  }
  func.func @transform_3(%arg0: i32) -> (i32, i32) {
    %c0_i32 = arith.constant 0 : i32
    %c0_i32_0 = arith.constant 0 : i32
    %c0_i32_1 = arith.constant 0 : i32
    return %c0_i32, %c0_i32_0 : i32, i32
  }
  func.func @transform_4(%arg0: i32) -> (i32, i32) {
    %c0_i32 = arith.constant 0 : i32
    %c0_i32_0 = arith.constant 0 : i32
    %c0_i32_1 = arith.constant 0 : i32
    return %c0_i32, %c0_i32_0 : i32, i32
  }
  func.func @transform_5(%arg0: i32) -> (i32, i32, i32) {
    %add3A = arith.constant 0 : i32
    %add3A_0 = arith.addi %add3A, %arg0 : i32
    %c0_i32 = arith.constant 0 : i32
    %c0_i32_1 = arith.constant 0 : i32
    %c0_i32_2 = arith.constant 0 : i32
    return %add3A_0, %c0_i32, %c0_i32_1 : i32, i32, i32
  }
}

module attributes {stable_mosaic.version = 14 : i64} {
  func.func @body(%arg0: i32, %arg1: memref<4096x200x64xf32, #tpu.memory_space<any>>, %arg2: memref<3200x128xf32, #tpu.memory_space<vmem>>, %arg3: memref<200x128xf32, #tpu.memory_space<vmem>>, %arg4: memref<1x128xf32, #tpu.memory_space<vmem>>, %arg5: memref<1x128xf32, #tpu.memory_space<vmem>>, %arg6: memref<128x128xf32, #tpu.memory_space<vmem>>, %arg7: memref<32x200x64xf32, #tpu.memory_space<vmem>>) attributes {dimension_semantics = [#tpu.dimension_semantics<arbitrary>], iteration_bounds = array<i64: 32>, scalar_prefetch = 0 : i64, scratch_operands = 0 : i64, tpu.core_type = #tpu.core_type<tc>, window_params = [{}, {transform_indices = @transform_1, window_bounds = array<i64: 3200, 128>}, {pipeline_mode = #tpu.pipeline_mode<synchronous>, transform_indices = @transform_2, window_bounds = array<i64: 200, 128>}, {pipeline_mode = #tpu.pipeline_mode<synchronous>, transform_indices = @transform_3, window_bounds = array<i64: 1, 128>}, {pipeline_mode = #tpu.pipeline_mode<synchronous>, transform_indices = @transform_4, window_bounds = array<i64: 1, 128>}, {pipeline_mode = #tpu.pipeline_mode<synchronous>, transform_indices = @transform_5, window_bounds = array<i64: 128, 128>}, {transform_indices = @transform_6, window_bounds = array<i64: 32, 200, 64>}]} {
    %get3A = arith.constant 0 : index
    %get3A_0 = arith.constant 0 : index
    %get3A_1 = vector.load %arg2[%get3A, %get3A_0] : memref<3200x128xf32, #tpu.memory_space<vmem>>, vector<3200x128xf32>
    %reshape3A = vector.shape_cast %get3A_1 : vector<3200x128xf32> to vector<16x200x128xf32>
    %get3A_2 = arith.constant 0 : index
    %get3A_3 = arith.constant 0 : index
    %get3A_4 = vector.load %arg3[%get3A_2, %get3A_3] : memref<200x128xf32, #tpu.memory_space<vmem>>, vector<200x128xf32>
    %broadcast_in_dim3A = vector.shape_cast %get3A_4 : vector<200x128xf32> to vector<1x200x128xf32>
    %add3A = vector.broadcast %broadcast_in_dim3A : vector<1x200x128xf32> to vector<16x200x128xf32>
    %add3A_5 = arith.addf %reshape3A, %add3A : vector<16x200x128xf32>
    %reshape3A_6 = vector.shape_cast %add3A_5 : vector<16x200x128xf32> to vector<3200x128xf32>
    %get3A_7 = arith.constant 0 : index
    %get3A_8 = arith.constant 0 : index
    %get3A_9 = vector.load %arg6[%get3A_7, %get3A_8] : memref<128x128xf32, #tpu.memory_space<vmem>>, vector<128x128xf32>
    %dot_general3A = arith.constant dense<0.000000e+00> : vector<3200x128xf32>
    %dot_general3A_10 = tpu.matmul %reshape3A_6, %get3A_9, %dot_general3A {dimension_numbers = #tpu.dot_dimension_numbers<[1], [0], [0], [1], [0, 0, 1, 1], [], []>, transpose_lhs_hint = false} : vector<3200x128xf32>, vector<128x128xf32>, vector<3200x128xf32> -> vector<3200x128xf32>
    %sub3A = arith.subf %reshape3A_6, %dot_general3A_10 : vector<3200x128xf32>
    %mul3A = arith.mulf %sub3A, %sub3A : vector<3200x128xf32>
    %dot_general3A_11 = arith.constant dense<0.000000e+00> : vector<3200x128xf32>
    %dot_general3A_12 = tpu.matmul %mul3A, %get3A_9, %dot_general3A_11 {dimension_numbers = #tpu.dot_dimension_numbers<[1], [0], [0], [1], [0, 0, 1, 1], [], []>, transpose_lhs_hint = false} : vector<3200x128xf32>, vector<128x128xf32>, vector<3200x128xf32> -> vector<3200x128xf32>
    %add3A_13 = arith.constant 9.99999974E-6 : f32
    %add3A_14 = vector.broadcast %add3A_13 : f32 to vector<3200x128xf32>
    %add3A_15 = arith.addf %dot_general3A_12, %add3A_14 : vector<3200x128xf32>
    %rsqrt3A = math.rsqrt %add3A_15 : vector<3200x128xf32>
    %mul3A_16 = arith.mulf %sub3A, %rsqrt3A : vector<3200x128xf32>
    %get3A_17 = arith.constant 0 : index
    %get3A_18 = arith.constant 0 : index
    %get3A_19 = vector.load %arg4[%get3A_17, %get3A_18] : memref<1x128xf32, #tpu.memory_space<vmem>>, vector<1x128xf32>
    %mul3A_20 = vector.broadcast %get3A_19 : vector<1x128xf32> to vector<3200x128xf32>
    %mul3A_21 = arith.mulf %mul3A_16, %mul3A_20 : vector<3200x128xf32>
    %get3A_22 = arith.constant 0 : index
    %get3A_23 = arith.constant 0 : index
    %get3A_24 = vector.load %arg5[%get3A_22, %get3A_23] : memref<1x128xf32, #tpu.memory_space<vmem>>, vector<1x128xf32>
    %add3A_25 = vector.broadcast %get3A_24 : vector<1x128xf32> to vector<3200x128xf32>
    %add3A_26 = arith.addf %mul3A_21, %add3A_25 : vector<3200x128xf32>
    %slice3A = vector.extract_strided_slice %add3A_26 {offsets = [0, 0], sizes = [3200, 64], strides = [1, 1]} : vector<3200x128xf32> to vector<3200x64xf32>
    %reshape3A_27 = vector.shape_cast %slice3A : vector<3200x64xf32> to vector<16x200x64xf32>
    %slice3A_28 = vector.extract_strided_slice %add3A_26 {offsets = [0, 64], sizes = [3200, 64], strides = [1, 1]} : vector<3200x128xf32> to vector<3200x64xf32>
    %reshape3A_29 = vector.shape_cast %slice3A_28 : vector<3200x64xf32> to vector<16x200x64xf32>
    %concatenate3A = tpu.concatenate %reshape3A_27, %reshape3A_29 in 0 : vector<16x200x64xf32>, vector<16x200x64xf32> -> vector<32x200x64xf32>
    %swap3A = arith.constant 0 : index
    %swap3A_30 = arith.constant 0 : index
    %swap3A_31 = arith.constant 0 : index
    %swap3A_32 = vector.load %arg7[%swap3A, %swap3A_30, %swap3A_31] : memref<32x200x64xf32, #tpu.memory_space<vmem>>, vector<32x200x64xf32>
    tpu.vector_store %arg7[%swap3A, %swap3A_30, %swap3A_31], %concatenate3A {strides = array<i32>} : memref<32x200x64xf32, #tpu.memory_space<vmem>>, vector<32x200x64xf32>,
    return
  }
  func.func @transform_1(%arg0: i32) -> (i32, i32) {
    %c0_i32 = arith.constant 0 : i32
    %c0_i32_0 = arith.constant 0 : i32
    return %arg0, %c0_i32 : i32, i32
  }
  func.func @transform_2(%arg0: i32) -> (i32, i32) {
    %c0_i32 = arith.constant 0 : i32
    %c0_i32_0 = arith.constant 0 : i32
    %c0_i32_1 = arith.constant 0 : i32
    return %c0_i32, %c0_i32_0 : i32, i32
  }
  func.func @transform_3(%arg0: i32) -> (i32, i32) {
    %c0_i32 = arith.constant 0 : i32
    %c0_i32_0 = arith.constant 0 : i32
    %c0_i32_1 = arith.constant 0 : i32
    return %c0_i32, %c0_i32_0 : i32, i32
  }
  func.func @transform_4(%arg0: i32) -> (i32, i32) {
    %c0_i32 = arith.constant 0 : i32
    %c0_i32_0 = arith.constant 0 : i32
    %c0_i32_1 = arith.constant 0 : i32
    return %c0_i32, %c0_i32_0 : i32, i32
  }
  func.func @transform_5(%arg0: i32) -> (i32, i32) {
    %c0_i32 = arith.constant 0 : i32
    %c0_i32_0 = arith.constant 0 : i32
    %c0_i32_1 = arith.constant 0 : i32
    return %c0_i32, %c0_i32_0 : i32, i32
  }
  func.func @transform_6(%arg0: i32) -> (i32, i32, i32) {
    %add3A = arith.constant 32 : i32
    %add3A_0 = arith.addi %add3A, %arg0 : i32
    %c0_i32 = arith.constant 0 : i32
    %c0_i32_1 = arith.constant 0 : i32
    %c0_i32_2 = arith.constant 0 : i32
    return %add3A_0, %c0_i32, %c0_i32_1 : i32, i32, i32
  }
}

module attributes {stable_mosaic.version = 14 : i64} {
  func.func @body(%arg0: i32, %arg1: memref<4096x200x64xf32, #tpu.memory_space<any>>, %arg2: memref<3200x128xf32, #tpu.memory_space<vmem>>, %arg3: memref<200x128xf32, #tpu.memory_space<vmem>>, %arg4: memref<1x128xf32, #tpu.memory_space<vmem>>, %arg5: memref<1x128xf32, #tpu.memory_space<vmem>>, %arg6: memref<128x128xf32, #tpu.memory_space<vmem>>, %arg7: memref<32x200x64xf32, #tpu.memory_space<vmem>>) attributes {dimension_semantics = [#tpu.dimension_semantics<arbitrary>], iteration_bounds = array<i64: 32>, scalar_prefetch = 0 : i64, scratch_operands = 0 : i64, tpu.core_type = #tpu.core_type<tc>, window_params = [{}, {transform_indices = @transform_1, window_bounds = array<i64: 3200, 128>}, {pipeline_mode = #tpu.pipeline_mode<synchronous>, transform_indices = @transform_2, window_bounds = array<i64: 200, 128>}, {pipeline_mode = #tpu.pipeline_mode<synchronous>, transform_indices = @transform_3, window_bounds = array<i64: 1, 128>}, {pipeline_mode = #tpu.pipeline_mode<synchronous>, transform_indices = @transform_4, window_bounds = array<i64: 1, 128>}, {pipeline_mode = #tpu.pipeline_mode<synchronous>, transform_indices = @transform_5, window_bounds = array<i64: 128, 128>}, {transform_indices = @transform_6, window_bounds = array<i64: 32, 200, 64>}]} {
    %get3A = arith.constant 0 : index
    %get3A_0 = arith.constant 0 : index
    %get3A_1 = vector.load %arg2[%get3A, %get3A_0] : memref<3200x128xf32, #tpu.memory_space<vmem>>, vector<3200x128xf32>
    %reshape3A = vector.shape_cast %get3A_1 : vector<3200x128xf32> to vector<16x200x128xf32>
    %get3A_2 = arith.constant 0 : index
    %get3A_3 = arith.constant 0 : index
    %get3A_4 = vector.load %arg3[%get3A_2, %get3A_3] : memref<200x128xf32, #tpu.memory_space<vmem>>, vector<200x128xf32>
    %broadcast_in_dim3A = vector.shape_cast %get3A_4 : vector<200x128xf32> to vector<1x200x128xf32>
    %add3A = vector.broadcast %broadcast_in_dim3A : vector<1x200x128xf32> to vector<16x200x128xf32>
    %add3A_5 = arith.addf %reshape3A, %add3A : vector<16x200x128xf32>
    %reshape3A_6 = vector.shape_cast %add3A_5 : vector<16x200x128xf32> to vector<3200x128xf32>
    %get3A_7 = arith.constant 0 : index
    %get3A_8 = arith.constant 0 : index
    %get3A_9 = vector.load %arg6[%get3A_7, %get3A_8] : memref<128x128xf32, #tpu.memory_space<vmem>>, vector<128x128xf32>
    %dot_general3A = arith.constant dense<0.000000e+00> : vector<3200x128xf32>
    %dot_general3A_10 = tpu.matmul %reshape3A_6, %get3A_9, %dot_general3A {dimension_numbers = #tpu.dot_dimension_numbers<[1], [0], [0], [1], [0, 0, 1, 1], [], []>, transpose_lhs_hint = false} : vector<3200x128xf32>, vector<128x128xf32>, vector<3200x128xf32> -> vector<3200x128xf32>
    %sub3A = arith.subf %reshape3A_6, %dot_general3A_10 : vector<3200x128xf32>
    %mul3A = arith.mulf %sub3A, %sub3A : vector<3200x128xf32>
    %dot_general3A_11 = arith.constant dense<0.000000e+00> : vector<3200x128xf32>
    %dot_general3A_12 = tpu.matmul %mul3A, %get3A_9, %dot_general3A_11 {dimension_numbers = #tpu.dot_dimension_numbers<[1], [0], [0], [1], [0, 0, 1, 1], [], []>, transpose_lhs_hint = false} : vector<3200x128xf32>, vector<128x128xf32>, vector<3200x128xf32> -> vector<3200x128xf32>
    %add3A_13 = arith.constant 9.99999974E-6 : f32
    %add3A_14 = vector.broadcast %add3A_13 : f32 to vector<3200x128xf32>
    %add3A_15 = arith.addf %dot_general3A_12, %add3A_14 : vector<3200x128xf32>
    %rsqrt3A = math.rsqrt %add3A_15 : vector<3200x128xf32>
    %mul3A_16 = arith.mulf %sub3A, %rsqrt3A : vector<3200x128xf32>
    %get3A_17 = arith.constant 0 : index
    %get3A_18 = arith.constant 0 : index
    %get3A_19 = vector.load %arg4[%get3A_17, %get3A_18] : memref<1x128xf32, #tpu.memory_space<vmem>>, vector<1x128xf32>
    %mul3A_20 = vector.broadcast %get3A_19 : vector<1x128xf32> to vector<3200x128xf32>
    %mul3A_21 = arith.mulf %mul3A_16, %mul3A_20 : vector<3200x128xf32>
    %get3A_22 = arith.constant 0 : index
    %get3A_23 = arith.constant 0 : index
    %get3A_24 = vector.load %arg5[%get3A_22, %get3A_23] : memref<1x128xf32, #tpu.memory_space<vmem>>, vector<1x128xf32>
    %add3A_25 = vector.broadcast %get3A_24 : vector<1x128xf32> to vector<3200x128xf32>
    %add3A_26 = arith.addf %mul3A_21, %add3A_25 : vector<3200x128xf32>
    %slice3A = vector.extract_strided_slice %add3A_26 {offsets = [0, 0], sizes = [3200, 64], strides = [1, 1]} : vector<3200x128xf32> to vector<3200x64xf32>
    %reshape3A_27 = vector.shape_cast %slice3A : vector<3200x64xf32> to vector<16x200x64xf32>
    %slice3A_28 = vector.extract_strided_slice %add3A_26 {offsets = [0, 64], sizes = [3200, 64], strides = [1, 1]} : vector<3200x128xf32> to vector<3200x64xf32>
    %reshape3A_29 = vector.shape_cast %slice3A_28 : vector<3200x64xf32> to vector<16x200x64xf32>
    %concatenate3A = tpu.concatenate %reshape3A_27, %reshape3A_29 in 0 : vector<16x200x64xf32>, vector<16x200x64xf32> -> vector<32x200x64xf32>
    %swap3A = arith.constant 0 : index
    %swap3A_30 = arith.constant 0 : index
    %swap3A_31 = arith.constant 0 : index
    %swap3A_32 = vector.load %arg7[%swap3A, %swap3A_30, %swap3A_31] : memref<32x200x64xf32, #tpu.memory_space<vmem>>, vector<32x200x64xf32>
    tpu.vector_store %arg7[%swap3A, %swap3A_30, %swap3A_31], %concatenate3A {strides = array<i32>} : memref<32x200x64xf32, #tpu.memory_space<vmem>>, vector<32x200x64xf32>,
    return
  }
  func.func @transform_1(%arg0: i32) -> (i32, i32) {
    %c0_i32 = arith.constant 0 : i32
    %c0_i32_0 = arith.constant 0 : i32
    return %arg0, %c0_i32 : i32, i32
  }
  func.func @transform_2(%arg0: i32) -> (i32, i32) {
    %c0_i32 = arith.constant 0 : i32
    %c0_i32_0 = arith.constant 0 : i32
    %c0_i32_1 = arith.constant 0 : i32
    return %c0_i32, %c0_i32_0 : i32, i32
  }
  func.func @transform_3(%arg0: i32) -> (i32, i32) {
    %c0_i32 = arith.constant 0 : i32
    %c0_i32_0 = arith.constant 0 : i32
    %c0_i32_1 = arith.constant 0 : i32
    return %c0_i32, %c0_i32_0 : i32, i32
  }
  func.func @transform_4(%arg0: i32) -> (i32, i32) {
    %c0_i32 = arith.constant 0 : i32
    %c0_i32_0 = arith.constant 0 : i32
    %c0_i32_1 = arith.constant 0 : i32
    return %c0_i32, %c0_i32_0 : i32, i32
  }
  func.func @transform_5(%arg0: i32) -> (i32, i32) {
    %c0_i32 = arith.constant 0 : i32
    %c0_i32_0 = arith.constant 0 : i32
    %c0_i32_1 = arith.constant 0 : i32
    return %c0_i32, %c0_i32_0 : i32, i32
  }
  func.func @transform_6(%arg0: i32) -> (i32, i32, i32) {
    %add3A = arith.constant 64 : i32
    %add3A_0 = arith.addi %add3A, %arg0 : i32
    %c0_i32 = arith.constant 0 : i32
    %c0_i32_1 = arith.constant 0 : i32
    %c0_i32_2 = arith.constant 0 : i32
    return %add3A_0, %c0_i32, %c0_i32_1 : i32, i32, i32
  }
}

module attributes {stable_mosaic.version = 14 : i64} {
  func.func @body(%arg0: i32, %arg1: memref<4096x200x64xf32, #tpu.memory_space<any>>, %arg2: memref<3200x128xf32, #tpu.memory_space<vmem>>, %arg3: memref<200x128xf32, #tpu.memory_space<vmem>>, %arg4: memref<1x128xf32, #tpu.memory_space<vmem>>, %arg5: memref<1x128xf32, #tpu.memory_space<vmem>>, %arg6: memref<128x128xf32, #tpu.memory_space<vmem>>, %arg7: memref<32x200x64xf32, #tpu.memory_space<vmem>>) attributes {dimension_semantics = [#tpu.dimension_semantics<arbitrary>], iteration_bounds = array<i64: 32>, scalar_prefetch = 0 : i64, scratch_operands = 0 : i64, tpu.core_type = #tpu.core_type<tc>, window_params = [{}, {transform_indices = @transform_1, window_bounds = array<i64: 3200, 128>}, {pipeline_mode = #tpu.pipeline_mode<synchronous>, transform_indices = @transform_2, window_bounds = array<i64: 200, 128>}, {pipeline_mode = #tpu.pipeline_mode<synchronous>, transform_indices = @transform_3, window_bounds = array<i64: 1, 128>}, {pipeline_mode = #tpu.pipeline_mode<synchronous>, transform_indices = @transform_4, window_bounds = array<i64: 1, 128>}, {pipeline_mode = #tpu.pipeline_mode<synchronous>, transform_indices = @transform_5, window_bounds = array<i64: 128, 128>}, {transform_indices = @transform_6, window_bounds = array<i64: 32, 200, 64>}]} {
    %get3A = arith.constant 0 : index
    %get3A_0 = arith.constant 0 : index
    %get3A_1 = vector.load %arg2[%get3A, %get3A_0] : memref<3200x128xf32, #tpu.memory_space<vmem>>, vector<3200x128xf32>
    %reshape3A = vector.shape_cast %get3A_1 : vector<3200x128xf32> to vector<16x200x128xf32>
    %get3A_2 = arith.constant 0 : index
    %get3A_3 = arith.constant 0 : index
    %get3A_4 = vector.load %arg3[%get3A_2, %get3A_3] : memref<200x128xf32, #tpu.memory_space<vmem>>, vector<200x128xf32>
    %broadcast_in_dim3A = vector.shape_cast %get3A_4 : vector<200x128xf32> to vector<1x200x128xf32>
    %add3A = vector.broadcast %broadcast_in_dim3A : vector<1x200x128xf32> to vector<16x200x128xf32>
    %add3A_5 = arith.addf %reshape3A, %add3A : vector<16x200x128xf32>
    %reshape3A_6 = vector.shape_cast %add3A_5 : vector<16x200x128xf32> to vector<3200x128xf32>
    %get3A_7 = arith.constant 0 : index
    %get3A_8 = arith.constant 0 : index
    %get3A_9 = vector.load %arg6[%get3A_7, %get3A_8] : memref<128x128xf32, #tpu.memory_space<vmem>>, vector<128x128xf32>
    %dot_general3A = arith.constant dense<0.000000e+00> : vector<3200x128xf32>
    %dot_general3A_10 = tpu.matmul %reshape3A_6, %get3A_9, %dot_general3A {dimension_numbers = #tpu.dot_dimension_numbers<[1], [0], [0], [1], [0, 0, 1, 1], [], []>, transpose_lhs_hint = false} : vector<3200x128xf32>, vector<128x128xf32>, vector<3200x128xf32> -> vector<3200x128xf32>
    %sub3A = arith.subf %reshape3A_6, %dot_general3A_10 : vector<3200x128xf32>
    %mul3A = arith.mulf %sub3A, %sub3A : vector<3200x128xf32>
    %dot_general3A_11 = arith.constant dense<0.000000e+00> : vector<3200x128xf32>
    %dot_general3A_12 = tpu.matmul %mul3A, %get3A_9, %dot_general3A_11 {dimension_numbers = #tpu.dot_dimension_numbers<[1], [0], [0], [1], [0, 0, 1, 1], [], []>, transpose_lhs_hint = false} : vector<3200x128xf32>, vector<128x128xf32>, vector<3200x128xf32> -> vector<3200x128xf32>
    %add3A_13 = arith.constant 9.99999974E-6 : f32
    %add3A_14 = vector.broadcast %add3A_13 : f32 to vector<3200x128xf32>
    %add3A_15 = arith.addf %dot_general3A_12, %add3A_14 : vector<3200x128xf32>
    %rsqrt3A = math.rsqrt %add3A_15 : vector<3200x128xf32>
    %mul3A_16 = arith.mulf %sub3A, %rsqrt3A : vector<3200x128xf32>
    %get3A_17 = arith.constant 0 : index
    %get3A_18 = arith.constant 0 : index
    %get3A_19 = vector.load %arg4[%get3A_17, %get3A_18] : memref<1x128xf32, #tpu.memory_space<vmem>>, vector<1x128xf32>
    %mul3A_20 = vector.broadcast %get3A_19 : vector<1x128xf32> to vector<3200x128xf32>
    %mul3A_21 = arith.mulf %mul3A_16, %mul3A_20 : vector<3200x128xf32>
    %get3A_22 = arith.constant 0 : index
    %get3A_23 = arith.constant 0 : index
    %get3A_24 = vector.load %arg5[%get3A_22, %get3A_23] : memref<1x128xf32, #tpu.memory_space<vmem>>, vector<1x128xf32>
    %add3A_25 = vector.broadcast %get3A_24 : vector<1x128xf32> to vector<3200x128xf32>
    %add3A_26 = arith.addf %mul3A_21, %add3A_25 : vector<3200x128xf32>
    %slice3A = vector.extract_strided_slice %add3A_26 {offsets = [0, 0], sizes = [3200, 64], strides = [1, 1]} : vector<3200x128xf32> to vector<3200x64xf32>
    %reshape3A_27 = vector.shape_cast %slice3A : vector<3200x64xf32> to vector<16x200x64xf32>
    %slice3A_28 = vector.extract_strided_slice %add3A_26 {offsets = [0, 64], sizes = [3200, 64], strides = [1, 1]} : vector<3200x128xf32> to vector<3200x64xf32>
    %reshape3A_29 = vector.shape_cast %slice3A_28 : vector<3200x64xf32> to vector<16x200x64xf32>
    %concatenate3A = tpu.concatenate %reshape3A_27, %reshape3A_29 in 0 : vector<16x200x64xf32>, vector<16x200x64xf32> -> vector<32x200x64xf32>
    %swap3A = arith.constant 0 : index
    %swap3A_30 = arith.constant 0 : index
    %swap3A_31 = arith.constant 0 : index
    %swap3A_32 = vector.load %arg7[%swap3A, %swap3A_30, %swap3A_31] : memref<32x200x64xf32, #tpu.memory_space<vmem>>, vector<32x200x64xf32>
    tpu.vector_store %arg7[%swap3A, %swap3A_30, %swap3A_31], %concatenate3A {strides = array<i32>} : memref<32x200x64xf32, #tpu.memory_space<vmem>>, vector<32x200x64xf32>,
    return
  }
  func.func @transform_1(%arg0: i32) -> (i32, i32) {
    %c0_i32 = arith.constant 0 : i32
    %c0_i32_0 = arith.constant 0 : i32
    return %arg0, %c0_i32 : i32, i32
  }
  func.func @transform_2(%arg0: i32) -> (i32, i32) {
    %c0_i32 = arith.constant 0 : i32
    %c0_i32_0 = arith.constant 0 : i32
    %c0_i32_1 = arith.constant 0 : i32
    return %c0_i32, %c0_i32_0 : i32, i32
  }
  func.func @transform_3(%arg0: i32) -> (i32, i32) {
    %c0_i32 = arith.constant 0 : i32
    %c0_i32_0 = arith.constant 0 : i32
    %c0_i32_1 = arith.constant 0 : i32
    return %c0_i32, %c0_i32_0 : i32, i32
  }
  func.func @transform_4(%arg0: i32) -> (i32, i32) {
    %c0_i32 = arith.constant 0 : i32
    %c0_i32_0 = arith.constant 0 : i32
    %c0_i32_1 = arith.constant 0 : i32
    return %c0_i32, %c0_i32_0 : i32, i32
  }
  func.func @transform_5(%arg0: i32) -> (i32, i32) {
    %c0_i32 = arith.constant 0 : i32
    %c0_i32_0 = arith.constant 0 : i32
    %c0_i32_1 = arith.constant 0 : i32
    return %c0_i32, %c0_i32_0 : i32, i32
  }
  func.func @transform_6(%arg0: i32) -> (i32, i32, i32) {
    %add3A = arith.constant 96 : i32
    %add3A_0 = arith.addi %add3A, %arg0 : i32
    %c0_i32 = arith.constant 0 : i32
    %c0_i32_1 = arith.constant 0 : i32
    %c0_i32_2 = arith.constant 0 : i32
    return %add3A_0, %c0_i32, %c0_i32_1 : i32, i32, i32
  }
}

</mosaic_0001>

<sc_bundles>
// kernel: kernel.11.cloned.1.call-start
scs
__scs_entry_jumppad:
0x0: {  	(pc) =	sbr.rel $0x88, $3  }
0x1: {  	(tag) =	ssettag $0x0;
	lr =	simm.s32 $0x1  }
0x2: {  	[smem:$0x3F9D] =	sst lr;
	_ =	strace $0xD0000000  }
0x3: {  	_ = 	snop  }
0x4: {  	_ = 	snop  }
0x5: {  	_ = 	snop  }
0x6: {  	_ = 	snop  }
0x7: {  	_ = 	snop  }
__scs_overlays_trampoline_lowered:
0x8: {  	[smem:$0x3FAC] =	sst s0  }
0x9: {  	[smem:$0x3FAD] =	sst s1  }
0xa: {  	[smem:$0x3FAE] =	sst s2  }
0xb: {  	[smem:$0x3FAF] =	sst s3  }
0xc: {  	[smem:$0x3FB0] =	sst s4  }
0xd: {  	[smem:$0x3FB1] =	sst s5  }
0xe: {  	[smem:$0x3FB2] =	sst s6  }
0xf: {  	[smem:$0x3FB3] =	sst s7  }
0x10: {  	[smem:$0x3FB4] =	sst s8  }
0x11: {  	[smem:$0x3FB5] =	sst s9;
	s0 =	simm.s32 @!p0 $0x0  }
0x12: {  	s1 =	sld [smem:$0x3F9B];
	s0 =	simm.s32 @p0 $0x1  }
0x13: {  	[smem:$0x3FB6] =	sst s0;
	s0 =	simm.s32 @!p1 $0x0  }
0x14: {  	s2 =	sld [smem:$0x3F9A];
	s0 =	simm.s32 @p1 $0x1  }
0x15: {  	[smem:$0x3FB7] =	sst s0;
	s0 =	simm.s32 @!p2 $0x0  }
0x16: {  	s3 =	sld [smem:$0x3FDB];
	s0 =	simm.s32 @p2 $0x1  }
0x17: {  	s4 =	simm.s32 $0x1BF5;
	[smem:$0x3FB9] =	sst s0  }
0x18: {  	s0 =	sld [smem:$0x3F9C];
	_ =	swait.ge [sflag:s4], $0x0  }
0x19: {  	s7 =	sld [smem:$0x3F9D]  }
0x1a: {  	s8 =	sadd.s32 $0xFFFFE003, lr  }
0x1b: {  	s9 =	sadd.s32 $0xFFFFFEF7, lr;
	s5 =	simm.s32 $0xFFFFFFFF;
	p2 =	slt.u32 s8, $0xFFFFF086  }
0x1c: {  	p1 =	slt.u32 s9, $0xF7A;
	s5 =	simm.s32 @!p2 $0x0  }
0x1d: {  	s5 =	simm.s32 @p1 $0x1;
	p0 =	seq.s32 s7, s2  }
0x1e: {  	s7 =	smul.u32 @!p0 $0xF7A, s2;
	p2 =	seq.s32 @!p0 s5, $0x0  }
0x1f: {  	s9 =	smul.u32 $0xF7A, s1;
	s8 =	simm.s32 @!p0 $0x1BF5;
	p2 =	por !p2, p0  }
0x20: {  	[sflag:s8] =	ssyncset.s32 @!p0 $0xFFFFF086;
	s6 =	sadd.s32 @!p0 s3, s7;
	s7 =	simm.s32 @!p0 $0x108  }
0x21: {  	s3 =	sadd.s32 s3, s9;
	s6 =	sadd.s32 @!p0 $0x88, s6;
	s7 =	simm.s32 @p2 $0x1082  }
0x22: {  	[simem:s7], [sflag:s8] =	dma.local @!p0 [hbm:s6], $0xF7A  }
0x23: {  	s9 =	sor.u32 $0xD0000000, s2;
	s6 =	simm.s32 $0x108;
	_ =	swait.ge @!p0 [sflag:s8], $0x0  }
0x24: {  	s3 =	sadd.s32 $0x88, s3;
	s6 =	simm.s32 @!p1 $0x1082;
	[sflag:s4] =	ssyncset.s32 $0xFFFFF086  }
0x25: {  	[simem:s6], [sflag:s4] =	dma.local [hbm:s3], $0xF7A  }
0x26: {  	[smem:$0x3F9D] =	sst s1;
	(tag) =	ssettag s2;
	_ =	strace s9  }
0x27: {  	s1 =	sld [smem:$0x3FAD]  }
0x28: {  	s2 =	sld [smem:$0x3FAE]  }
0x29: {  	s4 =	sld [smem:$0x3FB0]  }
0x2a: {  	p0 =	seq.s32 s5, $0x0;
	s5 =	sld [smem:$0x3FB1]  }
0x2b: {  	s6 =	sld [smem:$0x3FB2]  }
0x2c: {  	s7 =	sld [smem:$0x3FB3]  }
0x2d: {  	s3 =	simm.s32 $0x108;
	s8 =	sld [smem:$0x3FB4]  }
0x2e: {  	s3 =	simm.s32 @!p0 $0x1082;
	s9 =	sld [smem:$0x3FB5]  }
0x2f: {  	lr =	sadd.s32 s0, s3;
	s0 =	sld [smem:$0x3FAC]  }
0x30: {  	s3 =	sld [smem:$0x3FAF]  }
0x31: {  	[smem:$0x3FB8] =	sst s10  }
0x32: {  	s10 =	sld [smem:$0x3FB6];
	_ =	sdelay $0x3  }
0x33: {  	p0 =	seq.s32 s10, $0x1;
	s10 =	sld [smem:$0x3FB8];
	_ =	sdelay $0x3  }
0x34: {  	[smem:$0x3FB8] =	sst s10  }
0x35: {  	s10 =	sld [smem:$0x3FB7];
	_ =	sdelay $0x3  }
0x36: {  	p1 =	seq.s32 s10, $0x1;
	s10 =	sld [smem:$0x3FB8];
	_ =	sdelay $0x3  }
0x37: {  	[smem:$0x3FB8] =	sst s10  }
0x38: {  	s10 =	sld [smem:$0x3FB9]  }
0x39: {  	_ = 	snop;
	(pc) =	sbr.ind lr, $3  }
0x3a: {  	_ = 	snop  }
0x3b: {  	_ = 	snop  }
0x3c: {  	p2 =	seq.s32 s10, $0x1;
	s10 =	sld [smem:$0x3FB8]  }
0x3d: {  	_ =	shalt  }
0x3e: {  	_ =	shalt  }
0x3f: {  	_ =	shalt  }
0x40: {  	_ =	shalt  }
0x41: {  	_ =	shalt  }
0x42: {  	_ =	shalt  }
0x43: {  	_ =	shalt  }
0x44: {  	_ =	shalt  }
0x45: {  	_ =	shalt  }
0x46: {  	_ =	shalt  }
0x47: {  	_ =	shalt  }
0x48: {  	_ =	shalt  }
0x49: {  	_ =	shalt  }
0x4a: {  	_ =	shalt  }
0x4b: {  	_ =	shalt  }
0x4c: {  	_ =	shalt  }
0x4d: {  	_ =	shalt  }
0x4e: {  	_ =	shalt  }
0x4f: {  	_ =	shalt  }
0x50: {  	_ =	shalt  }
0x51: {  	_ =	shalt  }
0x52: {  	_ =	shalt  }
0x53: {  	_ =	shalt  }
0x54: {  	_ =	shalt  }
0x55: {  	_ =	shalt  }
0x56: {  	_ =	shalt  }
0x57: {  	_ =	shalt  }
0x58: {  	_ =	shalt  }
0x59: {  	_ =	shalt  }
0x5a: {  	_ =	shalt  }
0x5b: {  	_ =	shalt  }
0x5c: {  	_ =	shalt  }
0x5d: {  	_ =	shalt  }
0x5e: {  	_ =	shalt  }
0x5f: {  	_ =	shalt  }
0x60: {  	_ =	shalt  }
0x61: {  	_ =	shalt  }
0x62: {  	_ =	shalt  }
0x63: {  	_ =	shalt  }
0x64: {  	_ =	shalt  }
0x65: {  	_ =	shalt  }
0x66: {  	_ =	shalt  }
0x67: {  	_ =	shalt  }
0x68: {  	_ =	shalt  }
0x69: {  	_ =	shalt  }
0x6a: {  	_ =	shalt  }
0x6b: {  	_ =	shalt  }
0x6c: {  	_ =	shalt  }
0x6d: {  	_ =	shalt  }
0x6e: {  	_ =	shalt  }
0x6f: {  	_ =	shalt  }
0x70: {  	_ =	shalt  }
0x71: {  	_ =	shalt  }
0x72: {  	_ =	shalt  }
0x73: {  	_ =	shalt  }
0x74: {  	_ =	shalt  }
0x75: {  	_ =	shalt  }
0x76: {  	_ =	shalt  }
0x77: {  	_ =	shalt  }
0x78: {  	_ =	shalt  }
0x79: {  	_ =	shalt  }
0x7a: {  	_ =	shalt  }
0x7b: {  	_ =	shalt  }
0x7c: {  	_ =	shalt  }
0x7d: {  	_ =	shalt  }
0x7e: {  	_ =	shalt  }
0x7f: {  	_ =	shalt  }
0x80: {  	_ =	shalt  }
0x81: {  	_ =	shalt  }
0x82: {  	_ =	shalt  }
0x83: {  	_ =	shalt  }
0x84: {  	_ =	shalt  }
0x85: {  	_ =	shalt  }
0x86: {  	_ =	shalt  }
0x87: {  	_ =	shalt  }
.Lfunc_end0:
.L_simem_size_0:
called_computation_lowered:
.L_overlay_start_0:
0x88: {  	s2 =	sld [smem:$0x3FD9]  }
0x89: {  	s3 =	sld [smem:$0x3FFE];
	_ =	sdelay $0x1  }
0x8a: {  	s1 =	srdreg.scid  }
0x8b: {  	s0 =	sand.u32 $0x1, s1  }
0x8c: {  	s16 =	sshll.u32 s0, $0xA;
	s2 =	sadd.s32 s3, s2  }
0x8d: {  	s2 =	sadd.s32 s2, s16  }
0x8e: {  	[smem:$0x3FC4] =	sst s2  }
0x8f: {  	_ = 	snop  }
0x90: {  	(tm) =	ssettm $0x1  }
0x91: {  	s17 =	sld [smem:$0x3FFB];
	_ =	sdelay $0x3  }
0x92: {  	_ =	strace s17  }
0x93: {  	s2 =	sld [smem:$0x3FFC];
	_ =	sdelay $0x3  }
0x94: {  	_ =	strace s2  }
0x95: {  	s2 =	sld [smem:$0x3FFD];
	_ =	sdelay $0x3  }
0x96: {  	_ =	strace s2  }
0x97: {  	_ =	strace $0x8FFFFFFF  }
0x98: {  	s18 =	sld [smem:$0x3FDB];
	_ =	sdelay $0x1  }
0x99: {  	s19 =	simm.s32 $_scs_section_size  }
0x9a: {  	s4 =	simm.s32 $_size__tile_overlayer_lowered;
	s5 =	simm.s32 $_tile_overlayer_lowered  }
0x9b: {  	s22 =	simm.s32 $0x1BFF;
	s21 =	sshll.u32 s5, $0x1;
	s2 =	sadd.s32 s19, s18  }
0x9c: {  	s6 =	simm.s32 $0x0;
	s20 =	sshll.u32 s4, $0x1;
	s4 =	sadd.s32 s21, s2  }
0x9d: {  	[timem:s6], [sflag:s22] =	dma.local [hbm:s4], s20  }
0x9e: {  	_ =	swait.ge [sflag:s22], s20  }
0x9f: {  	s3 =	ssub.s32 $0x0, s20;
	[sflag:s22] =	ssyncset.done $0x0  }
0xa0: {  	[sflag:s22] =	ssyncadd.s32 s3;
	_ =	sdelay $0x1  }
0xa1: {  	s23 =	simm.s32 $0x1B8B  }
0xa2: {  	_ =	swait.ge [sflag:s23], $0x1  }
0xa3: {  	[sflag:s23] =	ssyncset.done $0x0  }
0xa4: {  	s25 =	simm.s32 $0x1B8E;
	s24 =	sld [smem:$0x3FFE];
	[sflag:s23] =	ssyncadd.s32 $0xFFFFFFFF  }
0xa5: {  	s26 =	simm.s32 $execute0_lowered;
	[smem:$0x3FD2] =	sst s25  }
0xa6: {  	s4 =	sshll.u32 s26, $0x1;
	_ =	strace $0x80000046;
	[dreg:$0x1] =	wrdreg $0xFFFFFFFF  }
0xa7: {  	s28 =	simm.s32 $_size_execute0_lowered;
	s2 =	sadd.s32 s2, s4;
	[dreg:$0x0] =	wrdreg $0x0  }
0xa8: {  	s4 =	sshll.u32 s28, $0x1;
	[dreg:$0x2] =	wrdreg s2  }
0xa9: {  	[dreg:$0x3] =	wrdreg s4  }
0xaa: {  	[dreg:$0x4] =	wrdreg $0xC0  }
0xab: {  	_ =	task [dreg:s6], $0x5FFFF  }
0xac: {  	[dreg:$0x1] =	wrdreg $0xFFFFFFFF  }
0xad: {  	[dreg:$0x0] =	wrdreg $0x60  }
0xae: {  	[dreg:$0x2] =	wrdreg s24  }
0xaf: {  	[dreg:$0x3] =	wrdreg $0x9  }
0xb0: {  	_ =	task.clear_ibuf [dreg:s6], $0x4FFFF;
	_ =	strace $0x90000046  }
0xb1: {  	s29 =	simm.s32 $0x9;
	_ =	strace $0x80000048  }
0xb2: {  	_ =	swait.ge [sflag:s29], $0x1  }
0xb3: {  	[sflag:s29] =	ssyncadd.s32 $0xFFFFFFFF  }
0xb4: {  	_ =	strace $0x90000048  }
0xb5: {  	_ =	sfence  }
0xb6: {  	s30 =	sld [smem:$0x0];
	_ =	sdelay $0x2  }
0xb7: {  	s31 =	sshll.u32 s1, $0xD;
	s1 =	sshrl.u32 s1, $0x2  }
0xb8: {  	s3 =	sand.u32 $0x4000, s31;
	s1 =	sadd.s32 s1, s30  }
0xb9: {  	s0 =	sor.u32 s3, s0;
	s1 =	sshll.u32 s1, $0x11  }
0xba: {  	s0 =	sor.u32 s1, s0  }
0xbb: {  	s0 =	sadd.s32 $0x8F2B, s0  }
0xbc: {  	[sflag:s0] =	ssyncadd.remote.s32 $0x1  }
0xbd: {  	_ =	sfence.sel $0xFFFF  }
0xbe: {  	[dreg:$0x0] =	wrdreg $0xFFFFFFFF;
	(pc) =	sbr.abs _section_cstart, $3  }
0xbf: {  	[dreg:$0x1] =	wrdreg $0xFFFFFFFF  }
0xc0: {  	_ =	task.clear_ibuf [dreg:s6], $0x2FFFF;
	_ =	strace $0x9FFFFFFF  }
0xc1: {  	(tm) =	ssettm $0x7FFFFFFF  }
tec
execute0_lowered:
.L_overlay_start_1:
0x0: {  	(tag) =	ssettag $0x1  }
0x1: {  	s0 =	srdreg.scid  }
0x2: {  	s7 =	stileid.u32;
	s2 =	rddreg [dreg:$0x0]  }
0x3: {  	s3 =	simm.s32 $0x0;
	s13 =	simm.s32 $0x80;
	s14 =	simm.s32 $0x1900  }
0x4: {  	s15 =	simm.s32 $0xB900;
	s16 =	simm.s32 $0x3900;
	s18 =	simm.s32 $0xD900  }
0x5: {  	s19 =	simm.s32 $0x1;
	s28 =	simm.s32 $0x9900;
	s29 =	simm.s32 $0x13900  }
0x6: {  	s30 =	simm.s32 $0x4;
	s31 =	simm.s32 $0x6;
	s5 =	smul.u32 $0x19000, s7  }
0x7: {  	s0 =	sand.u32 $0x1, s0;
	s1 =	sshll.u32 s7, $0x1;
	s7 =	smul.u32 $0xC8000, s7  }
0x8: {  	[smem:$0x7FF] =	sst s3;
	s3 =	sadd.s32 $0x1A00, s2;
	s20 =	smul.u32 $0x64000, s0  }
0x9: {  	s1 =	sor.u32 s0, s1;
	s4 =	ssub.s32 $0x2, s0;
	s0 =	smul.u32 $0xC800, s0  }
0xa: {  	_ =	strace $0x80000047;
	s1 =	smul.u32 $0xC80, s1;
	s6 =	sshrl.u32 s4, $0x1  }
0xb: {  	s4 =	ssub.s32 s4, s6;
	s23 =	sadd.s32 s20, s7;
	s20 =	simm.s32 $0x40  }
0xc: {  	s1 =	sshrl.u32 s1, $0x3;
	s21 =	smax.u32 s4, $0x1;
	s24 =	sadd.s32 $0x10000, s23  }
0xd: {  	s25 =	sadd.s32 $0xC000, s23;
	s4 =	sadd.s32 $0x8000, s23;
	s23 =	simm.s32 $0x2  }
0xe: {  	s1 =	sadd.s32 s1, s2;
	s2 =	sadd.s32 $0xCB400, s2;
	[dreg:$0x4] =	wrdreg s21  }
0xf: {  	s26 =	sshrl.u32 s4, $0x3;
	s21 =	simm.s32 $0x5900;
	s8 =	sadd.s32 $0xC8200, s1  }
0x10: {  	s1 =	sadd.s32 $0xC5000, s1;
	s22 =	sadd.s32 s5, s2;
	s10 =	sadd.s32 s26, s2  }
.Ltmp0:
0x11: {  	s26 =	simm.s32 $0x3;
	[dreg:$0x2] =	wrdreg s8;
	(pc) =	sbr.rel .LBB2_1-.Ltmp0, $4  }
0x12: {  	s5 =	simm.s32 $0x0;
	[dreg:$0x3] =	wrdreg s1;
	s7 =	sadd.s32 s0, s22  }
0x13: {  	s0 =	sshrl.u32 s24, $0x3;
	s1 =	sshrl.u32 s25, $0x3;
	s22 =	simm.s32 $0xF900  }
0x14: {  	s24 =	simm.s32 $0x7900;
	s25 =	simm.s32 $0x11900;
	s8 =	sadd.s32 s0, s2  }
0x15: {  	s9 =	sadd.s32 s1, s2;
	s1 =	simm.s32 $0x5;
	s0 =	simm.s32 $0x7  }
.LBB2_4:
0x16: {  	s2 =	simm.s32 $0x8  }
0x17: {  	_ =	swait.ge [sflag:s2], $0x2000  }
0x18: {  	[sflag:s2] =	ssyncset.done $0x0  }
0x19: {  	[sflag:s2] =	ssyncadd.s32 $0xFFFFE000  }
0x1a: {  	_ =	swait.ge [sflag:s2], $0x2000  }
0x1b: {  	[sflag:s2] =	ssyncset.done $0x0  }
0x1c: {  	s12 =	simm.s32 $0x9;
	[sflag:s2] =	ssyncadd.s32 $0xFFFFE000  }
0x1d: {  	_ =	swait.ge [sflag:s12], $0x2000  }
0x1e: {  	[sflag:s12] =	ssyncset.done $0x0  }
0x1f: {  	[sflag:s12] =	ssyncadd.s32 $0xFFFFE000  }
0x20: {  	_ =	swait.ge [sflag:s12], $0x2000  }
0x21: {  	[sflag:s12] =	ssyncset.done $0x0  }
0x22: {  	s4 =	simm.s32 $0xA;
	[sflag:s12] =	ssyncadd.s32 $0xFFFFE000  }
0x23: {  	_ =	swait.ge [sflag:s4], $0x2000  }
0x24: {  	[sflag:s4] =	ssyncset.done $0x0  }
0x25: {  	[sflag:s4] =	ssyncadd.s32 $0xFFFFE000  }
0x26: {  	_ =	swait.ge [sflag:s4], $0x2000  }
0x27: {  	s5 =	rddreg [dreg:$0x5]  }
0x28: {  	s17 =	rddreg [dreg:$0x4];
	s5 =	sadd.s32 $0x1, s5  }
0x29: {  	p0 =	sne.s32 s5, s17  }
.Ltmp1:
0x2a: {  	_ = 	snop;
	(pc) =	sbr.rel @!p0 .LBB2_5-.Ltmp1, $3  }
0x2b: {  	_ =	sdelay $0x1  }
0x2c: {  	[sflag:s4] =	ssyncset.done $0x0  }
0x2d: {  	[sflag:s4] =	ssyncadd.s32 $0xFFFFE000  }
.LBB2_1:
0x2e: {  	[dreg:$0x5] =	wrdreg s5  }
0x2f: {  	s2 =	simm.s32 $0x0;
	s4 =	rddreg [dreg:$0x2];
	s11 =	simm.s32 $0xB  }
0x30: {  	[tilespmem:s2], [sflag:$0xB] =	stream.linear.gather [hbm4b:s4+s2], $0xC80, $0x38;
	[tilespmem:$0x15900] =	vst v63  }
0x31: {  	_ =	swait.ge [sflag:s11], $0xC80  }
0x32: {  	[sflag:s11] =	ssyncset.done $0x0  }
0x33: {  	s6 =	simm.s32 $0xC80;
	s12 =	rddreg [dreg:$0x3];
	[sflag:s11] =	ssyncadd.s32 $0xFFFFF380  }
0x34: {  	[tilespmem:s6], [sflag:$0xB] =	stream.linear.gather [hbm4b:s12+s2], $0xC80, $0x38;
	[tilespmem:$0x15900] =	vst v63  }
0x35: {  	_ =	swait.ge [sflag:s11], $0xC80  }
0x36: {  	[sflag:s11] =	ssyncset.done $0x0  }
0x37: {  	[sflag:s11] =	ssyncadd.s32 $0xFFFFF380  }
0x38: {  	[tilespmem:s14], [sflag:$0x1] =	stream.indirect.gather [hbm4b:s3+s13], $0x40, s2, s13, $0xb8;
	[tilespmem:$0x15900] =	vst v63  }
0x39: {  	_ = 	snop  }
0x3a: {  	[tilespmem:s15], [sflag:$0x1] =	stream.indirect.gather [hbm4b:s3+s13], $0x40, s6, s13, $0xb8;
	[tilespmem:$0x15900] =	vst v63  }
0x3b: {  	_ = 	snop  }
0x3c: {  	[tilespmem:s16], [sflag:$0x2] =	stream.indirect.gather [hbm4b:s3+s13], $0x40, s13, s13, $0xb8;
	[tilespmem:$0x15900] =	vst v63  }
0x3d: {  	s17 =	simm.s32 $0xD00;
	s12 =	simm.s32 $0x0;
	s2 =	simm.s32 $0x0  }
0x3e: {  	[tilespmem:s18], [sflag:$0x2] =	stream.indirect.gather [hbm4b:s3+s13], $0x40, s17, s13, $0xb8;
	[tilespmem:$0x15900] =	vst v63  }
.LBB2_2:
0x3f: {  	_ =	swait.ge [sflag:s19], $0x2000  }
0x40: {  	[sflag:s19] =	ssyncset.done $0x0  }
0x41: {  	[sflag:s19] =	ssyncadd.s32 $0xFFFFE000  }
0x42: {  	_ =	swait.ge [sflag:s19], $0x2000  }
0x43: {  	[sflag:s19] =	ssyncset.done $0x0  }
0x44: {  	s17 =	sadd.s32 s2, s7;
	p0 =	seq.s32 s2, $0x0;
	[sflag:s19] =	ssyncadd.s32 $0xFFFFE000  }
0x45: {  	[hbm4b:s17+s20] =	stream.strided.scatter [tilespmem:s14], [sflag:$0x6], $0x2000, s13, s20, $0x38;
	[tilespmem:$0x15900] =	vst v63  }
0x46: {  	s11 =	sadd.s32 $0x8, s17;
	s4 =	simm.s32 @!p0 $0x8  }
0x47: {  	[hbm4b:s11+s20] =	stream.strided.scatter [tilespmem:s15], [sflag:$0x6], $0x2000, s13, s20, $0x38;
	[tilespmem:$0x15900] =	vst v63  }
0x48: {  	_ =	swait.ge @!p0 [sflag:s4], $0x2000  }
0x49: {  	[sflag:s4] =	ssyncset.done @!p0 $0x0  }
0x4a: {  	[sflag:s4] =	ssyncadd.s32 @!p0 $0xFFFFE000  }
0x4b: {  	_ =	swait.ge @!p0 [sflag:s4], $0x2000  }
0x4c: {  	s11 =	sshra.s32 s12, $0x2;
	[sflag:s4] =	ssyncset.done @!p0 $0x0  }
0x4d: {  	s5 =	sadd.s32 $0x100, s11;
	[sflag:s4] =	ssyncadd.s32 @!p0 $0xFFFFE000  }
0x4e: {  	[tilespmem:s21], [sflag:$0x3] =	stream.indirect.gather [hbm4b:s3+s13], $0x40, s5, s13, $0xb8;
	[tilespmem:$0x15900] =	vst v63  }
0x4f: {  	s6 =	sadd.s32 $0xD80, s11  }
0x50: {  	[tilespmem:s22], [sflag:$0x3] =	stream.indirect.gather [hbm4b:s3+s13], $0x40, s6, s13, $0xb8;
	[tilespmem:$0x15900] =	vst v63  }
0x51: {  	_ =	swait.ge [sflag:s23], $0x2000  }
0x52: {  	[sflag:s23] =	ssyncset.done $0x0  }
0x53: {  	[sflag:s23] =	ssyncadd.s32 $0xFFFFE000  }
0x54: {  	_ =	swait.ge [sflag:s23], $0x2000  }
0x55: {  	[sflag:s23] =	ssyncset.done $0x0  }
0x56: {  	s5 =	sadd.s32 $0x800, s17;
	[sflag:s23] =	ssyncadd.s32 $0xFFFFE000  }
0x57: {  	[hbm4b:s5+s20] =	stream.strided.scatter [tilespmem:s16], [sflag:$0x7], $0x2000, s13, s20, $0x38;
	[tilespmem:$0x15900] =	vst v63  }
0x58: {  	s4 =	simm.s32 @!p0 $0x9;
	s6 =	sadd.s32 $0x808, s17  }
0x59: {  	[hbm4b:s6+s20] =	stream.strided.scatter [tilespmem:s18], [sflag:$0x7], $0x2000, s13, s20, $0x38;
	[tilespmem:$0x15900] =	vst v63  }
0x5a: {  	_ =	swait.ge @!p0 [sflag:s4], $0x2000  }
0x5b: {  	[sflag:s4] =	ssyncset.done @!p0 $0x0  }
0x5c: {  	[sflag:s4] =	ssyncadd.s32 @!p0 $0xFFFFE000  }
0x5d: {  	_ =	swait.ge @!p0 [sflag:s4], $0x2000  }
0x5e: {  	[sflag:s4] =	ssyncset.done @!p0 $0x0  }
0x5f: {  	s17 =	sadd.s32 $0x180, s11;
	[sflag:s4] =	ssyncadd.s32 @!p0 $0xFFFFE000  }
0x60: {  	[tilespmem:s24], [sflag:$0x4] =	stream.indirect.gather [hbm4b:s3+s13], $0x40, s17, s13, $0xb8;
	[tilespmem:$0x15900] =	vst v63  }
0x61: {  	s5 =	sadd.s32 $0xE00, s11  }
0x62: {  	[tilespmem:s25], [sflag:$0x4] =	stream.indirect.gather [hbm4b:s3+s13], $0x40, s5, s13, $0xb8;
	[tilespmem:$0x15900] =	vst v63  }
0x63: {  	_ =	swait.ge [sflag:s26], $0x2000  }
0x64: {  	[sflag:s26] =	ssyncset.done $0x0  }
0x65: {  	[sflag:s26] =	ssyncadd.s32 $0xFFFFE000  }
0x66: {  	_ =	swait.ge [sflag:s26], $0x2000  }
0x67: {  	[sflag:s26] =	ssyncset.done $0x0  }
0x68: {  	s6 =	sadd.s32 s2, s10;
	[sflag:s26] =	ssyncadd.s32 $0xFFFFE000  }
0x69: {  	[hbm4b:s6+s20] =	stream.strided.scatter [tilespmem:s21], [sflag:$0x8], $0x2000, s13, s20, $0x38;
	[tilespmem:$0x15900] =	vst v63  }
0x6a: {  	s4 =	sadd.s32 $0x8, s6  }
0x6b: {  	[hbm4b:s4+s20] =	stream.strided.scatter [tilespmem:s22], [sflag:$0x8], $0x2000, s13, s20, $0x38;
	[tilespmem:$0x15900] =	vst v63  }
0x6c: {  	s4 =	simm.s32 @!p0 $0xA  }
0x6d: {  	_ =	swait.ge @!p0 [sflag:s4], $0x2000  }
0x6e: {  	[sflag:s4] =	ssyncset.done @!p0 $0x0  }
0x6f: {  	[sflag:s4] =	ssyncadd.s32 @!p0 $0xFFFFE000  }
0x70: {  	_ =	swait.ge @!p0 [sflag:s4], $0x2000  }
0x71: {  	[sflag:s4] =	ssyncset.done @!p0 $0x0  }
0x72: {  	s17 =	sadd.s32 $0x200, s11;
	[sflag:s4] =	ssyncadd.s32 @!p0 $0xFFFFE000  }
0x73: {  	[tilespmem:s28], [sflag:$0x5] =	stream.indirect.gather [hbm4b:s3+s13], $0x40, s17, s13, $0xb8;
	[tilespmem:$0x15900] =	vst v63  }
0x74: {  	s5 =	sadd.s32 $0xE80, s11  }
0x75: {  	[tilespmem:s29], [sflag:$0x5] =	stream.indirect.gather [hbm4b:s3+s13], $0x40, s5, s13, $0xb8;
	[tilespmem:$0x15900] =	vst v63  }
0x76: {  	_ =	swait.ge [sflag:s30], $0x2000  }
0x77: {  	[sflag:s30] =	ssyncset.done $0x0  }
0x78: {  	[sflag:s30] =	ssyncadd.s32 $0xFFFFE000  }
0x79: {  	_ =	swait.ge [sflag:s30], $0x2000  }
0x7a: {  	[sflag:s30] =	ssyncset.done $0x0  }
0x7b: {  	s6 =	sadd.s32 s2, s9;
	[sflag:s30] =	ssyncadd.s32 $0xFFFFE000  }
0x7c: {  	[hbm4b:s6+s20] =	stream.strided.scatter [tilespmem:s24], [sflag:$0x9], $0x2000, s13, s20, $0x38;
	[tilespmem:$0x15900] =	vst v63  }
0x7d: {  	s4 =	sadd.s32 $0x8, s6  }
0x7e: {  	[hbm4b:s4+s20] =	stream.strided.scatter [tilespmem:s25], [sflag:$0x9], $0x2000, s13, s20, $0x38;
	[tilespmem:$0x15900] =	vst v63  }
0x7f: {  	_ =	swait.ge [sflag:s31], $0x2000  }
0x80: {  	[sflag:s31] =	ssyncset.done $0x0  }
0x81: {  	[sflag:s31] =	ssyncadd.s32 $0xFFFFE000  }
0x82: {  	p0 =	seq.s32 s2, $0xA000;
	_ =	swait.ge [sflag:s31], $0x2000  }
0x83: {  	s5 =	simm.s32 @!p0 $0x80;
	s4 =	sshra.s32 @!p0 s12, $0x2;
	[sflag:s31] =	ssyncset.done $0x0  }
0x84: {  	s6 =	simm.s32 @!p0 $0x1900;
	s17 =	sadd.s32 @!p0 $0x280, s4;
	[sflag:s31] =	ssyncadd.s32 $0xFFFFE000  }
0x85: {  	[tilespmem:s6], [sflag:$0x1] =	stream.indirect.gather @!p0 [hbm4b:s3+s5], $0x40, s17, s5, $0xb8;
	[tilespmem:$0x15900] =	vst v63  }
0x86: {  	s4 =	sadd.s32 @!p0 $0xF00, s4;
	s6 =	simm.s32 @!p0 $0xB900  }
0x87: {  	[tilespmem:s6], [sflag:$0x1] =	stream.indirect.gather @!p0 [hbm4b:s3+s5], $0x40, s4, s5, $0xb8;
	[tilespmem:$0x15900] =	vst v63  }
0x88: {  	_ =	swait.ge [sflag:s1], $0x2000  }
0x89: {  	[sflag:s1] =	ssyncset.done $0x0  }
0x8a: {  	[sflag:s1] =	ssyncadd.s32 $0xFFFFE000  }
0x8b: {  	_ =	swait.ge [sflag:s1], $0x2000  }
0x8c: {  	[sflag:s1] =	ssyncset.done $0x0  }
0x8d: {  	s17 =	sadd.s32 s2, s8;
	[sflag:s1] =	ssyncadd.s32 $0xFFFFE000  }
0x8e: {  	[hbm4b:s17+s20] =	stream.strided.scatter [tilespmem:s28], [sflag:$0xA], $0x2000, s13, s20, $0x38;
	[tilespmem:$0x15900] =	vst v63  }
0x8f: {  	s4 =	sadd.s32 $0x8, s17  }
0x90: {  	[hbm4b:s4+s20] =	stream.strided.scatter [tilespmem:s29], [sflag:$0xA], $0x2000, s13, s20, $0x38;
	[tilespmem:$0x15900] =	vst v63  }
0x91: {  	_ =	swait.ge [sflag:s0], $0x2000  }
.Ltmp2:
0x92: {  	[sflag:s0] =	ssyncset.done $0x0;
	(pc) =	sbr.rel @p0 .LBB2_4-.Ltmp2, $4  }
0x93: {  	[sflag:s0] =	ssyncadd.s32 $0xFFFFE000  }
0x94: {  	_ =	swait.ge [sflag:s0], $0x2000  }
0x95: {  	[sflag:s0] =	ssyncset.done $0x0  }
0x96: {  	[sflag:s0] =	ssyncadd.s32 $0xFFFFE000  }
.Ltmp3:
0x97: {  	(pc) =	sbr.rel .LBB2_2-.Ltmp3, $4  }
0x98: {  	s4 =	sadd.s32 $0x300, s11  }
0x99: {  	[tilespmem:s16], [sflag:$0x2] =	stream.indirect.gather [hbm4b:s3+s13], $0x40, s4, s13, $0xb8;
	[tilespmem:$0x15900] =	vst v63  }
0x9a: {  	s17 =	sadd.s32 $0xF80, s11;
	s2 =	sadd.s32 $0x2800, s2;
	s12 =	sadd.s32 $0xA00, s12  }
0x9b: {  	[tilespmem:s18], [sflag:$0x2] =	stream.indirect.gather [hbm4b:s3+s13], $0x40, s17, s13, $0xb8;
	[tilespmem:$0x15900] =	vst v63  }
.LBB2_5:
0x9c: {  	_ =	sfence.sel $0x180000  }
0x9d: {  	[bflag:$0x0] =	sbarrier.arrive $0xFFFF  }
0x9e: {  	_ =	strace $0x90000047  }
0x9f: {  	s0 =	stileid.u32;
	[bflag:$0x2] =	sbarrier.arrive $0xFFFF  }
0xa0: {  	p0 =	sne.s32 s0, $0x0;
	s0 =	rddreg [dreg:$0x1]  }
0xa1: {  	s0 =	sadd.s32 @!p0 $0x100000, s0  }
0xa2: {  	[sflag:s0] =	ssyncadd.tile.s32 @!p0 $0x1;
	_ =	shalt  }
.Lfunc_end2:
_tile_overlayer_lowered:
.L_overlay_start_2:
0xa3: {  	(tag) =	ssettag $0x2  }
0xa4: {  	s0 =	rddreg [dreg:$0x0];
	s2 =	stileid.u32  }
0xa5: {  	s1 =	rddreg [dreg:$0x1];
	p0 =	sne.s32 s2, $0x0  }
0xa6: {  	s3 =	rddreg [dreg:$0x2];
	[bflag:$0x3] =	sbarrier.arrive $0xFFFF;
	s2 =	simm.s32 @!p0 $0x1C0B  }
0xa7: {  	[timem:s3], [sflag:s2] =	dma.local @!p0 [hbm:s0], s1  }
0xa8: {  	s0 =	simm.s32 @!p0 $0xB  }
0xa9: {  	_ =	swait.ge @!p0 [sflag:s0], s1  }
0xaa: {  	s1 =	ssub.s32 @!p0 $0x0, s1;
	[sflag:s0] =	ssyncset.done @!p0 $0x0  }
0xab: {  	[sflag:s0] =	ssyncadd.s32 @!p0 s1  }
0xac: {  	[bflag:$0x3] =	sbarrier.arrive $0xFFFF  }
0xad: {  	_ =	shalt  }

// kernel: kernel.14.cloned.1.call-start
scs
__scs_entry_jumppad:
0x0: {  	(pc) =	sbr.rel $0x88, $3  }
0x1: {  	(tag) =	ssettag $0x0;
	lr =	simm.s32 $0x1  }
0x2: {  	[smem:$0x3F9D] =	sst lr;
	_ =	strace $0xD0000000  }
0x3: {  	_ = 	snop  }
0x4: {  	_ = 	snop  }
0x5: {  	_ = 	snop  }
0x6: {  	_ = 	snop  }
0x7: {  	_ = 	snop  }
__scs_overlays_trampoline_lowered:
0x8: {  	[smem:$0x3FAC] =	sst s0  }
0x9: {  	[smem:$0x3FAD] =	sst s1  }
0xa: {  	[smem:$0x3FAE] =	sst s2  }
0xb: {  	[smem:$0x3FAF] =	sst s3  }
0xc: {  	[smem:$0x3FB0] =	sst s4  }
0xd: {  	[smem:$0x3FB1] =	sst s5  }
0xe: {  	[smem:$0x3FB2] =	sst s6  }
0xf: {  	[smem:$0x3FB3] =	sst s7  }
0x10: {  	[smem:$0x3FB4] =	sst s8  }
0x11: {  	[smem:$0x3FB5] =	sst s9;
	s0 =	simm.s32 @!p0 $0x0  }
0x12: {  	s1 =	sld [smem:$0x3F9B];
	s0 =	simm.s32 @p0 $0x1  }
0x13: {  	[smem:$0x3FB6] =	sst s0;
	s0 =	simm.s32 @!p1 $0x0  }
0x14: {  	s2 =	sld [smem:$0x3F9A];
	s0 =	simm.s32 @p1 $0x1  }
0x15: {  	[smem:$0x3FB7] =	sst s0;
	s0 =	simm.s32 @!p2 $0x0  }
0x16: {  	s3 =	sld [smem:$0x3FDB];
	s0 =	simm.s32 @p2 $0x1  }
0x17: {  	s4 =	simm.s32 $0x1BF5;
	[smem:$0x3FB9] =	sst s0  }
0x18: {  	s0 =	sld [smem:$0x3F9C];
	_ =	swait.ge [sflag:s4], $0x0  }
0x19: {  	s7 =	sld [smem:$0x3F9D]  }
0x1a: {  	s8 =	sadd.s32 $0xFFFFE003, lr  }
0x1b: {  	s9 =	sadd.s32 $0xFFFFFEF7, lr;
	s5 =	simm.s32 $0xFFFFFFFF;
	p2 =	slt.u32 s8, $0xFFFFF086  }
0x1c: {  	p1 =	slt.u32 s9, $0xF7A;
	s5 =	simm.s32 @!p2 $0x0  }
0x1d: {  	s5 =	simm.s32 @p1 $0x1;
	p0 =	seq.s32 s7, s2  }
0x1e: {  	s7 =	smul.u32 @!p0 $0xF7A, s2;
	p2 =	seq.s32 @!p0 s5, $0x0  }
0x1f: {  	s9 =	smul.u32 $0xF7A, s1;
	s8 =	simm.s32 @!p0 $0x1BF5;
	p2 =	por !p2, p0  }
0x20: {  	[sflag:s8] =	ssyncset.s32 @!p0 $0xFFFFF086;
	s6 =	sadd.s32 @!p0 s3, s7;
	s7 =	simm.s32 @!p0 $0x108  }
0x21: {  	s3 =	sadd.s32 s3, s9;
	s6 =	sadd.s32 @!p0 $0x88, s6;
	s7 =	simm.s32 @p2 $0x1082  }
0x22: {  	[simem:s7], [sflag:s8] =	dma.local @!p0 [hbm:s6], $0xF7A  }
0x23: {  	s9 =	sor.u32 $0xD0000000, s2;
	s6 =	simm.s32 $0x108;
	_ =	swait.ge @!p0 [sflag:s8], $0x0  }
0x24: {  	s3 =	sadd.s32 $0x88, s3;
	s6 =	simm.s32 @!p1 $0x1082;
	[sflag:s4] =	ssyncset.s32 $0xFFFFF086  }
0x25: {  	[simem:s6], [sflag:s4] =	dma.local [hbm:s3], $0xF7A  }
0x26: {  	[smem:$0x3F9D] =	sst s1;
	(tag) =	ssettag s2;
	_ =	strace s9  }
0x27: {  	s1 =	sld [smem:$0x3FAD]  }
0x28: {  	s2 =	sld [smem:$0x3FAE]  }
0x29: {  	s4 =	sld [smem:$0x3FB0]  }
0x2a: {  	p0 =	seq.s32 s5, $0x0;
	s5 =	sld [smem:$0x3FB1]  }
0x2b: {  	s6 =	sld [smem:$0x3FB2]  }
0x2c: {  	s7 =	sld [smem:$0x3FB3]  }
0x2d: {  	s3 =	simm.s32 $0x108;
	s8 =	sld [smem:$0x3FB4]  }
0x2e: {  	s3 =	simm.s32 @!p0 $0x1082;
	s9 =	sld [smem:$0x3FB5]  }
0x2f: {  	lr =	sadd.s32 s0, s3;
	s0 =	sld [smem:$0x3FAC]  }
0x30: {  	s3 =	sld [smem:$0x3FAF]  }
0x31: {  	[smem:$0x3FB8] =	sst s10  }
0x32: {  	s10 =	sld [smem:$0x3FB6];
	_ =	sdelay $0x3  }
0x33: {  	p0 =	seq.s32 s10, $0x1;
	s10 =	sld [smem:$0x3FB8];
	_ =	sdelay $0x3  }
0x34: {  	[smem:$0x3FB8] =	sst s10  }
0x35: {  	s10 =	sld [smem:$0x3FB7];
	_ =	sdelay $0x3  }
0x36: {  	p1 =	seq.s32 s10, $0x1;
	s10 =	sld [smem:$0x3FB8];
	_ =	sdelay $0x3  }
0x37: {  	[smem:$0x3FB8] =	sst s10  }
0x38: {  	s10 =	sld [smem:$0x3FB9]  }
0x39: {  	_ = 	snop;
	(pc) =	sbr.ind lr, $3  }
0x3a: {  	_ = 	snop  }
0x3b: {  	_ = 	snop  }
0x3c: {  	p2 =	seq.s32 s10, $0x1;
	s10 =	sld [smem:$0x3FB8]  }
0x3d: {  	_ =	shalt  }
0x3e: {  	_ =	shalt  }
0x3f: {  	_ =	shalt  }
0x40: {  	_ =	shalt  }
0x41: {  	_ =	shalt  }
0x42: {  	_ =	shalt  }
0x43: {  	_ =	shalt  }
0x44: {  	_ =	shalt  }
0x45: {  	_ =	shalt  }
0x46: {  	_ =	shalt  }
0x47: {  	_ =	shalt  }
0x48: {  	_ =	shalt  }
0x49: {  	_ =	shalt  }
0x4a: {  	_ =	shalt  }
0x4b: {  	_ =	shalt  }
0x4c: {  	_ =	shalt  }
0x4d: {  	_ =	shalt  }
0x4e: {  	_ =	shalt  }
0x4f: {  	_ =	shalt  }
0x50: {  	_ =	shalt  }
0x51: {  	_ =	shalt  }
0x52: {  	_ =	shalt  }
0x53: {  	_ =	shalt  }
0x54: {  	_ =	shalt  }
0x55: {  	_ =	shalt  }
0x56: {  	_ =	shalt  }
0x57: {  	_ =	shalt  }
0x58: {  	_ =	shalt  }
0x59: {  	_ =	shalt  }
0x5a: {  	_ =	shalt  }
0x5b: {  	_ =	shalt  }
0x5c: {  	_ =	shalt  }
0x5d: {  	_ =	shalt  }
0x5e: {  	_ =	shalt  }
0x5f: {  	_ =	shalt  }
0x60: {  	_ =	shalt  }
0x61: {  	_ =	shalt  }
0x62: {  	_ =	shalt  }
0x63: {  	_ =	shalt  }
0x64: {  	_ =	shalt  }
0x65: {  	_ =	shalt  }
0x66: {  	_ =	shalt  }
0x67: {  	_ =	shalt  }
0x68: {  	_ =	shalt  }
0x69: {  	_ =	shalt  }
0x6a: {  	_ =	shalt  }
0x6b: {  	_ =	shalt  }
0x6c: {  	_ =	shalt  }
0x6d: {  	_ =	shalt  }
0x6e: {  	_ =	shalt  }
0x6f: {  	_ =	shalt  }
0x70: {  	_ =	shalt  }
0x71: {  	_ =	shalt  }
0x72: {  	_ =	shalt  }
0x73: {  	_ =	shalt  }
0x74: {  	_ =	shalt  }
0x75: {  	_ =	shalt  }
0x76: {  	_ =	shalt  }
0x77: {  	_ =	shalt  }
0x78: {  	_ =	shalt  }
0x79: {  	_ =	shalt  }
0x7a: {  	_ =	shalt  }
0x7b: {  	_ =	shalt  }
0x7c: {  	_ =	shalt  }
0x7d: {  	_ =	shalt  }
0x7e: {  	_ =	shalt  }
0x7f: {  	_ =	shalt  }
0x80: {  	_ =	shalt  }
0x81: {  	_ =	shalt  }
0x82: {  	_ =	shalt  }
0x83: {  	_ =	shalt  }
0x84: {  	_ =	shalt  }
0x85: {  	_ =	shalt  }
0x86: {  	_ =	shalt  }
0x87: {  	_ =	shalt  }
.Lfunc_end0:
.L_simem_size_0:
called_computation.1_lowered:
.L_overlay_start_0:
0x88: {  	s2 =	sld [smem:$0x3FD9]  }
0x89: {  	s3 =	sld [smem:$0x3FFE];
	_ =	sdelay $0x1  }
0x8a: {  	s1 =	srdreg.scid  }
0x8b: {  	s0 =	sand.u32 $0x1, s1  }
0x8c: {  	s17 =	sshll.u32 s0, $0xA;
	s2 =	sadd.s32 s3, s2  }
0x8d: {  	s2 =	sadd.s32 s2, s17  }
0x8e: {  	[smem:$0x3FC4] =	sst s2  }
0x8f: {  	_ = 	snop  }
0x90: {  	(tm) =	ssettm $0x1  }
0x91: {  	s18 =	sld [smem:$0x3FFB];
	_ =	sdelay $0x3  }
0x92: {  	_ =	strace s18  }
0x93: {  	s2 =	sld [smem:$0x3FFC];
	_ =	sdelay $0x3  }
0x94: {  	_ =	strace s2  }
0x95: {  	s2 =	sld [smem:$0x3FFD];
	_ =	sdelay $0x3  }
0x96: {  	_ =	strace s2  }
0x97: {  	_ =	strace $0x8FFFFFFF  }
0x98: {  	s19 =	sld [smem:$0x3FDB];
	_ =	sdelay $0x1  }
0x99: {  	s20 =	simm.s32 $_scs_section_size  }
0x9a: {  	s4 =	simm.s32 $_size__tile_overlayer_lowered;
	s5 =	simm.s32 $_tile_overlayer_lowered  }
0x9b: {  	s6 =	simm.s32 $0x1BFF;
	s21 =	sshll.u32 s5, $0x1;
	s3 =	sadd.s32 s20, s19  }
0x9c: {  	s22 =	simm.s32 $0x0;
	s4 =	sshll.u32 s4, $0x1;
	s5 =	sadd.s32 s21, s3  }
0x9d: {  	[timem:s22], [sflag:s6] =	dma.local [hbm:s5], s4  }
0x9e: {  	_ =	swait.ge [sflag:s6], s4  }
0x9f: {  	s4 =	ssub.s32 $0x0, s4;
	[sflag:s6] =	ssyncset.done $0x0  }
0xa0: {  	[sflag:s6] =	ssyncadd.s32 s4;
	_ =	sdelay $0x1  }
0xa1: {  	s23 =	simm.s32 $0x1B8B  }
0xa2: {  	_ =	swait.ge [sflag:s23], $0x1  }
0xa3: {  	[sflag:s23] =	ssyncset.done $0x0  }
0xa4: {  	[sflag:s23] =	ssyncadd.s32 $0xFFFFFFFF  }
0xa5: {  	s4 =	sld [smem:$0x0]  }
0xa6: {  	s5 =	sand.u32 $0xFFFFFFFE, s1  }
0xa7: {  	p0 =	sne.s32 s1, s5  }
0xa8: {  	s5 =	sshll.u32 @p0 s5, $0xE  }
0xa9: {  	s5 =	sadd.s32 @p0 $0x11B8D, s5;
	s6 =	sshll.u32 @p0 s4, $0x11  }
0xaa: {  	s5 =	sor.u32 @p0 s6, s5  }
0xab: {  	[sflag:s5] =	ssyncadd.remote.s32 @p0 $0x1;
	_ =	sdelay $0x1  }
0xac: {  	s5 =	simm.s32 @p0 $0x1B8D  }
0xad: {  	_ =	swait.eq @p0 [sflag:s5], $0x1  }
0xae: {  	[sflag:s5] =	ssyncadd.s32 @p0 $0xFFFFFFFF  }
0xaf: {  	s6 =	sshll.u32 @!p0 s1, $0xE  }
0xb0: {  	s6 =	sor.u32 @!p0 $0x4000, s6;
	s5 =	simm.s32 @!p0 $0x1B8D  }
0xb1: {  	s4 =	sshll.u32 @!p0 s4, $0x11;
	s6 =	sadd.s32 @!p0 $0x11B8D, s6;
	_ =	swait.eq @!p0 [sflag:s5], $0x1  }
0xb2: {  	s4 =	sor.u32 @!p0 s4, s6;
	[sflag:s5] =	ssyncadd.s32 @!p0 $0xFFFFFFFF  }
0xb3: {  	s25 =	simm.s32 $0x1B8E;
	s24 =	sld [smem:$0x3FFE];
	[sflag:s4] =	ssyncadd.remote.s32 @!p0 $0x1  }
0xb4: {  	s26 =	simm.s32 $execute0_lowered;
	[smem:$0x3FD2] =	sst s25  }
0xb5: {  	s5 =	sshll.u32 s26, $0x1;
	_ =	strace $0x80000049;
	[dreg:$0x1] =	wrdreg $0xFFFFFFFF  }
0xb6: {  	s28 =	simm.s32 $_size_execute0_lowered;
	s3 =	sadd.s32 s3, s5;
	[dreg:$0x0] =	wrdreg $0x0  }
0xb7: {  	s5 =	sshll.u32 s28, $0x1;
	[dreg:$0x2] =	wrdreg s3  }
0xb8: {  	[dreg:$0x3] =	wrdreg s5  }
0xb9: {  	[dreg:$0x4] =	wrdreg $0xC0  }
0xba: {  	_ =	task [dreg:s22], $0x5FFFF  }
0xbb: {  	[dreg:$0x1] =	wrdreg $0xFFFFFFFF  }
0xbc: {  	[dreg:$0x0] =	wrdreg $0x60  }
0xbd: {  	[dreg:$0x2] =	wrdreg s24  }
0xbe: {  	[dreg:$0x3] =	wrdreg $0xA  }
0xbf: {  	_ =	task.clear_ibuf [dreg:s22], $0x4FFFF;
	_ =	strace $0x90000049  }
0xc0: {  	s29 =	simm.s32 $0xA;
	_ =	strace $0x8000004B  }
0xc1: {  	_ =	swait.ge [sflag:s29], $0x1  }
0xc2: {  	[sflag:s29] =	ssyncadd.s32 $0xFFFFFFFF  }
0xc3: {  	_ =	strace $0x9000004B  }
0xc4: {  	_ =	sfence  }
0xc5: {  	s30 =	sld [smem:$0x0];
	_ =	sdelay $0x2  }
0xc6: {  	s31 =	sshll.u32 s1, $0xD;
	s1 =	sshrl.u32 s1, $0x2  }
0xc7: {  	s4 =	sand.u32 $0x4000, s31;
	s1 =	sadd.s32 s1, s30  }
0xc8: {  	s0 =	sor.u32 s4, s0;
	s1 =	sshll.u32 s1, $0x11  }
0xc9: {  	s0 =	sor.u32 s1, s0  }
0xca: {  	s0 =	sadd.s32 $0x8F2B, s0  }
0xcb: {  	[sflag:s0] =	ssyncadd.remote.s32 $0x1  }
0xcc: {  	_ =	sfence.sel $0xFFFF  }
0xcd: {  	[dreg:$0x0] =	wrdreg $0xFFFFFFFF;
	(pc) =	sbr.abs _section_cstart, $3  }
0xce: {  	[dreg:$0x1] =	wrdreg $0xFFFFFFFF  }
0xcf: {  	_ =	task.clear_ibuf [dreg:s22], $0x2FFFF;
	_ =	strace $0x9FFFFFFF  }
0xd0: {  	(tm) =	ssettm $0x7FFFFFFF  }
0xd1: {  	_ =	shalt  }
tec
execute0_lowered:
.L_overlay_start_1:
0x0: {  	(tag) =	ssettag $0x1  }
0x1: {  	s0 =	srdreg.scid  }
0x2: {  	s6 =	stileid.u32;
	s2 =	rddreg [dreg:$0x0]  }
0x3: {  	s3 =	simm.s32 $0x0;
	s13 =	simm.s32 $0x80;
	s14 =	simm.s32 $0x1900  }
0x4: {  	s15 =	simm.s32 $0xB900;
	s16 =	simm.s32 $0x3900;
	s18 =	simm.s32 $0xD900  }
0x5: {  	s19 =	simm.s32 $0x1;
	s28 =	simm.s32 $0x9900;
	s29 =	simm.s32 $0x13900  }
0x6: {  	s30 =	simm.s32 $0x4;
	s31 =	simm.s32 $0x6;
	s4 =	smul.u32 $0x19000, s6  }
0x7: {  	s0 =	sand.u32 $0x1, s0;
	s1 =	sshll.u32 s6, $0x1;
	s6 =	smul.u32 $0xC8000, s6  }
0x8: {  	[smem:$0x7FF] =	sst s3;
	s3 =	sadd.s32 $0x1A00, s2;
	s20 =	smul.u32 $0x64000, s0  }
0x9: {  	s1 =	sor.u32 s0, s1;
	s5 =	ssub.s32 $0x2, s0;
	s0 =	smul.u32 $0xC800, s0  }
0xa: {  	_ =	strace $0x8000004A;
	s1 =	smul.u32 $0xC80, s1;
	s7 =	sshrl.u32 s5, $0x1  }
0xb: {  	s5 =	ssub.s32 s5, s7;
	s23 =	sadd.s32 s20, s6;
	s20 =	simm.s32 $0x40  }
0xc: {  	s1 =	sshrl.u32 s1, $0x3;
	s21 =	smax.u32 s5, $0x1;
	s24 =	sadd.s32 $0x10000, s23  }
0xd: {  	s25 =	sadd.s32 $0xC000, s23;
	s5 =	simm.s32 $0x0;
	s1 =	sadd.s32 s1, s2  }
0xe: {  	s2 =	sadd.s32 $0x265800, s2;
	[dreg:$0x4] =	wrdreg s21;
	s21 =	simm.s32 $0x5900  }
0xf: {  	s8 =	sadd.s32 $0x262600, s1;
	s1 =	sadd.s32 $0x25F400, s1;
	s22 =	sadd.s32 s4, s2  }
0x10: {  	s4 =	sadd.s32 $0x8000, s23;
	s23 =	simm.s32 $0x2;
	[dreg:$0x2] =	wrdreg s8  }
.Ltmp0:
0x11: {  	[dreg:$0x3] =	wrdreg s1;
	s7 =	sadd.s32 s0, s22;
	(pc) =	sbr.rel .LBB2_1-.Ltmp0, $4  }
0x12: {  	s0 =	sshrl.u32 s24, $0x3;
	s1 =	sshrl.u32 s25, $0x3;
	s26 =	sshrl.u32 s4, $0x3  }
0x13: {  	s22 =	simm.s32 $0xF900;
	s24 =	simm.s32 $0x7900;
	s25 =	simm.s32 $0x11900  }
0x14: {  	s8 =	sadd.s32 s0, s2;
	s9 =	sadd.s32 s1, s2;
	s10 =	sadd.s32 s26, s2  }
0x15: {  	s26 =	simm.s32 $0x3;
	s1 =	simm.s32 $0x5;
	s0 =	simm.s32 $0x7  }
.LBB2_4:
0x16: {  	s2 =	simm.s32 $0x8  }
0x17: {  	_ =	swait.ge [sflag:s2], $0x2000  }
0x18: {  	[sflag:s2] =	ssyncset.done $0x0  }
0x19: {  	[sflag:s2] =	ssyncadd.s32 $0xFFFFE000  }
0x1a: {  	_ =	swait.ge [sflag:s2], $0x2000  }
0x1b: {  	[sflag:s2] =	ssyncset.done $0x0  }
0x1c: {  	s12 =	simm.s32 $0x9;
	[sflag:s2] =	ssyncadd.s32 $0xFFFFE000  }
0x1d: {  	_ =	swait.ge [sflag:s12], $0x2000  }
0x1e: {  	[sflag:s12] =	ssyncset.done $0x0  }
0x1f: {  	[sflag:s12] =	ssyncadd.s32 $0xFFFFE000  }
0x20: {  	_ =	swait.ge [sflag:s12], $0x2000  }
0x21: {  	[sflag:s12] =	ssyncset.done $0x0  }
0x22: {  	s4 =	simm.s32 $0xA;
	[sflag:s12] =	ssyncadd.s32 $0xFFFFE000  }
0x23: {  	_ =	swait.ge [sflag:s4], $0x2000  }
0x24: {  	[sflag:s4] =	ssyncset.done $0x0  }
0x25: {  	[sflag:s4] =	ssyncadd.s32 $0xFFFFE000  }
0x26: {  	_ =	swait.ge [sflag:s4], $0x2000  }
0x27: {  	s5 =	rddreg [dreg:$0x5]  }
0x28: {  	s17 =	rddreg [dreg:$0x4];
	s5 =	sadd.s32 $0x1, s5  }
0x29: {  	p0 =	sne.s32 s5, s17  }
.Ltmp1:
0x2a: {  	_ = 	snop;
	(pc) =	sbr.rel @!p0 .LBB2_5-.Ltmp1, $3  }
0x2b: {  	_ =	sdelay $0x1  }
0x2c: {  	[sflag:s4] =	ssyncset.done $0x0  }
0x2d: {  	[sflag:s4] =	ssyncadd.s32 $0xFFFFE000  }
.LBB2_1:
0x2e: {  	[dreg:$0x5] =	wrdreg s5  }
0x2f: {  	s2 =	simm.s32 $0x0;
	s4 =	rddreg [dreg:$0x2];
	s11 =	simm.s32 $0xB  }
0x30: {  	[tilespmem:s2], [sflag:$0xB] =	stream.linear.gather [hbm4b:s4+s2], $0xC80, $0x38;
	[tilespmem:$0x15900] =	vst v63  }
0x31: {  	_ =	swait.ge [sflag:s11], $0xC80  }
0x32: {  	[sflag:s11] =	ssyncset.done $0x0  }
0x33: {  	s6 =	simm.s32 $0xC80;
	s12 =	rddreg [dreg:$0x3];
	[sflag:s11] =	ssyncadd.s32 $0xFFFFF380  }
0x34: {  	[tilespmem:s6], [sflag:$0xB] =	stream.linear.gather [hbm4b:s12+s2], $0xC80, $0x38;
	[tilespmem:$0x15900] =	vst v63  }
0x35: {  	_ =	swait.ge [sflag:s11], $0xC80  }
0x36: {  	[sflag:s11] =	ssyncset.done $0x0  }
0x37: {  	[sflag:s11] =	ssyncadd.s32 $0xFFFFF380  }
0x38: {  	[tilespmem:s14], [sflag:$0x1] =	stream.indirect.gather [hbm4b:s3+s13], $0x40, s2, s13, $0xb8;
	[tilespmem:$0x15900] =	vst v63  }
0x39: {  	_ = 	snop  }
0x3a: {  	[tilespmem:s15], [sflag:$0x1] =	stream.indirect.gather [hbm4b:s3+s13], $0x40, s6, s13, $0xb8;
	[tilespmem:$0x15900] =	vst v63  }
0x3b: {  	_ = 	snop  }
0x3c: {  	[tilespmem:s16], [sflag:$0x2] =	stream.indirect.gather [hbm4b:s3+s13], $0x40, s13, s13, $0xb8;
	[tilespmem:$0x15900] =	vst v63  }
0x3d: {  	s17 =	simm.s32 $0xD00;
	s12 =	simm.s32 $0x0;
	s2 =	simm.s32 $0x0  }
0x3e: {  	[tilespmem:s18], [sflag:$0x2] =	stream.indirect.gather [hbm4b:s3+s13], $0x40, s17, s13, $0xb8;
	[tilespmem:$0x15900] =	vst v63  }
.LBB2_2:
0x3f: {  	_ =	swait.ge [sflag:s19], $0x2000  }
0x40: {  	[sflag:s19] =	ssyncset.done $0x0  }
0x41: {  	[sflag:s19] =	ssyncadd.s32 $0xFFFFE000  }
0x42: {  	_ =	swait.ge [sflag:s19], $0x2000  }
0x43: {  	[sflag:s19] =	ssyncset.done $0x0  }
0x44: {  	s17 =	sadd.s32 s2, s7;
	p0 =	seq.s32 s2, $0x0;
	[sflag:s19] =	ssyncadd.s32 $0xFFFFE000  }
0x45: {  	[hbm4b:s17+s20] =	stream.strided.scatter [tilespmem:s14], [sflag:$0x6], $0x2000, s13, s20, $0x38;
	[tilespmem:$0x15900] =	vst v63  }
0x46: {  	s11 =	sadd.s32 $0x8, s17;
	s4 =	simm.s32 @!p0 $0x8  }
0x47: {  	[hbm4b:s11+s20] =	stream.strided.scatter [tilespmem:s15], [sflag:$0x6], $0x2000, s13, s20, $0x38;
	[tilespmem:$0x15900] =	vst v63  }
0x48: {  	_ =	swait.ge @!p0 [sflag:s4], $0x2000  }
0x49: {  	[sflag:s4] =	ssyncset.done @!p0 $0x0  }
0x4a: {  	[sflag:s4] =	ssyncadd.s32 @!p0 $0xFFFFE000  }
0x4b: {  	_ =	swait.ge @!p0 [sflag:s4], $0x2000  }
0x4c: {  	s11 =	sshra.s32 s12, $0x2;
	[sflag:s4] =	ssyncset.done @!p0 $0x0  }
0x4d: {  	s5 =	sadd.s32 $0x100, s11;
	[sflag:s4] =	ssyncadd.s32 @!p0 $0xFFFFE000  }
0x4e: {  	[tilespmem:s21], [sflag:$0x3] =	stream.indirect.gather [hbm4b:s3+s13], $0x40, s5, s13, $0xb8;
	[tilespmem:$0x15900] =	vst v63  }
0x4f: {  	s6 =	sadd.s32 $0xD80, s11  }
0x50: {  	[tilespmem:s22], [sflag:$0x3] =	stream.indirect.gather [hbm4b:s3+s13], $0x40, s6, s13, $0xb8;
	[tilespmem:$0x15900] =	vst v63  }
0x51: {  	_ =	swait.ge [sflag:s23], $0x2000  }
0x52: {  	[sflag:s23] =	ssyncset.done $0x0  }
0x53: {  	[sflag:s23] =	ssyncadd.s32 $0xFFFFE000  }
0x54: {  	_ =	swait.ge [sflag:s23], $0x2000  }
0x55: {  	[sflag:s23] =	ssyncset.done $0x0  }
0x56: {  	s5 =	sadd.s32 $0x800, s17;
	[sflag:s23] =	ssyncadd.s32 $0xFFFFE000  }
0x57: {  	[hbm4b:s5+s20] =	stream.strided.scatter [tilespmem:s16], [sflag:$0x7], $0x2000, s13, s20, $0x38;
	[tilespmem:$0x15900] =	vst v63  }
0x58: {  	s4 =	simm.s32 @!p0 $0x9;
	s6 =	sadd.s32 $0x808, s17  }
0x59: {  	[hbm4b:s6+s20] =	stream.strided.scatter [tilespmem:s18], [sflag:$0x7], $0x2000, s13, s20, $0x38;
	[tilespmem:$0x15900] =	vst v63  }
0x5a: {  	_ =	swait.ge @!p0 [sflag:s4], $0x2000  }
0x5b: {  	[sflag:s4] =	ssyncset.done @!p0 $0x0  }
0x5c: {  	[sflag:s4] =	ssyncadd.s32 @!p0 $0xFFFFE000  }
0x5d: {  	_ =	swait.ge @!p0 [sflag:s4], $0x2000  }
0x5e: {  	[sflag:s4] =	ssyncset.done @!p0 $0x0  }
0x5f: {  	s17 =	sadd.s32 $0x180, s11;
	[sflag:s4] =	ssyncadd.s32 @!p0 $0xFFFFE000  }
0x60: {  	[tilespmem:s24], [sflag:$0x4] =	stream.indirect.gather [hbm4b:s3+s13], $0x40, s17, s13, $0xb8;
	[tilespmem:$0x15900] =	vst v63  }
0x61: {  	s5 =	sadd.s32 $0xE00, s11  }
0x62: {  	[tilespmem:s25], [sflag:$0x4] =	stream.indirect.gather [hbm4b:s3+s13], $0x40, s5, s13, $0xb8;
	[tilespmem:$0x15900] =	vst v63  }
0x63: {  	_ =	swait.ge [sflag:s26], $0x2000  }
0x64: {  	[sflag:s26] =	ssyncset.done $0x0  }
0x65: {  	[sflag:s26] =	ssyncadd.s32 $0xFFFFE000  }
0x66: {  	_ =	swait.ge [sflag:s26], $0x2000  }
0x67: {  	[sflag:s26] =	ssyncset.done $0x0  }
0x68: {  	s6 =	sadd.s32 s2, s10;
	[sflag:s26] =	ssyncadd.s32 $0xFFFFE000  }
0x69: {  	[hbm4b:s6+s20] =	stream.strided.scatter [tilespmem:s21], [sflag:$0x8], $0x2000, s13, s20, $0x38;
	[tilespmem:$0x15900] =	vst v63  }
0x6a: {  	s4 =	sadd.s32 $0x8, s6  }
0x6b: {  	[hbm4b:s4+s20] =	stream.strided.scatter [tilespmem:s22], [sflag:$0x8], $0x2000, s13, s20, $0x38;
	[tilespmem:$0x15900] =	vst v63  }
0x6c: {  	s4 =	simm.s32 @!p0 $0xA  }
0x6d: {  	_ =	swait.ge @!p0 [sflag:s4], $0x2000  }
0x6e: {  	[sflag:s4] =	ssyncset.done @!p0 $0x0  }
0x6f: {  	[sflag:s4] =	ssyncadd.s32 @!p0 $0xFFFFE000  }
0x70: {  	_ =	swait.ge @!p0 [sflag:s4], $0x2000  }
0x71: {  	[sflag:s4] =	ssyncset.done @!p0 $0x0  }
0x72: {  	s17 =	sadd.s32 $0x200, s11;
	[sflag:s4] =	ssyncadd.s32 @!p0 $0xFFFFE000  }
0x73: {  	[tilespmem:s28], [sflag:$0x5] =	stream.indirect.gather [hbm4b:s3+s13], $0x40, s17, s13, $0xb8;
	[tilespmem:$0x15900] =	vst v63  }
0x74: {  	s5 =	sadd.s32 $0xE80, s11  }
0x75: {  	[tilespmem:s29], [sflag:$0x5] =	stream.indirect.gather [hbm4b:s3+s13], $0x40, s5, s13, $0xb8;
	[tilespmem:$0x15900] =	vst v63  }
0x76: {  	_ =	swait.ge [sflag:s30], $0x2000  }
0x77: {  	[sflag:s30] =	ssyncset.done $0x0  }
0x78: {  	[sflag:s30] =	ssyncadd.s32 $0xFFFFE000  }
0x79: {  	_ =	swait.ge [sflag:s30], $0x2000  }
0x7a: {  	[sflag:s30] =	ssyncset.done $0x0  }
0x7b: {  	s6 =	sadd.s32 s2, s9;
	[sflag:s30] =	ssyncadd.s32 $0xFFFFE000  }
0x7c: {  	[hbm4b:s6+s20] =	stream.strided.scatter [tilespmem:s24], [sflag:$0x9], $0x2000, s13, s20, $0x38;
	[tilespmem:$0x15900] =	vst v63  }
0x7d: {  	s4 =	sadd.s32 $0x8, s6  }
0x7e: {  	[hbm4b:s4+s20] =	stream.strided.scatter [tilespmem:s25], [sflag:$0x9], $0x2000, s13, s20, $0x38;
	[tilespmem:$0x15900] =	vst v63  }
0x7f: {  	_ =	swait.ge [sflag:s31], $0x2000  }
0x80: {  	[sflag:s31] =	ssyncset.done $0x0  }
0x81: {  	[sflag:s31] =	ssyncadd.s32 $0xFFFFE000  }
0x82: {  	p0 =	seq.s32 s2, $0xA000;
	_ =	swait.ge [sflag:s31], $0x2000  }
0x83: {  	s5 =	simm.s32 @!p0 $0x80;
	s4 =	sshra.s32 @!p0 s12, $0x2;
	[sflag:s31] =	ssyncset.done $0x0  }
0x84: {  	s6 =	simm.s32 @!p0 $0x1900;
	s17 =	sadd.s32 @!p0 $0x280, s4;
	[sflag:s31] =	ssyncadd.s32 $0xFFFFE000  }
0x85: {  	[tilespmem:s6], [sflag:$0x1] =	stream.indirect.gather @!p0 [hbm4b:s3+s5], $0x40, s17, s5, $0xb8;
	[tilespmem:$0x15900] =	vst v63  }
0x86: {  	s4 =	sadd.s32 @!p0 $0xF00, s4;
	s6 =	simm.s32 @!p0 $0xB900  }
0x87: {  	[tilespmem:s6], [sflag:$0x1] =	stream.indirect.gather @!p0 [hbm4b:s3+s5], $0x40, s4, s5, $0xb8;
	[tilespmem:$0x15900] =	vst v63  }
0x88: {  	_ =	swait.ge [sflag:s1], $0x2000  }
0x89: {  	[sflag:s1] =	ssyncset.done $0x0  }
0x8a: {  	[sflag:s1] =	ssyncadd.s32 $0xFFFFE000  }
0x8b: {  	_ =	swait.ge [sflag:s1], $0x2000  }
0x8c: {  	[sflag:s1] =	ssyncset.done $0x0  }
0x8d: {  	s17 =	sadd.s32 s2, s8;
	[sflag:s1] =	ssyncadd.s32 $0xFFFFE000  }
0x8e: {  	[hbm4b:s17+s20] =	stream.strided.scatter [tilespmem:s28], [sflag:$0xA], $0x2000, s13, s20, $0x38;
	[tilespmem:$0x15900] =	vst v63  }
0x8f: {  	s4 =	sadd.s32 $0x8, s17  }
0x90: {  	[hbm4b:s4+s20] =	stream.strided.scatter [tilespmem:s29], [sflag:$0xA], $0x2000, s13, s20, $0x38;
	[tilespmem:$0x15900] =	vst v63  }
0x91: {  	_ =	swait.ge [sflag:s0], $0x2000  }
.Ltmp2:
0x92: {  	[sflag:s0] =	ssyncset.done $0x0;
	(pc) =	sbr.rel @p0 .LBB2_4-.Ltmp2, $4  }
0x93: {  	[sflag:s0] =	ssyncadd.s32 $0xFFFFE000  }
0x94: {  	_ =	swait.ge [sflag:s0], $0x2000  }
0x95: {  	[sflag:s0] =	ssyncset.done $0x0  }
0x96: {  	[sflag:s0] =	ssyncadd.s32 $0xFFFFE000  }
.Ltmp3:
0x97: {  	(pc) =	sbr.rel .LBB2_2-.Ltmp3, $4  }
0x98: {  	s4 =	sadd.s32 $0x300, s11  }
0x99: {  	[tilespmem:s16], [sflag:$0x2] =	stream.indirect.gather [hbm4b:s3+s13], $0x40, s4, s13, $0xb8;
	[tilespmem:$0x15900] =	vst v63  }
0x9a: {  	s17 =	sadd.s32 $0xF80, s11;
	s2 =	sadd.s32 $0x2800, s2;
	s12 =	sadd.s32 $0xA00, s12  }
0x9b: {  	[tilespmem:s18], [sflag:$0x2] =	stream.indirect.gather [hbm4b:s3+s13], $0x40, s17, s13, $0xb8;
	[tilespmem:$0x15900] =	vst v63  }
.LBB2_5:
0x9c: {  	_ =	sfence.sel $0x180000  }
0x9d: {  	[bflag:$0x0] =	sbarrier.arrive $0xFFFF  }
0x9e: {  	_ =	strace $0x9000004A  }
0x9f: {  	s0 =	stileid.u32;
	[bflag:$0x2] =	sbarrier.arrive $0xFFFF  }
0xa0: {  	p0 =	sne.s32 s0, $0x0;
	s0 =	rddreg [dreg:$0x1]  }
0xa1: {  	s0 =	sadd.s32 @!p0 $0x100000, s0  }
0xa2: {  	[sflag:s0] =	ssyncadd.tile.s32 @!p0 $0x1;
	_ =	shalt  }
.Lfunc_end2:
_tile_overlayer_lowered:
.L_overlay_start_2:
0xa3: {  	(tag) =	ssettag $0x2  }
0xa4: {  	s0 =	rddreg [dreg:$0x0];
	s2 =	stileid.u32  }
0xa5: {  	s1 =	rddreg [dreg:$0x1];
	p0 =	sne.s32 s2, $0x0  }
0xa6: {  	s3 =	rddreg [dreg:$0x2];
	[bflag:$0x3] =	sbarrier.arrive $0xFFFF;
	s2 =	simm.s32 @!p0 $0x1C0B  }
0xa7: {  	[timem:s3], [sflag:s2] =	dma.local @!p0 [hbm:s0], s1  }
0xa8: {  	s0 =	simm.s32 @!p0 $0xB  }
0xa9: {  	_ =	swait.ge @!p0 [sflag:s0], s1  }
0xaa: {  	s1 =	ssub.s32 @!p0 $0x0, s1;
	[sflag:s0] =	ssyncset.done @!p0 $0x0  }
0xab: {  	[sflag:s0] =	ssyncadd.s32 @!p0 s1  }
0xac: {  	[bflag:$0x3] =	sbarrier.arrive $0xFFFF  }
0xad: {  	_ =	shalt  }

// kernel: kernel.17.cloned.1.call-start
scs
__scs_entry_jumppad:
0x0: {  	(pc) =	sbr.rel $0x88, $3  }
0x1: {  	(tag) =	ssettag $0x0;
	lr =	simm.s32 $0x1  }
0x2: {  	[smem:$0x3F9D] =	sst lr;
	_ =	strace $0xD0000000  }
0x3: {  	_ = 	snop  }
0x4: {  	_ = 	snop  }
0x5: {  	_ = 	snop  }
0x6: {  	_ = 	snop  }
0x7: {  	_ = 	snop  }
__scs_overlays_trampoline_lowered:
0x8: {  	[smem:$0x3FAC] =	sst s0  }
0x9: {  	[smem:$0x3FAD] =	sst s1  }
0xa: {  	[smem:$0x3FAE] =	sst s2  }
0xb: {  	[smem:$0x3FAF] =	sst s3  }
0xc: {  	[smem:$0x3FB0] =	sst s4  }
0xd: {  	[smem:$0x3FB1] =	sst s5  }
0xe: {  	[smem:$0x3FB2] =	sst s6  }
0xf: {  	[smem:$0x3FB3] =	sst s7  }
0x10: {  	[smem:$0x3FB4] =	sst s8  }
0x11: {  	[smem:$0x3FB5] =	sst s9;
	s0 =	simm.s32 @!p0 $0x0  }
0x12: {  	s1 =	sld [smem:$0x3F9B];
	s0 =	simm.s32 @p0 $0x1  }
0x13: {  	[smem:$0x3FB6] =	sst s0;
	s0 =	simm.s32 @!p1 $0x0  }
0x14: {  	s2 =	sld [smem:$0x3F9A];
	s0 =	simm.s32 @p1 $0x1  }
0x15: {  	[smem:$0x3FB7] =	sst s0;
	s0 =	simm.s32 @!p2 $0x0  }
0x16: {  	s3 =	sld [smem:$0x3FDB];
	s0 =	simm.s32 @p2 $0x1  }
0x17: {  	s4 =	simm.s32 $0x1BF5;
	[smem:$0x3FB9] =	sst s0  }
0x18: {  	s0 =	sld [smem:$0x3F9C];
	_ =	swait.ge [sflag:s4], $0x0  }
0x19: {  	s7 =	sld [smem:$0x3F9D]  }
0x1a: {  	s8 =	sadd.s32 $0xFFFFE003, lr  }
0x1b: {  	s9 =	sadd.s32 $0xFFFFFEF7, lr;
	s5 =	simm.s32 $0xFFFFFFFF;
	p2 =	slt.u32 s8, $0xFFFFF086  }
0x1c: {  	p1 =	slt.u32 s9, $0xF7A;
	s5 =	simm.s32 @!p2 $0x0  }
0x1d: {  	s5 =	simm.s32 @p1 $0x1;
	p0 =	seq.s32 s7, s2  }
0x1e: {  	s7 =	smul.u32 @!p0 $0xF7A, s2;
	p2 =	seq.s32 @!p0 s5, $0x0  }
0x1f: {  	s9 =	smul.u32 $0xF7A, s1;
	s8 =	simm.s32 @!p0 $0x1BF5;
	p2 =	por !p2, p0  }
0x20: {  	[sflag:s8] =	ssyncset.s32 @!p0 $0xFFFFF086;
	s6 =	sadd.s32 @!p0 s3, s7;
	s7 =	simm.s32 @!p0 $0x108  }
0x21: {  	s3 =	sadd.s32 s3, s9;
	s6 =	sadd.s32 @!p0 $0x88, s6;
	s7 =	simm.s32 @p2 $0x1082  }
0x22: {  	[simem:s7], [sflag:s8] =	dma.local @!p0 [hbm:s6], $0xF7A  }
0x23: {  	s9 =	sor.u32 $0xD0000000, s2;
	s6 =	simm.s32 $0x108;
	_ =	swait.ge @!p0 [sflag:s8], $0x0  }
0x24: {  	s3 =	sadd.s32 $0x88, s3;
	s6 =	simm.s32 @!p1 $0x1082;
	[sflag:s4] =	ssyncset.s32 $0xFFFFF086  }
0x25: {  	[simem:s6], [sflag:s4] =	dma.local [hbm:s3], $0xF7A  }
0x26: {  	[smem:$0x3F9D] =	sst s1;
	(tag) =	ssettag s2;
	_ =	strace s9  }
0x27: {  	s1 =	sld [smem:$0x3FAD]  }
0x28: {  	s2 =	sld [smem:$0x3FAE]  }
0x29: {  	s4 =	sld [smem:$0x3FB0]  }
0x2a: {  	p0 =	seq.s32 s5, $0x0;
	s5 =	sld [smem:$0x3FB1]  }
0x2b: {  	s6 =	sld [smem:$0x3FB2]  }
0x2c: {  	s7 =	sld [smem:$0x3FB3]  }
0x2d: {  	s3 =	simm.s32 $0x108;
	s8 =	sld [smem:$0x3FB4]  }
0x2e: {  	s3 =	simm.s32 @!p0 $0x1082;
	s9 =	sld [smem:$0x3FB5]  }
0x2f: {  	lr =	sadd.s32 s0, s3;
	s0 =	sld [smem:$0x3FAC]  }
0x30: {  	s3 =	sld [smem:$0x3FAF]  }
0x31: {  	[smem:$0x3FB8] =	sst s10  }
0x32: {  	s10 =	sld [smem:$0x3FB6];
	_ =	sdelay $0x3  }
0x33: {  	p0 =	seq.s32 s10, $0x1;
	s10 =	sld [smem:$0x3FB8];
	_ =	sdelay $0x3  }
0x34: {  	[smem:$0x3FB8] =	sst s10  }
0x35: {  	s10 =	sld [smem:$0x3FB7];
	_ =	sdelay $0x3  }
0x36: {  	p1 =	seq.s32 s10, $0x1;
	s10 =	sld [smem:$0x3FB8];
	_ =	sdelay $0x3  }
0x37: {  	[smem:$0x3FB8] =	sst s10  }
0x38: {  	s10 =	sld [smem:$0x3FB9]  }
0x39: {  	_ = 	snop;
	(pc) =	sbr.ind lr, $3  }
0x3a: {  	_ = 	snop  }
0x3b: {  	_ = 	snop  }
0x3c: {  	p2 =	seq.s32 s10, $0x1;
	s10 =	sld [smem:$0x3FB8]  }
0x3d: {  	_ =	shalt  }
0x3e: {  	_ =	shalt  }
0x3f: {  	_ =	shalt  }
0x40: {  	_ =	shalt  }
0x41: {  	_ =	shalt  }
0x42: {  	_ =	shalt  }
0x43: {  	_ =	shalt  }
0x44: {  	_ =	shalt  }
0x45: {  	_ =	shalt  }
0x46: {  	_ =	shalt  }
0x47: {  	_ =	shalt  }
0x48: {  	_ =	shalt  }
0x49: {  	_ =	shalt  }
0x4a: {  	_ =	shalt  }
0x4b: {  	_ =	shalt  }
0x4c: {  	_ =	shalt  }
0x4d: {  	_ =	shalt  }
0x4e: {  	_ =	shalt  }
0x4f: {  	_ =	shalt  }
0x50: {  	_ =	shalt  }
0x51: {  	_ =	shalt  }
0x52: {  	_ =	shalt  }
0x53: {  	_ =	shalt  }
0x54: {  	_ =	shalt  }
0x55: {  	_ =	shalt  }
0x56: {  	_ =	shalt  }
0x57: {  	_ =	shalt  }
0x58: {  	_ =	shalt  }
0x59: {  	_ =	shalt  }
0x5a: {  	_ =	shalt  }
0x5b: {  	_ =	shalt  }
0x5c: {  	_ =	shalt  }
0x5d: {  	_ =	shalt  }
0x5e: {  	_ =	shalt  }
0x5f: {  	_ =	shalt  }
0x60: {  	_ =	shalt  }
0x61: {  	_ =	shalt  }
0x62: {  	_ =	shalt  }
0x63: {  	_ =	shalt  }
0x64: {  	_ =	shalt  }
0x65: {  	_ =	shalt  }
0x66: {  	_ =	shalt  }
0x67: {  	_ =	shalt  }
0x68: {  	_ =	shalt  }
0x69: {  	_ =	shalt  }
0x6a: {  	_ =	shalt  }
0x6b: {  	_ =	shalt  }
0x6c: {  	_ =	shalt  }
0x6d: {  	_ =	shalt  }
0x6e: {  	_ =	shalt  }
0x6f: {  	_ =	shalt  }
0x70: {  	_ =	shalt  }
0x71: {  	_ =	shalt  }
0x72: {  	_ =	shalt  }
0x73: {  	_ =	shalt  }
0x74: {  	_ =	shalt  }
0x75: {  	_ =	shalt  }
0x76: {  	_ =	shalt  }
0x77: {  	_ =	shalt  }
0x78: {  	_ =	shalt  }
0x79: {  	_ =	shalt  }
0x7a: {  	_ =	shalt  }
0x7b: {  	_ =	shalt  }
0x7c: {  	_ =	shalt  }
0x7d: {  	_ =	shalt  }
0x7e: {  	_ =	shalt  }
0x7f: {  	_ =	shalt  }
0x80: {  	_ =	shalt  }
0x81: {  	_ =	shalt  }
0x82: {  	_ =	shalt  }
0x83: {  	_ =	shalt  }
0x84: {  	_ =	shalt  }
0x85: {  	_ =	shalt  }
0x86: {  	_ =	shalt  }
0x87: {  	_ =	shalt  }
.Lfunc_end0:
.L_simem_size_0:
called_computation.2_lowered:
.L_overlay_start_0:
0x88: {  	s2 =	sld [smem:$0x3FD9]  }
0x89: {  	s3 =	sld [smem:$0x3FFE];
	_ =	sdelay $0x1  }
0x8a: {  	s1 =	srdreg.scid  }
0x8b: {  	s0 =	sand.u32 $0x1, s1  }
0x8c: {  	s17 =	sshll.u32 s0, $0xA;
	s2 =	sadd.s32 s3, s2  }
0x8d: {  	s2 =	sadd.s32 s2, s17  }
0x8e: {  	[smem:$0x3FC4] =	sst s2  }
0x8f: {  	_ = 	snop  }
0x90: {  	(tm) =	ssettm $0x1  }
0x91: {  	s18 =	sld [smem:$0x3FFB];
	_ =	sdelay $0x3  }
0x92: {  	_ =	strace s18  }
0x93: {  	s2 =	sld [smem:$0x3FFC];
	_ =	sdelay $0x3  }
0x94: {  	_ =	strace s2  }
0x95: {  	s2 =	sld [smem:$0x3FFD];
	_ =	sdelay $0x3  }
0x96: {  	_ =	strace s2  }
0x97: {  	_ =	strace $0x8FFFFFFF  }
0x98: {  	s19 =	sld [smem:$0x3FDB];
	_ =	sdelay $0x1  }
0x99: {  	s20 =	simm.s32 $_scs_section_size  }
0x9a: {  	s4 =	simm.s32 $_size__tile_overlayer_lowered;
	s5 =	simm.s32 $_tile_overlayer_lowered  }
0x9b: {  	s6 =	simm.s32 $0x1BFF;
	s21 =	sshll.u32 s5, $0x1;
	s3 =	sadd.s32 s20, s19  }
0x9c: {  	s22 =	simm.s32 $0x0;
	s4 =	sshll.u32 s4, $0x1;
	s5 =	sadd.s32 s21, s3  }
0x9d: {  	[timem:s22], [sflag:s6] =	dma.local [hbm:s5], s4  }
0x9e: {  	_ =	swait.ge [sflag:s6], s4  }
0x9f: {  	s4 =	ssub.s32 $0x0, s4;
	[sflag:s6] =	ssyncset.done $0x0  }
0xa0: {  	[sflag:s6] =	ssyncadd.s32 s4;
	_ =	sdelay $0x1  }
0xa1: {  	s23 =	simm.s32 $0x1B8B  }
0xa2: {  	_ =	swait.ge [sflag:s23], $0x1  }
0xa3: {  	[sflag:s23] =	ssyncset.done $0x0  }
0xa4: {  	[sflag:s23] =	ssyncadd.s32 $0xFFFFFFFF  }
0xa5: {  	s4 =	sld [smem:$0x0]  }
0xa6: {  	s5 =	sand.u32 $0xFFFFFFFE, s1  }
0xa7: {  	p0 =	sne.s32 s1, s5  }
0xa8: {  	s5 =	sshll.u32 @p0 s5, $0xE  }
0xa9: {  	s5 =	sadd.s32 @p0 $0x11B8D, s5;
	s6 =	sshll.u32 @p0 s4, $0x11  }
0xaa: {  	s5 =	sor.u32 @p0 s6, s5  }
0xab: {  	[sflag:s5] =	ssyncadd.remote.s32 @p0 $0x1;
	_ =	sdelay $0x1  }
0xac: {  	s5 =	simm.s32 @p0 $0x1B8D  }
0xad: {  	_ =	swait.eq @p0 [sflag:s5], $0x1  }
0xae: {  	[sflag:s5] =	ssyncadd.s32 @p0 $0xFFFFFFFF  }
0xaf: {  	s6 =	sshll.u32 @!p0 s1, $0xE  }
0xb0: {  	s6 =	sor.u32 @!p0 $0x4000, s6;
	s5 =	simm.s32 @!p0 $0x1B8D  }
0xb1: {  	s4 =	sshll.u32 @!p0 s4, $0x11;
	s6 =	sadd.s32 @!p0 $0x11B8D, s6;
	_ =	swait.eq @!p0 [sflag:s5], $0x1  }
0xb2: {  	s4 =	sor.u32 @!p0 s4, s6;
	[sflag:s5] =	ssyncadd.s32 @!p0 $0xFFFFFFFF  }
0xb3: {  	s25 =	simm.s32 $0x1B8E;
	s24 =	sld [smem:$0x3FFE];
	[sflag:s4] =	ssyncadd.remote.s32 @!p0 $0x1  }
0xb4: {  	s26 =	simm.s32 $execute0_lowered;
	[smem:$0x3FD2] =	sst s25  }
0xb5: {  	s5 =	sshll.u32 s26, $0x1;
	_ =	strace $0x8000004C;
	[dreg:$0x1] =	wrdreg $0xFFFFFFFF  }
0xb6: {  	s28 =	simm.s32 $_size_execute0_lowered;
	s3 =	sadd.s32 s3, s5;
	[dreg:$0x0] =	wrdreg $0x0  }
0xb7: {  	s5 =	sshll.u32 s28, $0x1;
	[dreg:$0x2] =	wrdreg s3  }
0xb8: {  	[dreg:$0x3] =	wrdreg s5  }
0xb9: {  	[dreg:$0x4] =	wrdreg $0xC0  }
0xba: {  	_ =	task [dreg:s22], $0x5FFFF  }
0xbb: {  	[dreg:$0x1] =	wrdreg $0xFFFFFFFF  }
0xbc: {  	[dreg:$0x0] =	wrdreg $0x60  }
0xbd: {  	[dreg:$0x2] =	wrdreg s24  }
0xbe: {  	[dreg:$0x3] =	wrdreg $0xB  }
0xbf: {  	_ =	task.clear_ibuf [dreg:s22], $0x4FFFF;
	_ =	strace $0x9000004C  }
0xc0: {  	s29 =	simm.s32 $0xB;
	_ =	strace $0x8000004E  }
0xc1: {  	_ =	swait.ge [sflag:s29], $0x1  }
0xc2: {  	[sflag:s29] =	ssyncadd.s32 $0xFFFFFFFF  }
0xc3: {  	_ =	strace $0x9000004E  }
0xc4: {  	_ =	sfence  }
0xc5: {  	s30 =	sld [smem:$0x0];
	_ =	sdelay $0x2  }
0xc6: {  	s31 =	sshll.u32 s1, $0xD;
	s1 =	sshrl.u32 s1, $0x2  }
0xc7: {  	s4 =	sand.u32 $0x4000, s31;
	s1 =	sadd.s32 s1, s30  }
0xc8: {  	s0 =	sor.u32 s4, s0;
	s1 =	sshll.u32 s1, $0x11  }
0xc9: {  	s0 =	sor.u32 s1, s0  }
0xca: {  	s0 =	sadd.s32 $0x8F2B, s0  }
0xcb: {  	[sflag:s0] =	ssyncadd.remote.s32 $0x1  }
0xcc: {  	_ =	sfence.sel $0xFFFF  }
0xcd: {  	[dreg:$0x0] =	wrdreg $0xFFFFFFFF;
	(pc) =	sbr.abs _section_cstart, $3  }
0xce: {  	[dreg:$0x1] =	wrdreg $0xFFFFFFFF  }
0xcf: {  	_ =	task.clear_ibuf [dreg:s22], $0x2FFFF;
	_ =	strace $0x9FFFFFFF  }
0xd0: {  	(tm) =	ssettm $0x7FFFFFFF  }
0xd1: {  	_ =	shalt  }
tec
execute0_lowered:
.L_overlay_start_1:
0x0: {  	(tag) =	ssettag $0x1  }
0x1: {  	s0 =	srdreg.scid  }
0x2: {  	s6 =	stileid.u32;
	s2 =	rddreg [dreg:$0x0]  }
0x3: {  	s3 =	simm.s32 $0x0;
	s13 =	simm.s32 $0x80;
	s14 =	simm.s32 $0x1900  }
0x4: {  	s15 =	simm.s32 $0xB900;
	s16 =	simm.s32 $0x3900;
	s18 =	simm.s32 $0xD900  }
0x5: {  	s19 =	simm.s32 $0x1;
	s28 =	simm.s32 $0x9900;
	s29 =	simm.s32 $0x13900  }
0x6: {  	s30 =	simm.s32 $0x4;
	s31 =	simm.s32 $0x6;
	s4 =	smul.u32 $0x19000, s6  }
0x7: {  	s0 =	sand.u32 $0x1, s0;
	s1 =	sshll.u32 s6, $0x1;
	s6 =	smul.u32 $0xC8000, s6  }
0x8: {  	[smem:$0x7FF] =	sst s3;
	s3 =	sadd.s32 $0x1A00, s2;
	s20 =	smul.u32 $0x64000, s0  }
0x9: {  	s1 =	sor.u32 s0, s1;
	s5 =	ssub.s32 $0x2, s0;
	s0 =	smul.u32 $0xC800, s0  }
0xa: {  	_ =	strace $0x8000004D;
	s1 =	smul.u32 $0xC80, s1;
	s7 =	sshrl.u32 s5, $0x1  }
0xb: {  	s5 =	ssub.s32 s5, s7;
	s23 =	sadd.s32 s20, s6;
	s20 =	simm.s32 $0x40  }
0xc: {  	s1 =	sshrl.u32 s1, $0x3;
	s21 =	smax.u32 s5, $0x1;
	s24 =	sadd.s32 $0x10000, s23  }
0xd: {  	s25 =	sadd.s32 $0xC000, s23;
	s5 =	simm.s32 $0x0;
	s1 =	sadd.s32 s1, s2  }
0xe: {  	s2 =	sadd.s32 $0x3FBC00, s2;
	[dreg:$0x4] =	wrdreg s21;
	s21 =	simm.s32 $0x5900  }
0xf: {  	s8 =	sadd.s32 $0x3F8A00, s1;
	s1 =	sadd.s32 $0x3F5800, s1;
	s22 =	sadd.s32 s4, s2  }
0x10: {  	s4 =	sadd.s32 $0x8000, s23;
	s23 =	simm.s32 $0x2;
	[dreg:$0x2] =	wrdreg s8  }
.Ltmp0:
0x11: {  	[dreg:$0x3] =	wrdreg s1;
	s7 =	sadd.s32 s0, s22;
	(pc) =	sbr.rel .LBB2_1-.Ltmp0, $4  }
0x12: {  	s0 =	sshrl.u32 s24, $0x3;
	s1 =	sshrl.u32 s25, $0x3;
	s26 =	sshrl.u32 s4, $0x3  }
0x13: {  	s22 =	simm.s32 $0xF900;
	s24 =	simm.s32 $0x7900;
	s25 =	simm.s32 $0x11900  }
0x14: {  	s8 =	sadd.s32 s0, s2;
	s9 =	sadd.s32 s1, s2;
	s10 =	sadd.s32 s26, s2  }
0x15: {  	s26 =	simm.s32 $0x3;
	s1 =	simm.s32 $0x5;
	s0 =	simm.s32 $0x7  }
.LBB2_4:
0x16: {  	s2 =	simm.s32 $0x8  }
0x17: {  	_ =	swait.ge [sflag:s2], $0x2000  }
0x18: {  	[sflag:s2] =	ssyncset.done $0x0  }
0x19: {  	[sflag:s2] =	ssyncadd.s32 $0xFFFFE000  }
0x1a: {  	_ =	swait.ge [sflag:s2], $0x2000  }
0x1b: {  	[sflag:s2] =	ssyncset.done $0x0  }
0x1c: {  	s12 =	simm.s32 $0x9;
	[sflag:s2] =	ssyncadd.s32 $0xFFFFE000  }
0x1d: {  	_ =	swait.ge [sflag:s12], $0x2000  }
0x1e: {  	[sflag:s12] =	ssyncset.done $0x0  }
0x1f: {  	[sflag:s12] =	ssyncadd.s32 $0xFFFFE000  }
0x20: {  	_ =	swait.ge [sflag:s12], $0x2000  }
0x21: {  	[sflag:s12] =	ssyncset.done $0x0  }
0x22: {  	s4 =	simm.s32 $0xA;
	[sflag:s12] =	ssyncadd.s32 $0xFFFFE000  }
0x23: {  	_ =	swait.ge [sflag:s4], $0x2000  }
0x24: {  	[sflag:s4] =	ssyncset.done $0x0  }
0x25: {  	[sflag:s4] =	ssyncadd.s32 $0xFFFFE000  }
0x26: {  	_ =	swait.ge [sflag:s4], $0x2000  }
0x27: {  	s5 =	rddreg [dreg:$0x5]  }
0x28: {  	s17 =	rddreg [dreg:$0x4];
	s5 =	sadd.s32 $0x1, s5  }
0x29: {  	p0 =	sne.s32 s5, s17  }
.Ltmp1:
0x2a: {  	_ = 	snop;
	(pc) =	sbr.rel @!p0 .LBB2_5-.Ltmp1, $3  }
0x2b: {  	_ =	sdelay $0x1  }
0x2c: {  	[sflag:s4] =	ssyncset.done $0x0  }
0x2d: {  	[sflag:s4] =	ssyncadd.s32 $0xFFFFE000  }
.LBB2_1:
0x2e: {  	[dreg:$0x5] =	wrdreg s5  }
0x2f: {  	s2 =	simm.s32 $0x0;
	s4 =	rddreg [dreg:$0x2];
	s11 =	simm.s32 $0xB  }
0x30: {  	[tilespmem:s2], [sflag:$0xB] =	stream.linear.gather [hbm4b:s4+s2], $0xC80, $0x38;
	[tilespmem:$0x15900] =	vst v63  }
0x31: {  	_ =	swait.ge [sflag:s11], $0xC80  }
0x32: {  	[sflag:s11] =	ssyncset.done $0x0  }
0x33: {  	s6 =	simm.s32 $0xC80;
	s12 =	rddreg [dreg:$0x3];
	[sflag:s11] =	ssyncadd.s32 $0xFFFFF380  }
0x34: {  	[tilespmem:s6], [sflag:$0xB] =	stream.linear.gather [hbm4b:s12+s2], $0xC80, $0x38;
	[tilespmem:$0x15900] =	vst v63  }
0x35: {  	_ =	swait.ge [sflag:s11], $0xC80  }
0x36: {  	[sflag:s11] =	ssyncset.done $0x0  }
0x37: {  	[sflag:s11] =	ssyncadd.s32 $0xFFFFF380  }
0x38: {  	[tilespmem:s14], [sflag:$0x1] =	stream.indirect.gather [hbm4b:s3+s13], $0x40, s2, s13, $0xb8;
	[tilespmem:$0x15900] =	vst v63  }
0x39: {  	_ = 	snop  }
0x3a: {  	[tilespmem:s15], [sflag:$0x1] =	stream.indirect.gather [hbm4b:s3+s13], $0x40, s6, s13, $0xb8;
	[tilespmem:$0x15900] =	vst v63  }
0x3b: {  	_ = 	snop  }
0x3c: {  	[tilespmem:s16], [sflag:$0x2] =	stream.indirect.gather [hbm4b:s3+s13], $0x40, s13, s13, $0xb8;
	[tilespmem:$0x15900] =	vst v63  }
0x3d: {  	s17 =	simm.s32 $0xD00;
	s12 =	simm.s32 $0x0;
	s2 =	simm.s32 $0x0  }
0x3e: {  	[tilespmem:s18], [sflag:$0x2] =	stream.indirect.gather [hbm4b:s3+s13], $0x40, s17, s13, $0xb8;
	[tilespmem:$0x15900] =	vst v63  }
.LBB2_2:
0x3f: {  	_ =	swait.ge [sflag:s19], $0x2000  }
0x40: {  	[sflag:s19] =	ssyncset.done $0x0  }
0x41: {  	[sflag:s19] =	ssyncadd.s32 $0xFFFFE000  }
0x42: {  	_ =	swait.ge [sflag:s19], $0x2000  }
0x43: {  	[sflag:s19] =	ssyncset.done $0x0  }
0x44: {  	s17 =	sadd.s32 s2, s7;
	p0 =	seq.s32 s2, $0x0;
	[sflag:s19] =	ssyncadd.s32 $0xFFFFE000  }
0x45: {  	[hbm4b:s17+s20] =	stream.strided.scatter [tilespmem:s14], [sflag:$0x6], $0x2000, s13, s20, $0x38;
	[tilespmem:$0x15900] =	vst v63  }
0x46: {  	s11 =	sadd.s32 $0x8, s17;
	s4 =	simm.s32 @!p0 $0x8  }
0x47: {  	[hbm4b:s11+s20] =	stream.strided.scatter [tilespmem:s15], [sflag:$0x6], $0x2000, s13, s20, $0x38;
	[tilespmem:$0x15900] =	vst v63  }
0x48: {  	_ =	swait.ge @!p0 [sflag:s4], $0x2000  }
0x49: {  	[sflag:s4] =	ssyncset.done @!p0 $0x0  }
0x4a: {  	[sflag:s4] =	ssyncadd.s32 @!p0 $0xFFFFE000  }
0x4b: {  	_ =	swait.ge @!p0 [sflag:s4], $0x2000  }
0x4c: {  	s11 =	sshra.s32 s12, $0x2;
	[sflag:s4] =	ssyncset.done @!p0 $0x0  }
0x4d: {  	s5 =	sadd.s32 $0x100, s11;
	[sflag:s4] =	ssyncadd.s32 @!p0 $0xFFFFE000  }
0x4e: {  	[tilespmem:s21], [sflag:$0x3] =	stream.indirect.gather [hbm4b:s3+s13], $0x40, s5, s13, $0xb8;
	[tilespmem:$0x15900] =	vst v63  }
0x4f: {  	s6 =	sadd.s32 $0xD80, s11  }
0x50: {  	[tilespmem:s22], [sflag:$0x3] =	stream.indirect.gather [hbm4b:s3+s13], $0x40, s6, s13, $0xb8;
	[tilespmem:$0x15900] =	vst v63  }
0x51: {  	_ =	swait.ge [sflag:s23], $0x2000  }
0x52: {  	[sflag:s23] =	ssyncset.done $0x0  }
0x53: {  	[sflag:s23] =	ssyncadd.s32 $0xFFFFE000  }
0x54: {  	_ =	swait.ge [sflag:s23], $0x2000  }
0x55: {  	[sflag:s23] =	ssyncset.done $0x0  }
0x56: {  	s5 =	sadd.s32 $0x800, s17;
	[sflag:s23] =	ssyncadd.s32 $0xFFFFE000  }
0x57: {  	[hbm4b:s5+s20] =	stream.strided.scatter [tilespmem:s16], [sflag:$0x7], $0x2000, s13, s20, $0x38;
	[tilespmem:$0x15900] =	vst v63  }
0x58: {  	s4 =	simm.s32 @!p0 $0x9;
	s6 =	sadd.s32 $0x808, s17  }
0x59: {  	[hbm4b:s6+s20] =	stream.strided.scatter [tilespmem:s18], [sflag:$0x7], $0x2000, s13, s20, $0x38;
	[tilespmem:$0x15900] =	vst v63  }
0x5a: {  	_ =	swait.ge @!p0 [sflag:s4], $0x2000  }
0x5b: {  	[sflag:s4] =	ssyncset.done @!p0 $0x0  }
0x5c: {  	[sflag:s4] =	ssyncadd.s32 @!p0 $0xFFFFE000  }
0x5d: {  	_ =	swait.ge @!p0 [sflag:s4], $0x2000  }
0x5e: {  	[sflag:s4] =	ssyncset.done @!p0 $0x0  }
0x5f: {  	s17 =	sadd.s32 $0x180, s11;
	[sflag:s4] =	ssyncadd.s32 @!p0 $0xFFFFE000  }
0x60: {  	[tilespmem:s24], [sflag:$0x4] =	stream.indirect.gather [hbm4b:s3+s13], $0x40, s17, s13, $0xb8;
	[tilespmem:$0x15900] =	vst v63  }
0x61: {  	s5 =	sadd.s32 $0xE00, s11  }
0x62: {  	[tilespmem:s25], [sflag:$0x4] =	stream.indirect.gather [hbm4b:s3+s13], $0x40, s5, s13, $0xb8;
	[tilespmem:$0x15900] =	vst v63  }
0x63: {  	_ =	swait.ge [sflag:s26], $0x2000  }
0x64: {  	[sflag:s26] =	ssyncset.done $0x0  }
0x65: {  	[sflag:s26] =	ssyncadd.s32 $0xFFFFE000  }
0x66: {  	_ =	swait.ge [sflag:s26], $0x2000  }
0x67: {  	[sflag:s26] =	ssyncset.done $0x0  }
0x68: {  	s6 =	sadd.s32 s2, s10;
	[sflag:s26] =	ssyncadd.s32 $0xFFFFE000  }
0x69: {  	[hbm4b:s6+s20] =	stream.strided.scatter [tilespmem:s21], [sflag:$0x8], $0x2000, s13, s20, $0x38;
	[tilespmem:$0x15900] =	vst v63  }
0x6a: {  	s4 =	sadd.s32 $0x8, s6  }
0x6b: {  	[hbm4b:s4+s20] =	stream.strided.scatter [tilespmem:s22], [sflag:$0x8], $0x2000, s13, s20, $0x38;
	[tilespmem:$0x15900] =	vst v63  }
0x6c: {  	s4 =	simm.s32 @!p0 $0xA  }
0x6d: {  	_ =	swait.ge @!p0 [sflag:s4], $0x2000  }
0x6e: {  	[sflag:s4] =	ssyncset.done @!p0 $0x0  }
0x6f: {  	[sflag:s4] =	ssyncadd.s32 @!p0 $0xFFFFE000  }
0x70: {  	_ =	swait.ge @!p0 [sflag:s4], $0x2000  }
0x71: {  	[sflag:s4] =	ssyncset.done @!p0 $0x0  }
0x72: {  	s17 =	sadd.s32 $0x200, s11;
	[sflag:s4] =	ssyncadd.s32 @!p0 $0xFFFFE000  }
0x73: {  	[tilespmem:s28], [sflag:$0x5] =	stream.indirect.gather [hbm4b:s3+s13], $0x40, s17, s13, $0xb8;
	[tilespmem:$0x15900] =	vst v63  }
0x74: {  	s5 =	sadd.s32 $0xE80, s11  }
0x75: {  	[tilespmem:s29], [sflag:$0x5] =	stream.indirect.gather [hbm4b:s3+s13], $0x40, s5, s13, $0xb8;
	[tilespmem:$0x15900] =	vst v63  }
0x76: {  	_ =	swait.ge [sflag:s30], $0x2000  }
0x77: {  	[sflag:s30] =	ssyncset.done $0x0  }
0x78: {  	[sflag:s30] =	ssyncadd.s32 $0xFFFFE000  }
0x79: {  	_ =	swait.ge [sflag:s30], $0x2000  }
0x7a: {  	[sflag:s30] =	ssyncset.done $0x0  }
0x7b: {  	s6 =	sadd.s32 s2, s9;
	[sflag:s30] =	ssyncadd.s32 $0xFFFFE000  }
0x7c: {  	[hbm4b:s6+s20] =	stream.strided.scatter [tilespmem:s24], [sflag:$0x9], $0x2000, s13, s20, $0x38;
	[tilespmem:$0x15900] =	vst v63  }
0x7d: {  	s4 =	sadd.s32 $0x8, s6  }
0x7e: {  	[hbm4b:s4+s20] =	stream.strided.scatter [tilespmem:s25], [sflag:$0x9], $0x2000, s13, s20, $0x38;
	[tilespmem:$0x15900] =	vst v63  }
0x7f: {  	_ =	swait.ge [sflag:s31], $0x2000  }
0x80: {  	[sflag:s31] =	ssyncset.done $0x0  }
0x81: {  	[sflag:s31] =	ssyncadd.s32 $0xFFFFE000  }
0x82: {  	p0 =	seq.s32 s2, $0xA000;
	_ =	swait.ge [sflag:s31], $0x2000  }
0x83: {  	s5 =	simm.s32 @!p0 $0x80;
	s4 =	sshra.s32 @!p0 s12, $0x2;
	[sflag:s31] =	ssyncset.done $0x0  }
0x84: {  	s6 =	simm.s32 @!p0 $0x1900;
	s17 =	sadd.s32 @!p0 $0x280, s4;
	[sflag:s31] =	ssyncadd.s32 $0xFFFFE000  }
0x85: {  	[tilespmem:s6], [sflag:$0x1] =	stream.indirect.gather @!p0 [hbm4b:s3+s5], $0x40, s17, s5, $0xb8;
	[tilespmem:$0x15900] =	vst v63  }
0x86: {  	s4 =	sadd.s32 @!p0 $0xF00, s4;
	s6 =	simm.s32 @!p0 $0xB900  }
0x87: {  	[tilespmem:s6], [sflag:$0x1] =	stream.indirect.gather @!p0 [hbm4b:s3+s5], $0x40, s4, s5, $0xb8;
	[tilespmem:$0x15900] =	vst v63  }
0x88: {  	_ =	swait.ge [sflag:s1], $0x2000  }
0x89: {  	[sflag:s1] =	ssyncset.done $0x0  }
0x8a: {  	[sflag:s1] =	ssyncadd.s32 $0xFFFFE000  }
0x8b: {  	_ =	swait.ge [sflag:s1], $0x2000  }
0x8c: {  	[sflag:s1] =	ssyncset.done $0x0  }
0x8d: {  	s17 =	sadd.s32 s2, s8;
	[sflag:s1] =	ssyncadd.s32 $0xFFFFE000  }
0x8e: {  	[hbm4b:s17+s20] =	stream.strided.scatter [tilespmem:s28], [sflag:$0xA], $0x2000, s13, s20, $0x38;
	[tilespmem:$0x15900] =	vst v63  }
0x8f: {  	s4 =	sadd.s32 $0x8, s17  }
0x90: {  	[hbm4b:s4+s20] =	stream.strided.scatter [tilespmem:s29], [sflag:$0xA], $0x2000, s13, s20, $0x38;
	[tilespmem:$0x15900] =	vst v63  }
0x91: {  	_ =	swait.ge [sflag:s0], $0x2000  }
.Ltmp2:
0x92: {  	[sflag:s0] =	ssyncset.done $0x0;
	(pc) =	sbr.rel @p0 .LBB2_4-.Ltmp2, $4  }
0x93: {  	[sflag:s0] =	ssyncadd.s32 $0xFFFFE000  }
0x94: {  	_ =	swait.ge [sflag:s0], $0x2000  }
0x95: {  	[sflag:s0] =	ssyncset.done $0x0  }
0x96: {  	[sflag:s0] =	ssyncadd.s32 $0xFFFFE000  }
.Ltmp3:
0x97: {  	(pc) =	sbr.rel .LBB2_2-.Ltmp3, $4  }
0x98: {  	s4 =	sadd.s32 $0x300, s11  }
0x99: {  	[tilespmem:s16], [sflag:$0x2] =	stream.indirect.gather [hbm4b:s3+s13], $0x40, s4, s13, $0xb8;
	[tilespmem:$0x15900] =	vst v63  }
0x9a: {  	s17 =	sadd.s32 $0xF80, s11;
	s2 =	sadd.s32 $0x2800, s2;
	s12 =	sadd.s32 $0xA00, s12  }
0x9b: {  	[tilespmem:s18], [sflag:$0x2] =	stream.indirect.gather [hbm4b:s3+s13], $0x40, s17, s13, $0xb8;
	[tilespmem:$0x15900] =	vst v63  }
.LBB2_5:
0x9c: {  	_ =	sfence.sel $0x180000  }
0x9d: {  	[bflag:$0x0] =	sbarrier.arrive $0xFFFF  }
0x9e: {  	_ =	strace $0x9000004D  }
0x9f: {  	s0 =	stileid.u32;
	[bflag:$0x2] =	sbarrier.arrive $0xFFFF  }
0xa0: {  	p0 =	sne.s32 s0, $0x0;
	s0 =	rddreg [dreg:$0x1]  }
0xa1: {  	s0 =	sadd.s32 @!p0 $0x100000, s0  }
0xa2: {  	[sflag:s0] =	ssyncadd.tile.s32 @!p0 $0x1;
	_ =	shalt  }
.Lfunc_end2:
_tile_overlayer_lowered:
.L_overlay_start_2:
0xa3: {  	(tag) =	ssettag $0x2  }
0xa4: {  	s0 =	rddreg [dreg:$0x0];
	s2 =	stileid.u32  }
0xa5: {  	s1 =	rddreg [dreg:$0x1];
	p0 =	sne.s32 s2, $0x0  }
0xa6: {  	s3 =	rddreg [dreg:$0x2];
	[bflag:$0x3] =	sbarrier.arrive $0xFFFF;
	s2 =	simm.s32 @!p0 $0x1C0B  }
0xa7: {  	[timem:s3], [sflag:s2] =	dma.local @!p0 [hbm:s0], s1  }
0xa8: {  	s0 =	simm.s32 @!p0 $0xB  }
0xa9: {  	_ =	swait.ge @!p0 [sflag:s0], s1  }
0xaa: {  	s1 =	ssub.s32 @!p0 $0x0, s1;
	[sflag:s0] =	ssyncset.done @!p0 $0x0  }
0xab: {  	[sflag:s0] =	ssyncadd.s32 @!p0 s1  }
0xac: {  	[bflag:$0x3] =	sbarrier.arrive $0xFFFF  }
0xad: {  	_ =	shalt  }

// kernel: kernel.20.cloned.1.call-start
scs
__scs_entry_jumppad:
0x0: {  	(pc) =	sbr.rel $0x88, $3  }
0x1: {  	(tag) =	ssettag $0x0;
	lr =	simm.s32 $0x1  }
0x2: {  	[smem:$0x3F9D] =	sst lr;
	_ =	strace $0xD0000000  }
0x3: {  	_ = 	snop  }
0x4: {  	_ = 	snop  }
0x5: {  	_ = 	snop  }
0x6: {  	_ = 	snop  }
0x7: {  	_ = 	snop  }
__scs_overlays_trampoline_lowered:
0x8: {  	[smem:$0x3FAC] =	sst s0  }
0x9: {  	[smem:$0x3FAD] =	sst s1  }
0xa: {  	[smem:$0x3FAE] =	sst s2  }
0xb: {  	[smem:$0x3FAF] =	sst s3  }
0xc: {  	[smem:$0x3FB0] =	sst s4  }
0xd: {  	[smem:$0x3FB1] =	sst s5  }
0xe: {  	[smem:$0x3FB2] =	sst s6  }
0xf: {  	[smem:$0x3FB3] =	sst s7  }
0x10: {  	[smem:$0x3FB4] =	sst s8  }
0x11: {  	[smem:$0x3FB5] =	sst s9;
	s0 =	simm.s32 @!p0 $0x0  }
0x12: {  	s1 =	sld [smem:$0x3F9B];
	s0 =	simm.s32 @p0 $0x1  }
0x13: {  	[smem:$0x3FB6] =	sst s0;
	s0 =	simm.s32 @!p1 $0x0  }
0x14: {  	s2 =	sld [smem:$0x3F9A];
	s0 =	simm.s32 @p1 $0x1  }
0x15: {  	[smem:$0x3FB7] =	sst s0;
	s0 =	simm.s32 @!p2 $0x0  }
0x16: {  	s3 =	sld [smem:$0x3FDB];
	s0 =	simm.s32 @p2 $0x1  }
0x17: {  	s4 =	simm.s32 $0x1BF5;
	[smem:$0x3FB9] =	sst s0  }
0x18: {  	s0 =	sld [smem:$0x3F9C];
	_ =	swait.ge [sflag:s4], $0x0  }
0x19: {  	s7 =	sld [smem:$0x3F9D]  }
0x1a: {  	s8 =	sadd.s32 $0xFFFFE003, lr  }
0x1b: {  	s9 =	sadd.s32 $0xFFFFFEF7, lr;
	s5 =	simm.s32 $0xFFFFFFFF;
	p2 =	slt.u32 s8, $0xFFFFF086  }
0x1c: {  	p1 =	slt.u32 s9, $0xF7A;
	s5 =	simm.s32 @!p2 $0x0  }
0x1d: {  	s5 =	simm.s32 @p1 $0x1;
	p0 =	seq.s32 s7, s2  }
0x1e: {  	s7 =	smul.u32 @!p0 $0xF7A, s2;
	p2 =	seq.s32 @!p0 s5, $0x0  }
0x1f: {  	s9 =	smul.u32 $0xF7A, s1;
	s8 =	simm.s32 @!p0 $0x1BF5;
	p2 =	por !p2, p0  }
0x20: {  	[sflag:s8] =	ssyncset.s32 @!p0 $0xFFFFF086;
	s6 =	sadd.s32 @!p0 s3, s7;
	s7 =	simm.s32 @!p0 $0x108  }
0x21: {  	s3 =	sadd.s32 s3, s9;
	s6 =	sadd.s32 @!p0 $0x88, s6;
	s7 =	simm.s32 @p2 $0x1082  }
0x22: {  	[simem:s7], [sflag:s8] =	dma.local @!p0 [hbm:s6], $0xF7A  }
0x23: {  	s9 =	sor.u32 $0xD0000000, s2;
	s6 =	simm.s32 $0x108;
	_ =	swait.ge @!p0 [sflag:s8], $0x0  }
0x24: {  	s3 =	sadd.s32 $0x88, s3;
	s6 =	simm.s32 @!p1 $0x1082;
	[sflag:s4] =	ssyncset.s32 $0xFFFFF086  }
0x25: {  	[simem:s6], [sflag:s4] =	dma.local [hbm:s3], $0xF7A  }
0x26: {  	[smem:$0x3F9D] =	sst s1;
	(tag) =	ssettag s2;
	_ =	strace s9  }
0x27: {  	s1 =	sld [smem:$0x3FAD]  }
0x28: {  	s2 =	sld [smem:$0x3FAE]  }
0x29: {  	s4 =	sld [smem:$0x3FB0]  }
0x2a: {  	p0 =	seq.s32 s5, $0x0;
	s5 =	sld [smem:$0x3FB1]  }
0x2b: {  	s6 =	sld [smem:$0x3FB2]  }
0x2c: {  	s7 =	sld [smem:$0x3FB3]  }
0x2d: {  	s3 =	simm.s32 $0x108;
	s8 =	sld [smem:$0x3FB4]  }
0x2e: {  	s3 =	simm.s32 @!p0 $0x1082;
	s9 =	sld [smem:$0x3FB5]  }
0x2f: {  	lr =	sadd.s32 s0, s3;
	s0 =	sld [smem:$0x3FAC]  }
0x30: {  	s3 =	sld [smem:$0x3FAF]  }
0x31: {  	[smem:$0x3FB8] =	sst s10  }
0x32: {  	s10 =	sld [smem:$0x3FB6];
	_ =	sdelay $0x3  }
0x33: {  	p0 =	seq.s32 s10, $0x1;
	s10 =	sld [smem:$0x3FB8];
	_ =	sdelay $0x3  }
0x34: {  	[smem:$0x3FB8] =	sst s10  }
0x35: {  	s10 =	sld [smem:$0x3FB7];
	_ =	sdelay $0x3  }
0x36: {  	p1 =	seq.s32 s10, $0x1;
	s10 =	sld [smem:$0x3FB8];
	_ =	sdelay $0x3  }
0x37: {  	[smem:$0x3FB8] =	sst s10  }
0x38: {  	s10 =	sld [smem:$0x3FB9]  }
0x39: {  	_ = 	snop;
	(pc) =	sbr.ind lr, $3  }
0x3a: {  	_ = 	snop  }
0x3b: {  	_ = 	snop  }
0x3c: {  	p2 =	seq.s32 s10, $0x1;
	s10 =	sld [smem:$0x3FB8]  }
0x3d: {  	_ =	shalt  }
0x3e: {  	_ =	shalt  }
0x3f: {  	_ =	shalt  }
0x40: {  	_ =	shalt  }
0x41: {  	_ =	shalt  }
0x42: {  	_ =	shalt  }
0x43: {  	_ =	shalt  }
0x44: {  	_ =	shalt  }
0x45: {  	_ =	shalt  }
0x46: {  	_ =	shalt  }
0x47: {  	_ =	shalt  }
0x48: {  	_ =	shalt  }
0x49: {  	_ =	shalt  }
0x4a: {  	_ =	shalt  }
0x4b: {  	_ =	shalt  }
0x4c: {  	_ =	shalt  }
0x4d: {  	_ =	shalt  }
0x4e: {  	_ =	shalt  }
0x4f: {  	_ =	shalt  }
0x50: {  	_ =	shalt  }
0x51: {  	_ =	shalt  }
0x52: {  	_ =	shalt  }
0x53: {  	_ =	shalt  }
0x54: {  	_ =	shalt  }
0x55: {  	_ =	shalt  }
0x56: {  	_ =	shalt  }
0x57: {  	_ =	shalt  }
0x58: {  	_ =	shalt  }
0x59: {  	_ =	shalt  }
0x5a: {  	_ =	shalt  }
0x5b: {  	_ =	shalt  }
0x5c: {  	_ =	shalt  }
0x5d: {  	_ =	shalt  }
0x5e: {  	_ =	shalt  }
0x5f: {  	_ =	shalt  }
0x60: {  	_ =	shalt  }
0x61: {  	_ =	shalt  }
0x62: {  	_ =	shalt  }
0x63: {  	_ =	shalt  }
0x64: {  	_ =	shalt  }
0x65: {  	_ =	shalt  }
0x66: {  	_ =	shalt  }
0x67: {  	_ =	shalt  }
0x68: {  	_ =	shalt  }
0x69: {  	_ =	shalt  }
0x6a: {  	_ =	shalt  }
0x6b: {  	_ =	shalt  }
0x6c: {  	_ =	shalt  }
0x6d: {  	_ =	shalt  }
0x6e: {  	_ =	shalt  }
0x6f: {  	_ =	shalt  }
0x70: {  	_ =	shalt  }
0x71: {  	_ =	shalt  }
0x72: {  	_ =	shalt  }
0x73: {  	_ =	shalt  }
0x74: {  	_ =	shalt  }
0x75: {  	_ =	shalt  }
0x76: {  	_ =	shalt  }
0x77: {  	_ =	shalt  }
0x78: {  	_ =	shalt  }
0x79: {  	_ =	shalt  }
0x7a: {  	_ =	shalt  }
0x7b: {  	_ =	shalt  }
0x7c: {  	_ =	shalt  }
0x7d: {  	_ =	shalt  }
0x7e: {  	_ =	shalt  }
0x7f: {  	_ =	shalt  }
0x80: {  	_ =	shalt  }
0x81: {  	_ =	shalt  }
0x82: {  	_ =	shalt  }
0x83: {  	_ =	shalt  }
0x84: {  	_ =	shalt  }
0x85: {  	_ =	shalt  }
0x86: {  	_ =	shalt  }
0x87: {  	_ =	shalt  }
.Lfunc_end0:
.L_simem_size_0:
called_computation.3_lowered:
.L_overlay_start_0:
0x88: {  	s2 =	sld [smem:$0x3FD9]  }
0x89: {  	s3 =	sld [smem:$0x3FFE];
	_ =	sdelay $0x1  }
0x8a: {  	s1 =	srdreg.scid  }
0x8b: {  	s0 =	sand.u32 $0x1, s1  }
0x8c: {  	s17 =	sshll.u32 s0, $0xA;
	s2 =	sadd.s32 s3, s2  }
0x8d: {  	s2 =	sadd.s32 s2, s17  }
0x8e: {  	[smem:$0x3FC4] =	sst s2  }
0x8f: {  	_ = 	snop  }
0x90: {  	s18 =	sld [smem:$0x3FD0];
	(tm) =	ssettm $0x1  }
0x91: {  	s19 =	sld [smem:$0x3FFB];
	_ =	sdelay $0x3  }
0x92: {  	_ =	strace s19  }
0x93: {  	s2 =	sld [smem:$0x3FFC];
	_ =	sdelay $0x3  }
0x94: {  	_ =	strace s2  }
0x95: {  	s2 =	sld [smem:$0x3FFD];
	_ =	sdelay $0x3  }
0x96: {  	_ =	strace s2  }
0x97: {  	_ =	strace $0x8FFFFFFF  }
0x98: {  	s20 =	sld [smem:$0x3FDB];
	_ =	sdelay $0x1  }
0x99: {  	s4 =	simm.s32 $_scs_section_size  }
0x9a: {  	s5 =	simm.s32 $_size__tile_overlayer_lowered;
	s6 =	simm.s32 $_tile_overlayer_lowered  }
0x9b: {  	s7 =	simm.s32 $0x1BFF;
	s21 =	sshll.u32 s6, $0x1;
	s4 =	sadd.s32 s4, s20  }
0x9c: {  	s22 =	simm.s32 $0x0;
	s5 =	sshll.u32 s5, $0x1;
	s6 =	sadd.s32 s21, s4  }
0x9d: {  	[timem:s22], [sflag:s7] =	dma.local [hbm:s6], s5  }
0x9e: {  	_ =	swait.ge [sflag:s7], s5  }
0x9f: {  	s5 =	ssub.s32 $0x0, s5;
	[sflag:s7] =	ssyncset.done $0x0  }
0xa0: {  	[sflag:s7] =	ssyncadd.s32 s5;
	_ =	sdelay $0x1  }
0xa1: {  	s23 =	simm.s32 $0x1B8B  }
0xa2: {  	_ =	swait.ge [sflag:s23], $0x1  }
0xa3: {  	[sflag:s23] =	ssyncset.done $0x0  }
0xa4: {  	[sflag:s23] =	ssyncadd.s32 $0xFFFFFFFF  }
0xa5: {  	s5 =	sld [smem:$0x0]  }
0xa6: {  	s6 =	sand.u32 $0xFFFFFFFE, s1  }
0xa7: {  	p0 =	sne.s32 s1, s6  }
0xa8: {  	s6 =	sshll.u32 @p0 s6, $0xE  }
0xa9: {  	s6 =	sadd.s32 @p0 $0x11B8D, s6;
	s7 =	sshll.u32 @p0 s5, $0x11  }
0xaa: {  	s6 =	sor.u32 @p0 s7, s6  }
0xab: {  	[sflag:s6] =	ssyncadd.remote.s32 @p0 $0x1;
	_ =	sdelay $0x1  }
0xac: {  	s6 =	simm.s32 @p0 $0x1B8D  }
0xad: {  	_ =	swait.eq @p0 [sflag:s6], $0x1  }
0xae: {  	[sflag:s6] =	ssyncadd.s32 @p0 $0xFFFFFFFF  }
0xaf: {  	s7 =	sshll.u32 @!p0 s1, $0xE  }
0xb0: {  	s7 =	sor.u32 @!p0 $0x4000, s7;
	s6 =	simm.s32 @!p0 $0x1B8D  }
0xb1: {  	s5 =	sshll.u32 @!p0 s5, $0x11;
	s7 =	sadd.s32 @!p0 $0x11B8D, s7;
	_ =	swait.eq @!p0 [sflag:s6], $0x1  }
0xb2: {  	s5 =	sor.u32 @!p0 s5, s7;
	[sflag:s6] =	ssyncadd.s32 @!p0 $0xFFFFFFFF  }
0xb3: {  	s25 =	simm.s32 $0x1B8E;
	s24 =	sld [smem:$0x3FFE];
	[sflag:s5] =	ssyncadd.remote.s32 @!p0 $0x1  }
0xb4: {  	s26 =	simm.s32 $execute0_lowered;
	[smem:$0x3FD2] =	sst s25  }
0xb5: {  	s6 =	sshll.u32 s26, $0x1;
	_ =	strace $0x8000004F;
	[dreg:$0x1] =	wrdreg $0xFFFFFFFF  }
0xb6: {  	s28 =	simm.s32 $_size_execute0_lowered;
	s4 =	sadd.s32 s4, s6;
	[dreg:$0x0] =	wrdreg $0x0  }
0xb7: {  	s6 =	sshll.u32 s28, $0x1;
	[dreg:$0x2] =	wrdreg s4  }
0xb8: {  	[dreg:$0x3] =	wrdreg s6  }
0xb9: {  	[dreg:$0x4] =	wrdreg $0xC0  }
0xba: {  	_ =	task [dreg:s22], $0x5FFFF  }
0xbb: {  	[dreg:$0x1] =	wrdreg $0xFFFFFFFF  }
0xbc: {  	[dreg:$0x0] =	wrdreg $0x60  }
0xbd: {  	[dreg:$0x2] =	wrdreg s24  }
0xbe: {  	[dreg:$0x3] =	wrdreg s18  }
0xbf: {  	[dreg:$0x4] =	wrdreg $0xC  }
0xc0: {  	_ =	task.clear_ibuf [dreg:s22], $0x5FFFF;
	_ =	strace $0x9000004F  }
0xc1: {  	s29 =	simm.s32 $0xC;
	_ =	strace $0x80000051  }
0xc2: {  	_ =	swait.ge [sflag:s29], $0x1  }
0xc3: {  	[sflag:s29] =	ssyncadd.s32 $0xFFFFFFFF  }
0xc4: {  	_ =	strace $0x90000051  }
0xc5: {  	_ =	sfence  }
0xc6: {  	s30 =	sld [smem:$0x0];
	_ =	sdelay $0x2  }
0xc7: {  	s31 =	sshll.u32 s1, $0xD;
	s1 =	sshrl.u32 s1, $0x2  }
0xc8: {  	s4 =	sand.u32 $0x4000, s31;
	s1 =	sadd.s32 s1, s30  }
0xc9: {  	s0 =	sor.u32 s4, s0;
	s1 =	sshll.u32 s1, $0x11  }
0xca: {  	s0 =	sor.u32 s1, s0  }
0xcb: {  	s0 =	sadd.s32 $0x8F2B, s0  }
0xcc: {  	[sflag:s0] =	ssyncadd.remote.s32 $0x1  }
0xcd: {  	_ =	sfence.sel $0xFFFF  }
0xce: {  	[dreg:$0x0] =	wrdreg $0xFFFFFFFF;
	(pc) =	sbr.abs _section_cstart, $3  }
0xcf: {  	[dreg:$0x1] =	wrdreg $0xFFFFFFFF  }
0xd0: {  	_ =	task.clear_ibuf [dreg:s22], $0x2FFFF;
	_ =	strace $0x9FFFFFFF  }
0xd1: {  	(tm) =	ssettm $0x7FFFFFFF  }
tec
execute0_lowered:
.L_overlay_start_1:
0x0: {  	(tag) =	ssettag $0x1  }
0x1: {  	s0 =	srdreg.scid  }
0x2: {  	s6 =	stileid.u32;
	s2 =	rddreg [dreg:$0x0]  }
0x3: {  	s4 =	rddreg [dreg:$0x1];
	s3 =	simm.s32 $0x0;
	s13 =	simm.s32 $0x80  }
0x4: {  	s14 =	simm.s32 $0x1900;
	s15 =	simm.s32 $0xB900;
	s16 =	simm.s32 $0x3900  }
0x5: {  	s18 =	simm.s32 $0xD900;
	s28 =	simm.s32 $0x9900;
	s29 =	simm.s32 $0x13900  }
0x6: {  	s30 =	simm.s32 $0x4;
	s31 =	simm.s32 $0x6;
	s5 =	smul.u32 $0x19000, s6  }
0x7: {  	s0 =	sand.u32 $0x1, s0;
	s1 =	sshll.u32 s6, $0x1;
	s6 =	smul.u32 $0xC8000, s6  }
0x8: {  	[smem:$0x7FF] =	sst s3;
	s3 =	sadd.s32 $0x1A00, s2;
	s20 =	smul.u32 $0x64000, s0  }
0x9: {  	s1 =	sor.u32 s0, s1;
	s19 =	ssub.s32 $0x2, s0;
	s0 =	smul.u32 $0xC800, s0  }
0xa: {  	_ =	strace $0x80000050;
	s1 =	smul.u32 $0xC80, s1;
	s7 =	sshrl.u32 s19, $0x1  }
0xb: {  	s22 =	sadd.s32 s5, s4;
	s5 =	simm.s32 $0x0;
	s23 =	sadd.s32 s20, s6  }
0xc: {  	s20 =	simm.s32 $0x40;
	s1 =	sshrl.u32 s1, $0x3;
	s24 =	sadd.s32 $0x10000, s23  }
0xd: {  	s25 =	sadd.s32 $0xC000, s23;
	s1 =	sadd.s32 s1, s2;
	s2 =	ssub.s32 s19, s7  }
0xe: {  	s7 =	sadd.s32 s0, s22;
	s0 =	sshrl.u32 s24, $0x3;
	s19 =	simm.s32 $0x1  }
0xf: {  	s22 =	simm.s32 $0xF900;
	s24 =	simm.s32 $0x7900;
	s8 =	sadd.s32 $0x58BC00, s1  }
0x10: {  	s1 =	sadd.s32 $0x25B400, s1;
	s21 =	smax.u32 s2, $0x1;
	[dreg:$0x3] =	wrdreg s8  }
.Ltmp0:
0x11: {  	s2 =	sadd.s32 $0x8000, s23;
	[dreg:$0x4] =	wrdreg s1;
	(pc) =	sbr.rel .LBB2_1-.Ltmp0, $4  }
0x12: {  	s23 =	simm.s32 $0x2;
	[dreg:$0x5] =	wrdreg s21;
	s1 =	sshrl.u32 s25, $0x3  }
0x13: {  	s8 =	sadd.s32 s0, s4;
	s26 =	sshrl.u32 s2, $0x3;
	s21 =	simm.s32 $0x5900  }
0x14: {  	s25 =	simm.s32 $0x11900;
	s0 =	simm.s32 $0x7;
	s9 =	sadd.s32 s1, s4  }
0x15: {  	s10 =	sadd.s32 s26, s4;
	s26 =	simm.s32 $0x3;
	s1 =	simm.s32 $0x5  }
.LBB2_4:
0x16: {  	s2 =	simm.s32 $0x8  }
0x17: {  	_ =	swait.ge [sflag:s2], $0x2000  }
0x18: {  	[sflag:s2] =	ssyncset.done $0x0  }
0x19: {  	[sflag:s2] =	ssyncadd.s32 $0xFFFFE000  }
0x1a: {  	_ =	swait.ge [sflag:s2], $0x2000  }
0x1b: {  	[sflag:s2] =	ssyncset.done $0x0  }
0x1c: {  	s12 =	simm.s32 $0x9;
	[sflag:s2] =	ssyncadd.s32 $0xFFFFE000  }
0x1d: {  	_ =	swait.ge [sflag:s12], $0x2000  }
0x1e: {  	[sflag:s12] =	ssyncset.done $0x0  }
0x1f: {  	[sflag:s12] =	ssyncadd.s32 $0xFFFFE000  }
0x20: {  	_ =	swait.ge [sflag:s12], $0x2000  }
0x21: {  	[sflag:s12] =	ssyncset.done $0x0  }
0x22: {  	s4 =	simm.s32 $0xA;
	[sflag:s12] =	ssyncadd.s32 $0xFFFFE000  }
0x23: {  	_ =	swait.ge [sflag:s4], $0x2000  }
0x24: {  	[sflag:s4] =	ssyncset.done $0x0  }
0x25: {  	[sflag:s4] =	ssyncadd.s32 $0xFFFFE000  }
0x26: {  	_ =	swait.ge [sflag:s4], $0x2000  }
0x27: {  	s5 =	rddreg [dreg:$0x6]  }
0x28: {  	s17 =	rddreg [dreg:$0x5];
	s5 =	sadd.s32 $0x1, s5  }
0x29: {  	p0 =	sne.s32 s5, s17  }
.Ltmp1:
0x2a: {  	_ = 	snop;
	(pc) =	sbr.rel @!p0 .LBB2_5-.Ltmp1, $3  }
0x2b: {  	_ =	sdelay $0x1  }
0x2c: {  	[sflag:s4] =	ssyncset.done $0x0  }
0x2d: {  	[sflag:s4] =	ssyncadd.s32 $0xFFFFE000  }
.LBB2_1:
0x2e: {  	[dreg:$0x6] =	wrdreg s5  }
0x2f: {  	s2 =	simm.s32 $0x0;
	s4 =	rddreg [dreg:$0x3];
	s11 =	simm.s32 $0xB  }
0x30: {  	[tilespmem:s2], [sflag:$0xB] =	stream.linear.gather [hbm4b:s4+s2], $0xC80, $0x38;
	[tilespmem:$0x15900] =	vst v63  }
0x31: {  	_ =	swait.ge [sflag:s11], $0xC80  }
0x32: {  	[sflag:s11] =	ssyncset.done $0x0  }
0x33: {  	s6 =	simm.s32 $0xC80;
	s12 =	rddreg [dreg:$0x4];
	[sflag:s11] =	ssyncadd.s32 $0xFFFFF380  }
0x34: {  	[tilespmem:s6], [sflag:$0xB] =	stream.linear.gather [hbm4b:s12+s2], $0xC80, $0x38;
	[tilespmem:$0x15900] =	vst v63  }
0x35: {  	_ =	swait.ge [sflag:s11], $0xC80  }
0x36: {  	[sflag:s11] =	ssyncset.done $0x0  }
0x37: {  	[sflag:s11] =	ssyncadd.s32 $0xFFFFF380  }
0x38: {  	[tilespmem:s14], [sflag:$0x1] =	stream.indirect.gather [hbm4b:s3+s13], $0x40, s2, s13, $0xb8;
	[tilespmem:$0x15900] =	vst v63  }
0x39: {  	_ = 	snop  }
0x3a: {  	[tilespmem:s15], [sflag:$0x1] =	stream.indirect.gather [hbm4b:s3+s13], $0x40, s6, s13, $0xb8;
	[tilespmem:$0x15900] =	vst v63  }
0x3b: {  	_ = 	snop  }
0x3c: {  	[tilespmem:s16], [sflag:$0x2] =	stream.indirect.gather [hbm4b:s3+s13], $0x40, s13, s13, $0xb8;
	[tilespmem:$0x15900] =	vst v63  }
0x3d: {  	s17 =	simm.s32 $0xD00;
	s12 =	simm.s32 $0x0;
	s2 =	simm.s32 $0x0  }
0x3e: {  	[tilespmem:s18], [sflag:$0x2] =	stream.indirect.gather [hbm4b:s3+s13], $0x40, s17, s13, $0xb8;
	[tilespmem:$0x15900] =	vst v63  }
.LBB2_2:
0x3f: {  	_ =	swait.ge [sflag:s19], $0x2000  }
0x40: {  	[sflag:s19] =	ssyncset.done $0x0  }
0x41: {  	[sflag:s19] =	ssyncadd.s32 $0xFFFFE000  }
0x42: {  	_ =	swait.ge [sflag:s19], $0x2000  }
0x43: {  	[sflag:s19] =	ssyncset.done $0x0  }
0x44: {  	s17 =	sadd.s32 s2, s7;
	p0 =	seq.s32 s2, $0x0;
	[sflag:s19] =	ssyncadd.s32 $0xFFFFE000  }
0x45: {  	[hbm4b:s17+s20] =	stream.strided.scatter [tilespmem:s14], [sflag:$0x6], $0x2000, s13, s20, $0x38;
	[tilespmem:$0x15900] =	vst v63  }
0x46: {  	s11 =	sadd.s32 $0x8, s17;
	s4 =	simm.s32 @!p0 $0x8  }
0x47: {  	[hbm4b:s11+s20] =	stream.strided.scatter [tilespmem:s15], [sflag:$0x6], $0x2000, s13, s20, $0x38;
	[tilespmem:$0x15900] =	vst v63  }
0x48: {  	_ =	swait.ge @!p0 [sflag:s4], $0x2000  }
0x49: {  	[sflag:s4] =	ssyncset.done @!p0 $0x0  }
0x4a: {  	[sflag:s4] =	ssyncadd.s32 @!p0 $0xFFFFE000  }
0x4b: {  	_ =	swait.ge @!p0 [sflag:s4], $0x2000  }
0x4c: {  	s11 =	sshra.s32 s12, $0x2;
	[sflag:s4] =	ssyncset.done @!p0 $0x0  }
0x4d: {  	s5 =	sadd.s32 $0x100, s11;
	[sflag:s4] =	ssyncadd.s32 @!p0 $0xFFFFE000  }
0x4e: {  	[tilespmem:s21], [sflag:$0x3] =	stream.indirect.gather [hbm4b:s3+s13], $0x40, s5, s13, $0xb8;
	[tilespmem:$0x15900] =	vst v63  }
0x4f: {  	s6 =	sadd.s32 $0xD80, s11  }
0x50: {  	[tilespmem:s22], [sflag:$0x3] =	stream.indirect.gather [hbm4b:s3+s13], $0x40, s6, s13, $0xb8;
	[tilespmem:$0x15900] =	vst v63  }
0x51: {  	_ =	swait.ge [sflag:s23], $0x2000  }
0x52: {  	[sflag:s23] =	ssyncset.done $0x0  }
0x53: {  	[sflag:s23] =	ssyncadd.s32 $0xFFFFE000  }
0x54: {  	_ =	swait.ge [sflag:s23], $0x2000  }
0x55: {  	[sflag:s23] =	ssyncset.done $0x0  }
0x56: {  	s5 =	sadd.s32 $0x800, s17;
	[sflag:s23] =	ssyncadd.s32 $0xFFFFE000  }
0x57: {  	[hbm4b:s5+s20] =	stream.strided.scatter [tilespmem:s16], [sflag:$0x7], $0x2000, s13, s20, $0x38;
	[tilespmem:$0x15900] =	vst v63  }
0x58: {  	s4 =	simm.s32 @!p0 $0x9;
	s6 =	sadd.s32 $0x808, s17  }
0x59: {  	[hbm4b:s6+s20] =	stream.strided.scatter [tilespmem:s18], [sflag:$0x7], $0x2000, s13, s20, $0x38;
	[tilespmem:$0x15900] =	vst v63  }
0x5a: {  	_ =	swait.ge @!p0 [sflag:s4], $0x2000  }
0x5b: {  	[sflag:s4] =	ssyncset.done @!p0 $0x0  }
0x5c: {  	[sflag:s4] =	ssyncadd.s32 @!p0 $0xFFFFE000  }
0x5d: {  	_ =	swait.ge @!p0 [sflag:s4], $0x2000  }
0x5e: {  	[sflag:s4] =	ssyncset.done @!p0 $0x0  }
0x5f: {  	s17 =	sadd.s32 $0x180, s11;
	[sflag:s4] =	ssyncadd.s32 @!p0 $0xFFFFE000  }
0x60: {  	[tilespmem:s24], [sflag:$0x4] =	stream.indirect.gather [hbm4b:s3+s13], $0x40, s17, s13, $0xb8;
	[tilespmem:$0x15900] =	vst v63  }
0x61: {  	s5 =	sadd.s32 $0xE00, s11  }
0x62: {  	[tilespmem:s25], [sflag:$0x4] =	stream.indirect.gather [hbm4b:s3+s13], $0x40, s5, s13, $0xb8;
	[tilespmem:$0x15900] =	vst v63  }
0x63: {  	_ =	swait.ge [sflag:s26], $0x2000  }
0x64: {  	[sflag:s26] =	ssyncset.done $0x0  }
0x65: {  	[sflag:s26] =	ssyncadd.s32 $0xFFFFE000  }
0x66: {  	_ =	swait.ge [sflag:s26], $0x2000  }
0x67: {  	[sflag:s26] =	ssyncset.done $0x0  }
0x68: {  	s6 =	sadd.s32 s2, s10;
	[sflag:s26] =	ssyncadd.s32 $0xFFFFE000  }
0x69: {  	[hbm4b:s6+s20] =	stream.strided.scatter [tilespmem:s21], [sflag:$0x8], $0x2000, s13, s20, $0x38;
	[tilespmem:$0x15900] =	vst v63  }
0x6a: {  	s4 =	sadd.s32 $0x8, s6  }
0x6b: {  	[hbm4b:s4+s20] =	stream.strided.scatter [tilespmem:s22], [sflag:$0x8], $0x2000, s13, s20, $0x38;
	[tilespmem:$0x15900] =	vst v63  }
0x6c: {  	s4 =	simm.s32 @!p0 $0xA  }
0x6d: {  	_ =	swait.ge @!p0 [sflag:s4], $0x2000  }
0x6e: {  	[sflag:s4] =	ssyncset.done @!p0 $0x0  }
0x6f: {  	[sflag:s4] =	ssyncadd.s32 @!p0 $0xFFFFE000  }
0x70: {  	_ =	swait.ge @!p0 [sflag:s4], $0x2000  }
0x71: {  	[sflag:s4] =	ssyncset.done @!p0 $0x0  }
0x72: {  	s17 =	sadd.s32 $0x200, s11;
	[sflag:s4] =	ssyncadd.s32 @!p0 $0xFFFFE000  }
0x73: {  	[tilespmem:s28], [sflag:$0x5] =	stream.indirect.gather [hbm4b:s3+s13], $0x40, s17, s13, $0xb8;
	[tilespmem:$0x15900] =	vst v63  }
0x74: {  	s5 =	sadd.s32 $0xE80, s11  }
0x75: {  	[tilespmem:s29], [sflag:$0x5] =	stream.indirect.gather [hbm4b:s3+s13], $0x40, s5, s13, $0xb8;
	[tilespmem:$0x15900] =	vst v63  }
0x76: {  	_ =	swait.ge [sflag:s30], $0x2000  }
0x77: {  	[sflag:s30] =	ssyncset.done $0x0  }
0x78: {  	[sflag:s30] =	ssyncadd.s32 $0xFFFFE000  }
0x79: {  	_ =	swait.ge [sflag:s30], $0x2000  }
0x7a: {  	[sflag:s30] =	ssyncset.done $0x0  }
0x7b: {  	s6 =	sadd.s32 s2, s9;
	[sflag:s30] =	ssyncadd.s32 $0xFFFFE000  }
0x7c: {  	[hbm4b:s6+s20] =	stream.strided.scatter [tilespmem:s24], [sflag:$0x9], $0x2000, s13, s20, $0x38;
	[tilespmem:$0x15900] =	vst v63  }
0x7d: {  	s4 =	sadd.s32 $0x8, s6  }
0x7e: {  	[hbm4b:s4+s20] =	stream.strided.scatter [tilespmem:s25], [sflag:$0x9], $0x2000, s13, s20, $0x38;
	[tilespmem:$0x15900] =	vst v63  }
0x7f: {  	_ =	swait.ge [sflag:s31], $0x2000  }
0x80: {  	[sflag:s31] =	ssyncset.done $0x0  }
0x81: {  	[sflag:s31] =	ssyncadd.s32 $0xFFFFE000  }
0x82: {  	p0 =	seq.s32 s2, $0xA000;
	_ =	swait.ge [sflag:s31], $0x2000  }
0x83: {  	s5 =	simm.s32 @!p0 $0x80;
	s4 =	sshra.s32 @!p0 s12, $0x2;
	[sflag:s31] =	ssyncset.done $0x0  }
0x84: {  	s6 =	simm.s32 @!p0 $0x1900;
	s17 =	sadd.s32 @!p0 $0x280, s4;
	[sflag:s31] =	ssyncadd.s32 $0xFFFFE000  }
0x85: {  	[tilespmem:s6], [sflag:$0x1] =	stream.indirect.gather @!p0 [hbm4b:s3+s5], $0x40, s17, s5, $0xb8;
	[tilespmem:$0x15900] =	vst v63  }
0x86: {  	s4 =	sadd.s32 @!p0 $0xF00, s4;
	s6 =	simm.s32 @!p0 $0xB900  }
0x87: {  	[tilespmem:s6], [sflag:$0x1] =	stream.indirect.gather @!p0 [hbm4b:s3+s5], $0x40, s4, s5, $0xb8;
	[tilespmem:$0x15900] =	vst v63  }
0x88: {  	_ =	swait.ge [sflag:s1], $0x2000  }
0x89: {  	[sflag:s1] =	ssyncset.done $0x0  }
0x8a: {  	[sflag:s1] =	ssyncadd.s32 $0xFFFFE000  }
0x8b: {  	_ =	swait.ge [sflag:s1], $0x2000  }
0x8c: {  	[sflag:s1] =	ssyncset.done $0x0  }
0x8d: {  	s17 =	sadd.s32 s2, s8;
	[sflag:s1] =	ssyncadd.s32 $0xFFFFE000  }
0x8e: {  	[hbm4b:s17+s20] =	stream.strided.scatter [tilespmem:s28], [sflag:$0xA], $0x2000, s13, s20, $0x38;
	[tilespmem:$0x15900] =	vst v63  }
0x8f: {  	s4 =	sadd.s32 $0x8, s17  }
0x90: {  	[hbm4b:s4+s20] =	stream.strided.scatter [tilespmem:s29], [sflag:$0xA], $0x2000, s13, s20, $0x38;
	[tilespmem:$0x15900] =	vst v63  }
0x91: {  	_ =	swait.ge [sflag:s0], $0x2000  }
.Ltmp2:
0x92: {  	[sflag:s0] =	ssyncset.done $0x0;
	(pc) =	sbr.rel @p0 .LBB2_4-.Ltmp2, $4  }
0x93: {  	[sflag:s0] =	ssyncadd.s32 $0xFFFFE000  }
0x94: {  	_ =	swait.ge [sflag:s0], $0x2000  }
0x95: {  	[sflag:s0] =	ssyncset.done $0x0  }
0x96: {  	[sflag:s0] =	ssyncadd.s32 $0xFFFFE000  }
.Ltmp3:
0x97: {  	(pc) =	sbr.rel .LBB2_2-.Ltmp3, $4  }
0x98: {  	s4 =	sadd.s32 $0x300, s11  }
0x99: {  	[tilespmem:s16], [sflag:$0x2] =	stream.indirect.gather [hbm4b:s3+s13], $0x40, s4, s13, $0xb8;
	[tilespmem:$0x15900] =	vst v63  }
0x9a: {  	s17 =	sadd.s32 $0xF80, s11;
	s2 =	sadd.s32 $0x2800, s2;
	s12 =	sadd.s32 $0xA00, s12  }
0x9b: {  	[tilespmem:s18], [sflag:$0x2] =	stream.indirect.gather [hbm4b:s3+s13], $0x40, s17, s13, $0xb8;
	[tilespmem:$0x15900] =	vst v63  }
.LBB2_5:
0x9c: {  	_ =	sfence.sel $0x180000  }
0x9d: {  	[bflag:$0x0] =	sbarrier.arrive $0xFFFF  }
0x9e: {  	_ =	strace $0x90000050  }
0x9f: {  	s0 =	stileid.u32;
	[bflag:$0x2] =	sbarrier.arrive $0xFFFF  }
0xa0: {  	p0 =	sne.s32 s0, $0x0;
	s0 =	rddreg [dreg:$0x2]  }
0xa1: {  	s0 =	sadd.s32 @!p0 $0x100000, s0  }
0xa2: {  	[sflag:s0] =	ssyncadd.tile.s32 @!p0 $0x1;
	_ =	shalt  }
.Lfunc_end2:
_tile_overlayer_lowered:
.L_overlay_start_2:
0xa3: {  	(tag) =	ssettag $0x2  }
0xa4: {  	s0 =	rddreg [dreg:$0x0];
	s2 =	stileid.u32  }
0xa5: {  	s1 =	rddreg [dreg:$0x1];
	p0 =	sne.s32 s2, $0x0  }
0xa6: {  	s3 =	rddreg [dreg:$0x2];
	[bflag:$0x3] =	sbarrier.arrive $0xFFFF;
	s2 =	simm.s32 @!p0 $0x1C0B  }
0xa7: {  	[timem:s3], [sflag:s2] =	dma.local @!p0 [hbm:s0], s1  }
0xa8: {  	s0 =	simm.s32 @!p0 $0xB  }
0xa9: {  	_ =	swait.ge @!p0 [sflag:s0], s1  }
0xaa: {  	s1 =	ssub.s32 @!p0 $0x0, s1;
	[sflag:s0] =	ssyncset.done @!p0 $0x0  }
0xab: {  	[sflag:s0] =	ssyncadd.s32 @!p0 s1  }
0xac: {  	[bflag:$0x3] =	sbarrier.arrive $0xFFFF  }
0xad: {  	_ =	shalt  }

</sc_bundles>
